<compile_context>
chip_gen: v7x
topology: tpu7x:2x2x1
jax: 0.10.2.dev20260603
libtpu: 0.0.44.dev20260713+nightly
codegen_flags: <defaults>
</compile_context>

<pallas_src>
import functools

import jax
import jax.numpy as jnp
from jax import lax
from jax.experimental import pallas as pl
from jax.experimental.pallas import tpu as pltpu
from jax.experimental.pallas import tpu_sc as plsc

N = 10000
E = 320000
D = 128
NC = 2
NS = 16
NW = NC * NS
EW = E // NW
KB = 125
NIT = EW // KB
NH = 2
NIH = NIT // NH
NP = 10240
RPT = NP // NS

_mesh = plsc.VectorSubcoreMesh(
    core_axis_name="c", subcore_axis_name="s", num_cores=NC, num_subcores=NS
)


@functools.partial(
    pl.kernel,
    out_type=jax.ShapeDtypeStruct((NC, NP, D), jnp.float32),
    mesh=_mesh,
    scratch_types=[
        pltpu.VMEM((NIH, KB), jnp.int32),
        pltpu.VMEM((NIH, KB), jnp.int32),
        pltpu.VMEM((KB, D), jnp.float32),
        pltpu.VMEM((KB, D), jnp.float32),
        pltpu.VMEM_SHARED((NP, D), jnp.float32),
        pltpu.SemaphoreType.DMA,
        pltpu.SemaphoreType.DMA,
        pltpu.SemaphoreType.DMA,
        pltpu.SemaphoreType.DMA,
    ],
)
def _spmm1(tab, eidx_hbm, zeros_hbm, out_hbm,
           si_v, di_v, r0, r1,
           acc, sg0, sg1, sc0, sc1):
    cid = lax.axis_index("c")
    sid = lax.axis_index("s")
    wid = cid * NS + sid
    rows = [r0, r1]
    sg = [sg0, sg1]
    scs = [sc0, sc1]

    def fire_g(i, p):
        pltpu.async_copy(tab.at[si_v.at[i]], rows[p], sg[p])

    def fire_s(i, p):
        pltpu.async_copy(rows[p], acc.at[di_v.at[i]], scs[p], add=True)

    def wait_g(p):
        pltpu.make_async_copy(tab.at[si_v.at[0]], rows[p], sg[p]).wait()

    def wait_s(p):
        pltpu.make_async_copy(rows[p], acc.at[di_v.at[0]], scs[p]).wait()

    for h in range(NH):
        pltpu.sync_copy(eidx_hbm.at[1, wid, h], si_v)
        pltpu.sync_copy(eidx_hbm.at[0, wid, h], di_v)

        fire_g(0, 0)
        fire_g(1, 1)

        if h == 0:
            pltpu.sync_copy(zeros_hbm, acc.at[pl.ds(sid * RPT, RPT)])
            plsc.subcore_barrier()

        def pair(j, carry):
            for p in range(2):
                i = 2 * j + p
                wait_g(p)
                fire_s(i, p)

                @pl.when(i + 2 < NIH)
                def _():
                    wait_s(p)
                    fire_g(i + 2, p)

            return carry

        lax.fori_loop(0, NIH // 2, pair, 0)
        wait_s(0)
        wait_s(1)

    plsc.subcore_barrier()
    pltpu.sync_copy(acc.at[pl.ds(sid * RPT, RPT)],
                    out_hbm.at[cid, pl.ds(sid * RPT, RPT)])


BN = 1000
GRID = N // BN


def _prep_body(x_ref, a_ref, b_ref, xa_ref, xb_ref):
    x = x_ref[...]
    xa_ref[...] = x * a_ref[...]
    xb_ref[...] = x * b_ref[...]


_prep = pl.pallas_call(
    _prep_body,
    grid=(GRID,),
    in_specs=[pl.BlockSpec((BN, D), lambda i: (i, 0)),
              pl.BlockSpec((BN, 1), lambda i: (i, 0)),
              pl.BlockSpec((BN, 1), lambda i: (i, 0))],
    out_specs=[pl.BlockSpec((BN, D), lambda i: (i, 0)),
               pl.BlockSpec((BN, D), lambda i: (i, 0))],
    out_shape=[jax.ShapeDtypeStruct((N, D), jnp.float32)] * 2,
)


def _merge1_body(p_ref, r_ref, h_ref):
    h_ref[...] = r_ref[...] * (p_ref[0] + p_ref[1])


_merge1 = pl.pallas_call(
    _merge1_body,
    grid=(GRID,),
    in_specs=[pl.BlockSpec((NC, BN, D), lambda i: (0, i, 0)),
              pl.BlockSpec((BN, 1), lambda i: (i, 0))],
    out_specs=pl.BlockSpec((BN, D), lambda i: (i, 0)),
    out_shape=jax.ShapeDtypeStruct((N, D), jnp.float32),
)


def _merge2_body(p_ref, r_ref, t_ref, g_ref):
    g_ref[...] = r_ref[...] * (p_ref[0] + p_ref[1]) - t_ref[...]


_merge2 = pl.pallas_call(
    _merge2_body,
    grid=(GRID,),
    in_specs=[pl.BlockSpec((NC, BN, D), lambda i: (0, i, 0)),
              pl.BlockSpec((BN, 1), lambda i: (i, 0)),
              pl.BlockSpec((BN, D), lambda i: (i, 0))],
    out_specs=pl.BlockSpec((BN, D), lambda i: (i, 0)),
    out_shape=jax.ShapeDtypeStruct((N, D), jnp.float32),
)


def kernel(x, edge_index, deg):
    eidx = edge_index.reshape(2, NW, NH, NIH, KB)
    a = lax.rsqrt(deg)
    b = jnp.sqrt(deg)
    r = jnp.reciprocal(deg)
    zeros = jnp.zeros((RPT, D), jnp.float32)
    xa, xb = _prep(x, a, b)
    q0 = _spmm1(x, eidx, zeros)
    q1 = _spmm1(xa, eidx, zeros)
    q2 = _spmm1(xb, eidx, zeros)
    h0 = _merge1(q0, r)
    h1 = _merge1(q1, r)
    h2 = _merge1(q2, r)
    p0 = _spmm1(h0, eidx, zeros)
    p1 = _spmm1(h1, eidx, zeros)
    p2 = _spmm1(h2, eidx, zeros)
    g0 = _merge2(p0, r, x)
    g1 = _merge2(p1, r, xa)
    g2 = _merge2(p2, r, xb)
    return jnp.stack([x, xa, xb, h0, h1, h2, g0, g1, g2], axis=-1)

# --- scband reference (transcript-rebuilt; emitter-appended) ---
"""Pipeline reference for scband-node-feat-77841987272986 (READ-ONLY COPY).

The authoritative reference and input builder live on the scoring server;
editing this copy changes nothing except your own understanding.
"""

import jax, jax.numpy as jnp
import numpy as np

N = 10000
E = 320000
D = 128
HOP = 2


def setup_inputs(seed: int = 0) -> dict:
    key = jax.random.key(seed)
    k1, k2, k3 = jax.random.split(key, 3)
    x = jax.random.normal(k1, (N, D), dtype=jnp.float32)
    # edge_index row 0 = dst (row of adj_t), row 1 = src (col of adj_t)
    edge_index = jax.random.randint(k2, (2, E), 0, N, dtype=jnp.int32)
    # degree vector; rand fill in (0,1), shifted slightly away from 0 for numerical sanity
    deg = jax.random.uniform(k3, (N, 1), dtype=jnp.float32, minval=0.0, maxval=1.0) + 0.5
    return {"x": x, "edge_index": edge_index, "deg": deg}


def reference(x, edge_index, deg):
    n = x.shape[0]
    d = x.shape[-1]
    dst = edge_index[0]
    src = edge_index[1]

    def spmm(h):
        # adj_t @ h with unit edge weights: out[i] = sum_{j in N(i)} h[j]
        return jax.ops.segment_sum(jnp.take(h, src, axis=0), dst, num_segments=n)

    degrev = jnp.reciprocal(deg)
    x = jnp.concatenate((x, x * jax.lax.rsqrt(deg), x * jnp.sqrt(deg)), axis=1)
    xs = [x, degrev * spmm(x)]
    for i in range(2, HOP + 1):
        xs.append(degrev * spmm(xs[-1]) - xs[-2])
    out = jnp.concatenate(xs, axis=1)
    out = out.reshape(n, -1, d)
    out = jnp.swapaxes(out, 1, 2)
    return out

if __name__ == "__main__":
    import jax
    _d = setup_inputs()
    print(jax.jit(kernel)(*tuple(_d.values())))

</pallas_src>

<mosaic_0001>
#map = affine_map<(d0, d1) -> (0, 0)>
#map1 = affine_map<(d0, d1) -> (0, 0, 0, 0, 0)>
#map2 = affine_map<(d0, d1) -> (0, 0, 0)>
module attributes {stable_mosaic.version = 14 : i64} {
  func.func @_spmm1(%arg0: i32, %arg1: i32, %arg2: memref<10000x128xf32, #tpu.memory_space<hbm>>, %arg3: memref<2x32x2x40x125xi32, #tpu.memory_space<hbm>>, %arg4: memref<640x128xf32, #tpu.memory_space<hbm>>, %arg5: memref<2x10240x128xf32, #tpu.memory_space<hbm>>, %arg6: memref<40x125xi32, #tpu.memory_space<vmem>>, %arg7: memref<40x125xi32, #tpu.memory_space<vmem>>, %arg8: memref<125x128xf32, #tpu.memory_space<vmem>>, %arg9: memref<125x128xf32, #tpu.memory_space<vmem>>, %arg10: memref<10240x128xf32, #tpu.memory_space<vmem_shared>>, %arg11: memref<!tpu.dma_semaphore, #tpu.memory_space<semaphore_mem>>, %arg12: memref<!tpu.dma_semaphore, #tpu.memory_space<semaphore_mem>>, %arg13: memref<!tpu.dma_semaphore, #tpu.memory_space<semaphore_mem>>, %arg14: memref<!tpu.dma_semaphore, #tpu.memory_space<semaphore_mem>>) attributes {dimension_semantics = [#tpu.dimension_semantics<core_parallel>, #tpu.dimension_semantics<subcore_parallel>], iteration_bounds = array<i64: 2, 16>, scalar_prefetch = 0 : i64, scratch_operands = 9 : i64, tpu.core_type = #tpu.core_type<sc_vector_subcore>, window_params = [{transform_indices = #map}, {transform_indices = #map1}, {transform_indices = #map}, {transform_indices = #map2}]} {
    %mul3A = arith.constant 16 : i32
    %mul3A_0 = arith.muli %arg0, %mul3A : i32
    %add3A = arith.addi %mul3A_0, %arg1 : i32
    %run_scoped3A = arith.constant 1 : i32
    %run_scoped3A_1 = arith.constant 0 : i32
    "tpu.region"() ({
      %run_scoped3A_80 = tpu.sem_alloc : memref<!tpu.dma_semaphore, #tpu.memory_space<semaphore_mem>>
      %dma_start3A_81 = arith.constant 0 : i32
      %dma_start3A_82 = arith.constant 0 : i32
      %dma_start3A_83 = tpu.memref_slice %arg3[%run_scoped3A, %add3A, %run_scoped3A_1, %dma_start3A_81, %dma_start3A_82] : memref<2x32x2x40x125xi32, #tpu.memory_space<hbm>> -> memref<1x1x1x40x125xi32, #tpu.memory_space<hbm>>
      %dma_start3A_84 = tpu.memref_squeeze %dma_start3A_83 : memref<1x1x1x40x125xi32, #tpu.memory_space<hbm>> -> memref<40x125xi32, #tpu.memory_space<hbm>>
      %dma_start3A_85 = arith.constant 0 : i32
      %dma_start3A_86 = arith.constant 0 : i32
      %dma_start3A_87 = tpu.memref_slice %arg3[%run_scoped3A, %add3A, %run_scoped3A_1, %dma_start3A_85, %dma_start3A_86] : memref<2x32x2x40x125xi32, #tpu.memory_space<hbm>> -> memref<1x1x1x40x125xi32, #tpu.memory_space<hbm>>
      %dma_start3A_88 = tpu.memref_squeeze %dma_start3A_87 : memref<1x1x1x40x125xi32, #tpu.memory_space<hbm>> -> memref<40x125xi32, #tpu.memory_space<hbm>>
      tpu.enqueue_dma source(%dma_start3A_88 : memref<40x125xi32, #tpu.memory_space<hbm>>) target(%arg6 : memref<40x125xi32, #tpu.memory_space<vmem>>) target_semaphore(%run_scoped3A_80 : memref<!tpu.dma_semaphore, #tpu.memory_space<semaphore_mem>>)
      %dma_wait3A_89 = arith.constant 0 : i32
      %dma_wait3A_90 = arith.constant 0 : i32
      %dma_wait3A_91 = tpu.memref_slice %arg3[%run_scoped3A, %add3A, %run_scoped3A_1, %dma_wait3A_89, %dma_wait3A_90] : memref<2x32x2x40x125xi32, #tpu.memory_space<hbm>> -> memref<1x1x1x40x125xi32, #tpu.memory_space<hbm>>
      %dma_wait3A_92 = tpu.memref_squeeze %dma_wait3A_91 : memref<1x1x1x40x125xi32, #tpu.memory_space<hbm>> -> memref<40x125xi32, #tpu.memory_space<hbm>>
      %dma_wait3A_93 = arith.constant 0 : i32
      %dma_wait3A_94 = arith.constant 0 : i32
      %dma_wait3A_95 = tpu.memref_slice %arg3[%run_scoped3A, %add3A, %run_scoped3A_1, %dma_wait3A_93, %dma_wait3A_94] : memref<2x32x2x40x125xi32, #tpu.memory_space<hbm>> -> memref<1x1x1x40x125xi32, #tpu.memory_space<hbm>>
      %dma_wait3A_96 = tpu.memref_squeeze %dma_wait3A_95 : memref<1x1x1x40x125xi32, #tpu.memory_space<hbm>> -> memref<40x125xi32, #tpu.memory_space<hbm>>
      tpu.wait_dma2 semaphore(%run_scoped3A_80 : memref<!tpu.dma_semaphore, #tpu.memory_space<semaphore_mem>>) src(%dma_wait3A_96 : memref<40x125xi32, #tpu.memory_space<hbm>>) dst(%arg6 : memref<40x125xi32, #tpu.memory_space<vmem>>)
      tpu.yield
    }) : () -> ()
    %run_scoped3A_2 = arith.constant 0 : i32
    %run_scoped3A_3 = arith.constant 0 : i32
    "tpu.region"() ({
      %run_scoped3A_80 = tpu.sem_alloc : memref<!tpu.dma_semaphore, #tpu.memory_space<semaphore_mem>>
      %dma_start3A_81 = arith.constant 0 : i32
      %dma_start3A_82 = arith.constant 0 : i32
      %dma_start3A_83 = tpu.memref_slice %arg3[%run_scoped3A_2, %add3A, %run_scoped3A_3, %dma_start3A_81, %dma_start3A_82] : memref<2x32x2x40x125xi32, #tpu.memory_space<hbm>> -> memref<1x1x1x40x125xi32, #tpu.memory_space<hbm>>
      %dma_start3A_84 = tpu.memref_squeeze %dma_start3A_83 : memref<1x1x1x40x125xi32, #tpu.memory_space<hbm>> -> memref<40x125xi32, #tpu.memory_space<hbm>>
      %dma_start3A_85 = arith.constant 0 : i32
      %dma_start3A_86 = arith.constant 0 : i32
      %dma_start3A_87 = tpu.memref_slice %arg3[%run_scoped3A_2, %add3A, %run_scoped3A_3, %dma_start3A_85, %dma_start3A_86] : memref<2x32x2x40x125xi32, #tpu.memory_space<hbm>> -> memref<1x1x1x40x125xi32, #tpu.memory_space<hbm>>
      %dma_start3A_88 = tpu.memref_squeeze %dma_start3A_87 : memref<1x1x1x40x125xi32, #tpu.memory_space<hbm>> -> memref<40x125xi32, #tpu.memory_space<hbm>>
      tpu.enqueue_dma source(%dma_start3A_88 : memref<40x125xi32, #tpu.memory_space<hbm>>) target(%arg7 : memref<40x125xi32, #tpu.memory_space<vmem>>) target_semaphore(%run_scoped3A_80 : memref<!tpu.dma_semaphore, #tpu.memory_space<semaphore_mem>>)
      %dma_wait3A_89 = arith.constant 0 : i32
      %dma_wait3A_90 = arith.constant 0 : i32
      %dma_wait3A_91 = tpu.memref_slice %arg3[%run_scoped3A_2, %add3A, %run_scoped3A_3, %dma_wait3A_89, %dma_wait3A_90] : memref<2x32x2x40x125xi32, #tpu.memory_space<hbm>> -> memref<1x1x1x40x125xi32, #tpu.memory_space<hbm>>
      %dma_wait3A_92 = tpu.memref_squeeze %dma_wait3A_91 : memref<1x1x1x40x125xi32, #tpu.memory_space<hbm>> -> memref<40x125xi32, #tpu.memory_space<hbm>>
      %dma_wait3A_93 = arith.constant 0 : i32
      %dma_wait3A_94 = arith.constant 0 : i32
      %dma_wait3A_95 = tpu.memref_slice %arg3[%run_scoped3A_2, %add3A, %run_scoped3A_3, %dma_wait3A_93, %dma_wait3A_94] : memref<2x32x2x40x125xi32, #tpu.memory_space<hbm>> -> memref<1x1x1x40x125xi32, #tpu.memory_space<hbm>>
      %dma_wait3A_96 = tpu.memref_squeeze %dma_wait3A_95 : memref<1x1x1x40x125xi32, #tpu.memory_space<hbm>> -> memref<40x125xi32, #tpu.memory_space<hbm>>
      tpu.wait_dma2 semaphore(%run_scoped3A_80 : memref<!tpu.dma_semaphore, #tpu.memory_space<semaphore_mem>>) src(%dma_wait3A_96 : memref<40x125xi32, #tpu.memory_space<hbm>>) dst(%arg7 : memref<40x125xi32, #tpu.memory_space<vmem>>)
      tpu.yield
    }) : () -> ()
    %dma_start3A = arith.constant 0 : i32
    %dma_start3A_4 = arith.constant 0 : i32
    %dma_start3A_5 = tpu.memref_slice %arg6[%dma_start3A, %dma_start3A_4] : memref<40x125xi32, #tpu.memory_space<vmem>> -> memref<1x125xi32, #tpu.memory_space<vmem>>
    %dma_start3A_6 = tpu.memref_squeeze %dma_start3A_5 : memref<1x125xi32, #tpu.memory_space<vmem>> -> memref<125xi32, #tpu.memory_space<vmem>>
    %dma_start3A_7 = arith.constant 0 : i32
    %dma_start3A_8 = arith.constant 0 : i32
    %dma_start3A_9 = tpu.memref_slice %arg2[%dma_start3A_7, %dma_start3A_8] : memref<10000x128xf32, #tpu.memory_space<hbm>> -> memref<10000x128xf32, #tpu.memory_space<hbm>>
    tpu.enqueue_indirect_dma source(%dma_start3A_9 : memref<10000x128xf32, #tpu.memory_space<hbm>>) target(%arg8 : memref<125x128xf32, #tpu.memory_space<vmem>>) offsets(%dma_start3A_6 : memref<125xi32, #tpu.memory_space<vmem>>) semaphore(%arg11 : memref<!tpu.dma_semaphore, #tpu.memory_space<semaphore_mem>>)
    %dma_start3A_10 = arith.constant 1 : i32
    %dma_start3A_11 = arith.constant 0 : i32
    %dma_start3A_12 = tpu.memref_slice %arg6[%dma_start3A_10, %dma_start3A_11] : memref<40x125xi32, #tpu.memory_space<vmem>> -> memref<1x125xi32, #tpu.memory_space<vmem>>
    %dma_start3A_13 = tpu.memref_squeeze %dma_start3A_12 : memref<1x125xi32, #tpu.memory_space<vmem>> -> memref<125xi32, #tpu.memory_space<vmem>>
    %dma_start3A_14 = arith.constant 0 : i32
    %dma_start3A_15 = arith.constant 0 : i32
    %dma_start3A_16 = tpu.memref_slice %arg2[%dma_start3A_14, %dma_start3A_15] : memref<10000x128xf32, #tpu.memory_space<hbm>> -> memref<10000x128xf32, #tpu.memory_space<hbm>>
    tpu.enqueue_indirect_dma source(%dma_start3A_16 : memref<10000x128xf32, #tpu.memory_space<hbm>>) target(%arg9 : memref<125x128xf32, #tpu.memory_space<vmem>>) offsets(%dma_start3A_13 : memref<125xi32, #tpu.memory_space<vmem>>) semaphore(%arg12 : memref<!tpu.dma_semaphore, #tpu.memory_space<semaphore_mem>>)
    %mul3A_17 = arith.constant 640 : i32
    %mul3A_18 = arith.muli %arg1, %mul3A_17 : i32
    "tpu.region"() ({
      %run_scoped3A_80 = tpu.sem_alloc : memref<!tpu.dma_semaphore, #tpu.memory_space<semaphore_mem>>
      %dma_start3A_81 = arith.constant 0 : i32
      %dma_start3A_82 = tpu.memref_slice %arg10[%mul3A_18, %dma_start3A_81] : memref<10240x128xf32, #tpu.memory_space<vmem_shared>> -> memref<640x128xf32, #tpu.memory_space<vmem_shared>>
      tpu.enqueue_dma source(%arg4 : memref<640x128xf32, #tpu.memory_space<hbm>>) target(%dma_start3A_82 : memref<640x128xf32, #tpu.memory_space<vmem_shared>>) target_semaphore(%run_scoped3A_80 : memref<!tpu.dma_semaphore, #tpu.memory_space<semaphore_mem>>)
      %dma_wait3A_83 = arith.constant 0 : i32
      %dma_wait3A_84 = tpu.memref_slice %arg10[%mul3A_18, %dma_wait3A_83] : memref<10240x128xf32, #tpu.memory_space<vmem_shared>> -> memref<640x128xf32, #tpu.memory_space<vmem_shared>>
      tpu.wait_dma2 semaphore(%run_scoped3A_80 : memref<!tpu.dma_semaphore, #tpu.memory_space<semaphore_mem>>) src(%arg4 : memref<640x128xf32, #tpu.memory_space<hbm>>) dst(%dma_wait3A_84 : memref<640x128xf32, #tpu.memory_space<vmem_shared>>)
      tpu.yield
    }) : () -> ()
    %barrier3A = arith.constant 0 : index
    tpu.barrier barrier_id(%barrier3A)
    %scan3A = arith.constant 0 : i32
    %scan3A_19 = arith.constant 0 : i32
    %scan3A_20 = arith.constant 20 : i32
    %scan3A_21 = arith.addi %scan3A_19, %scan3A_20 : i32
    %scan3A_22 = arith.constant 1 : i32
    scf.for %scan3A_80 = %scan3A_19 to %scan3A_21 step %scan3A_22  : i32 {
      %mul3A_81 = arith.constant 2 : i32
      %mul3A_82 = arith.muli %mul3A_81, %scan3A_80 : i32
      %add3A_83 = arith.constant 0 : i32
      %add3A_84 = arith.addi %mul3A_82, %add3A_83 : i32
      %dma_wait3A_85 = arith.constant 0 : i32
      %dma_wait3A_86 = arith.constant 0 : i32
      %dma_wait3A_87 = tpu.memref_slice %arg6[%dma_wait3A_85, %dma_wait3A_86] : memref<40x125xi32, #tpu.memory_space<vmem>> -> memref<1x125xi32, #tpu.memory_space<vmem>>
      %dma_wait3A_88 = tpu.memref_squeeze %dma_wait3A_87 : memref<1x125xi32, #tpu.memory_space<vmem>> -> memref<125xi32, #tpu.memory_space<vmem>>
      %dma_wait3A_89 = arith.constant 0 : i32
      %dma_wait3A_90 = arith.constant 0 : i32
      %dma_wait3A_91 = tpu.memref_slice %arg2[%dma_wait3A_89, %dma_wait3A_90] : memref<10000x128xf32, #tpu.memory_space<hbm>> -> memref<10000x128xf32, #tpu.memory_space<hbm>>
      tpu.wait_indirect_dma semaphore(%arg11 : memref<!tpu.dma_semaphore, #tpu.memory_space<semaphore_mem>>) src(%dma_wait3A_91 : memref<10000x128xf32, #tpu.memory_space<hbm>>) dst(%arg8 : memref<125x128xf32, #tpu.memory_space<vmem>>)
      %dma_start3A_92 = arith.constant 0 : i32
      %dma_start3A_93 = tpu.memref_slice %arg7[%add3A_84, %dma_start3A_92] : memref<40x125xi32, #tpu.memory_space<vmem>> -> memref<1x125xi32, #tpu.memory_space<vmem>>
      %dma_start3A_94 = tpu.memref_squeeze %dma_start3A_93 : memref<1x125xi32, #tpu.memory_space<vmem>> -> memref<125xi32, #tpu.memory_space<vmem>>
      %dma_start3A_95 = arith.constant 0 : i32
      %dma_start3A_96 = arith.constant 0 : i32
      %dma_start3A_97 = tpu.memref_slice %arg10[%dma_start3A_95, %dma_start3A_96] : memref<10240x128xf32, #tpu.memory_space<vmem_shared>> -> memref<10240x128xf32, #tpu.memory_space<vmem_shared>>
      tpu.enqueue_indirect_dma source(%arg8 : memref<125x128xf32, #tpu.memory_space<vmem>>) target(%dma_start3A_97 : memref<10240x128xf32, #tpu.memory_space<vmem_shared>>) offsets(%dma_start3A_94 : memref<125xi32, #tpu.memory_space<vmem>>) semaphore(%arg13 : memref<!tpu.dma_semaphore, #tpu.memory_space<semaphore_mem>>) {add = true}
      %add3A_98 = arith.constant 2 : i32
      %add3A_99 = arith.addi %add3A_84, %add3A_98 : i32
      %lt3A = arith.constant 40 : i32
      %lt3A_100 = arith.cmpi slt, %add3A_99, %lt3A : i32
      %convert_element_type3A = arith.extui %lt3A_100 : i1 to i32
      %cond3A = arith.constant 0 : i32
      %cond3A_101 = arith.cmpi ne, %convert_element_type3A, %cond3A : i32
      scf.if %cond3A_101 {
        %dma_wait3A_126 = arith.constant 0 : i32
        %dma_wait3A_127 = arith.constant 0 : i32
        %dma_wait3A_128 = tpu.memref_slice %arg7[%dma_wait3A_126, %dma_wait3A_127] : memref<40x125xi32, #tpu.memory_space<vmem>> -> memref<1x125xi32, #tpu.memory_space<vmem>>
        %dma_wait3A_129 = tpu.memref_squeeze %dma_wait3A_128 : memref<1x125xi32, #tpu.memory_space<vmem>> -> memref<125xi32, #tpu.memory_space<vmem>>
        %dma_wait3A_130 = arith.constant 0 : i32
        %dma_wait3A_131 = arith.constant 0 : i32
        %dma_wait3A_132 = tpu.memref_slice %arg10[%dma_wait3A_130, %dma_wait3A_131] : memref<10240x128xf32, #tpu.memory_space<vmem_shared>> -> memref<10240x128xf32, #tpu.memory_space<vmem_shared>>
        tpu.wait_indirect_dma semaphore(%arg13 : memref<!tpu.dma_semaphore, #tpu.memory_space<semaphore_mem>>) src(%arg8 : memref<125x128xf32, #tpu.memory_space<vmem>>) dst(%dma_wait3A_132 : memref<10240x128xf32, #tpu.memory_space<vmem_shared>>)
        %add3A_133 = arith.constant 2 : i32
        %add3A_134 = arith.addi %add3A_84, %add3A_133 : i32
        %dma_start3A_135 = arith.constant 0 : i32
        %dma_start3A_136 = tpu.memref_slice %arg6[%add3A_134, %dma_start3A_135] : memref<40x125xi32, #tpu.memory_space<vmem>> -> memref<1x125xi32, #tpu.memory_space<vmem>>
        %dma_start3A_137 = tpu.memref_squeeze %dma_start3A_136 : memref<1x125xi32, #tpu.memory_space<vmem>> -> memref<125xi32, #tpu.memory_space<vmem>>
        %dma_start3A_138 = arith.constant 0 : i32
        %dma_start3A_139 = arith.constant 0 : i32
        %dma_start3A_140 = tpu.memref_slice %arg2[%dma_start3A_138, %dma_start3A_139] : memref<10000x128xf32, #tpu.memory_space<hbm>> -> memref<10000x128xf32, #tpu.memory_space<hbm>>
        tpu.enqueue_indirect_dma source(%dma_start3A_140 : memref<10000x128xf32, #tpu.memory_space<hbm>>) target(%arg8 : memref<125x128xf32, #tpu.memory_space<vmem>>) offsets(%dma_start3A_137 : memref<125xi32, #tpu.memory_space<vmem>>) semaphore(%arg11 : memref<!tpu.dma_semaphore, #tpu.memory_space<semaphore_mem>>)
      } else {
      }
      %mul3A_102 = arith.constant 2 : i32
      %mul3A_103 = arith.muli %mul3A_102, %scan3A_80 : i32
      %add3A_104 = arith.constant 1 : i32
      %add3A_105 = arith.addi %mul3A_103, %add3A_104 : i32
      %dma_wait3A_106 = arith.constant 0 : i32
      %dma_wait3A_107 = arith.constant 0 : i32
      %dma_wait3A_108 = tpu.memref_slice %arg6[%dma_wait3A_106, %dma_wait3A_107] : memref<40x125xi32, #tpu.memory_space<vmem>> -> memref<1x125xi32, #tpu.memory_space<vmem>>
      %dma_wait3A_109 = tpu.memref_squeeze %dma_wait3A_108 : memref<1x125xi32, #tpu.memory_space<vmem>> -> memref<125xi32, #tpu.memory_space<vmem>>
      %dma_wait3A_110 = arith.constant 0 : i32
      %dma_wait3A_111 = arith.constant 0 : i32
      %dma_wait3A_112 = tpu.memref_slice %arg2[%dma_wait3A_110, %dma_wait3A_111] : memref<10000x128xf32, #tpu.memory_space<hbm>> -> memref<10000x128xf32, #tpu.memory_space<hbm>>
      tpu.wait_indirect_dma semaphore(%arg12 : memref<!tpu.dma_semaphore, #tpu.memory_space<semaphore_mem>>) src(%dma_wait3A_112 : memref<10000x128xf32, #tpu.memory_space<hbm>>) dst(%arg9 : memref<125x128xf32, #tpu.memory_space<vmem>>)
      %dma_start3A_113 = arith.constant 0 : i32
      %dma_start3A_114 = tpu.memref_slice %arg7[%add3A_105, %dma_start3A_113] : memref<40x125xi32, #tpu.memory_space<vmem>> -> memref<1x125xi32, #tpu.memory_space<vmem>>
      %dma_start3A_115 = tpu.memref_squeeze %dma_start3A_114 : memref<1x125xi32, #tpu.memory_space<vmem>> -> memref<125xi32, #tpu.memory_space<vmem>>
      %dma_start3A_116 = arith.constant 0 : i32
      %dma_start3A_117 = arith.constant 0 : i32
      %dma_start3A_118 = tpu.memref_slice %arg10[%dma_start3A_116, %dma_start3A_117] : memref<10240x128xf32, #tpu.memory_space<vmem_shared>> -> memref<10240x128xf32, #tpu.memory_space<vmem_shared>>
      tpu.enqueue_indirect_dma source(%arg9 : memref<125x128xf32, #tpu.memory_space<vmem>>) target(%dma_start3A_118 : memref<10240x128xf32, #tpu.memory_space<vmem_shared>>) offsets(%dma_start3A_115 : memref<125xi32, #tpu.memory_space<vmem>>) semaphore(%arg14 : memref<!tpu.dma_semaphore, #tpu.memory_space<semaphore_mem>>) {add = true}
      %add3A_119 = arith.constant 2 : i32
      %add3A_120 = arith.addi %add3A_105, %add3A_119 : i32
      %lt3A_121 = arith.constant 40 : i32
      %lt3A_122 = arith.cmpi slt, %add3A_120, %lt3A_121 : i32
      %convert_element_type3A_123 = arith.extui %lt3A_122 : i1 to i32
      %cond3A_124 = arith.constant 0 : i32
      %cond3A_125 = arith.cmpi ne, %convert_element_type3A_123, %cond3A_124 : i32
      scf.if %cond3A_125 {
        %dma_wait3A_126 = arith.constant 0 : i32
        %dma_wait3A_127 = arith.constant 0 : i32
        %dma_wait3A_128 = tpu.memref_slice %arg7[%dma_wait3A_126, %dma_wait3A_127] : memref<40x125xi32, #tpu.memory_space<vmem>> -> memref<1x125xi32, #tpu.memory_space<vmem>>
        %dma_wait3A_129 = tpu.memref_squeeze %dma_wait3A_128 : memref<1x125xi32, #tpu.memory_space<vmem>> -> memref<125xi32, #tpu.memory_space<vmem>>
        %dma_wait3A_130 = arith.constant 0 : i32
        %dma_wait3A_131 = arith.constant 0 : i32
        %dma_wait3A_132 = tpu.memref_slice %arg10[%dma_wait3A_130, %dma_wait3A_131] : memref<10240x128xf32, #tpu.memory_space<vmem_shared>> -> memref<10240x128xf32, #tpu.memory_space<vmem_shared>>
        tpu.wait_indirect_dma semaphore(%arg14 : memref<!tpu.dma_semaphore, #tpu.memory_space<semaphore_mem>>) src(%arg9 : memref<125x128xf32, #tpu.memory_space<vmem>>) dst(%dma_wait3A_132 : memref<10240x128xf32, #tpu.memory_space<vmem_shared>>)
        %add3A_133 = arith.constant 2 : i32
        %add3A_134 = arith.addi %add3A_105, %add3A_133 : i32
        %dma_start3A_135 = arith.constant 0 : i32
        %dma_start3A_136 = tpu.memref_slice %arg6[%add3A_134, %dma_start3A_135] : memref<40x125xi32, #tpu.memory_space<vmem>> -> memref<1x125xi32, #tpu.memory_space<vmem>>
        %dma_start3A_137 = tpu.memref_squeeze %dma_start3A_136 : memref<1x125xi32, #tpu.memory_space<vmem>> -> memref<125xi32, #tpu.memory_space<vmem>>
        %dma_start3A_138 = arith.constant 0 : i32
        %dma_start3A_139 = arith.constant 0 : i32
        %dma_start3A_140 = tpu.memref_slice %arg2[%dma_start3A_138, %dma_start3A_139] : memref<10000x128xf32, #tpu.memory_space<hbm>> -> memref<10000x128xf32, #tpu.memory_space<hbm>>
        tpu.enqueue_indirect_dma source(%dma_start3A_140 : memref<10000x128xf32, #tpu.memory_space<hbm>>) target(%arg9 : memref<125x128xf32, #tpu.memory_space<vmem>>) offsets(%dma_start3A_137 : memref<125xi32, #tpu.memory_space<vmem>>) semaphore(%arg12 : memref<!tpu.dma_semaphore, #tpu.memory_space<semaphore_mem>>)
      } else {
      }
    }
    %scan3A_23 = arith.constant 20 : i32
    %dma_wait3A = arith.constant 0 : i32
    %dma_wait3A_24 = arith.constant 0 : i32
    %dma_wait3A_25 = tpu.memref_slice %arg7[%dma_wait3A, %dma_wait3A_24] : memref<40x125xi32, #tpu.memory_space<vmem>> -> memref<1x125xi32, #tpu.memory_space<vmem>>
    %dma_wait3A_26 = tpu.memref_squeeze %dma_wait3A_25 : memref<1x125xi32, #tpu.memory_space<vmem>> -> memref<125xi32, #tpu.memory_space<vmem>>
    %dma_wait3A_27 = arith.constant 0 : i32
    %dma_wait3A_28 = arith.constant 0 : i32
    %dma_wait3A_29 = tpu.memref_slice %arg10[%dma_wait3A_27, %dma_wait3A_28] : memref<10240x128xf32, #tpu.memory_space<vmem_shared>> -> memref<10240x128xf32, #tpu.memory_space<vmem_shared>>
    tpu.wait_indirect_dma semaphore(%arg13 : memref<!tpu.dma_semaphore, #tpu.memory_space<semaphore_mem>>) src(%arg8 : memref<125x128xf32, #tpu.memory_space<vmem>>) dst(%dma_wait3A_29 : memref<10240x128xf32, #tpu.memory_space<vmem_shared>>)
    %dma_wait3A_30 = arith.constant 0 : i32
    %dma_wait3A_31 = arith.constant 0 : i32
    %dma_wait3A_32 = tpu.memref_slice %arg7[%dma_wait3A_30, %dma_wait3A_31] : memref<40x125xi32, #tpu.memory_space<vmem>> -> memref<1x125xi32, #tpu.memory_space<vmem>>
    %dma_wait3A_33 = tpu.memref_squeeze %dma_wait3A_32 : memref<1x125xi32, #tpu.memory_space<vmem>> -> memref<125xi32, #tpu.memory_space<vmem>>
    %dma_wait3A_34 = arith.constant 0 : i32
    %dma_wait3A_35 = arith.constant 0 : i32
    %dma_wait3A_36 = tpu.memref_slice %arg10[%dma_wait3A_34, %dma_wait3A_35] : memref<10240x128xf32, #tpu.memory_space<vmem_shared>> -> memref<10240x128xf32, #tpu.memory_space<vmem_shared>>
    tpu.wait_indirect_dma semaphore(%arg14 : memref<!tpu.dma_semaphore, #tpu.memory_space<semaphore_mem>>) src(%arg9 : memref<125x128xf32, #tpu.memory_space<vmem>>) dst(%dma_wait3A_36 : memref<10240x128xf32, #tpu.memory_space<vmem_shared>>)
    %run_scoped3A_37 = arith.constant 1 : i32
    %run_scoped3A_38 = arith.constant 1 : i32
    "tpu.region"() ({
      %run_scoped3A_80 = tpu.sem_alloc : memref<!tpu.dma_semaphore, #tpu.memory_space<semaphore_mem>>
      %dma_start3A_81 = arith.constant 0 : i32
      %dma_start3A_82 = arith.constant 0 : i32
      %dma_start3A_83 = tpu.memref_slice %arg3[%run_scoped3A_37, %add3A, %run_scoped3A_38, %dma_start3A_81, %dma_start3A_82] : memref<2x32x2x40x125xi32, #tpu.memory_space<hbm>> -> memref<1x1x1x40x125xi32, #tpu.memory_space<hbm>>
      %dma_start3A_84 = tpu.memref_squeeze %dma_start3A_83 : memref<1x1x1x40x125xi32, #tpu.memory_space<hbm>> -> memref<40x125xi32, #tpu.memory_space<hbm>>
      %dma_start3A_85 = arith.constant 0 : i32
      %dma_start3A_86 = arith.constant 0 : i32
      %dma_start3A_87 = tpu.memref_slice %arg3[%run_scoped3A_37, %add3A, %run_scoped3A_38, %dma_start3A_85, %dma_start3A_86] : memref<2x32x2x40x125xi32, #tpu.memory_space<hbm>> -> memref<1x1x1x40x125xi32, #tpu.memory_space<hbm>>
      %dma_start3A_88 = tpu.memref_squeeze %dma_start3A_87 : memref<1x1x1x40x125xi32, #tpu.memory_space<hbm>> -> memref<40x125xi32, #tpu.memory_space<hbm>>
      tpu.enqueue_dma source(%dma_start3A_88 : memref<40x125xi32, #tpu.memory_space<hbm>>) target(%arg6 : memref<40x125xi32, #tpu.memory_space<vmem>>) target_semaphore(%run_scoped3A_80 : memref<!tpu.dma_semaphore, #tpu.memory_space<semaphore_mem>>)
      %dma_wait3A_89 = arith.constant 0 : i32
      %dma_wait3A_90 = arith.constant 0 : i32
      %dma_wait3A_91 = tpu.memref_slice %arg3[%run_scoped3A_37, %add3A, %run_scoped3A_38, %dma_wait3A_89, %dma_wait3A_90] : memref<2x32x2x40x125xi32, #tpu.memory_space<hbm>> -> memref<1x1x1x40x125xi32, #tpu.memory_space<hbm>>
      %dma_wait3A_92 = tpu.memref_squeeze %dma_wait3A_91 : memref<1x1x1x40x125xi32, #tpu.memory_space<hbm>> -> memref<40x125xi32, #tpu.memory_space<hbm>>
      %dma_wait3A_93 = arith.constant 0 : i32
      %dma_wait3A_94 = arith.constant 0 : i32
      %dma_wait3A_95 = tpu.memref_slice %arg3[%run_scoped3A_37, %add3A, %run_scoped3A_38, %dma_wait3A_93, %dma_wait3A_94] : memref<2x32x2x40x125xi32, #tpu.memory_space<hbm>> -> memref<1x1x1x40x125xi32, #tpu.memory_space<hbm>>
      %dma_wait3A_96 = tpu.memref_squeeze %dma_wait3A_95 : memref<1x1x1x40x125xi32, #tpu.memory_space<hbm>> -> memref<40x125xi32, #tpu.memory_space<hbm>>
      tpu.wait_dma2 semaphore(%run_scoped3A_80 : memref<!tpu.dma_semaphore, #tpu.memory_space<semaphore_mem>>) src(%dma_wait3A_96 : memref<40x125xi32, #tpu.memory_space<hbm>>) dst(%arg6 : memref<40x125xi32, #tpu.memory_space<vmem>>)
      tpu.yield
    }) : () -> ()
    %run_scoped3A_39 = arith.constant 0 : i32
    %run_scoped3A_40 = arith.constant 1 : i32
    "tpu.region"() ({
      %run_scoped3A_80 = tpu.sem_alloc : memref<!tpu.dma_semaphore, #tpu.memory_space<semaphore_mem>>
      %dma_start3A_81 = arith.constant 0 : i32
      %dma_start3A_82 = arith.constant 0 : i32
      %dma_start3A_83 = tpu.memref_slice %arg3[%run_scoped3A_39, %add3A, %run_scoped3A_40, %dma_start3A_81, %dma_start3A_82] : memref<2x32x2x40x125xi32, #tpu.memory_space<hbm>> -> memref<1x1x1x40x125xi32, #tpu.memory_space<hbm>>
      %dma_start3A_84 = tpu.memref_squeeze %dma_start3A_83 : memref<1x1x1x40x125xi32, #tpu.memory_space<hbm>> -> memref<40x125xi32, #tpu.memory_space<hbm>>
      %dma_start3A_85 = arith.constant 0 : i32
      %dma_start3A_86 = arith.constant 0 : i32
      %dma_start3A_87 = tpu.memref_slice %arg3[%run_scoped3A_39, %add3A, %run_scoped3A_40, %dma_start3A_85, %dma_start3A_86] : memref<2x32x2x40x125xi32, #tpu.memory_space<hbm>> -> memref<1x1x1x40x125xi32, #tpu.memory_space<hbm>>
      %dma_start3A_88 = tpu.memref_squeeze %dma_start3A_87 : memref<1x1x1x40x125xi32, #tpu.memory_space<hbm>> -> memref<40x125xi32, #tpu.memory_space<hbm>>
      tpu.enqueue_dma source(%dma_start3A_88 : memref<40x125xi32, #tpu.memory_space<hbm>>) target(%arg7 : memref<40x125xi32, #tpu.memory_space<vmem>>) target_semaphore(%run_scoped3A_80 : memref<!tpu.dma_semaphore, #tpu.memory_space<semaphore_mem>>)
      %dma_wait3A_89 = arith.constant 0 : i32
      %dma_wait3A_90 = arith.constant 0 : i32
      %dma_wait3A_91 = tpu.memref_slice %arg3[%run_scoped3A_39, %add3A, %run_scoped3A_40, %dma_wait3A_89, %dma_wait3A_90] : memref<2x32x2x40x125xi32, #tpu.memory_space<hbm>> -> memref<1x1x1x40x125xi32, #tpu.memory_space<hbm>>
      %dma_wait3A_92 = tpu.memref_squeeze %dma_wait3A_91 : memref<1x1x1x40x125xi32, #tpu.memory_space<hbm>> -> memref<40x125xi32, #tpu.memory_space<hbm>>
      %dma_wait3A_93 = arith.constant 0 : i32
      %dma_wait3A_94 = arith.constant 0 : i32
      %dma_wait3A_95 = tpu.memref_slice %arg3[%run_scoped3A_39, %add3A, %run_scoped3A_40, %dma_wait3A_93, %dma_wait3A_94] : memref<2x32x2x40x125xi32, #tpu.memory_space<hbm>> -> memref<1x1x1x40x125xi32, #tpu.memory_space<hbm>>
      %dma_wait3A_96 = tpu.memref_squeeze %dma_wait3A_95 : memref<1x1x1x40x125xi32, #tpu.memory_space<hbm>> -> memref<40x125xi32, #tpu.memory_space<hbm>>
      tpu.wait_dma2 semaphore(%run_scoped3A_80 : memref<!tpu.dma_semaphore, #tpu.memory_space<semaphore_mem>>) src(%dma_wait3A_96 : memref<40x125xi32, #tpu.memory_space<hbm>>) dst(%arg7 : memref<40x125xi32, #tpu.memory_space<vmem>>)
      tpu.yield
    }) : () -> ()
    %dma_start3A_41 = arith.constant 0 : i32
    %dma_start3A_42 = arith.constant 0 : i32
    %dma_start3A_43 = tpu.memref_slice %arg6[%dma_start3A_41, %dma_start3A_42] : memref<40x125xi32, #tpu.memory_space<vmem>> -> memref<1x125xi32, #tpu.memory_space<vmem>>
    %dma_start3A_44 = tpu.memref_squeeze %dma_start3A_43 : memref<1x125xi32, #tpu.memory_space<vmem>> -> memref<125xi32, #tpu.memory_space<vmem>>
    %dma_start3A_45 = arith.constant 0 : i32
    %dma_start3A_46 = arith.constant 0 : i32
    %dma_start3A_47 = tpu.memref_slice %arg2[%dma_start3A_45, %dma_start3A_46] : memref<10000x128xf32, #tpu.memory_space<hbm>> -> memref<10000x128xf32, #tpu.memory_space<hbm>>
    tpu.enqueue_indirect_dma source(%dma_start3A_47 : memref<10000x128xf32, #tpu.memory_space<hbm>>) target(%arg8 : memref<125x128xf32, #tpu.memory_space<vmem>>) offsets(%dma_start3A_44 : memref<125xi32, #tpu.memory_space<vmem>>) semaphore(%arg11 : memref<!tpu.dma_semaphore, #tpu.memory_space<semaphore_mem>>)
    %dma_start3A_48 = arith.constant 1 : i32
    %dma_start3A_49 = arith.constant 0 : i32
    %dma_start3A_50 = tpu.memref_slice %arg6[%dma_start3A_48, %dma_start3A_49] : memref<40x125xi32, #tpu.memory_space<vmem>> -> memref<1x125xi32, #tpu.memory_space<vmem>>
    %dma_start3A_51 = tpu.memref_squeeze %dma_start3A_50 : memref<1x125xi32, #tpu.memory_space<vmem>> -> memref<125xi32, #tpu.memory_space<vmem>>
    %dma_start3A_52 = arith.constant 0 : i32
    %dma_start3A_53 = arith.constant 0 : i32
    %dma_start3A_54 = tpu.memref_slice %arg2[%dma_start3A_52, %dma_start3A_53] : memref<10000x128xf32, #tpu.memory_space<hbm>> -> memref<10000x128xf32, #tpu.memory_space<hbm>>
    tpu.enqueue_indirect_dma source(%dma_start3A_54 : memref<10000x128xf32, #tpu.memory_space<hbm>>) target(%arg9 : memref<125x128xf32, #tpu.memory_space<vmem>>) offsets(%dma_start3A_51 : memref<125xi32, #tpu.memory_space<vmem>>) semaphore(%arg12 : memref<!tpu.dma_semaphore, #tpu.memory_space<semaphore_mem>>)
    %scan3A_55 = arith.constant 0 : i32
    %scan3A_56 = arith.constant 0 : i32
    %scan3A_57 = arith.constant 20 : i32
    %scan3A_58 = arith.addi %scan3A_56, %scan3A_57 : i32
    %scan3A_59 = arith.constant 1 : i32
    scf.for %scan3A_80 = %scan3A_56 to %scan3A_58 step %scan3A_59  : i32 {
      %mul3A_81 = arith.constant 2 : i32
      %mul3A_82 = arith.muli %mul3A_81, %scan3A_80 : i32
      %add3A_83 = arith.constant 0 : i32
      %add3A_84 = arith.addi %mul3A_82, %add3A_83 : i32
      %dma_wait3A_85 = arith.constant 0 : i32
      %dma_wait3A_86 = arith.constant 0 : i32
      %dma_wait3A_87 = tpu.memref_slice %arg6[%dma_wait3A_85, %dma_wait3A_86] : memref<40x125xi32, #tpu.memory_space<vmem>> -> memref<1x125xi32, #tpu.memory_space<vmem>>
      %dma_wait3A_88 = tpu.memref_squeeze %dma_wait3A_87 : memref<1x125xi32, #tpu.memory_space<vmem>> -> memref<125xi32, #tpu.memory_space<vmem>>
      %dma_wait3A_89 = arith.constant 0 : i32
      %dma_wait3A_90 = arith.constant 0 : i32
      %dma_wait3A_91 = tpu.memref_slice %arg2[%dma_wait3A_89, %dma_wait3A_90] : memref<10000x128xf32, #tpu.memory_space<hbm>> -> memref<10000x128xf32, #tpu.memory_space<hbm>>
      tpu.wait_indirect_dma semaphore(%arg11 : memref<!tpu.dma_semaphore, #tpu.memory_space<semaphore_mem>>) src(%dma_wait3A_91 : memref<10000x128xf32, #tpu.memory_space<hbm>>) dst(%arg8 : memref<125x128xf32, #tpu.memory_space<vmem>>)
      %dma_start3A_92 = arith.constant 0 : i32
      %dma_start3A_93 = tpu.memref_slice %arg7[%add3A_84, %dma_start3A_92] : memref<40x125xi32, #tpu.memory_space<vmem>> -> memref<1x125xi32, #tpu.memory_space<vmem>>
      %dma_start3A_94 = tpu.memref_squeeze %dma_start3A_93 : memref<1x125xi32, #tpu.memory_space<vmem>> -> memref<125xi32, #tpu.memory_space<vmem>>
      %dma_start3A_95 = arith.constant 0 : i32
      %dma_start3A_96 = arith.constant 0 : i32
      %dma_start3A_97 = tpu.memref_slice %arg10[%dma_start3A_95, %dma_start3A_96] : memref<10240x128xf32, #tpu.memory_space<vmem_shared>> -> memref<10240x128xf32, #tpu.memory_space<vmem_shared>>
      tpu.enqueue_indirect_dma source(%arg8 : memref<125x128xf32, #tpu.memory_space<vmem>>) target(%dma_start3A_97 : memref<10240x128xf32, #tpu.memory_space<vmem_shared>>) offsets(%dma_start3A_94 : memref<125xi32, #tpu.memory_space<vmem>>) semaphore(%arg13 : memref<!tpu.dma_semaphore, #tpu.memory_space<semaphore_mem>>) {add = true}
      %add3A_98 = arith.constant 2 : i32
      %add3A_99 = arith.addi %add3A_84, %add3A_98 : i32
      %lt3A = arith.constant 40 : i32
      %lt3A_100 = arith.cmpi slt, %add3A_99, %lt3A : i32
      %convert_element_type3A = arith.extui %lt3A_100 : i1 to i32
      %cond3A = arith.constant 0 : i32
      %cond3A_101 = arith.cmpi ne, %convert_element_type3A, %cond3A : i32
      scf.if %cond3A_101 {
        %dma_wait3A_126 = arith.constant 0 : i32
        %dma_wait3A_127 = arith.constant 0 : i32
        %dma_wait3A_128 = tpu.memref_slice %arg7[%dma_wait3A_126, %dma_wait3A_127] : memref<40x125xi32, #tpu.memory_space<vmem>> -> memref<1x125xi32, #tpu.memory_space<vmem>>
        %dma_wait3A_129 = tpu.memref_squeeze %dma_wait3A_128 : memref<1x125xi32, #tpu.memory_space<vmem>> -> memref<125xi32, #tpu.memory_space<vmem>>
        %dma_wait3A_130 = arith.constant 0 : i32
        %dma_wait3A_131 = arith.constant 0 : i32
        %dma_wait3A_132 = tpu.memref_slice %arg10[%dma_wait3A_130, %dma_wait3A_131] : memref<10240x128xf32, #tpu.memory_space<vmem_shared>> -> memref<10240x128xf32, #tpu.memory_space<vmem_shared>>
        tpu.wait_indirect_dma semaphore(%arg13 : memref<!tpu.dma_semaphore, #tpu.memory_space<semaphore_mem>>) src(%arg8 : memref<125x128xf32, #tpu.memory_space<vmem>>) dst(%dma_wait3A_132 : memref<10240x128xf32, #tpu.memory_space<vmem_shared>>)
        %add3A_133 = arith.constant 2 : i32
        %add3A_134 = arith.addi %add3A_84, %add3A_133 : i32
        %dma_start3A_135 = arith.constant 0 : i32
        %dma_start3A_136 = tpu.memref_slice %arg6[%add3A_134, %dma_start3A_135] : memref<40x125xi32, #tpu.memory_space<vmem>> -> memref<1x125xi32, #tpu.memory_space<vmem>>
        %dma_start3A_137 = tpu.memref_squeeze %dma_start3A_136 : memref<1x125xi32, #tpu.memory_space<vmem>> -> memref<125xi32, #tpu.memory_space<vmem>>
        %dma_start3A_138 = arith.constant 0 : i32
        %dma_start3A_139 = arith.constant 0 : i32
        %dma_start3A_140 = tpu.memref_slice %arg2[%dma_start3A_138, %dma_start3A_139] : memref<10000x128xf32, #tpu.memory_space<hbm>> -> memref<10000x128xf32, #tpu.memory_space<hbm>>
        tpu.enqueue_indirect_dma source(%dma_start3A_140 : memref<10000x128xf32, #tpu.memory_space<hbm>>) target(%arg8 : memref<125x128xf32, #tpu.memory_space<vmem>>) offsets(%dma_start3A_137 : memref<125xi32, #tpu.memory_space<vmem>>) semaphore(%arg11 : memref<!tpu.dma_semaphore, #tpu.memory_space<semaphore_mem>>)
      } else {
      }
      %mul3A_102 = arith.constant 2 : i32
      %mul3A_103 = arith.muli %mul3A_102, %scan3A_80 : i32
      %add3A_104 = arith.constant 1 : i32
      %add3A_105 = arith.addi %mul3A_103, %add3A_104 : i32
      %dma_wait3A_106 = arith.constant 0 : i32
      %dma_wait3A_107 = arith.constant 0 : i32
      %dma_wait3A_108 = tpu.memref_slice %arg6[%dma_wait3A_106, %dma_wait3A_107] : memref<40x125xi32, #tpu.memory_space<vmem>> -> memref<1x125xi32, #tpu.memory_space<vmem>>
      %dma_wait3A_109 = tpu.memref_squeeze %dma_wait3A_108 : memref<1x125xi32, #tpu.memory_space<vmem>> -> memref<125xi32, #tpu.memory_space<vmem>>
      %dma_wait3A_110 = arith.constant 0 : i32
      %dma_wait3A_111 = arith.constant 0 : i32
      %dma_wait3A_112 = tpu.memref_slice %arg2[%dma_wait3A_110, %dma_wait3A_111] : memref<10000x128xf32, #tpu.memory_space<hbm>> -> memref<10000x128xf32, #tpu.memory_space<hbm>>
      tpu.wait_indirect_dma semaphore(%arg12 : memref<!tpu.dma_semaphore, #tpu.memory_space<semaphore_mem>>) src(%dma_wait3A_112 : memref<10000x128xf32, #tpu.memory_space<hbm>>) dst(%arg9 : memref<125x128xf32, #tpu.memory_space<vmem>>)
      %dma_start3A_113 = arith.constant 0 : i32
      %dma_start3A_114 = tpu.memref_slice %arg7[%add3A_105, %dma_start3A_113] : memref<40x125xi32, #tpu.memory_space<vmem>> -> memref<1x125xi32, #tpu.memory_space<vmem>>
      %dma_start3A_115 = tpu.memref_squeeze %dma_start3A_114 : memref<1x125xi32, #tpu.memory_space<vmem>> -> memref<125xi32, #tpu.memory_space<vmem>>
      %dma_start3A_116 = arith.constant 0 : i32
      %dma_start3A_117 = arith.constant 0 : i32
      %dma_start3A_118 = tpu.memref_slice %arg10[%dma_start3A_116, %dma_start3A_117] : memref<10240x128xf32, #tpu.memory_space<vmem_shared>> -> memref<10240x128xf32, #tpu.memory_space<vmem_shared>>
      tpu.enqueue_indirect_dma source(%arg9 : memref<125x128xf32, #tpu.memory_space<vmem>>) target(%dma_start3A_118 : memref<10240x128xf32, #tpu.memory_space<vmem_shared>>) offsets(%dma_start3A_115 : memref<125xi32, #tpu.memory_space<vmem>>) semaphore(%arg14 : memref<!tpu.dma_semaphore, #tpu.memory_space<semaphore_mem>>) {add = true}
      %add3A_119 = arith.constant 2 : i32
      %add3A_120 = arith.addi %add3A_105, %add3A_119 : i32
      %lt3A_121 = arith.constant 40 : i32
      %lt3A_122 = arith.cmpi slt, %add3A_120, %lt3A_121 : i32
      %convert_element_type3A_123 = arith.extui %lt3A_122 : i1 to i32
      %cond3A_124 = arith.constant 0 : i32
      %cond3A_125 = arith.cmpi ne, %convert_element_type3A_123, %cond3A_124 : i32
      scf.if %cond3A_125 {
        %dma_wait3A_126 = arith.constant 0 : i32
        %dma_wait3A_127 = arith.constant 0 : i32
        %dma_wait3A_128 = tpu.memref_slice %arg7[%dma_wait3A_126, %dma_wait3A_127] : memref<40x125xi32, #tpu.memory_space<vmem>> -> memref<1x125xi32, #tpu.memory_space<vmem>>
        %dma_wait3A_129 = tpu.memref_squeeze %dma_wait3A_128 : memref<1x125xi32, #tpu.memory_space<vmem>> -> memref<125xi32, #tpu.memory_space<vmem>>
        %dma_wait3A_130 = arith.constant 0 : i32
        %dma_wait3A_131 = arith.constant 0 : i32
        %dma_wait3A_132 = tpu.memref_slice %arg10[%dma_wait3A_130, %dma_wait3A_131] : memref<10240x128xf32, #tpu.memory_space<vmem_shared>> -> memref<10240x128xf32, #tpu.memory_space<vmem_shared>>
        tpu.wait_indirect_dma semaphore(%arg14 : memref<!tpu.dma_semaphore, #tpu.memory_space<semaphore_mem>>) src(%arg9 : memref<125x128xf32, #tpu.memory_space<vmem>>) dst(%dma_wait3A_132 : memref<10240x128xf32, #tpu.memory_space<vmem_shared>>)
        %add3A_133 = arith.constant 2 : i32
        %add3A_134 = arith.addi %add3A_105, %add3A_133 : i32
        %dma_start3A_135 = arith.constant 0 : i32
        %dma_start3A_136 = tpu.memref_slice %arg6[%add3A_134, %dma_start3A_135] : memref<40x125xi32, #tpu.memory_space<vmem>> -> memref<1x125xi32, #tpu.memory_space<vmem>>
        %dma_start3A_137 = tpu.memref_squeeze %dma_start3A_136 : memref<1x125xi32, #tpu.memory_space<vmem>> -> memref<125xi32, #tpu.memory_space<vmem>>
        %dma_start3A_138 = arith.constant 0 : i32
        %dma_start3A_139 = arith.constant 0 : i32
        %dma_start3A_140 = tpu.memref_slice %arg2[%dma_start3A_138, %dma_start3A_139] : memref<10000x128xf32, #tpu.memory_space<hbm>> -> memref<10000x128xf32, #tpu.memory_space<hbm>>
        tpu.enqueue_indirect_dma source(%dma_start3A_140 : memref<10000x128xf32, #tpu.memory_space<hbm>>) target(%arg9 : memref<125x128xf32, #tpu.memory_space<vmem>>) offsets(%dma_start3A_137 : memref<125xi32, #tpu.memory_space<vmem>>) semaphore(%arg12 : memref<!tpu.dma_semaphore, #tpu.memory_space<semaphore_mem>>)
      } else {
      }
    }
    %scan3A_60 = arith.constant 20 : i32
    %dma_wait3A_61 = arith.constant 0 : i32
    %dma_wait3A_62 = arith.constant 0 : i32
    %dma_wait3A_63 = tpu.memref_slice %arg7[%dma_wait3A_61, %dma_wait3A_62] : memref<40x125xi32, #tpu.memory_space<vmem>> -> memref<1x125xi32, #tpu.memory_space<vmem>>
    %dma_wait3A_64 = tpu.memref_squeeze %dma_wait3A_63 : memref<1x125xi32, #tpu.memory_space<vmem>> -> memref<125xi32, #tpu.memory_space<vmem>>
    %dma_wait3A_65 = arith.constant 0 : i32
    %dma_wait3A_66 = arith.constant 0 : i32
    %dma_wait3A_67 = tpu.memref_slice %arg10[%dma_wait3A_65, %dma_wait3A_66] : memref<10240x128xf32, #tpu.memory_space<vmem_shared>> -> memref<10240x128xf32, #tpu.memory_space<vmem_shared>>
    tpu.wait_indirect_dma semaphore(%arg13 : memref<!tpu.dma_semaphore, #tpu.memory_space<semaphore_mem>>) src(%arg8 : memref<125x128xf32, #tpu.memory_space<vmem>>) dst(%dma_wait3A_67 : memref<10240x128xf32, #tpu.memory_space<vmem_shared>>)
    %dma_wait3A_68 = arith.constant 0 : i32
    %dma_wait3A_69 = arith.constant 0 : i32
    %dma_wait3A_70 = tpu.memref_slice %arg7[%dma_wait3A_68, %dma_wait3A_69] : memref<40x125xi32, #tpu.memory_space<vmem>> -> memref<1x125xi32, #tpu.memory_space<vmem>>
    %dma_wait3A_71 = tpu.memref_squeeze %dma_wait3A_70 : memref<1x125xi32, #tpu.memory_space<vmem>> -> memref<125xi32, #tpu.memory_space<vmem>>
    %dma_wait3A_72 = arith.constant 0 : i32
    %dma_wait3A_73 = arith.constant 0 : i32
    %dma_wait3A_74 = tpu.memref_slice %arg10[%dma_wait3A_72, %dma_wait3A_73] : memref<10240x128xf32, #tpu.memory_space<vmem_shared>> -> memref<10240x128xf32, #tpu.memory_space<vmem_shared>>
    tpu.wait_indirect_dma semaphore(%arg14 : memref<!tpu.dma_semaphore, #tpu.memory_space<semaphore_mem>>) src(%arg9 : memref<125x128xf32, #tpu.memory_space<vmem>>) dst(%dma_wait3A_74 : memref<10240x128xf32, #tpu.memory_space<vmem_shared>>)
    %barrier3A_75 = arith.constant 0 : index
    tpu.barrier barrier_id(%barrier3A_75)
    %mul3A_76 = arith.constant 640 : i32
    %mul3A_77 = arith.muli %arg1, %mul3A_76 : i32
    %mul3A_78 = arith.constant 640 : i32
    %mul3A_79 = arith.muli %arg1, %mul3A_78 : i32
    "tpu.region"() ({
      %run_scoped3A_80 = tpu.sem_alloc : memref<!tpu.dma_semaphore, #tpu.memory_space<semaphore_mem>>
      %dma_start3A_81 = arith.constant 0 : i32
      %dma_start3A_82 = tpu.memref_slice %arg5[%arg0, %mul3A_79, %dma_start3A_81] : memref<2x10240x128xf32, #tpu.memory_space<hbm>> -> memref<1x640x128xf32, #tpu.memory_space<hbm>>
      %dma_start3A_83 = tpu.memref_squeeze %dma_start3A_82 : memref<1x640x128xf32, #tpu.memory_space<hbm>> -> memref<640x128xf32, #tpu.memory_space<hbm>>
      %dma_start3A_84 = arith.constant 0 : i32
      %dma_start3A_85 = tpu.memref_slice %arg10[%mul3A_77, %dma_start3A_84] : memref<10240x128xf32, #tpu.memory_space<vmem_shared>> -> memref<640x128xf32, #tpu.memory_space<vmem_shared>>
      tpu.enqueue_dma source(%dma_start3A_85 : memref<640x128xf32, #tpu.memory_space<vmem_shared>>) target(%dma_start3A_83 : memref<640x128xf32, #tpu.memory_space<hbm>>) target_semaphore(%run_scoped3A_80 : memref<!tpu.dma_semaphore, #tpu.memory_space<semaphore_mem>>)
      %dma_wait3A_86 = arith.constant 0 : i32
      %dma_wait3A_87 = tpu.memref_slice %arg5[%arg0, %mul3A_79, %dma_wait3A_86] : memref<2x10240x128xf32, #tpu.memory_space<hbm>> -> memref<1x640x128xf32, #tpu.memory_space<hbm>>
      %dma_wait3A_88 = tpu.memref_squeeze %dma_wait3A_87 : memref<1x640x128xf32, #tpu.memory_space<hbm>> -> memref<640x128xf32, #tpu.memory_space<hbm>>
      %dma_wait3A_89 = arith.constant 0 : i32
      %dma_wait3A_90 = tpu.memref_slice %arg10[%mul3A_77, %dma_wait3A_89] : memref<10240x128xf32, #tpu.memory_space<vmem_shared>> -> memref<640x128xf32, #tpu.memory_space<vmem_shared>>
      tpu.wait_dma2 semaphore(%run_scoped3A_80 : memref<!tpu.dma_semaphore, #tpu.memory_space<semaphore_mem>>) src(%dma_wait3A_90 : memref<640x128xf32, #tpu.memory_space<vmem_shared>>) dst(%dma_wait3A_88 : memref<640x128xf32, #tpu.memory_space<hbm>>)
      tpu.yield
    }) : () -> ()
    return
  }
}

#map = affine_map<(d0, d1) -> (0, 0)>
#map1 = affine_map<(d0, d1) -> (0, 0, 0, 0, 0)>
#map2 = affine_map<(d0, d1) -> (0, 0, 0)>
module attributes {stable_mosaic.version = 14 : i64} {
  func.func @_spmm1(%arg0: i32, %arg1: i32, %arg2: memref<10000x128xf32, #tpu.memory_space<hbm>>, %arg3: memref<2x32x2x40x125xi32, #tpu.memory_space<hbm>>, %arg4: memref<640x128xf32, #tpu.memory_space<hbm>>, %arg5: memref<2x10240x128xf32, #tpu.memory_space<hbm>>, %arg6: memref<40x125xi32, #tpu.memory_space<vmem>>, %arg7: memref<40x125xi32, #tpu.memory_space<vmem>>, %arg8: memref<125x128xf32, #tpu.memory_space<vmem>>, %arg9: memref<125x128xf32, #tpu.memory_space<vmem>>, %arg10: memref<10240x128xf32, #tpu.memory_space<vmem_shared>>, %arg11: memref<!tpu.dma_semaphore, #tpu.memory_space<semaphore_mem>>, %arg12: memref<!tpu.dma_semaphore, #tpu.memory_space<semaphore_mem>>, %arg13: memref<!tpu.dma_semaphore, #tpu.memory_space<semaphore_mem>>, %arg14: memref<!tpu.dma_semaphore, #tpu.memory_space<semaphore_mem>>) attributes {dimension_semantics = [#tpu.dimension_semantics<core_parallel>, #tpu.dimension_semantics<subcore_parallel>], iteration_bounds = array<i64: 2, 16>, scalar_prefetch = 0 : i64, scratch_operands = 9 : i64, tpu.core_type = #tpu.core_type<sc_vector_subcore>, window_params = [{transform_indices = #map}, {transform_indices = #map1}, {transform_indices = #map}, {transform_indices = #map2}]} {
    %mul3A = arith.constant 16 : i32
    %mul3A_0 = arith.muli %arg0, %mul3A : i32
    %add3A = arith.addi %mul3A_0, %arg1 : i32
    %run_scoped3A = arith.constant 1 : i32
    %run_scoped3A_1 = arith.constant 0 : i32
    "tpu.region"() ({
      %run_scoped3A_80 = tpu.sem_alloc : memref<!tpu.dma_semaphore, #tpu.memory_space<semaphore_mem>>
      %dma_start3A_81 = arith.constant 0 : i32
      %dma_start3A_82 = arith.constant 0 : i32
      %dma_start3A_83 = tpu.memref_slice %arg3[%run_scoped3A, %add3A, %run_scoped3A_1, %dma_start3A_81, %dma_start3A_82] : memref<2x32x2x40x125xi32, #tpu.memory_space<hbm>> -> memref<1x1x1x40x125xi32, #tpu.memory_space<hbm>>
      %dma_start3A_84 = tpu.memref_squeeze %dma_start3A_83 : memref<1x1x1x40x125xi32, #tpu.memory_space<hbm>> -> memref<40x125xi32, #tpu.memory_space<hbm>>
      %dma_start3A_85 = arith.constant 0 : i32
      %dma_start3A_86 = arith.constant 0 : i32
      %dma_start3A_87 = tpu.memref_slice %arg3[%run_scoped3A, %add3A, %run_scoped3A_1, %dma_start3A_85, %dma_start3A_86] : memref<2x32x2x40x125xi32, #tpu.memory_space<hbm>> -> memref<1x1x1x40x125xi32, #tpu.memory_space<hbm>>
      %dma_start3A_88 = tpu.memref_squeeze %dma_start3A_87 : memref<1x1x1x40x125xi32, #tpu.memory_space<hbm>> -> memref<40x125xi32, #tpu.memory_space<hbm>>
      tpu.enqueue_dma source(%dma_start3A_88 : memref<40x125xi32, #tpu.memory_space<hbm>>) target(%arg6 : memref<40x125xi32, #tpu.memory_space<vmem>>) target_semaphore(%run_scoped3A_80 : memref<!tpu.dma_semaphore, #tpu.memory_space<semaphore_mem>>)
      %dma_wait3A_89 = arith.constant 0 : i32
      %dma_wait3A_90 = arith.constant 0 : i32
      %dma_wait3A_91 = tpu.memref_slice %arg3[%run_scoped3A, %add3A, %run_scoped3A_1, %dma_wait3A_89, %dma_wait3A_90] : memref<2x32x2x40x125xi32, #tpu.memory_space<hbm>> -> memref<1x1x1x40x125xi32, #tpu.memory_space<hbm>>
      %dma_wait3A_92 = tpu.memref_squeeze %dma_wait3A_91 : memref<1x1x1x40x125xi32, #tpu.memory_space<hbm>> -> memref<40x125xi32, #tpu.memory_space<hbm>>
      %dma_wait3A_93 = arith.constant 0 : i32
      %dma_wait3A_94 = arith.constant 0 : i32
      %dma_wait3A_95 = tpu.memref_slice %arg3[%run_scoped3A, %add3A, %run_scoped3A_1, %dma_wait3A_93, %dma_wait3A_94] : memref<2x32x2x40x125xi32, #tpu.memory_space<hbm>> -> memref<1x1x1x40x125xi32, #tpu.memory_space<hbm>>
      %dma_wait3A_96 = tpu.memref_squeeze %dma_wait3A_95 : memref<1x1x1x40x125xi32, #tpu.memory_space<hbm>> -> memref<40x125xi32, #tpu.memory_space<hbm>>
      tpu.wait_dma2 semaphore(%run_scoped3A_80 : memref<!tpu.dma_semaphore, #tpu.memory_space<semaphore_mem>>) src(%dma_wait3A_96 : memref<40x125xi32, #tpu.memory_space<hbm>>) dst(%arg6 : memref<40x125xi32, #tpu.memory_space<vmem>>)
      tpu.yield
    }) : () -> ()
    %run_scoped3A_2 = arith.constant 0 : i32
    %run_scoped3A_3 = arith.constant 0 : i32
    "tpu.region"() ({
      %run_scoped3A_80 = tpu.sem_alloc : memref<!tpu.dma_semaphore, #tpu.memory_space<semaphore_mem>>
      %dma_start3A_81 = arith.constant 0 : i32
      %dma_start3A_82 = arith.constant 0 : i32
      %dma_start3A_83 = tpu.memref_slice %arg3[%run_scoped3A_2, %add3A, %run_scoped3A_3, %dma_start3A_81, %dma_start3A_82] : memref<2x32x2x40x125xi32, #tpu.memory_space<hbm>> -> memref<1x1x1x40x125xi32, #tpu.memory_space<hbm>>
      %dma_start3A_84 = tpu.memref_squeeze %dma_start3A_83 : memref<1x1x1x40x125xi32, #tpu.memory_space<hbm>> -> memref<40x125xi32, #tpu.memory_space<hbm>>
      %dma_start3A_85 = arith.constant 0 : i32
      %dma_start3A_86 = arith.constant 0 : i32
      %dma_start3A_87 = tpu.memref_slice %arg3[%run_scoped3A_2, %add3A, %run_scoped3A_3, %dma_start3A_85, %dma_start3A_86] : memref<2x32x2x40x125xi32, #tpu.memory_space<hbm>> -> memref<1x1x1x40x125xi32, #tpu.memory_space<hbm>>
      %dma_start3A_88 = tpu.memref_squeeze %dma_start3A_87 : memref<1x1x1x40x125xi32, #tpu.memory_space<hbm>> -> memref<40x125xi32, #tpu.memory_space<hbm>>
      tpu.enqueue_dma source(%dma_start3A_88 : memref<40x125xi32, #tpu.memory_space<hbm>>) target(%arg7 : memref<40x125xi32, #tpu.memory_space<vmem>>) target_semaphore(%run_scoped3A_80 : memref<!tpu.dma_semaphore, #tpu.memory_space<semaphore_mem>>)
      %dma_wait3A_89 = arith.constant 0 : i32
      %dma_wait3A_90 = arith.constant 0 : i32
      %dma_wait3A_91 = tpu.memref_slice %arg3[%run_scoped3A_2, %add3A, %run_scoped3A_3, %dma_wait3A_89, %dma_wait3A_90] : memref<2x32x2x40x125xi32, #tpu.memory_space<hbm>> -> memref<1x1x1x40x125xi32, #tpu.memory_space<hbm>>
      %dma_wait3A_92 = tpu.memref_squeeze %dma_wait3A_91 : memref<1x1x1x40x125xi32, #tpu.memory_space<hbm>> -> memref<40x125xi32, #tpu.memory_space<hbm>>
      %dma_wait3A_93 = arith.constant 0 : i32
      %dma_wait3A_94 = arith.constant 0 : i32
      %dma_wait3A_95 = tpu.memref_slice %arg3[%run_scoped3A_2, %add3A, %run_scoped3A_3, %dma_wait3A_93, %dma_wait3A_94] : memref<2x32x2x40x125xi32, #tpu.memory_space<hbm>> -> memref<1x1x1x40x125xi32, #tpu.memory_space<hbm>>
      %dma_wait3A_96 = tpu.memref_squeeze %dma_wait3A_95 : memref<1x1x1x40x125xi32, #tpu.memory_space<hbm>> -> memref<40x125xi32, #tpu.memory_space<hbm>>
      tpu.wait_dma2 semaphore(%run_scoped3A_80 : memref<!tpu.dma_semaphore, #tpu.memory_space<semaphore_mem>>) src(%dma_wait3A_96 : memref<40x125xi32, #tpu.memory_space<hbm>>) dst(%arg7 : memref<40x125xi32, #tpu.memory_space<vmem>>)
      tpu.yield
    }) : () -> ()
    %dma_start3A = arith.constant 0 : i32
    %dma_start3A_4 = arith.constant 0 : i32
    %dma_start3A_5 = tpu.memref_slice %arg6[%dma_start3A, %dma_start3A_4] : memref<40x125xi32, #tpu.memory_space<vmem>> -> memref<1x125xi32, #tpu.memory_space<vmem>>
    %dma_start3A_6 = tpu.memref_squeeze %dma_start3A_5 : memref<1x125xi32, #tpu.memory_space<vmem>> -> memref<125xi32, #tpu.memory_space<vmem>>
    %dma_start3A_7 = arith.constant 0 : i32
    %dma_start3A_8 = arith.constant 0 : i32
    %dma_start3A_9 = tpu.memref_slice %arg2[%dma_start3A_7, %dma_start3A_8] : memref<10000x128xf32, #tpu.memory_space<hbm>> -> memref<10000x128xf32, #tpu.memory_space<hbm>>
    tpu.enqueue_indirect_dma source(%dma_start3A_9 : memref<10000x128xf32, #tpu.memory_space<hbm>>) target(%arg8 : memref<125x128xf32, #tpu.memory_space<vmem>>) offsets(%dma_start3A_6 : memref<125xi32, #tpu.memory_space<vmem>>) semaphore(%arg11 : memref<!tpu.dma_semaphore, #tpu.memory_space<semaphore_mem>>)
    %dma_start3A_10 = arith.constant 1 : i32
    %dma_start3A_11 = arith.constant 0 : i32
    %dma_start3A_12 = tpu.memref_slice %arg6[%dma_start3A_10, %dma_start3A_11] : memref<40x125xi32, #tpu.memory_space<vmem>> -> memref<1x125xi32, #tpu.memory_space<vmem>>
    %dma_start3A_13 = tpu.memref_squeeze %dma_start3A_12 : memref<1x125xi32, #tpu.memory_space<vmem>> -> memref<125xi32, #tpu.memory_space<vmem>>
    %dma_start3A_14 = arith.constant 0 : i32
    %dma_start3A_15 = arith.constant 0 : i32
    %dma_start3A_16 = tpu.memref_slice %arg2[%dma_start3A_14, %dma_start3A_15] : memref<10000x128xf32, #tpu.memory_space<hbm>> -> memref<10000x128xf32, #tpu.memory_space<hbm>>
    tpu.enqueue_indirect_dma source(%dma_start3A_16 : memref<10000x128xf32, #tpu.memory_space<hbm>>) target(%arg9 : memref<125x128xf32, #tpu.memory_space<vmem>>) offsets(%dma_start3A_13 : memref<125xi32, #tpu.memory_space<vmem>>) semaphore(%arg12 : memref<!tpu.dma_semaphore, #tpu.memory_space<semaphore_mem>>)
    %mul3A_17 = arith.constant 640 : i32
    %mul3A_18 = arith.muli %arg1, %mul3A_17 : i32
    "tpu.region"() ({
      %run_scoped3A_80 = tpu.sem_alloc : memref<!tpu.dma_semaphore, #tpu.memory_space<semaphore_mem>>
      %dma_start3A_81 = arith.constant 0 : i32
      %dma_start3A_82 = tpu.memref_slice %arg10[%mul3A_18, %dma_start3A_81] : memref<10240x128xf32, #tpu.memory_space<vmem_shared>> -> memref<640x128xf32, #tpu.memory_space<vmem_shared>>
      tpu.enqueue_dma source(%arg4 : memref<640x128xf32, #tpu.memory_space<hbm>>) target(%dma_start3A_82 : memref<640x128xf32, #tpu.memory_space<vmem_shared>>) target_semaphore(%run_scoped3A_80 : memref<!tpu.dma_semaphore, #tpu.memory_space<semaphore_mem>>)
      %dma_wait3A_83 = arith.constant 0 : i32
      %dma_wait3A_84 = tpu.memref_slice %arg10[%mul3A_18, %dma_wait3A_83] : memref<10240x128xf32, #tpu.memory_space<vmem_shared>> -> memref<640x128xf32, #tpu.memory_space<vmem_shared>>
      tpu.wait_dma2 semaphore(%run_scoped3A_80 : memref<!tpu.dma_semaphore, #tpu.memory_space<semaphore_mem>>) src(%arg4 : memref<640x128xf32, #tpu.memory_space<hbm>>) dst(%dma_wait3A_84 : memref<640x128xf32, #tpu.memory_space<vmem_shared>>)
      tpu.yield
    }) : () -> ()
    %barrier3A = arith.constant 0 : index
    tpu.barrier barrier_id(%barrier3A)
    %scan3A = arith.constant 0 : i32
    %scan3A_19 = arith.constant 0 : i32
    %scan3A_20 = arith.constant 20 : i32
    %scan3A_21 = arith.addi %scan3A_19, %scan3A_20 : i32
    %scan3A_22 = arith.constant 1 : i32
    scf.for %scan3A_80 = %scan3A_19 to %scan3A_21 step %scan3A_22  : i32 {
      %mul3A_81 = arith.constant 2 : i32
      %mul3A_82 = arith.muli %mul3A_81, %scan3A_80 : i32
      %add3A_83 = arith.constant 0 : i32
      %add3A_84 = arith.addi %mul3A_82, %add3A_83 : i32
      %dma_wait3A_85 = arith.constant 0 : i32
      %dma_wait3A_86 = arith.constant 0 : i32
      %dma_wait3A_87 = tpu.memref_slice %arg6[%dma_wait3A_85, %dma_wait3A_86] : memref<40x125xi32, #tpu.memory_space<vmem>> -> memref<1x125xi32, #tpu.memory_space<vmem>>
      %dma_wait3A_88 = tpu.memref_squeeze %dma_wait3A_87 : memref<1x125xi32, #tpu.memory_space<vmem>> -> memref<125xi32, #tpu.memory_space<vmem>>
      %dma_wait3A_89 = arith.constant 0 : i32
      %dma_wait3A_90 = arith.constant 0 : i32
      %dma_wait3A_91 = tpu.memref_slice %arg2[%dma_wait3A_89, %dma_wait3A_90] : memref<10000x128xf32, #tpu.memory_space<hbm>> -> memref<10000x128xf32, #tpu.memory_space<hbm>>
      tpu.wait_indirect_dma semaphore(%arg11 : memref<!tpu.dma_semaphore, #tpu.memory_space<semaphore_mem>>) src(%dma_wait3A_91 : memref<10000x128xf32, #tpu.memory_space<hbm>>) dst(%arg8 : memref<125x128xf32, #tpu.memory_space<vmem>>)
      %dma_start3A_92 = arith.constant 0 : i32
      %dma_start3A_93 = tpu.memref_slice %arg7[%add3A_84, %dma_start3A_92] : memref<40x125xi32, #tpu.memory_space<vmem>> -> memref<1x125xi32, #tpu.memory_space<vmem>>
      %dma_start3A_94 = tpu.memref_squeeze %dma_start3A_93 : memref<1x125xi32, #tpu.memory_space<vmem>> -> memref<125xi32, #tpu.memory_space<vmem>>
      %dma_start3A_95 = arith.constant 0 : i32
      %dma_start3A_96 = arith.constant 0 : i32
      %dma_start3A_97 = tpu.memref_slice %arg10[%dma_start3A_95, %dma_start3A_96] : memref<10240x128xf32, #tpu.memory_space<vmem_shared>> -> memref<10240x128xf32, #tpu.memory_space<vmem_shared>>
      tpu.enqueue_indirect_dma source(%arg8 : memref<125x128xf32, #tpu.memory_space<vmem>>) target(%dma_start3A_97 : memref<10240x128xf32, #tpu.memory_space<vmem_shared>>) offsets(%dma_start3A_94 : memref<125xi32, #tpu.memory_space<vmem>>) semaphore(%arg13 : memref<!tpu.dma_semaphore, #tpu.memory_space<semaphore_mem>>) {add = true}
      %add3A_98 = arith.constant 2 : i32
      %add3A_99 = arith.addi %add3A_84, %add3A_98 : i32
      %lt3A = arith.constant 40 : i32
      %lt3A_100 = arith.cmpi slt, %add3A_99, %lt3A : i32
      %convert_element_type3A = arith.extui %lt3A_100 : i1 to i32
      %cond3A = arith.constant 0 : i32
      %cond3A_101 = arith.cmpi ne, %convert_element_type3A, %cond3A : i32
      scf.if %cond3A_101 {
        %dma_wait3A_126 = arith.constant 0 : i32
        %dma_wait3A_127 = arith.constant 0 : i32
        %dma_wait3A_128 = tpu.memref_slice %arg7[%dma_wait3A_126, %dma_wait3A_127] : memref<40x125xi32, #tpu.memory_space<vmem>> -> memref<1x125xi32, #tpu.memory_space<vmem>>
        %dma_wait3A_129 = tpu.memref_squeeze %dma_wait3A_128 : memref<1x125xi32, #tpu.memory_space<vmem>> -> memref<125xi32, #tpu.memory_space<vmem>>
        %dma_wait3A_130 = arith.constant 0 : i32
        %dma_wait3A_131 = arith.constant 0 : i32
        %dma_wait3A_132 = tpu.memref_slice %arg10[%dma_wait3A_130, %dma_wait3A_131] : memref<10240x128xf32, #tpu.memory_space<vmem_shared>> -> memref<10240x128xf32, #tpu.memory_space<vmem_shared>>
        tpu.wait_indirect_dma semaphore(%arg13 : memref<!tpu.dma_semaphore, #tpu.memory_space<semaphore_mem>>) src(%arg8 : memref<125x128xf32, #tpu.memory_space<vmem>>) dst(%dma_wait3A_132 : memref<10240x128xf32, #tpu.memory_space<vmem_shared>>)
        %add3A_133 = arith.constant 2 : i32
        %add3A_134 = arith.addi %add3A_84, %add3A_133 : i32
        %dma_start3A_135 = arith.constant 0 : i32
        %dma_start3A_136 = tpu.memref_slice %arg6[%add3A_134, %dma_start3A_135] : memref<40x125xi32, #tpu.memory_space<vmem>> -> memref<1x125xi32, #tpu.memory_space<vmem>>
        %dma_start3A_137 = tpu.memref_squeeze %dma_start3A_136 : memref<1x125xi32, #tpu.memory_space<vmem>> -> memref<125xi32, #tpu.memory_space<vmem>>
        %dma_start3A_138 = arith.constant 0 : i32
        %dma_start3A_139 = arith.constant 0 : i32
        %dma_start3A_140 = tpu.memref_slice %arg2[%dma_start3A_138, %dma_start3A_139] : memref<10000x128xf32, #tpu.memory_space<hbm>> -> memref<10000x128xf32, #tpu.memory_space<hbm>>
        tpu.enqueue_indirect_dma source(%dma_start3A_140 : memref<10000x128xf32, #tpu.memory_space<hbm>>) target(%arg8 : memref<125x128xf32, #tpu.memory_space<vmem>>) offsets(%dma_start3A_137 : memref<125xi32, #tpu.memory_space<vmem>>) semaphore(%arg11 : memref<!tpu.dma_semaphore, #tpu.memory_space<semaphore_mem>>)
      } else {
      }
      %mul3A_102 = arith.constant 2 : i32
      %mul3A_103 = arith.muli %mul3A_102, %scan3A_80 : i32
      %add3A_104 = arith.constant 1 : i32
      %add3A_105 = arith.addi %mul3A_103, %add3A_104 : i32
      %dma_wait3A_106 = arith.constant 0 : i32
      %dma_wait3A_107 = arith.constant 0 : i32
      %dma_wait3A_108 = tpu.memref_slice %arg6[%dma_wait3A_106, %dma_wait3A_107] : memref<40x125xi32, #tpu.memory_space<vmem>> -> memref<1x125xi32, #tpu.memory_space<vmem>>
      %dma_wait3A_109 = tpu.memref_squeeze %dma_wait3A_108 : memref<1x125xi32, #tpu.memory_space<vmem>> -> memref<125xi32, #tpu.memory_space<vmem>>
      %dma_wait3A_110 = arith.constant 0 : i32
      %dma_wait3A_111 = arith.constant 0 : i32
      %dma_wait3A_112 = tpu.memref_slice %arg2[%dma_wait3A_110, %dma_wait3A_111] : memref<10000x128xf32, #tpu.memory_space<hbm>> -> memref<10000x128xf32, #tpu.memory_space<hbm>>
      tpu.wait_indirect_dma semaphore(%arg12 : memref<!tpu.dma_semaphore, #tpu.memory_space<semaphore_mem>>) src(%dma_wait3A_112 : memref<10000x128xf32, #tpu.memory_space<hbm>>) dst(%arg9 : memref<125x128xf32, #tpu.memory_space<vmem>>)
      %dma_start3A_113 = arith.constant 0 : i32
      %dma_start3A_114 = tpu.memref_slice %arg7[%add3A_105, %dma_start3A_113] : memref<40x125xi32, #tpu.memory_space<vmem>> -> memref<1x125xi32, #tpu.memory_space<vmem>>
      %dma_start3A_115 = tpu.memref_squeeze %dma_start3A_114 : memref<1x125xi32, #tpu.memory_space<vmem>> -> memref<125xi32, #tpu.memory_space<vmem>>
      %dma_start3A_116 = arith.constant 0 : i32
      %dma_start3A_117 = arith.constant 0 : i32
      %dma_start3A_118 = tpu.memref_slice %arg10[%dma_start3A_116, %dma_start3A_117] : memref<10240x128xf32, #tpu.memory_space<vmem_shared>> -> memref<10240x128xf32, #tpu.memory_space<vmem_shared>>
      tpu.enqueue_indirect_dma source(%arg9 : memref<125x128xf32, #tpu.memory_space<vmem>>) target(%dma_start3A_118 : memref<10240x128xf32, #tpu.memory_space<vmem_shared>>) offsets(%dma_start3A_115 : memref<125xi32, #tpu.memory_space<vmem>>) semaphore(%arg14 : memref<!tpu.dma_semaphore, #tpu.memory_space<semaphore_mem>>) {add = true}
      %add3A_119 = arith.constant 2 : i32
      %add3A_120 = arith.addi %add3A_105, %add3A_119 : i32
      %lt3A_121 = arith.constant 40 : i32
      %lt3A_122 = arith.cmpi slt, %add3A_120, %lt3A_121 : i32
      %convert_element_type3A_123 = arith.extui %lt3A_122 : i1 to i32
      %cond3A_124 = arith.constant 0 : i32
      %cond3A_125 = arith.cmpi ne, %convert_element_type3A_123, %cond3A_124 : i32
      scf.if %cond3A_125 {
        %dma_wait3A_126 = arith.constant 0 : i32
        %dma_wait3A_127 = arith.constant 0 : i32
        %dma_wait3A_128 = tpu.memref_slice %arg7[%dma_wait3A_126, %dma_wait3A_127] : memref<40x125xi32, #tpu.memory_space<vmem>> -> memref<1x125xi32, #tpu.memory_space<vmem>>
        %dma_wait3A_129 = tpu.memref_squeeze %dma_wait3A_128 : memref<1x125xi32, #tpu.memory_space<vmem>> -> memref<125xi32, #tpu.memory_space<vmem>>
        %dma_wait3A_130 = arith.constant 0 : i32
        %dma_wait3A_131 = arith.constant 0 : i32
        %dma_wait3A_132 = tpu.memref_slice %arg10[%dma_wait3A_130, %dma_wait3A_131] : memref<10240x128xf32, #tpu.memory_space<vmem_shared>> -> memref<10240x128xf32, #tpu.memory_space<vmem_shared>>
        tpu.wait_indirect_dma semaphore(%arg14 : memref<!tpu.dma_semaphore, #tpu.memory_space<semaphore_mem>>) src(%arg9 : memref<125x128xf32, #tpu.memory_space<vmem>>) dst(%dma_wait3A_132 : memref<10240x128xf32, #tpu.memory_space<vmem_shared>>)
        %add3A_133 = arith.constant 2 : i32
        %add3A_134 = arith.addi %add3A_105, %add3A_133 : i32
        %dma_start3A_135 = arith.constant 0 : i32
        %dma_start3A_136 = tpu.memref_slice %arg6[%add3A_134, %dma_start3A_135] : memref<40x125xi32, #tpu.memory_space<vmem>> -> memref<1x125xi32, #tpu.memory_space<vmem>>
        %dma_start3A_137 = tpu.memref_squeeze %dma_start3A_136 : memref<1x125xi32, #tpu.memory_space<vmem>> -> memref<125xi32, #tpu.memory_space<vmem>>
        %dma_start3A_138 = arith.constant 0 : i32
        %dma_start3A_139 = arith.constant 0 : i32
        %dma_start3A_140 = tpu.memref_slice %arg2[%dma_start3A_138, %dma_start3A_139] : memref<10000x128xf32, #tpu.memory_space<hbm>> -> memref<10000x128xf32, #tpu.memory_space<hbm>>
        tpu.enqueue_indirect_dma source(%dma_start3A_140 : memref<10000x128xf32, #tpu.memory_space<hbm>>) target(%arg9 : memref<125x128xf32, #tpu.memory_space<vmem>>) offsets(%dma_start3A_137 : memref<125xi32, #tpu.memory_space<vmem>>) semaphore(%arg12 : memref<!tpu.dma_semaphore, #tpu.memory_space<semaphore_mem>>)
      } else {
      }
    }
    %scan3A_23 = arith.constant 20 : i32
    %dma_wait3A = arith.constant 0 : i32
    %dma_wait3A_24 = arith.constant 0 : i32
    %dma_wait3A_25 = tpu.memref_slice %arg7[%dma_wait3A, %dma_wait3A_24] : memref<40x125xi32, #tpu.memory_space<vmem>> -> memref<1x125xi32, #tpu.memory_space<vmem>>
    %dma_wait3A_26 = tpu.memref_squeeze %dma_wait3A_25 : memref<1x125xi32, #tpu.memory_space<vmem>> -> memref<125xi32, #tpu.memory_space<vmem>>
    %dma_wait3A_27 = arith.constant 0 : i32
    %dma_wait3A_28 = arith.constant 0 : i32
    %dma_wait3A_29 = tpu.memref_slice %arg10[%dma_wait3A_27, %dma_wait3A_28] : memref<10240x128xf32, #tpu.memory_space<vmem_shared>> -> memref<10240x128xf32, #tpu.memory_space<vmem_shared>>
    tpu.wait_indirect_dma semaphore(%arg13 : memref<!tpu.dma_semaphore, #tpu.memory_space<semaphore_mem>>) src(%arg8 : memref<125x128xf32, #tpu.memory_space<vmem>>) dst(%dma_wait3A_29 : memref<10240x128xf32, #tpu.memory_space<vmem_shared>>)
    %dma_wait3A_30 = arith.constant 0 : i32
    %dma_wait3A_31 = arith.constant 0 : i32
    %dma_wait3A_32 = tpu.memref_slice %arg7[%dma_wait3A_30, %dma_wait3A_31] : memref<40x125xi32, #tpu.memory_space<vmem>> -> memref<1x125xi32, #tpu.memory_space<vmem>>
    %dma_wait3A_33 = tpu.memref_squeeze %dma_wait3A_32 : memref<1x125xi32, #tpu.memory_space<vmem>> -> memref<125xi32, #tpu.memory_space<vmem>>
    %dma_wait3A_34 = arith.constant 0 : i32
    %dma_wait3A_35 = arith.constant 0 : i32
    %dma_wait3A_36 = tpu.memref_slice %arg10[%dma_wait3A_34, %dma_wait3A_35] : memref<10240x128xf32, #tpu.memory_space<vmem_shared>> -> memref<10240x128xf32, #tpu.memory_space<vmem_shared>>
    tpu.wait_indirect_dma semaphore(%arg14 : memref<!tpu.dma_semaphore, #tpu.memory_space<semaphore_mem>>) src(%arg9 : memref<125x128xf32, #tpu.memory_space<vmem>>) dst(%dma_wait3A_36 : memref<10240x128xf32, #tpu.memory_space<vmem_shared>>)
    %run_scoped3A_37 = arith.constant 1 : i32
    %run_scoped3A_38 = arith.constant 1 : i32
    "tpu.region"() ({
      %run_scoped3A_80 = tpu.sem_alloc : memref<!tpu.dma_semaphore, #tpu.memory_space<semaphore_mem>>
      %dma_start3A_81 = arith.constant 0 : i32
      %dma_start3A_82 = arith.constant 0 : i32
      %dma_start3A_83 = tpu.memref_slice %arg3[%run_scoped3A_37, %add3A, %run_scoped3A_38, %dma_start3A_81, %dma_start3A_82] : memref<2x32x2x40x125xi32, #tpu.memory_space<hbm>> -> memref<1x1x1x40x125xi32, #tpu.memory_space<hbm>>
      %dma_start3A_84 = tpu.memref_squeeze %dma_start3A_83 : memref<1x1x1x40x125xi32, #tpu.memory_space<hbm>> -> memref<40x125xi32, #tpu.memory_space<hbm>>
      %dma_start3A_85 = arith.constant 0 : i32
      %dma_start3A_86 = arith.constant 0 : i32
      %dma_start3A_87 = tpu.memref_slice %arg3[%run_scoped3A_37, %add3A, %run_scoped3A_38, %dma_start3A_85, %dma_start3A_86] : memref<2x32x2x40x125xi32, #tpu.memory_space<hbm>> -> memref<1x1x1x40x125xi32, #tpu.memory_space<hbm>>
      %dma_start3A_88 = tpu.memref_squeeze %dma_start3A_87 : memref<1x1x1x40x125xi32, #tpu.memory_space<hbm>> -> memref<40x125xi32, #tpu.memory_space<hbm>>
      tpu.enqueue_dma source(%dma_start3A_88 : memref<40x125xi32, #tpu.memory_space<hbm>>) target(%arg6 : memref<40x125xi32, #tpu.memory_space<vmem>>) target_semaphore(%run_scoped3A_80 : memref<!tpu.dma_semaphore, #tpu.memory_space<semaphore_mem>>)
      %dma_wait3A_89 = arith.constant 0 : i32
      %dma_wait3A_90 = arith.constant 0 : i32
      %dma_wait3A_91 = tpu.memref_slice %arg3[%run_scoped3A_37, %add3A, %run_scoped3A_38, %dma_wait3A_89, %dma_wait3A_90] : memref<2x32x2x40x125xi32, #tpu.memory_space<hbm>> -> memref<1x1x1x40x125xi32, #tpu.memory_space<hbm>>
      %dma_wait3A_92 = tpu.memref_squeeze %dma_wait3A_91 : memref<1x1x1x40x125xi32, #tpu.memory_space<hbm>> -> memref<40x125xi32, #tpu.memory_space<hbm>>
      %dma_wait3A_93 = arith.constant 0 : i32
      %dma_wait3A_94 = arith.constant 0 : i32
      %dma_wait3A_95 = tpu.memref_slice %arg3[%run_scoped3A_37, %add3A, %run_scoped3A_38, %dma_wait3A_93, %dma_wait3A_94] : memref<2x32x2x40x125xi32, #tpu.memory_space<hbm>> -> memref<1x1x1x40x125xi32, #tpu.memory_space<hbm>>
      %dma_wait3A_96 = tpu.memref_squeeze %dma_wait3A_95 : memref<1x1x1x40x125xi32, #tpu.memory_space<hbm>> -> memref<40x125xi32, #tpu.memory_space<hbm>>
      tpu.wait_dma2 semaphore(%run_scoped3A_80 : memref<!tpu.dma_semaphore, #tpu.memory_space<semaphore_mem>>) src(%dma_wait3A_96 : memref<40x125xi32, #tpu.memory_space<hbm>>) dst(%arg6 : memref<40x125xi32, #tpu.memory_space<vmem>>)
      tpu.yield
    }) : () -> ()
    %run_scoped3A_39 = arith.constant 0 : i32
    %run_scoped3A_40 = arith.constant 1 : i32
    "tpu.region"() ({
      %run_scoped3A_80 = tpu.sem_alloc : memref<!tpu.dma_semaphore, #tpu.memory_space<semaphore_mem>>
      %dma_start3A_81 = arith.constant 0 : i32
      %dma_start3A_82 = arith.constant 0 : i32
      %dma_start3A_83 = tpu.memref_slice %arg3[%run_scoped3A_39, %add3A, %run_scoped3A_40, %dma_start3A_81, %dma_start3A_82] : memref<2x32x2x40x125xi32, #tpu.memory_space<hbm>> -> memref<1x1x1x40x125xi32, #tpu.memory_space<hbm>>
      %dma_start3A_84 = tpu.memref_squeeze %dma_start3A_83 : memref<1x1x1x40x125xi32, #tpu.memory_space<hbm>> -> memref<40x125xi32, #tpu.memory_space<hbm>>
      %dma_start3A_85 = arith.constant 0 : i32
      %dma_start3A_86 = arith.constant 0 : i32
      %dma_start3A_87 = tpu.memref_slice %arg3[%run_scoped3A_39, %add3A, %run_scoped3A_40, %dma_start3A_85, %dma_start3A_86] : memref<2x32x2x40x125xi32, #tpu.memory_space<hbm>> -> memref<1x1x1x40x125xi32, #tpu.memory_space<hbm>>
      %dma_start3A_88 = tpu.memref_squeeze %dma_start3A_87 : memref<1x1x1x40x125xi32, #tpu.memory_space<hbm>> -> memref<40x125xi32, #tpu.memory_space<hbm>>
      tpu.enqueue_dma source(%dma_start3A_88 : memref<40x125xi32, #tpu.memory_space<hbm>>) target(%arg7 : memref<40x125xi32, #tpu.memory_space<vmem>>) target_semaphore(%run_scoped3A_80 : memref<!tpu.dma_semaphore, #tpu.memory_space<semaphore_mem>>)
      %dma_wait3A_89 = arith.constant 0 : i32
      %dma_wait3A_90 = arith.constant 0 : i32
      %dma_wait3A_91 = tpu.memref_slice %arg3[%run_scoped3A_39, %add3A, %run_scoped3A_40, %dma_wait3A_89, %dma_wait3A_90] : memref<2x32x2x40x125xi32, #tpu.memory_space<hbm>> -> memref<1x1x1x40x125xi32, #tpu.memory_space<hbm>>
      %dma_wait3A_92 = tpu.memref_squeeze %dma_wait3A_91 : memref<1x1x1x40x125xi32, #tpu.memory_space<hbm>> -> memref<40x125xi32, #tpu.memory_space<hbm>>
      %dma_wait3A_93 = arith.constant 0 : i32
      %dma_wait3A_94 = arith.constant 0 : i32
      %dma_wait3A_95 = tpu.memref_slice %arg3[%run_scoped3A_39, %add3A, %run_scoped3A_40, %dma_wait3A_93, %dma_wait3A_94] : memref<2x32x2x40x125xi32, #tpu.memory_space<hbm>> -> memref<1x1x1x40x125xi32, #tpu.memory_space<hbm>>
      %dma_wait3A_96 = tpu.memref_squeeze %dma_wait3A_95 : memref<1x1x1x40x125xi32, #tpu.memory_space<hbm>> -> memref<40x125xi32, #tpu.memory_space<hbm>>
      tpu.wait_dma2 semaphore(%run_scoped3A_80 : memref<!tpu.dma_semaphore, #tpu.memory_space<semaphore_mem>>) src(%dma_wait3A_96 : memref<40x125xi32, #tpu.memory_space<hbm>>) dst(%arg7 : memref<40x125xi32, #tpu.memory_space<vmem>>)
      tpu.yield
    }) : () -> ()
    %dma_start3A_41 = arith.constant 0 : i32
    %dma_start3A_42 = arith.constant 0 : i32
    %dma_start3A_43 = tpu.memref_slice %arg6[%dma_start3A_41, %dma_start3A_42] : memref<40x125xi32, #tpu.memory_space<vmem>> -> memref<1x125xi32, #tpu.memory_space<vmem>>
    %dma_start3A_44 = tpu.memref_squeeze %dma_start3A_43 : memref<1x125xi32, #tpu.memory_space<vmem>> -> memref<125xi32, #tpu.memory_space<vmem>>
    %dma_start3A_45 = arith.constant 0 : i32
    %dma_start3A_46 = arith.constant 0 : i32
    %dma_start3A_47 = tpu.memref_slice %arg2[%dma_start3A_45, %dma_start3A_46] : memref<10000x128xf32, #tpu.memory_space<hbm>> -> memref<10000x128xf32, #tpu.memory_space<hbm>>
    tpu.enqueue_indirect_dma source(%dma_start3A_47 : memref<10000x128xf32, #tpu.memory_space<hbm>>) target(%arg8 : memref<125x128xf32, #tpu.memory_space<vmem>>) offsets(%dma_start3A_44 : memref<125xi32, #tpu.memory_space<vmem>>) semaphore(%arg11 : memref<!tpu.dma_semaphore, #tpu.memory_space<semaphore_mem>>)
    %dma_start3A_48 = arith.constant 1 : i32
    %dma_start3A_49 = arith.constant 0 : i32
    %dma_start3A_50 = tpu.memref_slice %arg6[%dma_start3A_48, %dma_start3A_49] : memref<40x125xi32, #tpu.memory_space<vmem>> -> memref<1x125xi32, #tpu.memory_space<vmem>>
    %dma_start3A_51 = tpu.memref_squeeze %dma_start3A_50 : memref<1x125xi32, #tpu.memory_space<vmem>> -> memref<125xi32, #tpu.memory_space<vmem>>
    %dma_start3A_52 = arith.constant 0 : i32
    %dma_start3A_53 = arith.constant 0 : i32
    %dma_start3A_54 = tpu.memref_slice %arg2[%dma_start3A_52, %dma_start3A_53] : memref<10000x128xf32, #tpu.memory_space<hbm>> -> memref<10000x128xf32, #tpu.memory_space<hbm>>
    tpu.enqueue_indirect_dma source(%dma_start3A_54 : memref<10000x128xf32, #tpu.memory_space<hbm>>) target(%arg9 : memref<125x128xf32, #tpu.memory_space<vmem>>) offsets(%dma_start3A_51 : memref<125xi32, #tpu.memory_space<vmem>>) semaphore(%arg12 : memref<!tpu.dma_semaphore, #tpu.memory_space<semaphore_mem>>)
    %scan3A_55 = arith.constant 0 : i32
    %scan3A_56 = arith.constant 0 : i32
    %scan3A_57 = arith.constant 20 : i32
    %scan3A_58 = arith.addi %scan3A_56, %scan3A_57 : i32
    %scan3A_59 = arith.constant 1 : i32
    scf.for %scan3A_80 = %scan3A_56 to %scan3A_58 step %scan3A_59  : i32 {
      %mul3A_81 = arith.constant 2 : i32
      %mul3A_82 = arith.muli %mul3A_81, %scan3A_80 : i32
      %add3A_83 = arith.constant 0 : i32
      %add3A_84 = arith.addi %mul3A_82, %add3A_83 : i32
      %dma_wait3A_85 = arith.constant 0 : i32
      %dma_wait3A_86 = arith.constant 0 : i32
      %dma_wait3A_87 = tpu.memref_slice %arg6[%dma_wait3A_85, %dma_wait3A_86] : memref<40x125xi32, #tpu.memory_space<vmem>> -> memref<1x125xi32, #tpu.memory_space<vmem>>
      %dma_wait3A_88 = tpu.memref_squeeze %dma_wait3A_87 : memref<1x125xi32, #tpu.memory_space<vmem>> -> memref<125xi32, #tpu.memory_space<vmem>>
      %dma_wait3A_89 = arith.constant 0 : i32
      %dma_wait3A_90 = arith.constant 0 : i32
      %dma_wait3A_91 = tpu.memref_slice %arg2[%dma_wait3A_89, %dma_wait3A_90] : memref<10000x128xf32, #tpu.memory_space<hbm>> -> memref<10000x128xf32, #tpu.memory_space<hbm>>
      tpu.wait_indirect_dma semaphore(%arg11 : memref<!tpu.dma_semaphore, #tpu.memory_space<semaphore_mem>>) src(%dma_wait3A_91 : memref<10000x128xf32, #tpu.memory_space<hbm>>) dst(%arg8 : memref<125x128xf32, #tpu.memory_space<vmem>>)
      %dma_start3A_92 = arith.constant 0 : i32
      %dma_start3A_93 = tpu.memref_slice %arg7[%add3A_84, %dma_start3A_92] : memref<40x125xi32, #tpu.memory_space<vmem>> -> memref<1x125xi32, #tpu.memory_space<vmem>>
      %dma_start3A_94 = tpu.memref_squeeze %dma_start3A_93 : memref<1x125xi32, #tpu.memory_space<vmem>> -> memref<125xi32, #tpu.memory_space<vmem>>
      %dma_start3A_95 = arith.constant 0 : i32
      %dma_start3A_96 = arith.constant 0 : i32
      %dma_start3A_97 = tpu.memref_slice %arg10[%dma_start3A_95, %dma_start3A_96] : memref<10240x128xf32, #tpu.memory_space<vmem_shared>> -> memref<10240x128xf32, #tpu.memory_space<vmem_shared>>
      tpu.enqueue_indirect_dma source(%arg8 : memref<125x128xf32, #tpu.memory_space<vmem>>) target(%dma_start3A_97 : memref<10240x128xf32, #tpu.memory_space<vmem_shared>>) offsets(%dma_start3A_94 : memref<125xi32, #tpu.memory_space<vmem>>) semaphore(%arg13 : memref<!tpu.dma_semaphore, #tpu.memory_space<semaphore_mem>>) {add = true}
      %add3A_98 = arith.constant 2 : i32
      %add3A_99 = arith.addi %add3A_84, %add3A_98 : i32
      %lt3A = arith.constant 40 : i32
      %lt3A_100 = arith.cmpi slt, %add3A_99, %lt3A : i32
      %convert_element_type3A = arith.extui %lt3A_100 : i1 to i32
      %cond3A = arith.constant 0 : i32
      %cond3A_101 = arith.cmpi ne, %convert_element_type3A, %cond3A : i32
      scf.if %cond3A_101 {
        %dma_wait3A_126 = arith.constant 0 : i32
        %dma_wait3A_127 = arith.constant 0 : i32
        %dma_wait3A_128 = tpu.memref_slice %arg7[%dma_wait3A_126, %dma_wait3A_127] : memref<40x125xi32, #tpu.memory_space<vmem>> -> memref<1x125xi32, #tpu.memory_space<vmem>>
        %dma_wait3A_129 = tpu.memref_squeeze %dma_wait3A_128 : memref<1x125xi32, #tpu.memory_space<vmem>> -> memref<125xi32, #tpu.memory_space<vmem>>
        %dma_wait3A_130 = arith.constant 0 : i32
        %dma_wait3A_131 = arith.constant 0 : i32
        %dma_wait3A_132 = tpu.memref_slice %arg10[%dma_wait3A_130, %dma_wait3A_131] : memref<10240x128xf32, #tpu.memory_space<vmem_shared>> -> memref<10240x128xf32, #tpu.memory_space<vmem_shared>>
        tpu.wait_indirect_dma semaphore(%arg13 : memref<!tpu.dma_semaphore, #tpu.memory_space<semaphore_mem>>) src(%arg8 : memref<125x128xf32, #tpu.memory_space<vmem>>) dst(%dma_wait3A_132 : memref<10240x128xf32, #tpu.memory_space<vmem_shared>>)
        %add3A_133 = arith.constant 2 : i32
        %add3A_134 = arith.addi %add3A_84, %add3A_133 : i32
        %dma_start3A_135 = arith.constant 0 : i32
        %dma_start3A_136 = tpu.memref_slice %arg6[%add3A_134, %dma_start3A_135] : memref<40x125xi32, #tpu.memory_space<vmem>> -> memref<1x125xi32, #tpu.memory_space<vmem>>
        %dma_start3A_137 = tpu.memref_squeeze %dma_start3A_136 : memref<1x125xi32, #tpu.memory_space<vmem>> -> memref<125xi32, #tpu.memory_space<vmem>>
        %dma_start3A_138 = arith.constant 0 : i32
        %dma_start3A_139 = arith.constant 0 : i32
        %dma_start3A_140 = tpu.memref_slice %arg2[%dma_start3A_138, %dma_start3A_139] : memref<10000x128xf32, #tpu.memory_space<hbm>> -> memref<10000x128xf32, #tpu.memory_space<hbm>>
        tpu.enqueue_indirect_dma source(%dma_start3A_140 : memref<10000x128xf32, #tpu.memory_space<hbm>>) target(%arg8 : memref<125x128xf32, #tpu.memory_space<vmem>>) offsets(%dma_start3A_137 : memref<125xi32, #tpu.memory_space<vmem>>) semaphore(%arg11 : memref<!tpu.dma_semaphore, #tpu.memory_space<semaphore_mem>>)
      } else {
      }
      %mul3A_102 = arith.constant 2 : i32
      %mul3A_103 = arith.muli %mul3A_102, %scan3A_80 : i32
      %add3A_104 = arith.constant 1 : i32
      %add3A_105 = arith.addi %mul3A_103, %add3A_104 : i32
      %dma_wait3A_106 = arith.constant 0 : i32
      %dma_wait3A_107 = arith.constant 0 : i32
      %dma_wait3A_108 = tpu.memref_slice %arg6[%dma_wait3A_106, %dma_wait3A_107] : memref<40x125xi32, #tpu.memory_space<vmem>> -> memref<1x125xi32, #tpu.memory_space<vmem>>
      %dma_wait3A_109 = tpu.memref_squeeze %dma_wait3A_108 : memref<1x125xi32, #tpu.memory_space<vmem>> -> memref<125xi32, #tpu.memory_space<vmem>>
      %dma_wait3A_110 = arith.constant 0 : i32
      %dma_wait3A_111 = arith.constant 0 : i32
      %dma_wait3A_112 = tpu.memref_slice %arg2[%dma_wait3A_110, %dma_wait3A_111] : memref<10000x128xf32, #tpu.memory_space<hbm>> -> memref<10000x128xf32, #tpu.memory_space<hbm>>
      tpu.wait_indirect_dma semaphore(%arg12 : memref<!tpu.dma_semaphore, #tpu.memory_space<semaphore_mem>>) src(%dma_wait3A_112 : memref<10000x128xf32, #tpu.memory_space<hbm>>) dst(%arg9 : memref<125x128xf32, #tpu.memory_space<vmem>>)
      %dma_start3A_113 = arith.constant 0 : i32
      %dma_start3A_114 = tpu.memref_slice %arg7[%add3A_105, %dma_start3A_113] : memref<40x125xi32, #tpu.memory_space<vmem>> -> memref<1x125xi32, #tpu.memory_space<vmem>>
      %dma_start3A_115 = tpu.memref_squeeze %dma_start3A_114 : memref<1x125xi32, #tpu.memory_space<vmem>> -> memref<125xi32, #tpu.memory_space<vmem>>
      %dma_start3A_116 = arith.constant 0 : i32
      %dma_start3A_117 = arith.constant 0 : i32
      %dma_start3A_118 = tpu.memref_slice %arg10[%dma_start3A_116, %dma_start3A_117] : memref<10240x128xf32, #tpu.memory_space<vmem_shared>> -> memref<10240x128xf32, #tpu.memory_space<vmem_shared>>
      tpu.enqueue_indirect_dma source(%arg9 : memref<125x128xf32, #tpu.memory_space<vmem>>) target(%dma_start3A_118 : memref<10240x128xf32, #tpu.memory_space<vmem_shared>>) offsets(%dma_start3A_115 : memref<125xi32, #tpu.memory_space<vmem>>) semaphore(%arg14 : memref<!tpu.dma_semaphore, #tpu.memory_space<semaphore_mem>>) {add = true}
      %add3A_119 = arith.constant 2 : i32
      %add3A_120 = arith.addi %add3A_105, %add3A_119 : i32
      %lt3A_121 = arith.constant 40 : i32
      %lt3A_122 = arith.cmpi slt, %add3A_120, %lt3A_121 : i32
      %convert_element_type3A_123 = arith.extui %lt3A_122 : i1 to i32
      %cond3A_124 = arith.constant 0 : i32
      %cond3A_125 = arith.cmpi ne, %convert_element_type3A_123, %cond3A_124 : i32
      scf.if %cond3A_125 {
        %dma_wait3A_126 = arith.constant 0 : i32
        %dma_wait3A_127 = arith.constant 0 : i32
        %dma_wait3A_128 = tpu.memref_slice %arg7[%dma_wait3A_126, %dma_wait3A_127] : memref<40x125xi32, #tpu.memory_space<vmem>> -> memref<1x125xi32, #tpu.memory_space<vmem>>
        %dma_wait3A_129 = tpu.memref_squeeze %dma_wait3A_128 : memref<1x125xi32, #tpu.memory_space<vmem>> -> memref<125xi32, #tpu.memory_space<vmem>>
        %dma_wait3A_130 = arith.constant 0 : i32
        %dma_wait3A_131 = arith.constant 0 : i32
        %dma_wait3A_132 = tpu.memref_slice %arg10[%dma_wait3A_130, %dma_wait3A_131] : memref<10240x128xf32, #tpu.memory_space<vmem_shared>> -> memref<10240x128xf32, #tpu.memory_space<vmem_shared>>
        tpu.wait_indirect_dma semaphore(%arg14 : memref<!tpu.dma_semaphore, #tpu.memory_space<semaphore_mem>>) src(%arg9 : memref<125x128xf32, #tpu.memory_space<vmem>>) dst(%dma_wait3A_132 : memref<10240x128xf32, #tpu.memory_space<vmem_shared>>)
        %add3A_133 = arith.constant 2 : i32
        %add3A_134 = arith.addi %add3A_105, %add3A_133 : i32
        %dma_start3A_135 = arith.constant 0 : i32
        %dma_start3A_136 = tpu.memref_slice %arg6[%add3A_134, %dma_start3A_135] : memref<40x125xi32, #tpu.memory_space<vmem>> -> memref<1x125xi32, #tpu.memory_space<vmem>>
        %dma_start3A_137 = tpu.memref_squeeze %dma_start3A_136 : memref<1x125xi32, #tpu.memory_space<vmem>> -> memref<125xi32, #tpu.memory_space<vmem>>
        %dma_start3A_138 = arith.constant 0 : i32
        %dma_start3A_139 = arith.constant 0 : i32
        %dma_start3A_140 = tpu.memref_slice %arg2[%dma_start3A_138, %dma_start3A_139] : memref<10000x128xf32, #tpu.memory_space<hbm>> -> memref<10000x128xf32, #tpu.memory_space<hbm>>
        tpu.enqueue_indirect_dma source(%dma_start3A_140 : memref<10000x128xf32, #tpu.memory_space<hbm>>) target(%arg9 : memref<125x128xf32, #tpu.memory_space<vmem>>) offsets(%dma_start3A_137 : memref<125xi32, #tpu.memory_space<vmem>>) semaphore(%arg12 : memref<!tpu.dma_semaphore, #tpu.memory_space<semaphore_mem>>)
      } else {
      }
    }
    %scan3A_60 = arith.constant 20 : i32
    %dma_wait3A_61 = arith.constant 0 : i32
    %dma_wait3A_62 = arith.constant 0 : i32
    %dma_wait3A_63 = tpu.memref_slice %arg7[%dma_wait3A_61, %dma_wait3A_62] : memref<40x125xi32, #tpu.memory_space<vmem>> -> memref<1x125xi32, #tpu.memory_space<vmem>>
    %dma_wait3A_64 = tpu.memref_squeeze %dma_wait3A_63 : memref<1x125xi32, #tpu.memory_space<vmem>> -> memref<125xi32, #tpu.memory_space<vmem>>
    %dma_wait3A_65 = arith.constant 0 : i32
    %dma_wait3A_66 = arith.constant 0 : i32
    %dma_wait3A_67 = tpu.memref_slice %arg10[%dma_wait3A_65, %dma_wait3A_66] : memref<10240x128xf32, #tpu.memory_space<vmem_shared>> -> memref<10240x128xf32, #tpu.memory_space<vmem_shared>>
    tpu.wait_indirect_dma semaphore(%arg13 : memref<!tpu.dma_semaphore, #tpu.memory_space<semaphore_mem>>) src(%arg8 : memref<125x128xf32, #tpu.memory_space<vmem>>) dst(%dma_wait3A_67 : memref<10240x128xf32, #tpu.memory_space<vmem_shared>>)
    %dma_wait3A_68 = arith.constant 0 : i32
    %dma_wait3A_69 = arith.constant 0 : i32
    %dma_wait3A_70 = tpu.memref_slice %arg7[%dma_wait3A_68, %dma_wait3A_69] : memref<40x125xi32, #tpu.memory_space<vmem>> -> memref<1x125xi32, #tpu.memory_space<vmem>>
    %dma_wait3A_71 = tpu.memref_squeeze %dma_wait3A_70 : memref<1x125xi32, #tpu.memory_space<vmem>> -> memref<125xi32, #tpu.memory_space<vmem>>
    %dma_wait3A_72 = arith.constant 0 : i32
    %dma_wait3A_73 = arith.constant 0 : i32
    %dma_wait3A_74 = tpu.memref_slice %arg10[%dma_wait3A_72, %dma_wait3A_73] : memref<10240x128xf32, #tpu.memory_space<vmem_shared>> -> memref<10240x128xf32, #tpu.memory_space<vmem_shared>>
    tpu.wait_indirect_dma semaphore(%arg14 : memref<!tpu.dma_semaphore, #tpu.memory_space<semaphore_mem>>) src(%arg9 : memref<125x128xf32, #tpu.memory_space<vmem>>) dst(%dma_wait3A_74 : memref<10240x128xf32, #tpu.memory_space<vmem_shared>>)
    %barrier3A_75 = arith.constant 0 : index
    tpu.barrier barrier_id(%barrier3A_75)
    %mul3A_76 = arith.constant 640 : i32
    %mul3A_77 = arith.muli %arg1, %mul3A_76 : i32
    %mul3A_78 = arith.constant 640 : i32
    %mul3A_79 = arith.muli %arg1, %mul3A_78 : i32
    "tpu.region"() ({
      %run_scoped3A_80 = tpu.sem_alloc : memref<!tpu.dma_semaphore, #tpu.memory_space<semaphore_mem>>
      %dma_start3A_81 = arith.constant 0 : i32
      %dma_start3A_82 = tpu.memref_slice %arg5[%arg0, %mul3A_79, %dma_start3A_81] : memref<2x10240x128xf32, #tpu.memory_space<hbm>> -> memref<1x640x128xf32, #tpu.memory_space<hbm>>
      %dma_start3A_83 = tpu.memref_squeeze %dma_start3A_82 : memref<1x640x128xf32, #tpu.memory_space<hbm>> -> memref<640x128xf32, #tpu.memory_space<hbm>>
      %dma_start3A_84 = arith.constant 0 : i32
      %dma_start3A_85 = tpu.memref_slice %arg10[%mul3A_77, %dma_start3A_84] : memref<10240x128xf32, #tpu.memory_space<vmem_shared>> -> memref<640x128xf32, #tpu.memory_space<vmem_shared>>
      tpu.enqueue_dma source(%dma_start3A_85 : memref<640x128xf32, #tpu.memory_space<vmem_shared>>) target(%dma_start3A_83 : memref<640x128xf32, #tpu.memory_space<hbm>>) target_semaphore(%run_scoped3A_80 : memref<!tpu.dma_semaphore, #tpu.memory_space<semaphore_mem>>)
      %dma_wait3A_86 = arith.constant 0 : i32
      %dma_wait3A_87 = tpu.memref_slice %arg5[%arg0, %mul3A_79, %dma_wait3A_86] : memref<2x10240x128xf32, #tpu.memory_space<hbm>> -> memref<1x640x128xf32, #tpu.memory_space<hbm>>
      %dma_wait3A_88 = tpu.memref_squeeze %dma_wait3A_87 : memref<1x640x128xf32, #tpu.memory_space<hbm>> -> memref<640x128xf32, #tpu.memory_space<hbm>>
      %dma_wait3A_89 = arith.constant 0 : i32
      %dma_wait3A_90 = tpu.memref_slice %arg10[%mul3A_77, %dma_wait3A_89] : memref<10240x128xf32, #tpu.memory_space<vmem_shared>> -> memref<640x128xf32, #tpu.memory_space<vmem_shared>>
      tpu.wait_dma2 semaphore(%run_scoped3A_80 : memref<!tpu.dma_semaphore, #tpu.memory_space<semaphore_mem>>) src(%dma_wait3A_90 : memref<640x128xf32, #tpu.memory_space<vmem_shared>>) dst(%dma_wait3A_88 : memref<640x128xf32, #tpu.memory_space<hbm>>)
      tpu.yield
    }) : () -> ()
    return
  }
}

#map = affine_map<(d0, d1) -> (0, 0)>
#map1 = affine_map<(d0, d1) -> (0, 0, 0, 0, 0)>
#map2 = affine_map<(d0, d1) -> (0, 0, 0)>
module attributes {stable_mosaic.version = 14 : i64} {
  func.func @_spmm1(%arg0: i32, %arg1: i32, %arg2: memref<10000x128xf32, #tpu.memory_space<hbm>>, %arg3: memref<2x32x2x40x125xi32, #tpu.memory_space<hbm>>, %arg4: memref<640x128xf32, #tpu.memory_space<hbm>>, %arg5: memref<2x10240x128xf32, #tpu.memory_space<hbm>>, %arg6: memref<40x125xi32, #tpu.memory_space<vmem>>, %arg7: memref<40x125xi32, #tpu.memory_space<vmem>>, %arg8: memref<125x128xf32, #tpu.memory_space<vmem>>, %arg9: memref<125x128xf32, #tpu.memory_space<vmem>>, %arg10: memref<10240x128xf32, #tpu.memory_space<vmem_shared>>, %arg11: memref<!tpu.dma_semaphore, #tpu.memory_space<semaphore_mem>>, %arg12: memref<!tpu.dma_semaphore, #tpu.memory_space<semaphore_mem>>, %arg13: memref<!tpu.dma_semaphore, #tpu.memory_space<semaphore_mem>>, %arg14: memref<!tpu.dma_semaphore, #tpu.memory_space<semaphore_mem>>) attributes {dimension_semantics = [#tpu.dimension_semantics<core_parallel>, #tpu.dimension_semantics<subcore_parallel>], iteration_bounds = array<i64: 2, 16>, scalar_prefetch = 0 : i64, scratch_operands = 9 : i64, tpu.core_type = #tpu.core_type<sc_vector_subcore>, window_params = [{transform_indices = #map}, {transform_indices = #map1}, {transform_indices = #map}, {transform_indices = #map2}]} {
    %mul3A = arith.constant 16 : i32
    %mul3A_0 = arith.muli %arg0, %mul3A : i32
    %add3A = arith.addi %mul3A_0, %arg1 : i32
    %run_scoped3A = arith.constant 1 : i32
    %run_scoped3A_1 = arith.constant 0 : i32
    "tpu.region"() ({
      %run_scoped3A_80 = tpu.sem_alloc : memref<!tpu.dma_semaphore, #tpu.memory_space<semaphore_mem>>
      %dma_start3A_81 = arith.constant 0 : i32
      %dma_start3A_82 = arith.constant 0 : i32
      %dma_start3A_83 = tpu.memref_slice %arg3[%run_scoped3A, %add3A, %run_scoped3A_1, %dma_start3A_81, %dma_start3A_82] : memref<2x32x2x40x125xi32, #tpu.memory_space<hbm>> -> memref<1x1x1x40x125xi32, #tpu.memory_space<hbm>>
      %dma_start3A_84 = tpu.memref_squeeze %dma_start3A_83 : memref<1x1x1x40x125xi32, #tpu.memory_space<hbm>> -> memref<40x125xi32, #tpu.memory_space<hbm>>
      %dma_start3A_85 = arith.constant 0 : i32
      %dma_start3A_86 = arith.constant 0 : i32
      %dma_start3A_87 = tpu.memref_slice %arg3[%run_scoped3A, %add3A, %run_scoped3A_1, %dma_start3A_85, %dma_start3A_86] : memref<2x32x2x40x125xi32, #tpu.memory_space<hbm>> -> memref<1x1x1x40x125xi32, #tpu.memory_space<hbm>>
      %dma_start3A_88 = tpu.memref_squeeze %dma_start3A_87 : memref<1x1x1x40x125xi32, #tpu.memory_space<hbm>> -> memref<40x125xi32, #tpu.memory_space<hbm>>
      tpu.enqueue_dma source(%dma_start3A_88 : memref<40x125xi32, #tpu.memory_space<hbm>>) target(%arg6 : memref<40x125xi32, #tpu.memory_space<vmem>>) target_semaphore(%run_scoped3A_80 : memref<!tpu.dma_semaphore, #tpu.memory_space<semaphore_mem>>)
      %dma_wait3A_89 = arith.constant 0 : i32
      %dma_wait3A_90 = arith.constant 0 : i32
      %dma_wait3A_91 = tpu.memref_slice %arg3[%run_scoped3A, %add3A, %run_scoped3A_1, %dma_wait3A_89, %dma_wait3A_90] : memref<2x32x2x40x125xi32, #tpu.memory_space<hbm>> -> memref<1x1x1x40x125xi32, #tpu.memory_space<hbm>>
      %dma_wait3A_92 = tpu.memref_squeeze %dma_wait3A_91 : memref<1x1x1x40x125xi32, #tpu.memory_space<hbm>> -> memref<40x125xi32, #tpu.memory_space<hbm>>
      %dma_wait3A_93 = arith.constant 0 : i32
      %dma_wait3A_94 = arith.constant 0 : i32
      %dma_wait3A_95 = tpu.memref_slice %arg3[%run_scoped3A, %add3A, %run_scoped3A_1, %dma_wait3A_93, %dma_wait3A_94] : memref<2x32x2x40x125xi32, #tpu.memory_space<hbm>> -> memref<1x1x1x40x125xi32, #tpu.memory_space<hbm>>
      %dma_wait3A_96 = tpu.memref_squeeze %dma_wait3A_95 : memref<1x1x1x40x125xi32, #tpu.memory_space<hbm>> -> memref<40x125xi32, #tpu.memory_space<hbm>>
      tpu.wait_dma2 semaphore(%run_scoped3A_80 : memref<!tpu.dma_semaphore, #tpu.memory_space<semaphore_mem>>) src(%dma_wait3A_96 : memref<40x125xi32, #tpu.memory_space<hbm>>) dst(%arg6 : memref<40x125xi32, #tpu.memory_space<vmem>>)
      tpu.yield
    }) : () -> ()
    %run_scoped3A_2 = arith.constant 0 : i32
    %run_scoped3A_3 = arith.constant 0 : i32
    "tpu.region"() ({
      %run_scoped3A_80 = tpu.sem_alloc : memref<!tpu.dma_semaphore, #tpu.memory_space<semaphore_mem>>
      %dma_start3A_81 = arith.constant 0 : i32
      %dma_start3A_82 = arith.constant 0 : i32
      %dma_start3A_83 = tpu.memref_slice %arg3[%run_scoped3A_2, %add3A, %run_scoped3A_3, %dma_start3A_81, %dma_start3A_82] : memref<2x32x2x40x125xi32, #tpu.memory_space<hbm>> -> memref<1x1x1x40x125xi32, #tpu.memory_space<hbm>>
      %dma_start3A_84 = tpu.memref_squeeze %dma_start3A_83 : memref<1x1x1x40x125xi32, #tpu.memory_space<hbm>> -> memref<40x125xi32, #tpu.memory_space<hbm>>
      %dma_start3A_85 = arith.constant 0 : i32
      %dma_start3A_86 = arith.constant 0 : i32
      %dma_start3A_87 = tpu.memref_slice %arg3[%run_scoped3A_2, %add3A, %run_scoped3A_3, %dma_start3A_85, %dma_start3A_86] : memref<2x32x2x40x125xi32, #tpu.memory_space<hbm>> -> memref<1x1x1x40x125xi32, #tpu.memory_space<hbm>>
      %dma_start3A_88 = tpu.memref_squeeze %dma_start3A_87 : memref<1x1x1x40x125xi32, #tpu.memory_space<hbm>> -> memref<40x125xi32, #tpu.memory_space<hbm>>
      tpu.enqueue_dma source(%dma_start3A_88 : memref<40x125xi32, #tpu.memory_space<hbm>>) target(%arg7 : memref<40x125xi32, #tpu.memory_space<vmem>>) target_semaphore(%run_scoped3A_80 : memref<!tpu.dma_semaphore, #tpu.memory_space<semaphore_mem>>)
      %dma_wait3A_89 = arith.constant 0 : i32
      %dma_wait3A_90 = arith.constant 0 : i32
      %dma_wait3A_91 = tpu.memref_slice %arg3[%run_scoped3A_2, %add3A, %run_scoped3A_3, %dma_wait3A_89, %dma_wait3A_90] : memref<2x32x2x40x125xi32, #tpu.memory_space<hbm>> -> memref<1x1x1x40x125xi32, #tpu.memory_space<hbm>>
      %dma_wait3A_92 = tpu.memref_squeeze %dma_wait3A_91 : memref<1x1x1x40x125xi32, #tpu.memory_space<hbm>> -> memref<40x125xi32, #tpu.memory_space<hbm>>
      %dma_wait3A_93 = arith.constant 0 : i32
      %dma_wait3A_94 = arith.constant 0 : i32
      %dma_wait3A_95 = tpu.memref_slice %arg3[%run_scoped3A_2, %add3A, %run_scoped3A_3, %dma_wait3A_93, %dma_wait3A_94] : memref<2x32x2x40x125xi32, #tpu.memory_space<hbm>> -> memref<1x1x1x40x125xi32, #tpu.memory_space<hbm>>
      %dma_wait3A_96 = tpu.memref_squeeze %dma_wait3A_95 : memref<1x1x1x40x125xi32, #tpu.memory_space<hbm>> -> memref<40x125xi32, #tpu.memory_space<hbm>>
      tpu.wait_dma2 semaphore(%run_scoped3A_80 : memref<!tpu.dma_semaphore, #tpu.memory_space<semaphore_mem>>) src(%dma_wait3A_96 : memref<40x125xi32, #tpu.memory_space<hbm>>) dst(%arg7 : memref<40x125xi32, #tpu.memory_space<vmem>>)
      tpu.yield
    }) : () -> ()
    %dma_start3A = arith.constant 0 : i32
    %dma_start3A_4 = arith.constant 0 : i32
    %dma_start3A_5 = tpu.memref_slice %arg6[%dma_start3A, %dma_start3A_4] : memref<40x125xi32, #tpu.memory_space<vmem>> -> memref<1x125xi32, #tpu.memory_space<vmem>>
    %dma_start3A_6 = tpu.memref_squeeze %dma_start3A_5 : memref<1x125xi32, #tpu.memory_space<vmem>> -> memref<125xi32, #tpu.memory_space<vmem>>
    %dma_start3A_7 = arith.constant 0 : i32
    %dma_start3A_8 = arith.constant 0 : i32
    %dma_start3A_9 = tpu.memref_slice %arg2[%dma_start3A_7, %dma_start3A_8] : memref<10000x128xf32, #tpu.memory_space<hbm>> -> memref<10000x128xf32, #tpu.memory_space<hbm>>
    tpu.enqueue_indirect_dma source(%dma_start3A_9 : memref<10000x128xf32, #tpu.memory_space<hbm>>) target(%arg8 : memref<125x128xf32, #tpu.memory_space<vmem>>) offsets(%dma_start3A_6 : memref<125xi32, #tpu.memory_space<vmem>>) semaphore(%arg11 : memref<!tpu.dma_semaphore, #tpu.memory_space<semaphore_mem>>)
    %dma_start3A_10 = arith.constant 1 : i32
    %dma_start3A_11 = arith.constant 0 : i32
    %dma_start3A_12 = tpu.memref_slice %arg6[%dma_start3A_10, %dma_start3A_11] : memref<40x125xi32, #tpu.memory_space<vmem>> -> memref<1x125xi32, #tpu.memory_space<vmem>>
    %dma_start3A_13 = tpu.memref_squeeze %dma_start3A_12 : memref<1x125xi32, #tpu.memory_space<vmem>> -> memref<125xi32, #tpu.memory_space<vmem>>
    %dma_start3A_14 = arith.constant 0 : i32
    %dma_start3A_15 = arith.constant 0 : i32
    %dma_start3A_16 = tpu.memref_slice %arg2[%dma_start3A_14, %dma_start3A_15] : memref<10000x128xf32, #tpu.memory_space<hbm>> -> memref<10000x128xf32, #tpu.memory_space<hbm>>
    tpu.enqueue_indirect_dma source(%dma_start3A_16 : memref<10000x128xf32, #tpu.memory_space<hbm>>) target(%arg9 : memref<125x128xf32, #tpu.memory_space<vmem>>) offsets(%dma_start3A_13 : memref<125xi32, #tpu.memory_space<vmem>>) semaphore(%arg12 : memref<!tpu.dma_semaphore, #tpu.memory_space<semaphore_mem>>)
    %mul3A_17 = arith.constant 640 : i32
    %mul3A_18 = arith.muli %arg1, %mul3A_17 : i32
    "tpu.region"() ({
      %run_scoped3A_80 = tpu.sem_alloc : memref<!tpu.dma_semaphore, #tpu.memory_space<semaphore_mem>>
      %dma_start3A_81 = arith.constant 0 : i32
      %dma_start3A_82 = tpu.memref_slice %arg10[%mul3A_18, %dma_start3A_81] : memref<10240x128xf32, #tpu.memory_space<vmem_shared>> -> memref<640x128xf32, #tpu.memory_space<vmem_shared>>
      tpu.enqueue_dma source(%arg4 : memref<640x128xf32, #tpu.memory_space<hbm>>) target(%dma_start3A_82 : memref<640x128xf32, #tpu.memory_space<vmem_shared>>) target_semaphore(%run_scoped3A_80 : memref<!tpu.dma_semaphore, #tpu.memory_space<semaphore_mem>>)
      %dma_wait3A_83 = arith.constant 0 : i32
      %dma_wait3A_84 = tpu.memref_slice %arg10[%mul3A_18, %dma_wait3A_83] : memref<10240x128xf32, #tpu.memory_space<vmem_shared>> -> memref<640x128xf32, #tpu.memory_space<vmem_shared>>
      tpu.wait_dma2 semaphore(%run_scoped3A_80 : memref<!tpu.dma_semaphore, #tpu.memory_space<semaphore_mem>>) src(%arg4 : memref<640x128xf32, #tpu.memory_space<hbm>>) dst(%dma_wait3A_84 : memref<640x128xf32, #tpu.memory_space<vmem_shared>>)
      tpu.yield
    }) : () -> ()
    %barrier3A = arith.constant 0 : index
    tpu.barrier barrier_id(%barrier3A)
    %scan3A = arith.constant 0 : i32
    %scan3A_19 = arith.constant 0 : i32
    %scan3A_20 = arith.constant 20 : i32
    %scan3A_21 = arith.addi %scan3A_19, %scan3A_20 : i32
    %scan3A_22 = arith.constant 1 : i32
    scf.for %scan3A_80 = %scan3A_19 to %scan3A_21 step %scan3A_22  : i32 {
      %mul3A_81 = arith.constant 2 : i32
      %mul3A_82 = arith.muli %mul3A_81, %scan3A_80 : i32
      %add3A_83 = arith.constant 0 : i32
      %add3A_84 = arith.addi %mul3A_82, %add3A_83 : i32
      %dma_wait3A_85 = arith.constant 0 : i32
      %dma_wait3A_86 = arith.constant 0 : i32
      %dma_wait3A_87 = tpu.memref_slice %arg6[%dma_wait3A_85, %dma_wait3A_86] : memref<40x125xi32, #tpu.memory_space<vmem>> -> memref<1x125xi32, #tpu.memory_space<vmem>>
      %dma_wait3A_88 = tpu.memref_squeeze %dma_wait3A_87 : memref<1x125xi32, #tpu.memory_space<vmem>> -> memref<125xi32, #tpu.memory_space<vmem>>
      %dma_wait3A_89 = arith.constant 0 : i32
      %dma_wait3A_90 = arith.constant 0 : i32
      %dma_wait3A_91 = tpu.memref_slice %arg2[%dma_wait3A_89, %dma_wait3A_90] : memref<10000x128xf32, #tpu.memory_space<hbm>> -> memref<10000x128xf32, #tpu.memory_space<hbm>>
      tpu.wait_indirect_dma semaphore(%arg11 : memref<!tpu.dma_semaphore, #tpu.memory_space<semaphore_mem>>) src(%dma_wait3A_91 : memref<10000x128xf32, #tpu.memory_space<hbm>>) dst(%arg8 : memref<125x128xf32, #tpu.memory_space<vmem>>)
      %dma_start3A_92 = arith.constant 0 : i32
      %dma_start3A_93 = tpu.memref_slice %arg7[%add3A_84, %dma_start3A_92] : memref<40x125xi32, #tpu.memory_space<vmem>> -> memref<1x125xi32, #tpu.memory_space<vmem>>
      %dma_start3A_94 = tpu.memref_squeeze %dma_start3A_93 : memref<1x125xi32, #tpu.memory_space<vmem>> -> memref<125xi32, #tpu.memory_space<vmem>>
      %dma_start3A_95 = arith.constant 0 : i32
      %dma_start3A_96 = arith.constant 0 : i32
      %dma_start3A_97 = tpu.memref_slice %arg10[%dma_start3A_95, %dma_start3A_96] : memref<10240x128xf32, #tpu.memory_space<vmem_shared>> -> memref<10240x128xf32, #tpu.memory_space<vmem_shared>>
      tpu.enqueue_indirect_dma source(%arg8 : memref<125x128xf32, #tpu.memory_space<vmem>>) target(%dma_start3A_97 : memref<10240x128xf32, #tpu.memory_space<vmem_shared>>) offsets(%dma_start3A_94 : memref<125xi32, #tpu.memory_space<vmem>>) semaphore(%arg13 : memref<!tpu.dma_semaphore, #tpu.memory_space<semaphore_mem>>) {add = true}
      %add3A_98 = arith.constant 2 : i32
      %add3A_99 = arith.addi %add3A_84, %add3A_98 : i32
      %lt3A = arith.constant 40 : i32
      %lt3A_100 = arith.cmpi slt, %add3A_99, %lt3A : i32
      %convert_element_type3A = arith.extui %lt3A_100 : i1 to i32
      %cond3A = arith.constant 0 : i32
      %cond3A_101 = arith.cmpi ne, %convert_element_type3A, %cond3A : i32
      scf.if %cond3A_101 {
        %dma_wait3A_126 = arith.constant 0 : i32
        %dma_wait3A_127 = arith.constant 0 : i32
        %dma_wait3A_128 = tpu.memref_slice %arg7[%dma_wait3A_126, %dma_wait3A_127] : memref<40x125xi32, #tpu.memory_space<vmem>> -> memref<1x125xi32, #tpu.memory_space<vmem>>
        %dma_wait3A_129 = tpu.memref_squeeze %dma_wait3A_128 : memref<1x125xi32, #tpu.memory_space<vmem>> -> memref<125xi32, #tpu.memory_space<vmem>>
        %dma_wait3A_130 = arith.constant 0 : i32
        %dma_wait3A_131 = arith.constant 0 : i32
        %dma_wait3A_132 = tpu.memref_slice %arg10[%dma_wait3A_130, %dma_wait3A_131] : memref<10240x128xf32, #tpu.memory_space<vmem_shared>> -> memref<10240x128xf32, #tpu.memory_space<vmem_shared>>
        tpu.wait_indirect_dma semaphore(%arg13 : memref<!tpu.dma_semaphore, #tpu.memory_space<semaphore_mem>>) src(%arg8 : memref<125x128xf32, #tpu.memory_space<vmem>>) dst(%dma_wait3A_132 : memref<10240x128xf32, #tpu.memory_space<vmem_shared>>)
        %add3A_133 = arith.constant 2 : i32
        %add3A_134 = arith.addi %add3A_84, %add3A_133 : i32
        %dma_start3A_135 = arith.constant 0 : i32
        %dma_start3A_136 = tpu.memref_slice %arg6[%add3A_134, %dma_start3A_135] : memref<40x125xi32, #tpu.memory_space<vmem>> -> memref<1x125xi32, #tpu.memory_space<vmem>>
        %dma_start3A_137 = tpu.memref_squeeze %dma_start3A_136 : memref<1x125xi32, #tpu.memory_space<vmem>> -> memref<125xi32, #tpu.memory_space<vmem>>
        %dma_start3A_138 = arith.constant 0 : i32
        %dma_start3A_139 = arith.constant 0 : i32
        %dma_start3A_140 = tpu.memref_slice %arg2[%dma_start3A_138, %dma_start3A_139] : memref<10000x128xf32, #tpu.memory_space<hbm>> -> memref<10000x128xf32, #tpu.memory_space<hbm>>
        tpu.enqueue_indirect_dma source(%dma_start3A_140 : memref<10000x128xf32, #tpu.memory_space<hbm>>) target(%arg8 : memref<125x128xf32, #tpu.memory_space<vmem>>) offsets(%dma_start3A_137 : memref<125xi32, #tpu.memory_space<vmem>>) semaphore(%arg11 : memref<!tpu.dma_semaphore, #tpu.memory_space<semaphore_mem>>)
      } else {
      }
      %mul3A_102 = arith.constant 2 : i32
      %mul3A_103 = arith.muli %mul3A_102, %scan3A_80 : i32
      %add3A_104 = arith.constant 1 : i32
      %add3A_105 = arith.addi %mul3A_103, %add3A_104 : i32
      %dma_wait3A_106 = arith.constant 0 : i32
      %dma_wait3A_107 = arith.constant 0 : i32
      %dma_wait3A_108 = tpu.memref_slice %arg6[%dma_wait3A_106, %dma_wait3A_107] : memref<40x125xi32, #tpu.memory_space<vmem>> -> memref<1x125xi32, #tpu.memory_space<vmem>>
      %dma_wait3A_109 = tpu.memref_squeeze %dma_wait3A_108 : memref<1x125xi32, #tpu.memory_space<vmem>> -> memref<125xi32, #tpu.memory_space<vmem>>
      %dma_wait3A_110 = arith.constant 0 : i32
      %dma_wait3A_111 = arith.constant 0 : i32
      %dma_wait3A_112 = tpu.memref_slice %arg2[%dma_wait3A_110, %dma_wait3A_111] : memref<10000x128xf32, #tpu.memory_space<hbm>> -> memref<10000x128xf32, #tpu.memory_space<hbm>>
      tpu.wait_indirect_dma semaphore(%arg12 : memref<!tpu.dma_semaphore, #tpu.memory_space<semaphore_mem>>) src(%dma_wait3A_112 : memref<10000x128xf32, #tpu.memory_space<hbm>>) dst(%arg9 : memref<125x128xf32, #tpu.memory_space<vmem>>)
      %dma_start3A_113 = arith.constant 0 : i32
      %dma_start3A_114 = tpu.memref_slice %arg7[%add3A_105, %dma_start3A_113] : memref<40x125xi32, #tpu.memory_space<vmem>> -> memref<1x125xi32, #tpu.memory_space<vmem>>
      %dma_start3A_115 = tpu.memref_squeeze %dma_start3A_114 : memref<1x125xi32, #tpu.memory_space<vmem>> -> memref<125xi32, #tpu.memory_space<vmem>>
      %dma_start3A_116 = arith.constant 0 : i32
      %dma_start3A_117 = arith.constant 0 : i32
      %dma_start3A_118 = tpu.memref_slice %arg10[%dma_start3A_116, %dma_start3A_117] : memref<10240x128xf32, #tpu.memory_space<vmem_shared>> -> memref<10240x128xf32, #tpu.memory_space<vmem_shared>>
      tpu.enqueue_indirect_dma source(%arg9 : memref<125x128xf32, #tpu.memory_space<vmem>>) target(%dma_start3A_118 : memref<10240x128xf32, #tpu.memory_space<vmem_shared>>) offsets(%dma_start3A_115 : memref<125xi32, #tpu.memory_space<vmem>>) semaphore(%arg14 : memref<!tpu.dma_semaphore, #tpu.memory_space<semaphore_mem>>) {add = true}
      %add3A_119 = arith.constant 2 : i32
      %add3A_120 = arith.addi %add3A_105, %add3A_119 : i32
      %lt3A_121 = arith.constant 40 : i32
      %lt3A_122 = arith.cmpi slt, %add3A_120, %lt3A_121 : i32
      %convert_element_type3A_123 = arith.extui %lt3A_122 : i1 to i32
      %cond3A_124 = arith.constant 0 : i32
      %cond3A_125 = arith.cmpi ne, %convert_element_type3A_123, %cond3A_124 : i32
      scf.if %cond3A_125 {
        %dma_wait3A_126 = arith.constant 0 : i32
        %dma_wait3A_127 = arith.constant 0 : i32
        %dma_wait3A_128 = tpu.memref_slice %arg7[%dma_wait3A_126, %dma_wait3A_127] : memref<40x125xi32, #tpu.memory_space<vmem>> -> memref<1x125xi32, #tpu.memory_space<vmem>>
        %dma_wait3A_129 = tpu.memref_squeeze %dma_wait3A_128 : memref<1x125xi32, #tpu.memory_space<vmem>> -> memref<125xi32, #tpu.memory_space<vmem>>
        %dma_wait3A_130 = arith.constant 0 : i32
        %dma_wait3A_131 = arith.constant 0 : i32
        %dma_wait3A_132 = tpu.memref_slice %arg10[%dma_wait3A_130, %dma_wait3A_131] : memref<10240x128xf32, #tpu.memory_space<vmem_shared>> -> memref<10240x128xf32, #tpu.memory_space<vmem_shared>>
        tpu.wait_indirect_dma semaphore(%arg14 : memref<!tpu.dma_semaphore, #tpu.memory_space<semaphore_mem>>) src(%arg9 : memref<125x128xf32, #tpu.memory_space<vmem>>) dst(%dma_wait3A_132 : memref<10240x128xf32, #tpu.memory_space<vmem_shared>>)
        %add3A_133 = arith.constant 2 : i32
        %add3A_134 = arith.addi %add3A_105, %add3A_133 : i32
        %dma_start3A_135 = arith.constant 0 : i32
        %dma_start3A_136 = tpu.memref_slice %arg6[%add3A_134, %dma_start3A_135] : memref<40x125xi32, #tpu.memory_space<vmem>> -> memref<1x125xi32, #tpu.memory_space<vmem>>
        %dma_start3A_137 = tpu.memref_squeeze %dma_start3A_136 : memref<1x125xi32, #tpu.memory_space<vmem>> -> memref<125xi32, #tpu.memory_space<vmem>>
        %dma_start3A_138 = arith.constant 0 : i32
        %dma_start3A_139 = arith.constant 0 : i32
        %dma_start3A_140 = tpu.memref_slice %arg2[%dma_start3A_138, %dma_start3A_139] : memref<10000x128xf32, #tpu.memory_space<hbm>> -> memref<10000x128xf32, #tpu.memory_space<hbm>>
        tpu.enqueue_indirect_dma source(%dma_start3A_140 : memref<10000x128xf32, #tpu.memory_space<hbm>>) target(%arg9 : memref<125x128xf32, #tpu.memory_space<vmem>>) offsets(%dma_start3A_137 : memref<125xi32, #tpu.memory_space<vmem>>) semaphore(%arg12 : memref<!tpu.dma_semaphore, #tpu.memory_space<semaphore_mem>>)
      } else {
      }
    }
    %scan3A_23 = arith.constant 20 : i32
    %dma_wait3A = arith.constant 0 : i32
    %dma_wait3A_24 = arith.constant 0 : i32
    %dma_wait3A_25 = tpu.memref_slice %arg7[%dma_wait3A, %dma_wait3A_24] : memref<40x125xi32, #tpu.memory_space<vmem>> -> memref<1x125xi32, #tpu.memory_space<vmem>>
    %dma_wait3A_26 = tpu.memref_squeeze %dma_wait3A_25 : memref<1x125xi32, #tpu.memory_space<vmem>> -> memref<125xi32, #tpu.memory_space<vmem>>
    %dma_wait3A_27 = arith.constant 0 : i32
    %dma_wait3A_28 = arith.constant 0 : i32
    %dma_wait3A_29 = tpu.memref_slice %arg10[%dma_wait3A_27, %dma_wait3A_28] : memref<10240x128xf32, #tpu.memory_space<vmem_shared>> -> memref<10240x128xf32, #tpu.memory_space<vmem_shared>>
    tpu.wait_indirect_dma semaphore(%arg13 : memref<!tpu.dma_semaphore, #tpu.memory_space<semaphore_mem>>) src(%arg8 : memref<125x128xf32, #tpu.memory_space<vmem>>) dst(%dma_wait3A_29 : memref<10240x128xf32, #tpu.memory_space<vmem_shared>>)
    %dma_wait3A_30 = arith.constant 0 : i32
    %dma_wait3A_31 = arith.constant 0 : i32
    %dma_wait3A_32 = tpu.memref_slice %arg7[%dma_wait3A_30, %dma_wait3A_31] : memref<40x125xi32, #tpu.memory_space<vmem>> -> memref<1x125xi32, #tpu.memory_space<vmem>>
    %dma_wait3A_33 = tpu.memref_squeeze %dma_wait3A_32 : memref<1x125xi32, #tpu.memory_space<vmem>> -> memref<125xi32, #tpu.memory_space<vmem>>
    %dma_wait3A_34 = arith.constant 0 : i32
    %dma_wait3A_35 = arith.constant 0 : i32
    %dma_wait3A_36 = tpu.memref_slice %arg10[%dma_wait3A_34, %dma_wait3A_35] : memref<10240x128xf32, #tpu.memory_space<vmem_shared>> -> memref<10240x128xf32, #tpu.memory_space<vmem_shared>>
    tpu.wait_indirect_dma semaphore(%arg14 : memref<!tpu.dma_semaphore, #tpu.memory_space<semaphore_mem>>) src(%arg9 : memref<125x128xf32, #tpu.memory_space<vmem>>) dst(%dma_wait3A_36 : memref<10240x128xf32, #tpu.memory_space<vmem_shared>>)
    %run_scoped3A_37 = arith.constant 1 : i32
    %run_scoped3A_38 = arith.constant 1 : i32
    "tpu.region"() ({
      %run_scoped3A_80 = tpu.sem_alloc : memref<!tpu.dma_semaphore, #tpu.memory_space<semaphore_mem>>
      %dma_start3A_81 = arith.constant 0 : i32
      %dma_start3A_82 = arith.constant 0 : i32
      %dma_start3A_83 = tpu.memref_slice %arg3[%run_scoped3A_37, %add3A, %run_scoped3A_38, %dma_start3A_81, %dma_start3A_82] : memref<2x32x2x40x125xi32, #tpu.memory_space<hbm>> -> memref<1x1x1x40x125xi32, #tpu.memory_space<hbm>>
      %dma_start3A_84 = tpu.memref_squeeze %dma_start3A_83 : memref<1x1x1x40x125xi32, #tpu.memory_space<hbm>> -> memref<40x125xi32, #tpu.memory_space<hbm>>
      %dma_start3A_85 = arith.constant 0 : i32
      %dma_start3A_86 = arith.constant 0 : i32
      %dma_start3A_87 = tpu.memref_slice %arg3[%run_scoped3A_37, %add3A, %run_scoped3A_38, %dma_start3A_85, %dma_start3A_86] : memref<2x32x2x40x125xi32, #tpu.memory_space<hbm>> -> memref<1x1x1x40x125xi32, #tpu.memory_space<hbm>>
      %dma_start3A_88 = tpu.memref_squeeze %dma_start3A_87 : memref<1x1x1x40x125xi32, #tpu.memory_space<hbm>> -> memref<40x125xi32, #tpu.memory_space<hbm>>
      tpu.enqueue_dma source(%dma_start3A_88 : memref<40x125xi32, #tpu.memory_space<hbm>>) target(%arg6 : memref<40x125xi32, #tpu.memory_space<vmem>>) target_semaphore(%run_scoped3A_80 : memref<!tpu.dma_semaphore, #tpu.memory_space<semaphore_mem>>)
      %dma_wait3A_89 = arith.constant 0 : i32
      %dma_wait3A_90 = arith.constant 0 : i32
      %dma_wait3A_91 = tpu.memref_slice %arg3[%run_scoped3A_37, %add3A, %run_scoped3A_38, %dma_wait3A_89, %dma_wait3A_90] : memref<2x32x2x40x125xi32, #tpu.memory_space<hbm>> -> memref<1x1x1x40x125xi32, #tpu.memory_space<hbm>>
      %dma_wait3A_92 = tpu.memref_squeeze %dma_wait3A_91 : memref<1x1x1x40x125xi32, #tpu.memory_space<hbm>> -> memref<40x125xi32, #tpu.memory_space<hbm>>
      %dma_wait3A_93 = arith.constant 0 : i32
      %dma_wait3A_94 = arith.constant 0 : i32
      %dma_wait3A_95 = tpu.memref_slice %arg3[%run_scoped3A_37, %add3A, %run_scoped3A_38, %dma_wait3A_93, %dma_wait3A_94] : memref<2x32x2x40x125xi32, #tpu.memory_space<hbm>> -> memref<1x1x1x40x125xi32, #tpu.memory_space<hbm>>
      %dma_wait3A_96 = tpu.memref_squeeze %dma_wait3A_95 : memref<1x1x1x40x125xi32, #tpu.memory_space<hbm>> -> memref<40x125xi32, #tpu.memory_space<hbm>>
      tpu.wait_dma2 semaphore(%run_scoped3A_80 : memref<!tpu.dma_semaphore, #tpu.memory_space<semaphore_mem>>) src(%dma_wait3A_96 : memref<40x125xi32, #tpu.memory_space<hbm>>) dst(%arg6 : memref<40x125xi32, #tpu.memory_space<vmem>>)
      tpu.yield
    }) : () -> ()
    %run_scoped3A_39 = arith.constant 0 : i32
    %run_scoped3A_40 = arith.constant 1 : i32
    "tpu.region"() ({
      %run_scoped3A_80 = tpu.sem_alloc : memref<!tpu.dma_semaphore, #tpu.memory_space<semaphore_mem>>
      %dma_start3A_81 = arith.constant 0 : i32
      %dma_start3A_82 = arith.constant 0 : i32
      %dma_start3A_83 = tpu.memref_slice %arg3[%run_scoped3A_39, %add3A, %run_scoped3A_40, %dma_start3A_81, %dma_start3A_82] : memref<2x32x2x40x125xi32, #tpu.memory_space<hbm>> -> memref<1x1x1x40x125xi32, #tpu.memory_space<hbm>>
      %dma_start3A_84 = tpu.memref_squeeze %dma_start3A_83 : memref<1x1x1x40x125xi32, #tpu.memory_space<hbm>> -> memref<40x125xi32, #tpu.memory_space<hbm>>
      %dma_start3A_85 = arith.constant 0 : i32
      %dma_start3A_86 = arith.constant 0 : i32
      %dma_start3A_87 = tpu.memref_slice %arg3[%run_scoped3A_39, %add3A, %run_scoped3A_40, %dma_start3A_85, %dma_start3A_86] : memref<2x32x2x40x125xi32, #tpu.memory_space<hbm>> -> memref<1x1x1x40x125xi32, #tpu.memory_space<hbm>>
      %dma_start3A_88 = tpu.memref_squeeze %dma_start3A_87 : memref<1x1x1x40x125xi32, #tpu.memory_space<hbm>> -> memref<40x125xi32, #tpu.memory_space<hbm>>
      tpu.enqueue_dma source(%dma_start3A_88 : memref<40x125xi32, #tpu.memory_space<hbm>>) target(%arg7 : memref<40x125xi32, #tpu.memory_space<vmem>>) target_semaphore(%run_scoped3A_80 : memref<!tpu.dma_semaphore, #tpu.memory_space<semaphore_mem>>)
      %dma_wait3A_89 = arith.constant 0 : i32
      %dma_wait3A_90 = arith.constant 0 : i32
      %dma_wait3A_91 = tpu.memref_slice %arg3[%run_scoped3A_39, %add3A, %run_scoped3A_40, %dma_wait3A_89, %dma_wait3A_90] : memref<2x32x2x40x125xi32, #tpu.memory_space<hbm>> -> memref<1x1x1x40x125xi32, #tpu.memory_space<hbm>>
      %dma_wait3A_92 = tpu.memref_squeeze %dma_wait3A_91 : memref<1x1x1x40x125xi32, #tpu.memory_space<hbm>> -> memref<40x125xi32, #tpu.memory_space<hbm>>
      %dma_wait3A_93 = arith.constant 0 : i32
      %dma_wait3A_94 = arith.constant 0 : i32
      %dma_wait3A_95 = tpu.memref_slice %arg3[%run_scoped3A_39, %add3A, %run_scoped3A_40, %dma_wait3A_93, %dma_wait3A_94] : memref<2x32x2x40x125xi32, #tpu.memory_space<hbm>> -> memref<1x1x1x40x125xi32, #tpu.memory_space<hbm>>
      %dma_wait3A_96 = tpu.memref_squeeze %dma_wait3A_95 : memref<1x1x1x40x125xi32, #tpu.memory_space<hbm>> -> memref<40x125xi32, #tpu.memory_space<hbm>>
      tpu.wait_dma2 semaphore(%run_scoped3A_80 : memref<!tpu.dma_semaphore, #tpu.memory_space<semaphore_mem>>) src(%dma_wait3A_96 : memref<40x125xi32, #tpu.memory_space<hbm>>) dst(%arg7 : memref<40x125xi32, #tpu.memory_space<vmem>>)
      tpu.yield
    }) : () -> ()
    %dma_start3A_41 = arith.constant 0 : i32
    %dma_start3A_42 = arith.constant 0 : i32
    %dma_start3A_43 = tpu.memref_slice %arg6[%dma_start3A_41, %dma_start3A_42] : memref<40x125xi32, #tpu.memory_space<vmem>> -> memref<1x125xi32, #tpu.memory_space<vmem>>
    %dma_start3A_44 = tpu.memref_squeeze %dma_start3A_43 : memref<1x125xi32, #tpu.memory_space<vmem>> -> memref<125xi32, #tpu.memory_space<vmem>>
    %dma_start3A_45 = arith.constant 0 : i32
    %dma_start3A_46 = arith.constant 0 : i32
    %dma_start3A_47 = tpu.memref_slice %arg2[%dma_start3A_45, %dma_start3A_46] : memref<10000x128xf32, #tpu.memory_space<hbm>> -> memref<10000x128xf32, #tpu.memory_space<hbm>>
    tpu.enqueue_indirect_dma source(%dma_start3A_47 : memref<10000x128xf32, #tpu.memory_space<hbm>>) target(%arg8 : memref<125x128xf32, #tpu.memory_space<vmem>>) offsets(%dma_start3A_44 : memref<125xi32, #tpu.memory_space<vmem>>) semaphore(%arg11 : memref<!tpu.dma_semaphore, #tpu.memory_space<semaphore_mem>>)
    %dma_start3A_48 = arith.constant 1 : i32
    %dma_start3A_49 = arith.constant 0 : i32
    %dma_start3A_50 = tpu.memref_slice %arg6[%dma_start3A_48, %dma_start3A_49] : memref<40x125xi32, #tpu.memory_space<vmem>> -> memref<1x125xi32, #tpu.memory_space<vmem>>
    %dma_start3A_51 = tpu.memref_squeeze %dma_start3A_50 : memref<1x125xi32, #tpu.memory_space<vmem>> -> memref<125xi32, #tpu.memory_space<vmem>>
    %dma_start3A_52 = arith.constant 0 : i32
    %dma_start3A_53 = arith.constant 0 : i32
    %dma_start3A_54 = tpu.memref_slice %arg2[%dma_start3A_52, %dma_start3A_53] : memref<10000x128xf32, #tpu.memory_space<hbm>> -> memref<10000x128xf32, #tpu.memory_space<hbm>>
    tpu.enqueue_indirect_dma source(%dma_start3A_54 : memref<10000x128xf32, #tpu.memory_space<hbm>>) target(%arg9 : memref<125x128xf32, #tpu.memory_space<vmem>>) offsets(%dma_start3A_51 : memref<125xi32, #tpu.memory_space<vmem>>) semaphore(%arg12 : memref<!tpu.dma_semaphore, #tpu.memory_space<semaphore_mem>>)
    %scan3A_55 = arith.constant 0 : i32
    %scan3A_56 = arith.constant 0 : i32
    %scan3A_57 = arith.constant 20 : i32
    %scan3A_58 = arith.addi %scan3A_56, %scan3A_57 : i32
    %scan3A_59 = arith.constant 1 : i32
    scf.for %scan3A_80 = %scan3A_56 to %scan3A_58 step %scan3A_59  : i32 {
      %mul3A_81 = arith.constant 2 : i32
      %mul3A_82 = arith.muli %mul3A_81, %scan3A_80 : i32
      %add3A_83 = arith.constant 0 : i32
      %add3A_84 = arith.addi %mul3A_82, %add3A_83 : i32
      %dma_wait3A_85 = arith.constant 0 : i32
      %dma_wait3A_86 = arith.constant 0 : i32
      %dma_wait3A_87 = tpu.memref_slice %arg6[%dma_wait3A_85, %dma_wait3A_86] : memref<40x125xi32, #tpu.memory_space<vmem>> -> memref<1x125xi32, #tpu.memory_space<vmem>>
      %dma_wait3A_88 = tpu.memref_squeeze %dma_wait3A_87 : memref<1x125xi32, #tpu.memory_space<vmem>> -> memref<125xi32, #tpu.memory_space<vmem>>
      %dma_wait3A_89 = arith.constant 0 : i32
      %dma_wait3A_90 = arith.constant 0 : i32
      %dma_wait3A_91 = tpu.memref_slice %arg2[%dma_wait3A_89, %dma_wait3A_90] : memref<10000x128xf32, #tpu.memory_space<hbm>> -> memref<10000x128xf32, #tpu.memory_space<hbm>>
      tpu.wait_indirect_dma semaphore(%arg11 : memref<!tpu.dma_semaphore, #tpu.memory_space<semaphore_mem>>) src(%dma_wait3A_91 : memref<10000x128xf32, #tpu.memory_space<hbm>>) dst(%arg8 : memref<125x128xf32, #tpu.memory_space<vmem>>)
      %dma_start3A_92 = arith.constant 0 : i32
      %dma_start3A_93 = tpu.memref_slice %arg7[%add3A_84, %dma_start3A_92] : memref<40x125xi32, #tpu.memory_space<vmem>> -> memref<1x125xi32, #tpu.memory_space<vmem>>
      %dma_start3A_94 = tpu.memref_squeeze %dma_start3A_93 : memref<1x125xi32, #tpu.memory_space<vmem>> -> memref<125xi32, #tpu.memory_space<vmem>>
      %dma_start3A_95 = arith.constant 0 : i32
      %dma_start3A_96 = arith.constant 0 : i32
      %dma_start3A_97 = tpu.memref_slice %arg10[%dma_start3A_95, %dma_start3A_96] : memref<10240x128xf32, #tpu.memory_space<vmem_shared>> -> memref<10240x128xf32, #tpu.memory_space<vmem_shared>>
      tpu.enqueue_indirect_dma source(%arg8 : memref<125x128xf32, #tpu.memory_space<vmem>>) target(%dma_start3A_97 : memref<10240x128xf32, #tpu.memory_space<vmem_shared>>) offsets(%dma_start3A_94 : memref<125xi32, #tpu.memory_space<vmem>>) semaphore(%arg13 : memref<!tpu.dma_semaphore, #tpu.memory_space<semaphore_mem>>) {add = true}
      %add3A_98 = arith.constant 2 : i32
      %add3A_99 = arith.addi %add3A_84, %add3A_98 : i32
      %lt3A = arith.constant 40 : i32
      %lt3A_100 = arith.cmpi slt, %add3A_99, %lt3A : i32
      %convert_element_type3A = arith.extui %lt3A_100 : i1 to i32
      %cond3A = arith.constant 0 : i32
      %cond3A_101 = arith.cmpi ne, %convert_element_type3A, %cond3A : i32
      scf.if %cond3A_101 {
        %dma_wait3A_126 = arith.constant 0 : i32
        %dma_wait3A_127 = arith.constant 0 : i32
        %dma_wait3A_128 = tpu.memref_slice %arg7[%dma_wait3A_126, %dma_wait3A_127] : memref<40x125xi32, #tpu.memory_space<vmem>> -> memref<1x125xi32, #tpu.memory_space<vmem>>
        %dma_wait3A_129 = tpu.memref_squeeze %dma_wait3A_128 : memref<1x125xi32, #tpu.memory_space<vmem>> -> memref<125xi32, #tpu.memory_space<vmem>>
        %dma_wait3A_130 = arith.constant 0 : i32
        %dma_wait3A_131 = arith.constant 0 : i32
        %dma_wait3A_132 = tpu.memref_slice %arg10[%dma_wait3A_130, %dma_wait3A_131] : memref<10240x128xf32, #tpu.memory_space<vmem_shared>> -> memref<10240x128xf32, #tpu.memory_space<vmem_shared>>
        tpu.wait_indirect_dma semaphore(%arg13 : memref<!tpu.dma_semaphore, #tpu.memory_space<semaphore_mem>>) src(%arg8 : memref<125x128xf32, #tpu.memory_space<vmem>>) dst(%dma_wait3A_132 : memref<10240x128xf32, #tpu.memory_space<vmem_shared>>)
        %add3A_133 = arith.constant 2 : i32
        %add3A_134 = arith.addi %add3A_84, %add3A_133 : i32
        %dma_start3A_135 = arith.constant 0 : i32
        %dma_start3A_136 = tpu.memref_slice %arg6[%add3A_134, %dma_start3A_135] : memref<40x125xi32, #tpu.memory_space<vmem>> -> memref<1x125xi32, #tpu.memory_space<vmem>>
        %dma_start3A_137 = tpu.memref_squeeze %dma_start3A_136 : memref<1x125xi32, #tpu.memory_space<vmem>> -> memref<125xi32, #tpu.memory_space<vmem>>
        %dma_start3A_138 = arith.constant 0 : i32
        %dma_start3A_139 = arith.constant 0 : i32
        %dma_start3A_140 = tpu.memref_slice %arg2[%dma_start3A_138, %dma_start3A_139] : memref<10000x128xf32, #tpu.memory_space<hbm>> -> memref<10000x128xf32, #tpu.memory_space<hbm>>
        tpu.enqueue_indirect_dma source(%dma_start3A_140 : memref<10000x128xf32, #tpu.memory_space<hbm>>) target(%arg8 : memref<125x128xf32, #tpu.memory_space<vmem>>) offsets(%dma_start3A_137 : memref<125xi32, #tpu.memory_space<vmem>>) semaphore(%arg11 : memref<!tpu.dma_semaphore, #tpu.memory_space<semaphore_mem>>)
      } else {
      }
      %mul3A_102 = arith.constant 2 : i32
      %mul3A_103 = arith.muli %mul3A_102, %scan3A_80 : i32
      %add3A_104 = arith.constant 1 : i32
      %add3A_105 = arith.addi %mul3A_103, %add3A_104 : i32
      %dma_wait3A_106 = arith.constant 0 : i32
      %dma_wait3A_107 = arith.constant 0 : i32
      %dma_wait3A_108 = tpu.memref_slice %arg6[%dma_wait3A_106, %dma_wait3A_107] : memref<40x125xi32, #tpu.memory_space<vmem>> -> memref<1x125xi32, #tpu.memory_space<vmem>>
      %dma_wait3A_109 = tpu.memref_squeeze %dma_wait3A_108 : memref<1x125xi32, #tpu.memory_space<vmem>> -> memref<125xi32, #tpu.memory_space<vmem>>
      %dma_wait3A_110 = arith.constant 0 : i32
      %dma_wait3A_111 = arith.constant 0 : i32
      %dma_wait3A_112 = tpu.memref_slice %arg2[%dma_wait3A_110, %dma_wait3A_111] : memref<10000x128xf32, #tpu.memory_space<hbm>> -> memref<10000x128xf32, #tpu.memory_space<hbm>>
      tpu.wait_indirect_dma semaphore(%arg12 : memref<!tpu.dma_semaphore, #tpu.memory_space<semaphore_mem>>) src(%dma_wait3A_112 : memref<10000x128xf32, #tpu.memory_space<hbm>>) dst(%arg9 : memref<125x128xf32, #tpu.memory_space<vmem>>)
      %dma_start3A_113 = arith.constant 0 : i32
      %dma_start3A_114 = tpu.memref_slice %arg7[%add3A_105, %dma_start3A_113] : memref<40x125xi32, #tpu.memory_space<vmem>> -> memref<1x125xi32, #tpu.memory_space<vmem>>
      %dma_start3A_115 = tpu.memref_squeeze %dma_start3A_114 : memref<1x125xi32, #tpu.memory_space<vmem>> -> memref<125xi32, #tpu.memory_space<vmem>>
      %dma_start3A_116 = arith.constant 0 : i32
      %dma_start3A_117 = arith.constant 0 : i32
      %dma_start3A_118 = tpu.memref_slice %arg10[%dma_start3A_116, %dma_start3A_117] : memref<10240x128xf32, #tpu.memory_space<vmem_shared>> -> memref<10240x128xf32, #tpu.memory_space<vmem_shared>>
      tpu.enqueue_indirect_dma source(%arg9 : memref<125x128xf32, #tpu.memory_space<vmem>>) target(%dma_start3A_118 : memref<10240x128xf32, #tpu.memory_space<vmem_shared>>) offsets(%dma_start3A_115 : memref<125xi32, #tpu.memory_space<vmem>>) semaphore(%arg14 : memref<!tpu.dma_semaphore, #tpu.memory_space<semaphore_mem>>) {add = true}
      %add3A_119 = arith.constant 2 : i32
      %add3A_120 = arith.addi %add3A_105, %add3A_119 : i32
      %lt3A_121 = arith.constant 40 : i32
      %lt3A_122 = arith.cmpi slt, %add3A_120, %lt3A_121 : i32
      %convert_element_type3A_123 = arith.extui %lt3A_122 : i1 to i32
      %cond3A_124 = arith.constant 0 : i32
      %cond3A_125 = arith.cmpi ne, %convert_element_type3A_123, %cond3A_124 : i32
      scf.if %cond3A_125 {
        %dma_wait3A_126 = arith.constant 0 : i32
        %dma_wait3A_127 = arith.constant 0 : i32
        %dma_wait3A_128 = tpu.memref_slice %arg7[%dma_wait3A_126, %dma_wait3A_127] : memref<40x125xi32, #tpu.memory_space<vmem>> -> memref<1x125xi32, #tpu.memory_space<vmem>>
        %dma_wait3A_129 = tpu.memref_squeeze %dma_wait3A_128 : memref<1x125xi32, #tpu.memory_space<vmem>> -> memref<125xi32, #tpu.memory_space<vmem>>
        %dma_wait3A_130 = arith.constant 0 : i32
        %dma_wait3A_131 = arith.constant 0 : i32
        %dma_wait3A_132 = tpu.memref_slice %arg10[%dma_wait3A_130, %dma_wait3A_131] : memref<10240x128xf32, #tpu.memory_space<vmem_shared>> -> memref<10240x128xf32, #tpu.memory_space<vmem_shared>>
        tpu.wait_indirect_dma semaphore(%arg14 : memref<!tpu.dma_semaphore, #tpu.memory_space<semaphore_mem>>) src(%arg9 : memref<125x128xf32, #tpu.memory_space<vmem>>) dst(%dma_wait3A_132 : memref<10240x128xf32, #tpu.memory_space<vmem_shared>>)
        %add3A_133 = arith.constant 2 : i32
        %add3A_134 = arith.addi %add3A_105, %add3A_133 : i32
        %dma_start3A_135 = arith.constant 0 : i32
        %dma_start3A_136 = tpu.memref_slice %arg6[%add3A_134, %dma_start3A_135] : memref<40x125xi32, #tpu.memory_space<vmem>> -> memref<1x125xi32, #tpu.memory_space<vmem>>
        %dma_start3A_137 = tpu.memref_squeeze %dma_start3A_136 : memref<1x125xi32, #tpu.memory_space<vmem>> -> memref<125xi32, #tpu.memory_space<vmem>>
        %dma_start3A_138 = arith.constant 0 : i32
        %dma_start3A_139 = arith.constant 0 : i32
        %dma_start3A_140 = tpu.memref_slice %arg2[%dma_start3A_138, %dma_start3A_139] : memref<10000x128xf32, #tpu.memory_space<hbm>> -> memref<10000x128xf32, #tpu.memory_space<hbm>>
        tpu.enqueue_indirect_dma source(%dma_start3A_140 : memref<10000x128xf32, #tpu.memory_space<hbm>>) target(%arg9 : memref<125x128xf32, #tpu.memory_space<vmem>>) offsets(%dma_start3A_137 : memref<125xi32, #tpu.memory_space<vmem>>) semaphore(%arg12 : memref<!tpu.dma_semaphore, #tpu.memory_space<semaphore_mem>>)
      } else {
      }
    }
    %scan3A_60 = arith.constant 20 : i32
    %dma_wait3A_61 = arith.constant 0 : i32
    %dma_wait3A_62 = arith.constant 0 : i32
    %dma_wait3A_63 = tpu.memref_slice %arg7[%dma_wait3A_61, %dma_wait3A_62] : memref<40x125xi32, #tpu.memory_space<vmem>> -> memref<1x125xi32, #tpu.memory_space<vmem>>
    %dma_wait3A_64 = tpu.memref_squeeze %dma_wait3A_63 : memref<1x125xi32, #tpu.memory_space<vmem>> -> memref<125xi32, #tpu.memory_space<vmem>>
    %dma_wait3A_65 = arith.constant 0 : i32
    %dma_wait3A_66 = arith.constant 0 : i32
    %dma_wait3A_67 = tpu.memref_slice %arg10[%dma_wait3A_65, %dma_wait3A_66] : memref<10240x128xf32, #tpu.memory_space<vmem_shared>> -> memref<10240x128xf32, #tpu.memory_space<vmem_shared>>
    tpu.wait_indirect_dma semaphore(%arg13 : memref<!tpu.dma_semaphore, #tpu.memory_space<semaphore_mem>>) src(%arg8 : memref<125x128xf32, #tpu.memory_space<vmem>>) dst(%dma_wait3A_67 : memref<10240x128xf32, #tpu.memory_space<vmem_shared>>)
    %dma_wait3A_68 = arith.constant 0 : i32
    %dma_wait3A_69 = arith.constant 0 : i32
    %dma_wait3A_70 = tpu.memref_slice %arg7[%dma_wait3A_68, %dma_wait3A_69] : memref<40x125xi32, #tpu.memory_space<vmem>> -> memref<1x125xi32, #tpu.memory_space<vmem>>
    %dma_wait3A_71 = tpu.memref_squeeze %dma_wait3A_70 : memref<1x125xi32, #tpu.memory_space<vmem>> -> memref<125xi32, #tpu.memory_space<vmem>>
    %dma_wait3A_72 = arith.constant 0 : i32
    %dma_wait3A_73 = arith.constant 0 : i32
    %dma_wait3A_74 = tpu.memref_slice %arg10[%dma_wait3A_72, %dma_wait3A_73] : memref<10240x128xf32, #tpu.memory_space<vmem_shared>> -> memref<10240x128xf32, #tpu.memory_space<vmem_shared>>
    tpu.wait_indirect_dma semaphore(%arg14 : memref<!tpu.dma_semaphore, #tpu.memory_space<semaphore_mem>>) src(%arg9 : memref<125x128xf32, #tpu.memory_space<vmem>>) dst(%dma_wait3A_74 : memref<10240x128xf32, #tpu.memory_space<vmem_shared>>)
    %barrier3A_75 = arith.constant 0 : index
    tpu.barrier barrier_id(%barrier3A_75)
    %mul3A_76 = arith.constant 640 : i32
    %mul3A_77 = arith.muli %arg1, %mul3A_76 : i32
    %mul3A_78 = arith.constant 640 : i32
    %mul3A_79 = arith.muli %arg1, %mul3A_78 : i32
    "tpu.region"() ({
      %run_scoped3A_80 = tpu.sem_alloc : memref<!tpu.dma_semaphore, #tpu.memory_space<semaphore_mem>>
      %dma_start3A_81 = arith.constant 0 : i32
      %dma_start3A_82 = tpu.memref_slice %arg5[%arg0, %mul3A_79, %dma_start3A_81] : memref<2x10240x128xf32, #tpu.memory_space<hbm>> -> memref<1x640x128xf32, #tpu.memory_space<hbm>>
      %dma_start3A_83 = tpu.memref_squeeze %dma_start3A_82 : memref<1x640x128xf32, #tpu.memory_space<hbm>> -> memref<640x128xf32, #tpu.memory_space<hbm>>
      %dma_start3A_84 = arith.constant 0 : i32
      %dma_start3A_85 = tpu.memref_slice %arg10[%mul3A_77, %dma_start3A_84] : memref<10240x128xf32, #tpu.memory_space<vmem_shared>> -> memref<640x128xf32, #tpu.memory_space<vmem_shared>>
      tpu.enqueue_dma source(%dma_start3A_85 : memref<640x128xf32, #tpu.memory_space<vmem_shared>>) target(%dma_start3A_83 : memref<640x128xf32, #tpu.memory_space<hbm>>) target_semaphore(%run_scoped3A_80 : memref<!tpu.dma_semaphore, #tpu.memory_space<semaphore_mem>>)
      %dma_wait3A_86 = arith.constant 0 : i32
      %dma_wait3A_87 = tpu.memref_slice %arg5[%arg0, %mul3A_79, %dma_wait3A_86] : memref<2x10240x128xf32, #tpu.memory_space<hbm>> -> memref<1x640x128xf32, #tpu.memory_space<hbm>>
      %dma_wait3A_88 = tpu.memref_squeeze %dma_wait3A_87 : memref<1x640x128xf32, #tpu.memory_space<hbm>> -> memref<640x128xf32, #tpu.memory_space<hbm>>
      %dma_wait3A_89 = arith.constant 0 : i32
      %dma_wait3A_90 = tpu.memref_slice %arg10[%mul3A_77, %dma_wait3A_89] : memref<10240x128xf32, #tpu.memory_space<vmem_shared>> -> memref<640x128xf32, #tpu.memory_space<vmem_shared>>
      tpu.wait_dma2 semaphore(%run_scoped3A_80 : memref<!tpu.dma_semaphore, #tpu.memory_space<semaphore_mem>>) src(%dma_wait3A_90 : memref<640x128xf32, #tpu.memory_space<vmem_shared>>) dst(%dma_wait3A_88 : memref<640x128xf32, #tpu.memory_space<hbm>>)
      tpu.yield
    }) : () -> ()
    return
  }
}

#map = affine_map<(d0, d1) -> (0, 0)>
#map1 = affine_map<(d0, d1) -> (0, 0, 0, 0, 0)>
#map2 = affine_map<(d0, d1) -> (0, 0, 0)>
module attributes {stable_mosaic.version = 14 : i64} {
  func.func @_spmm1(%arg0: i32, %arg1: i32, %arg2: memref<10000x128xf32, #tpu.memory_space<hbm>>, %arg3: memref<2x32x2x40x125xi32, #tpu.memory_space<hbm>>, %arg4: memref<640x128xf32, #tpu.memory_space<hbm>>, %arg5: memref<2x10240x128xf32, #tpu.memory_space<hbm>>, %arg6: memref<40x125xi32, #tpu.memory_space<vmem>>, %arg7: memref<40x125xi32, #tpu.memory_space<vmem>>, %arg8: memref<125x128xf32, #tpu.memory_space<vmem>>, %arg9: memref<125x128xf32, #tpu.memory_space<vmem>>, %arg10: memref<10240x128xf32, #tpu.memory_space<vmem_shared>>, %arg11: memref<!tpu.dma_semaphore, #tpu.memory_space<semaphore_mem>>, %arg12: memref<!tpu.dma_semaphore, #tpu.memory_space<semaphore_mem>>, %arg13: memref<!tpu.dma_semaphore, #tpu.memory_space<semaphore_mem>>, %arg14: memref<!tpu.dma_semaphore, #tpu.memory_space<semaphore_mem>>) attributes {dimension_semantics = [#tpu.dimension_semantics<core_parallel>, #tpu.dimension_semantics<subcore_parallel>], iteration_bounds = array<i64: 2, 16>, scalar_prefetch = 0 : i64, scratch_operands = 9 : i64, tpu.core_type = #tpu.core_type<sc_vector_subcore>, window_params = [{transform_indices = #map}, {transform_indices = #map1}, {transform_indices = #map}, {transform_indices = #map2}]} {
    %mul3A = arith.constant 16 : i32
    %mul3A_0 = arith.muli %arg0, %mul3A : i32
    %add3A = arith.addi %mul3A_0, %arg1 : i32
    %run_scoped3A = arith.constant 1 : i32
    %run_scoped3A_1 = arith.constant 0 : i32
    "tpu.region"() ({
      %run_scoped3A_80 = tpu.sem_alloc : memref<!tpu.dma_semaphore, #tpu.memory_space<semaphore_mem>>
      %dma_start3A_81 = arith.constant 0 : i32
      %dma_start3A_82 = arith.constant 0 : i32
      %dma_start3A_83 = tpu.memref_slice %arg3[%run_scoped3A, %add3A, %run_scoped3A_1, %dma_start3A_81, %dma_start3A_82] : memref<2x32x2x40x125xi32, #tpu.memory_space<hbm>> -> memref<1x1x1x40x125xi32, #tpu.memory_space<hbm>>
      %dma_start3A_84 = tpu.memref_squeeze %dma_start3A_83 : memref<1x1x1x40x125xi32, #tpu.memory_space<hbm>> -> memref<40x125xi32, #tpu.memory_space<hbm>>
      %dma_start3A_85 = arith.constant 0 : i32
      %dma_start3A_86 = arith.constant 0 : i32
      %dma_start3A_87 = tpu.memref_slice %arg3[%run_scoped3A, %add3A, %run_scoped3A_1, %dma_start3A_85, %dma_start3A_86] : memref<2x32x2x40x125xi32, #tpu.memory_space<hbm>> -> memref<1x1x1x40x125xi32, #tpu.memory_space<hbm>>
      %dma_start3A_88 = tpu.memref_squeeze %dma_start3A_87 : memref<1x1x1x40x125xi32, #tpu.memory_space<hbm>> -> memref<40x125xi32, #tpu.memory_space<hbm>>
      tpu.enqueue_dma source(%dma_start3A_88 : memref<40x125xi32, #tpu.memory_space<hbm>>) target(%arg6 : memref<40x125xi32, #tpu.memory_space<vmem>>) target_semaphore(%run_scoped3A_80 : memref<!tpu.dma_semaphore, #tpu.memory_space<semaphore_mem>>)
      %dma_wait3A_89 = arith.constant 0 : i32
      %dma_wait3A_90 = arith.constant 0 : i32
      %dma_wait3A_91 = tpu.memref_slice %arg3[%run_scoped3A, %add3A, %run_scoped3A_1, %dma_wait3A_89, %dma_wait3A_90] : memref<2x32x2x40x125xi32, #tpu.memory_space<hbm>> -> memref<1x1x1x40x125xi32, #tpu.memory_space<hbm>>
      %dma_wait3A_92 = tpu.memref_squeeze %dma_wait3A_91 : memref<1x1x1x40x125xi32, #tpu.memory_space<hbm>> -> memref<40x125xi32, #tpu.memory_space<hbm>>
      %dma_wait3A_93 = arith.constant 0 : i32
      %dma_wait3A_94 = arith.constant 0 : i32
      %dma_wait3A_95 = tpu.memref_slice %arg3[%run_scoped3A, %add3A, %run_scoped3A_1, %dma_wait3A_93, %dma_wait3A_94] : memref<2x32x2x40x125xi32, #tpu.memory_space<hbm>> -> memref<1x1x1x40x125xi32, #tpu.memory_space<hbm>>
      %dma_wait3A_96 = tpu.memref_squeeze %dma_wait3A_95 : memref<1x1x1x40x125xi32, #tpu.memory_space<hbm>> -> memref<40x125xi32, #tpu.memory_space<hbm>>
      tpu.wait_dma2 semaphore(%run_scoped3A_80 : memref<!tpu.dma_semaphore, #tpu.memory_space<semaphore_mem>>) src(%dma_wait3A_96 : memref<40x125xi32, #tpu.memory_space<hbm>>) dst(%arg6 : memref<40x125xi32, #tpu.memory_space<vmem>>)
      tpu.yield
    }) : () -> ()
    %run_scoped3A_2 = arith.constant 0 : i32
    %run_scoped3A_3 = arith.constant 0 : i32
    "tpu.region"() ({
      %run_scoped3A_80 = tpu.sem_alloc : memref<!tpu.dma_semaphore, #tpu.memory_space<semaphore_mem>>
      %dma_start3A_81 = arith.constant 0 : i32
      %dma_start3A_82 = arith.constant 0 : i32
      %dma_start3A_83 = tpu.memref_slice %arg3[%run_scoped3A_2, %add3A, %run_scoped3A_3, %dma_start3A_81, %dma_start3A_82] : memref<2x32x2x40x125xi32, #tpu.memory_space<hbm>> -> memref<1x1x1x40x125xi32, #tpu.memory_space<hbm>>
      %dma_start3A_84 = tpu.memref_squeeze %dma_start3A_83 : memref<1x1x1x40x125xi32, #tpu.memory_space<hbm>> -> memref<40x125xi32, #tpu.memory_space<hbm>>
      %dma_start3A_85 = arith.constant 0 : i32
      %dma_start3A_86 = arith.constant 0 : i32
      %dma_start3A_87 = tpu.memref_slice %arg3[%run_scoped3A_2, %add3A, %run_scoped3A_3, %dma_start3A_85, %dma_start3A_86] : memref<2x32x2x40x125xi32, #tpu.memory_space<hbm>> -> memref<1x1x1x40x125xi32, #tpu.memory_space<hbm>>
      %dma_start3A_88 = tpu.memref_squeeze %dma_start3A_87 : memref<1x1x1x40x125xi32, #tpu.memory_space<hbm>> -> memref<40x125xi32, #tpu.memory_space<hbm>>
      tpu.enqueue_dma source(%dma_start3A_88 : memref<40x125xi32, #tpu.memory_space<hbm>>) target(%arg7 : memref<40x125xi32, #tpu.memory_space<vmem>>) target_semaphore(%run_scoped3A_80 : memref<!tpu.dma_semaphore, #tpu.memory_space<semaphore_mem>>)
      %dma_wait3A_89 = arith.constant 0 : i32
      %dma_wait3A_90 = arith.constant 0 : i32
      %dma_wait3A_91 = tpu.memref_slice %arg3[%run_scoped3A_2, %add3A, %run_scoped3A_3, %dma_wait3A_89, %dma_wait3A_90] : memref<2x32x2x40x125xi32, #tpu.memory_space<hbm>> -> memref<1x1x1x40x125xi32, #tpu.memory_space<hbm>>
      %dma_wait3A_92 = tpu.memref_squeeze %dma_wait3A_91 : memref<1x1x1x40x125xi32, #tpu.memory_space<hbm>> -> memref<40x125xi32, #tpu.memory_space<hbm>>
      %dma_wait3A_93 = arith.constant 0 : i32
      %dma_wait3A_94 = arith.constant 0 : i32
      %dma_wait3A_95 = tpu.memref_slice %arg3[%run_scoped3A_2, %add3A, %run_scoped3A_3, %dma_wait3A_93, %dma_wait3A_94] : memref<2x32x2x40x125xi32, #tpu.memory_space<hbm>> -> memref<1x1x1x40x125xi32, #tpu.memory_space<hbm>>
      %dma_wait3A_96 = tpu.memref_squeeze %dma_wait3A_95 : memref<1x1x1x40x125xi32, #tpu.memory_space<hbm>> -> memref<40x125xi32, #tpu.memory_space<hbm>>
      tpu.wait_dma2 semaphore(%run_scoped3A_80 : memref<!tpu.dma_semaphore, #tpu.memory_space<semaphore_mem>>) src(%dma_wait3A_96 : memref<40x125xi32, #tpu.memory_space<hbm>>) dst(%arg7 : memref<40x125xi32, #tpu.memory_space<vmem>>)
      tpu.yield
    }) : () -> ()
    %dma_start3A = arith.constant 0 : i32
    %dma_start3A_4 = arith.constant 0 : i32
    %dma_start3A_5 = tpu.memref_slice %arg6[%dma_start3A, %dma_start3A_4] : memref<40x125xi32, #tpu.memory_space<vmem>> -> memref<1x125xi32, #tpu.memory_space<vmem>>
    %dma_start3A_6 = tpu.memref_squeeze %dma_start3A_5 : memref<1x125xi32, #tpu.memory_space<vmem>> -> memref<125xi32, #tpu.memory_space<vmem>>
    %dma_start3A_7 = arith.constant 0 : i32
    %dma_start3A_8 = arith.constant 0 : i32
    %dma_start3A_9 = tpu.memref_slice %arg2[%dma_start3A_7, %dma_start3A_8] : memref<10000x128xf32, #tpu.memory_space<hbm>> -> memref<10000x128xf32, #tpu.memory_space<hbm>>
    tpu.enqueue_indirect_dma source(%dma_start3A_9 : memref<10000x128xf32, #tpu.memory_space<hbm>>) target(%arg8 : memref<125x128xf32, #tpu.memory_space<vmem>>) offsets(%dma_start3A_6 : memref<125xi32, #tpu.memory_space<vmem>>) semaphore(%arg11 : memref<!tpu.dma_semaphore, #tpu.memory_space<semaphore_mem>>)
    %dma_start3A_10 = arith.constant 1 : i32
    %dma_start3A_11 = arith.constant 0 : i32
    %dma_start3A_12 = tpu.memref_slice %arg6[%dma_start3A_10, %dma_start3A_11] : memref<40x125xi32, #tpu.memory_space<vmem>> -> memref<1x125xi32, #tpu.memory_space<vmem>>
    %dma_start3A_13 = tpu.memref_squeeze %dma_start3A_12 : memref<1x125xi32, #tpu.memory_space<vmem>> -> memref<125xi32, #tpu.memory_space<vmem>>
    %dma_start3A_14 = arith.constant 0 : i32
    %dma_start3A_15 = arith.constant 0 : i32
    %dma_start3A_16 = tpu.memref_slice %arg2[%dma_start3A_14, %dma_start3A_15] : memref<10000x128xf32, #tpu.memory_space<hbm>> -> memref<10000x128xf32, #tpu.memory_space<hbm>>
    tpu.enqueue_indirect_dma source(%dma_start3A_16 : memref<10000x128xf32, #tpu.memory_space<hbm>>) target(%arg9 : memref<125x128xf32, #tpu.memory_space<vmem>>) offsets(%dma_start3A_13 : memref<125xi32, #tpu.memory_space<vmem>>) semaphore(%arg12 : memref<!tpu.dma_semaphore, #tpu.memory_space<semaphore_mem>>)
    %mul3A_17 = arith.constant 640 : i32
    %mul3A_18 = arith.muli %arg1, %mul3A_17 : i32
    "tpu.region"() ({
      %run_scoped3A_80 = tpu.sem_alloc : memref<!tpu.dma_semaphore, #tpu.memory_space<semaphore_mem>>
      %dma_start3A_81 = arith.constant 0 : i32
      %dma_start3A_82 = tpu.memref_slice %arg10[%mul3A_18, %dma_start3A_81] : memref<10240x128xf32, #tpu.memory_space<vmem_shared>> -> memref<640x128xf32, #tpu.memory_space<vmem_shared>>
      tpu.enqueue_dma source(%arg4 : memref<640x128xf32, #tpu.memory_space<hbm>>) target(%dma_start3A_82 : memref<640x128xf32, #tpu.memory_space<vmem_shared>>) target_semaphore(%run_scoped3A_80 : memref<!tpu.dma_semaphore, #tpu.memory_space<semaphore_mem>>)
      %dma_wait3A_83 = arith.constant 0 : i32
      %dma_wait3A_84 = tpu.memref_slice %arg10[%mul3A_18, %dma_wait3A_83] : memref<10240x128xf32, #tpu.memory_space<vmem_shared>> -> memref<640x128xf32, #tpu.memory_space<vmem_shared>>
      tpu.wait_dma2 semaphore(%run_scoped3A_80 : memref<!tpu.dma_semaphore, #tpu.memory_space<semaphore_mem>>) src(%arg4 : memref<640x128xf32, #tpu.memory_space<hbm>>) dst(%dma_wait3A_84 : memref<640x128xf32, #tpu.memory_space<vmem_shared>>)
      tpu.yield
    }) : () -> ()
    %barrier3A = arith.constant 0 : index
    tpu.barrier barrier_id(%barrier3A)
    %scan3A = arith.constant 0 : i32
    %scan3A_19 = arith.constant 0 : i32
    %scan3A_20 = arith.constant 20 : i32
    %scan3A_21 = arith.addi %scan3A_19, %scan3A_20 : i32
    %scan3A_22 = arith.constant 1 : i32
    scf.for %scan3A_80 = %scan3A_19 to %scan3A_21 step %scan3A_22  : i32 {
      %mul3A_81 = arith.constant 2 : i32
      %mul3A_82 = arith.muli %mul3A_81, %scan3A_80 : i32
      %add3A_83 = arith.constant 0 : i32
      %add3A_84 = arith.addi %mul3A_82, %add3A_83 : i32
      %dma_wait3A_85 = arith.constant 0 : i32
      %dma_wait3A_86 = arith.constant 0 : i32
      %dma_wait3A_87 = tpu.memref_slice %arg6[%dma_wait3A_85, %dma_wait3A_86] : memref<40x125xi32, #tpu.memory_space<vmem>> -> memref<1x125xi32, #tpu.memory_space<vmem>>
      %dma_wait3A_88 = tpu.memref_squeeze %dma_wait3A_87 : memref<1x125xi32, #tpu.memory_space<vmem>> -> memref<125xi32, #tpu.memory_space<vmem>>
      %dma_wait3A_89 = arith.constant 0 : i32
      %dma_wait3A_90 = arith.constant 0 : i32
      %dma_wait3A_91 = tpu.memref_slice %arg2[%dma_wait3A_89, %dma_wait3A_90] : memref<10000x128xf32, #tpu.memory_space<hbm>> -> memref<10000x128xf32, #tpu.memory_space<hbm>>
      tpu.wait_indirect_dma semaphore(%arg11 : memref<!tpu.dma_semaphore, #tpu.memory_space<semaphore_mem>>) src(%dma_wait3A_91 : memref<10000x128xf32, #tpu.memory_space<hbm>>) dst(%arg8 : memref<125x128xf32, #tpu.memory_space<vmem>>)
      %dma_start3A_92 = arith.constant 0 : i32
      %dma_start3A_93 = tpu.memref_slice %arg7[%add3A_84, %dma_start3A_92] : memref<40x125xi32, #tpu.memory_space<vmem>> -> memref<1x125xi32, #tpu.memory_space<vmem>>
      %dma_start3A_94 = tpu.memref_squeeze %dma_start3A_93 : memref<1x125xi32, #tpu.memory_space<vmem>> -> memref<125xi32, #tpu.memory_space<vmem>>
      %dma_start3A_95 = arith.constant 0 : i32
      %dma_start3A_96 = arith.constant 0 : i32
      %dma_start3A_97 = tpu.memref_slice %arg10[%dma_start3A_95, %dma_start3A_96] : memref<10240x128xf32, #tpu.memory_space<vmem_shared>> -> memref<10240x128xf32, #tpu.memory_space<vmem_shared>>
      tpu.enqueue_indirect_dma source(%arg8 : memref<125x128xf32, #tpu.memory_space<vmem>>) target(%dma_start3A_97 : memref<10240x128xf32, #tpu.memory_space<vmem_shared>>) offsets(%dma_start3A_94 : memref<125xi32, #tpu.memory_space<vmem>>) semaphore(%arg13 : memref<!tpu.dma_semaphore, #tpu.memory_space<semaphore_mem>>) {add = true}
      %add3A_98 = arith.constant 2 : i32
      %add3A_99 = arith.addi %add3A_84, %add3A_98 : i32
      %lt3A = arith.constant 40 : i32
      %lt3A_100 = arith.cmpi slt, %add3A_99, %lt3A : i32
      %convert_element_type3A = arith.extui %lt3A_100 : i1 to i32
      %cond3A = arith.constant 0 : i32
      %cond3A_101 = arith.cmpi ne, %convert_element_type3A, %cond3A : i32
      scf.if %cond3A_101 {
        %dma_wait3A_126 = arith.constant 0 : i32
        %dma_wait3A_127 = arith.constant 0 : i32
        %dma_wait3A_128 = tpu.memref_slice %arg7[%dma_wait3A_126, %dma_wait3A_127] : memref<40x125xi32, #tpu.memory_space<vmem>> -> memref<1x125xi32, #tpu.memory_space<vmem>>
        %dma_wait3A_129 = tpu.memref_squeeze %dma_wait3A_128 : memref<1x125xi32, #tpu.memory_space<vmem>> -> memref<125xi32, #tpu.memory_space<vmem>>
        %dma_wait3A_130 = arith.constant 0 : i32
        %dma_wait3A_131 = arith.constant 0 : i32
        %dma_wait3A_132 = tpu.memref_slice %arg10[%dma_wait3A_130, %dma_wait3A_131] : memref<10240x128xf32, #tpu.memory_space<vmem_shared>> -> memref<10240x128xf32, #tpu.memory_space<vmem_shared>>
        tpu.wait_indirect_dma semaphore(%arg13 : memref<!tpu.dma_semaphore, #tpu.memory_space<semaphore_mem>>) src(%arg8 : memref<125x128xf32, #tpu.memory_space<vmem>>) dst(%dma_wait3A_132 : memref<10240x128xf32, #tpu.memory_space<vmem_shared>>)
        %add3A_133 = arith.constant 2 : i32
        %add3A_134 = arith.addi %add3A_84, %add3A_133 : i32
        %dma_start3A_135 = arith.constant 0 : i32
        %dma_start3A_136 = tpu.memref_slice %arg6[%add3A_134, %dma_start3A_135] : memref<40x125xi32, #tpu.memory_space<vmem>> -> memref<1x125xi32, #tpu.memory_space<vmem>>
        %dma_start3A_137 = tpu.memref_squeeze %dma_start3A_136 : memref<1x125xi32, #tpu.memory_space<vmem>> -> memref<125xi32, #tpu.memory_space<vmem>>
        %dma_start3A_138 = arith.constant 0 : i32
        %dma_start3A_139 = arith.constant 0 : i32
        %dma_start3A_140 = tpu.memref_slice %arg2[%dma_start3A_138, %dma_start3A_139] : memref<10000x128xf32, #tpu.memory_space<hbm>> -> memref<10000x128xf32, #tpu.memory_space<hbm>>
        tpu.enqueue_indirect_dma source(%dma_start3A_140 : memref<10000x128xf32, #tpu.memory_space<hbm>>) target(%arg8 : memref<125x128xf32, #tpu.memory_space<vmem>>) offsets(%dma_start3A_137 : memref<125xi32, #tpu.memory_space<vmem>>) semaphore(%arg11 : memref<!tpu.dma_semaphore, #tpu.memory_space<semaphore_mem>>)
      } else {
      }
      %mul3A_102 = arith.constant 2 : i32
      %mul3A_103 = arith.muli %mul3A_102, %scan3A_80 : i32
      %add3A_104 = arith.constant 1 : i32
      %add3A_105 = arith.addi %mul3A_103, %add3A_104 : i32
      %dma_wait3A_106 = arith.constant 0 : i32
      %dma_wait3A_107 = arith.constant 0 : i32
      %dma_wait3A_108 = tpu.memref_slice %arg6[%dma_wait3A_106, %dma_wait3A_107] : memref<40x125xi32, #tpu.memory_space<vmem>> -> memref<1x125xi32, #tpu.memory_space<vmem>>
      %dma_wait3A_109 = tpu.memref_squeeze %dma_wait3A_108 : memref<1x125xi32, #tpu.memory_space<vmem>> -> memref<125xi32, #tpu.memory_space<vmem>>
      %dma_wait3A_110 = arith.constant 0 : i32
      %dma_wait3A_111 = arith.constant 0 : i32
      %dma_wait3A_112 = tpu.memref_slice %arg2[%dma_wait3A_110, %dma_wait3A_111] : memref<10000x128xf32, #tpu.memory_space<hbm>> -> memref<10000x128xf32, #tpu.memory_space<hbm>>
      tpu.wait_indirect_dma semaphore(%arg12 : memref<!tpu.dma_semaphore, #tpu.memory_space<semaphore_mem>>) src(%dma_wait3A_112 : memref<10000x128xf32, #tpu.memory_space<hbm>>) dst(%arg9 : memref<125x128xf32, #tpu.memory_space<vmem>>)
      %dma_start3A_113 = arith.constant 0 : i32
      %dma_start3A_114 = tpu.memref_slice %arg7[%add3A_105, %dma_start3A_113] : memref<40x125xi32, #tpu.memory_space<vmem>> -> memref<1x125xi32, #tpu.memory_space<vmem>>
      %dma_start3A_115 = tpu.memref_squeeze %dma_start3A_114 : memref<1x125xi32, #tpu.memory_space<vmem>> -> memref<125xi32, #tpu.memory_space<vmem>>
      %dma_start3A_116 = arith.constant 0 : i32
      %dma_start3A_117 = arith.constant 0 : i32
      %dma_start3A_118 = tpu.memref_slice %arg10[%dma_start3A_116, %dma_start3A_117] : memref<10240x128xf32, #tpu.memory_space<vmem_shared>> -> memref<10240x128xf32, #tpu.memory_space<vmem_shared>>
      tpu.enqueue_indirect_dma source(%arg9 : memref<125x128xf32, #tpu.memory_space<vmem>>) target(%dma_start3A_118 : memref<10240x128xf32, #tpu.memory_space<vmem_shared>>) offsets(%dma_start3A_115 : memref<125xi32, #tpu.memory_space<vmem>>) semaphore(%arg14 : memref<!tpu.dma_semaphore, #tpu.memory_space<semaphore_mem>>) {add = true}
      %add3A_119 = arith.constant 2 : i32
      %add3A_120 = arith.addi %add3A_105, %add3A_119 : i32
      %lt3A_121 = arith.constant 40 : i32
      %lt3A_122 = arith.cmpi slt, %add3A_120, %lt3A_121 : i32
      %convert_element_type3A_123 = arith.extui %lt3A_122 : i1 to i32
      %cond3A_124 = arith.constant 0 : i32
      %cond3A_125 = arith.cmpi ne, %convert_element_type3A_123, %cond3A_124 : i32
      scf.if %cond3A_125 {
        %dma_wait3A_126 = arith.constant 0 : i32
        %dma_wait3A_127 = arith.constant 0 : i32
        %dma_wait3A_128 = tpu.memref_slice %arg7[%dma_wait3A_126, %dma_wait3A_127] : memref<40x125xi32, #tpu.memory_space<vmem>> -> memref<1x125xi32, #tpu.memory_space<vmem>>
        %dma_wait3A_129 = tpu.memref_squeeze %dma_wait3A_128 : memref<1x125xi32, #tpu.memory_space<vmem>> -> memref<125xi32, #tpu.memory_space<vmem>>
        %dma_wait3A_130 = arith.constant 0 : i32
        %dma_wait3A_131 = arith.constant 0 : i32
        %dma_wait3A_132 = tpu.memref_slice %arg10[%dma_wait3A_130, %dma_wait3A_131] : memref<10240x128xf32, #tpu.memory_space<vmem_shared>> -> memref<10240x128xf32, #tpu.memory_space<vmem_shared>>
        tpu.wait_indirect_dma semaphore(%arg14 : memref<!tpu.dma_semaphore, #tpu.memory_space<semaphore_mem>>) src(%arg9 : memref<125x128xf32, #tpu.memory_space<vmem>>) dst(%dma_wait3A_132 : memref<10240x128xf32, #tpu.memory_space<vmem_shared>>)
        %add3A_133 = arith.constant 2 : i32
        %add3A_134 = arith.addi %add3A_105, %add3A_133 : i32
        %dma_start3A_135 = arith.constant 0 : i32
        %dma_start3A_136 = tpu.memref_slice %arg6[%add3A_134, %dma_start3A_135] : memref<40x125xi32, #tpu.memory_space<vmem>> -> memref<1x125xi32, #tpu.memory_space<vmem>>
        %dma_start3A_137 = tpu.memref_squeeze %dma_start3A_136 : memref<1x125xi32, #tpu.memory_space<vmem>> -> memref<125xi32, #tpu.memory_space<vmem>>
        %dma_start3A_138 = arith.constant 0 : i32
        %dma_start3A_139 = arith.constant 0 : i32
        %dma_start3A_140 = tpu.memref_slice %arg2[%dma_start3A_138, %dma_start3A_139] : memref<10000x128xf32, #tpu.memory_space<hbm>> -> memref<10000x128xf32, #tpu.memory_space<hbm>>
        tpu.enqueue_indirect_dma source(%dma_start3A_140 : memref<10000x128xf32, #tpu.memory_space<hbm>>) target(%arg9 : memref<125x128xf32, #tpu.memory_space<vmem>>) offsets(%dma_start3A_137 : memref<125xi32, #tpu.memory_space<vmem>>) semaphore(%arg12 : memref<!tpu.dma_semaphore, #tpu.memory_space<semaphore_mem>>)
      } else {
      }
    }
    %scan3A_23 = arith.constant 20 : i32
    %dma_wait3A = arith.constant 0 : i32
    %dma_wait3A_24 = arith.constant 0 : i32
    %dma_wait3A_25 = tpu.memref_slice %arg7[%dma_wait3A, %dma_wait3A_24] : memref<40x125xi32, #tpu.memory_space<vmem>> -> memref<1x125xi32, #tpu.memory_space<vmem>>
    %dma_wait3A_26 = tpu.memref_squeeze %dma_wait3A_25 : memref<1x125xi32, #tpu.memory_space<vmem>> -> memref<125xi32, #tpu.memory_space<vmem>>
    %dma_wait3A_27 = arith.constant 0 : i32
    %dma_wait3A_28 = arith.constant 0 : i32
    %dma_wait3A_29 = tpu.memref_slice %arg10[%dma_wait3A_27, %dma_wait3A_28] : memref<10240x128xf32, #tpu.memory_space<vmem_shared>> -> memref<10240x128xf32, #tpu.memory_space<vmem_shared>>
    tpu.wait_indirect_dma semaphore(%arg13 : memref<!tpu.dma_semaphore, #tpu.memory_space<semaphore_mem>>) src(%arg8 : memref<125x128xf32, #tpu.memory_space<vmem>>) dst(%dma_wait3A_29 : memref<10240x128xf32, #tpu.memory_space<vmem_shared>>)
    %dma_wait3A_30 = arith.constant 0 : i32
    %dma_wait3A_31 = arith.constant 0 : i32
    %dma_wait3A_32 = tpu.memref_slice %arg7[%dma_wait3A_30, %dma_wait3A_31] : memref<40x125xi32, #tpu.memory_space<vmem>> -> memref<1x125xi32, #tpu.memory_space<vmem>>
    %dma_wait3A_33 = tpu.memref_squeeze %dma_wait3A_32 : memref<1x125xi32, #tpu.memory_space<vmem>> -> memref<125xi32, #tpu.memory_space<vmem>>
    %dma_wait3A_34 = arith.constant 0 : i32
    %dma_wait3A_35 = arith.constant 0 : i32
    %dma_wait3A_36 = tpu.memref_slice %arg10[%dma_wait3A_34, %dma_wait3A_35] : memref<10240x128xf32, #tpu.memory_space<vmem_shared>> -> memref<10240x128xf32, #tpu.memory_space<vmem_shared>>
    tpu.wait_indirect_dma semaphore(%arg14 : memref<!tpu.dma_semaphore, #tpu.memory_space<semaphore_mem>>) src(%arg9 : memref<125x128xf32, #tpu.memory_space<vmem>>) dst(%dma_wait3A_36 : memref<10240x128xf32, #tpu.memory_space<vmem_shared>>)
    %run_scoped3A_37 = arith.constant 1 : i32
    %run_scoped3A_38 = arith.constant 1 : i32
    "tpu.region"() ({
      %run_scoped3A_80 = tpu.sem_alloc : memref<!tpu.dma_semaphore, #tpu.memory_space<semaphore_mem>>
      %dma_start3A_81 = arith.constant 0 : i32
      %dma_start3A_82 = arith.constant 0 : i32
      %dma_start3A_83 = tpu.memref_slice %arg3[%run_scoped3A_37, %add3A, %run_scoped3A_38, %dma_start3A_81, %dma_start3A_82] : memref<2x32x2x40x125xi32, #tpu.memory_space<hbm>> -> memref<1x1x1x40x125xi32, #tpu.memory_space<hbm>>
      %dma_start3A_84 = tpu.memref_squeeze %dma_start3A_83 : memref<1x1x1x40x125xi32, #tpu.memory_space<hbm>> -> memref<40x125xi32, #tpu.memory_space<hbm>>
      %dma_start3A_85 = arith.constant 0 : i32
      %dma_start3A_86 = arith.constant 0 : i32
      %dma_start3A_87 = tpu.memref_slice %arg3[%run_scoped3A_37, %add3A, %run_scoped3A_38, %dma_start3A_85, %dma_start3A_86] : memref<2x32x2x40x125xi32, #tpu.memory_space<hbm>> -> memref<1x1x1x40x125xi32, #tpu.memory_space<hbm>>
      %dma_start3A_88 = tpu.memref_squeeze %dma_start3A_87 : memref<1x1x1x40x125xi32, #tpu.memory_space<hbm>> -> memref<40x125xi32, #tpu.memory_space<hbm>>
      tpu.enqueue_dma source(%dma_start3A_88 : memref<40x125xi32, #tpu.memory_space<hbm>>) target(%arg6 : memref<40x125xi32, #tpu.memory_space<vmem>>) target_semaphore(%run_scoped3A_80 : memref<!tpu.dma_semaphore, #tpu.memory_space<semaphore_mem>>)
      %dma_wait3A_89 = arith.constant 0 : i32
      %dma_wait3A_90 = arith.constant 0 : i32
      %dma_wait3A_91 = tpu.memref_slice %arg3[%run_scoped3A_37, %add3A, %run_scoped3A_38, %dma_wait3A_89, %dma_wait3A_90] : memref<2x32x2x40x125xi32, #tpu.memory_space<hbm>> -> memref<1x1x1x40x125xi32, #tpu.memory_space<hbm>>
      %dma_wait3A_92 = tpu.memref_squeeze %dma_wait3A_91 : memref<1x1x1x40x125xi32, #tpu.memory_space<hbm>> -> memref<40x125xi32, #tpu.memory_space<hbm>>
      %dma_wait3A_93 = arith.constant 0 : i32
      %dma_wait3A_94 = arith.constant 0 : i32
      %dma_wait3A_95 = tpu.memref_slice %arg3[%run_scoped3A_37, %add3A, %run_scoped3A_38, %dma_wait3A_93, %dma_wait3A_94] : memref<2x32x2x40x125xi32, #tpu.memory_space<hbm>> -> memref<1x1x1x40x125xi32, #tpu.memory_space<hbm>>
      %dma_wait3A_96 = tpu.memref_squeeze %dma_wait3A_95 : memref<1x1x1x40x125xi32, #tpu.memory_space<hbm>> -> memref<40x125xi32, #tpu.memory_space<hbm>>
      tpu.wait_dma2 semaphore(%run_scoped3A_80 : memref<!tpu.dma_semaphore, #tpu.memory_space<semaphore_mem>>) src(%dma_wait3A_96 : memref<40x125xi32, #tpu.memory_space<hbm>>) dst(%arg6 : memref<40x125xi32, #tpu.memory_space<vmem>>)
      tpu.yield
    }) : () -> ()
    %run_scoped3A_39 = arith.constant 0 : i32
    %run_scoped3A_40 = arith.constant 1 : i32
    "tpu.region"() ({
      %run_scoped3A_80 = tpu.sem_alloc : memref<!tpu.dma_semaphore, #tpu.memory_space<semaphore_mem>>
      %dma_start3A_81 = arith.constant 0 : i32
      %dma_start3A_82 = arith.constant 0 : i32
      %dma_start3A_83 = tpu.memref_slice %arg3[%run_scoped3A_39, %add3A, %run_scoped3A_40, %dma_start3A_81, %dma_start3A_82] : memref<2x32x2x40x125xi32, #tpu.memory_space<hbm>> -> memref<1x1x1x40x125xi32, #tpu.memory_space<hbm>>
      %dma_start3A_84 = tpu.memref_squeeze %dma_start3A_83 : memref<1x1x1x40x125xi32, #tpu.memory_space<hbm>> -> memref<40x125xi32, #tpu.memory_space<hbm>>
      %dma_start3A_85 = arith.constant 0 : i32
      %dma_start3A_86 = arith.constant 0 : i32
      %dma_start3A_87 = tpu.memref_slice %arg3[%run_scoped3A_39, %add3A, %run_scoped3A_40, %dma_start3A_85, %dma_start3A_86] : memref<2x32x2x40x125xi32, #tpu.memory_space<hbm>> -> memref<1x1x1x40x125xi32, #tpu.memory_space<hbm>>
      %dma_start3A_88 = tpu.memref_squeeze %dma_start3A_87 : memref<1x1x1x40x125xi32, #tpu.memory_space<hbm>> -> memref<40x125xi32, #tpu.memory_space<hbm>>
      tpu.enqueue_dma source(%dma_start3A_88 : memref<40x125xi32, #tpu.memory_space<hbm>>) target(%arg7 : memref<40x125xi32, #tpu.memory_space<vmem>>) target_semaphore(%run_scoped3A_80 : memref<!tpu.dma_semaphore, #tpu.memory_space<semaphore_mem>>)
      %dma_wait3A_89 = arith.constant 0 : i32
      %dma_wait3A_90 = arith.constant 0 : i32
      %dma_wait3A_91 = tpu.memref_slice %arg3[%run_scoped3A_39, %add3A, %run_scoped3A_40, %dma_wait3A_89, %dma_wait3A_90] : memref<2x32x2x40x125xi32, #tpu.memory_space<hbm>> -> memref<1x1x1x40x125xi32, #tpu.memory_space<hbm>>
      %dma_wait3A_92 = tpu.memref_squeeze %dma_wait3A_91 : memref<1x1x1x40x125xi32, #tpu.memory_space<hbm>> -> memref<40x125xi32, #tpu.memory_space<hbm>>
      %dma_wait3A_93 = arith.constant 0 : i32
      %dma_wait3A_94 = arith.constant 0 : i32
      %dma_wait3A_95 = tpu.memref_slice %arg3[%run_scoped3A_39, %add3A, %run_scoped3A_40, %dma_wait3A_93, %dma_wait3A_94] : memref<2x32x2x40x125xi32, #tpu.memory_space<hbm>> -> memref<1x1x1x40x125xi32, #tpu.memory_space<hbm>>
      %dma_wait3A_96 = tpu.memref_squeeze %dma_wait3A_95 : memref<1x1x1x40x125xi32, #tpu.memory_space<hbm>> -> memref<40x125xi32, #tpu.memory_space<hbm>>
      tpu.wait_dma2 semaphore(%run_scoped3A_80 : memref<!tpu.dma_semaphore, #tpu.memory_space<semaphore_mem>>) src(%dma_wait3A_96 : memref<40x125xi32, #tpu.memory_space<hbm>>) dst(%arg7 : memref<40x125xi32, #tpu.memory_space<vmem>>)
      tpu.yield
    }) : () -> ()
    %dma_start3A_41 = arith.constant 0 : i32
    %dma_start3A_42 = arith.constant 0 : i32
    %dma_start3A_43 = tpu.memref_slice %arg6[%dma_start3A_41, %dma_start3A_42] : memref<40x125xi32, #tpu.memory_space<vmem>> -> memref<1x125xi32, #tpu.memory_space<vmem>>
    %dma_start3A_44 = tpu.memref_squeeze %dma_start3A_43 : memref<1x125xi32, #tpu.memory_space<vmem>> -> memref<125xi32, #tpu.memory_space<vmem>>
    %dma_start3A_45 = arith.constant 0 : i32
    %dma_start3A_46 = arith.constant 0 : i32
    %dma_start3A_47 = tpu.memref_slice %arg2[%dma_start3A_45, %dma_start3A_46] : memref<10000x128xf32, #tpu.memory_space<hbm>> -> memref<10000x128xf32, #tpu.memory_space<hbm>>
    tpu.enqueue_indirect_dma source(%dma_start3A_47 : memref<10000x128xf32, #tpu.memory_space<hbm>>) target(%arg8 : memref<125x128xf32, #tpu.memory_space<vmem>>) offsets(%dma_start3A_44 : memref<125xi32, #tpu.memory_space<vmem>>) semaphore(%arg11 : memref<!tpu.dma_semaphore, #tpu.memory_space<semaphore_mem>>)
    %dma_start3A_48 = arith.constant 1 : i32
    %dma_start3A_49 = arith.constant 0 : i32
    %dma_start3A_50 = tpu.memref_slice %arg6[%dma_start3A_48, %dma_start3A_49] : memref<40x125xi32, #tpu.memory_space<vmem>> -> memref<1x125xi32, #tpu.memory_space<vmem>>
    %dma_start3A_51 = tpu.memref_squeeze %dma_start3A_50 : memref<1x125xi32, #tpu.memory_space<vmem>> -> memref<125xi32, #tpu.memory_space<vmem>>
    %dma_start3A_52 = arith.constant 0 : i32
    %dma_start3A_53 = arith.constant 0 : i32
    %dma_start3A_54 = tpu.memref_slice %arg2[%dma_start3A_52, %dma_start3A_53] : memref<10000x128xf32, #tpu.memory_space<hbm>> -> memref<10000x128xf32, #tpu.memory_space<hbm>>
    tpu.enqueue_indirect_dma source(%dma_start3A_54 : memref<10000x128xf32, #tpu.memory_space<hbm>>) target(%arg9 : memref<125x128xf32, #tpu.memory_space<vmem>>) offsets(%dma_start3A_51 : memref<125xi32, #tpu.memory_space<vmem>>) semaphore(%arg12 : memref<!tpu.dma_semaphore, #tpu.memory_space<semaphore_mem>>)
    %scan3A_55 = arith.constant 0 : i32
    %scan3A_56 = arith.constant 0 : i32
    %scan3A_57 = arith.constant 20 : i32
    %scan3A_58 = arith.addi %scan3A_56, %scan3A_57 : i32
    %scan3A_59 = arith.constant 1 : i32
    scf.for %scan3A_80 = %scan3A_56 to %scan3A_58 step %scan3A_59  : i32 {
      %mul3A_81 = arith.constant 2 : i32
      %mul3A_82 = arith.muli %mul3A_81, %scan3A_80 : i32
      %add3A_83 = arith.constant 0 : i32
      %add3A_84 = arith.addi %mul3A_82, %add3A_83 : i32
      %dma_wait3A_85 = arith.constant 0 : i32
      %dma_wait3A_86 = arith.constant 0 : i32
      %dma_wait3A_87 = tpu.memref_slice %arg6[%dma_wait3A_85, %dma_wait3A_86] : memref<40x125xi32, #tpu.memory_space<vmem>> -> memref<1x125xi32, #tpu.memory_space<vmem>>
      %dma_wait3A_88 = tpu.memref_squeeze %dma_wait3A_87 : memref<1x125xi32, #tpu.memory_space<vmem>> -> memref<125xi32, #tpu.memory_space<vmem>>
      %dma_wait3A_89 = arith.constant 0 : i32
      %dma_wait3A_90 = arith.constant 0 : i32
      %dma_wait3A_91 = tpu.memref_slice %arg2[%dma_wait3A_89, %dma_wait3A_90] : memref<10000x128xf32, #tpu.memory_space<hbm>> -> memref<10000x128xf32, #tpu.memory_space<hbm>>
      tpu.wait_indirect_dma semaphore(%arg11 : memref<!tpu.dma_semaphore, #tpu.memory_space<semaphore_mem>>) src(%dma_wait3A_91 : memref<10000x128xf32, #tpu.memory_space<hbm>>) dst(%arg8 : memref<125x128xf32, #tpu.memory_space<vmem>>)
      %dma_start3A_92 = arith.constant 0 : i32
      %dma_start3A_93 = tpu.memref_slice %arg7[%add3A_84, %dma_start3A_92] : memref<40x125xi32, #tpu.memory_space<vmem>> -> memref<1x125xi32, #tpu.memory_space<vmem>>
      %dma_start3A_94 = tpu.memref_squeeze %dma_start3A_93 : memref<1x125xi32, #tpu.memory_space<vmem>> -> memref<125xi32, #tpu.memory_space<vmem>>
      %dma_start3A_95 = arith.constant 0 : i32
      %dma_start3A_96 = arith.constant 0 : i32
      %dma_start3A_97 = tpu.memref_slice %arg10[%dma_start3A_95, %dma_start3A_96] : memref<10240x128xf32, #tpu.memory_space<vmem_shared>> -> memref<10240x128xf32, #tpu.memory_space<vmem_shared>>
      tpu.enqueue_indirect_dma source(%arg8 : memref<125x128xf32, #tpu.memory_space<vmem>>) target(%dma_start3A_97 : memref<10240x128xf32, #tpu.memory_space<vmem_shared>>) offsets(%dma_start3A_94 : memref<125xi32, #tpu.memory_space<vmem>>) semaphore(%arg13 : memref<!tpu.dma_semaphore, #tpu.memory_space<semaphore_mem>>) {add = true}
      %add3A_98 = arith.constant 2 : i32
      %add3A_99 = arith.addi %add3A_84, %add3A_98 : i32
      %lt3A = arith.constant 40 : i32
      %lt3A_100 = arith.cmpi slt, %add3A_99, %lt3A : i32
      %convert_element_type3A = arith.extui %lt3A_100 : i1 to i32
      %cond3A = arith.constant 0 : i32
      %cond3A_101 = arith.cmpi ne, %convert_element_type3A, %cond3A : i32
      scf.if %cond3A_101 {
        %dma_wait3A_126 = arith.constant 0 : i32
        %dma_wait3A_127 = arith.constant 0 : i32
        %dma_wait3A_128 = tpu.memref_slice %arg7[%dma_wait3A_126, %dma_wait3A_127] : memref<40x125xi32, #tpu.memory_space<vmem>> -> memref<1x125xi32, #tpu.memory_space<vmem>>
        %dma_wait3A_129 = tpu.memref_squeeze %dma_wait3A_128 : memref<1x125xi32, #tpu.memory_space<vmem>> -> memref<125xi32, #tpu.memory_space<vmem>>
        %dma_wait3A_130 = arith.constant 0 : i32
        %dma_wait3A_131 = arith.constant 0 : i32
        %dma_wait3A_132 = tpu.memref_slice %arg10[%dma_wait3A_130, %dma_wait3A_131] : memref<10240x128xf32, #tpu.memory_space<vmem_shared>> -> memref<10240x128xf32, #tpu.memory_space<vmem_shared>>
        tpu.wait_indirect_dma semaphore(%arg13 : memref<!tpu.dma_semaphore, #tpu.memory_space<semaphore_mem>>) src(%arg8 : memref<125x128xf32, #tpu.memory_space<vmem>>) dst(%dma_wait3A_132 : memref<10240x128xf32, #tpu.memory_space<vmem_shared>>)
        %add3A_133 = arith.constant 2 : i32
        %add3A_134 = arith.addi %add3A_84, %add3A_133 : i32
        %dma_start3A_135 = arith.constant 0 : i32
        %dma_start3A_136 = tpu.memref_slice %arg6[%add3A_134, %dma_start3A_135] : memref<40x125xi32, #tpu.memory_space<vmem>> -> memref<1x125xi32, #tpu.memory_space<vmem>>
        %dma_start3A_137 = tpu.memref_squeeze %dma_start3A_136 : memref<1x125xi32, #tpu.memory_space<vmem>> -> memref<125xi32, #tpu.memory_space<vmem>>
        %dma_start3A_138 = arith.constant 0 : i32
        %dma_start3A_139 = arith.constant 0 : i32
        %dma_start3A_140 = tpu.memref_slice %arg2[%dma_start3A_138, %dma_start3A_139] : memref<10000x128xf32, #tpu.memory_space<hbm>> -> memref<10000x128xf32, #tpu.memory_space<hbm>>
        tpu.enqueue_indirect_dma source(%dma_start3A_140 : memref<10000x128xf32, #tpu.memory_space<hbm>>) target(%arg8 : memref<125x128xf32, #tpu.memory_space<vmem>>) offsets(%dma_start3A_137 : memref<125xi32, #tpu.memory_space<vmem>>) semaphore(%arg11 : memref<!tpu.dma_semaphore, #tpu.memory_space<semaphore_mem>>)
      } else {
      }
      %mul3A_102 = arith.constant 2 : i32
      %mul3A_103 = arith.muli %mul3A_102, %scan3A_80 : i32
      %add3A_104 = arith.constant 1 : i32
      %add3A_105 = arith.addi %mul3A_103, %add3A_104 : i32
      %dma_wait3A_106 = arith.constant 0 : i32
      %dma_wait3A_107 = arith.constant 0 : i32
      %dma_wait3A_108 = tpu.memref_slice %arg6[%dma_wait3A_106, %dma_wait3A_107] : memref<40x125xi32, #tpu.memory_space<vmem>> -> memref<1x125xi32, #tpu.memory_space<vmem>>
      %dma_wait3A_109 = tpu.memref_squeeze %dma_wait3A_108 : memref<1x125xi32, #tpu.memory_space<vmem>> -> memref<125xi32, #tpu.memory_space<vmem>>
      %dma_wait3A_110 = arith.constant 0 : i32
      %dma_wait3A_111 = arith.constant 0 : i32
      %dma_wait3A_112 = tpu.memref_slice %arg2[%dma_wait3A_110, %dma_wait3A_111] : memref<10000x128xf32, #tpu.memory_space<hbm>> -> memref<10000x128xf32, #tpu.memory_space<hbm>>
      tpu.wait_indirect_dma semaphore(%arg12 : memref<!tpu.dma_semaphore, #tpu.memory_space<semaphore_mem>>) src(%dma_wait3A_112 : memref<10000x128xf32, #tpu.memory_space<hbm>>) dst(%arg9 : memref<125x128xf32, #tpu.memory_space<vmem>>)
      %dma_start3A_113 = arith.constant 0 : i32
      %dma_start3A_114 = tpu.memref_slice %arg7[%add3A_105, %dma_start3A_113] : memref<40x125xi32, #tpu.memory_space<vmem>> -> memref<1x125xi32, #tpu.memory_space<vmem>>
      %dma_start3A_115 = tpu.memref_squeeze %dma_start3A_114 : memref<1x125xi32, #tpu.memory_space<vmem>> -> memref<125xi32, #tpu.memory_space<vmem>>
      %dma_start3A_116 = arith.constant 0 : i32
      %dma_start3A_117 = arith.constant 0 : i32
      %dma_start3A_118 = tpu.memref_slice %arg10[%dma_start3A_116, %dma_start3A_117] : memref<10240x128xf32, #tpu.memory_space<vmem_shared>> -> memref<10240x128xf32, #tpu.memory_space<vmem_shared>>
      tpu.enqueue_indirect_dma source(%arg9 : memref<125x128xf32, #tpu.memory_space<vmem>>) target(%dma_start3A_118 : memref<10240x128xf32, #tpu.memory_space<vmem_shared>>) offsets(%dma_start3A_115 : memref<125xi32, #tpu.memory_space<vmem>>) semaphore(%arg14 : memref<!tpu.dma_semaphore, #tpu.memory_space<semaphore_mem>>) {add = true}
      %add3A_119 = arith.constant 2 : i32
      %add3A_120 = arith.addi %add3A_105, %add3A_119 : i32
      %lt3A_121 = arith.constant 40 : i32
      %lt3A_122 = arith.cmpi slt, %add3A_120, %lt3A_121 : i32
      %convert_element_type3A_123 = arith.extui %lt3A_122 : i1 to i32
      %cond3A_124 = arith.constant 0 : i32
      %cond3A_125 = arith.cmpi ne, %convert_element_type3A_123, %cond3A_124 : i32
      scf.if %cond3A_125 {
        %dma_wait3A_126 = arith.constant 0 : i32
        %dma_wait3A_127 = arith.constant 0 : i32
        %dma_wait3A_128 = tpu.memref_slice %arg7[%dma_wait3A_126, %dma_wait3A_127] : memref<40x125xi32, #tpu.memory_space<vmem>> -> memref<1x125xi32, #tpu.memory_space<vmem>>
        %dma_wait3A_129 = tpu.memref_squeeze %dma_wait3A_128 : memref<1x125xi32, #tpu.memory_space<vmem>> -> memref<125xi32, #tpu.memory_space<vmem>>
        %dma_wait3A_130 = arith.constant 0 : i32
        %dma_wait3A_131 = arith.constant 0 : i32
        %dma_wait3A_132 = tpu.memref_slice %arg10[%dma_wait3A_130, %dma_wait3A_131] : memref<10240x128xf32, #tpu.memory_space<vmem_shared>> -> memref<10240x128xf32, #tpu.memory_space<vmem_shared>>
        tpu.wait_indirect_dma semaphore(%arg14 : memref<!tpu.dma_semaphore, #tpu.memory_space<semaphore_mem>>) src(%arg9 : memref<125x128xf32, #tpu.memory_space<vmem>>) dst(%dma_wait3A_132 : memref<10240x128xf32, #tpu.memory_space<vmem_shared>>)
        %add3A_133 = arith.constant 2 : i32
        %add3A_134 = arith.addi %add3A_105, %add3A_133 : i32
        %dma_start3A_135 = arith.constant 0 : i32
        %dma_start3A_136 = tpu.memref_slice %arg6[%add3A_134, %dma_start3A_135] : memref<40x125xi32, #tpu.memory_space<vmem>> -> memref<1x125xi32, #tpu.memory_space<vmem>>
        %dma_start3A_137 = tpu.memref_squeeze %dma_start3A_136 : memref<1x125xi32, #tpu.memory_space<vmem>> -> memref<125xi32, #tpu.memory_space<vmem>>
        %dma_start3A_138 = arith.constant 0 : i32
        %dma_start3A_139 = arith.constant 0 : i32
        %dma_start3A_140 = tpu.memref_slice %arg2[%dma_start3A_138, %dma_start3A_139] : memref<10000x128xf32, #tpu.memory_space<hbm>> -> memref<10000x128xf32, #tpu.memory_space<hbm>>
        tpu.enqueue_indirect_dma source(%dma_start3A_140 : memref<10000x128xf32, #tpu.memory_space<hbm>>) target(%arg9 : memref<125x128xf32, #tpu.memory_space<vmem>>) offsets(%dma_start3A_137 : memref<125xi32, #tpu.memory_space<vmem>>) semaphore(%arg12 : memref<!tpu.dma_semaphore, #tpu.memory_space<semaphore_mem>>)
      } else {
      }
    }
    %scan3A_60 = arith.constant 20 : i32
    %dma_wait3A_61 = arith.constant 0 : i32
    %dma_wait3A_62 = arith.constant 0 : i32
    %dma_wait3A_63 = tpu.memref_slice %arg7[%dma_wait3A_61, %dma_wait3A_62] : memref<40x125xi32, #tpu.memory_space<vmem>> -> memref<1x125xi32, #tpu.memory_space<vmem>>
    %dma_wait3A_64 = tpu.memref_squeeze %dma_wait3A_63 : memref<1x125xi32, #tpu.memory_space<vmem>> -> memref<125xi32, #tpu.memory_space<vmem>>
    %dma_wait3A_65 = arith.constant 0 : i32
    %dma_wait3A_66 = arith.constant 0 : i32
    %dma_wait3A_67 = tpu.memref_slice %arg10[%dma_wait3A_65, %dma_wait3A_66] : memref<10240x128xf32, #tpu.memory_space<vmem_shared>> -> memref<10240x128xf32, #tpu.memory_space<vmem_shared>>
    tpu.wait_indirect_dma semaphore(%arg13 : memref<!tpu.dma_semaphore, #tpu.memory_space<semaphore_mem>>) src(%arg8 : memref<125x128xf32, #tpu.memory_space<vmem>>) dst(%dma_wait3A_67 : memref<10240x128xf32, #tpu.memory_space<vmem_shared>>)
    %dma_wait3A_68 = arith.constant 0 : i32
    %dma_wait3A_69 = arith.constant 0 : i32
    %dma_wait3A_70 = tpu.memref_slice %arg7[%dma_wait3A_68, %dma_wait3A_69] : memref<40x125xi32, #tpu.memory_space<vmem>> -> memref<1x125xi32, #tpu.memory_space<vmem>>
    %dma_wait3A_71 = tpu.memref_squeeze %dma_wait3A_70 : memref<1x125xi32, #tpu.memory_space<vmem>> -> memref<125xi32, #tpu.memory_space<vmem>>
    %dma_wait3A_72 = arith.constant 0 : i32
    %dma_wait3A_73 = arith.constant 0 : i32
    %dma_wait3A_74 = tpu.memref_slice %arg10[%dma_wait3A_72, %dma_wait3A_73] : memref<10240x128xf32, #tpu.memory_space<vmem_shared>> -> memref<10240x128xf32, #tpu.memory_space<vmem_shared>>
    tpu.wait_indirect_dma semaphore(%arg14 : memref<!tpu.dma_semaphore, #tpu.memory_space<semaphore_mem>>) src(%arg9 : memref<125x128xf32, #tpu.memory_space<vmem>>) dst(%dma_wait3A_74 : memref<10240x128xf32, #tpu.memory_space<vmem_shared>>)
    %barrier3A_75 = arith.constant 0 : index
    tpu.barrier barrier_id(%barrier3A_75)
    %mul3A_76 = arith.constant 640 : i32
    %mul3A_77 = arith.muli %arg1, %mul3A_76 : i32
    %mul3A_78 = arith.constant 640 : i32
    %mul3A_79 = arith.muli %arg1, %mul3A_78 : i32
    "tpu.region"() ({
      %run_scoped3A_80 = tpu.sem_alloc : memref<!tpu.dma_semaphore, #tpu.memory_space<semaphore_mem>>
      %dma_start3A_81 = arith.constant 0 : i32
      %dma_start3A_82 = tpu.memref_slice %arg5[%arg0, %mul3A_79, %dma_start3A_81] : memref<2x10240x128xf32, #tpu.memory_space<hbm>> -> memref<1x640x128xf32, #tpu.memory_space<hbm>>
      %dma_start3A_83 = tpu.memref_squeeze %dma_start3A_82 : memref<1x640x128xf32, #tpu.memory_space<hbm>> -> memref<640x128xf32, #tpu.memory_space<hbm>>
      %dma_start3A_84 = arith.constant 0 : i32
      %dma_start3A_85 = tpu.memref_slice %arg10[%mul3A_77, %dma_start3A_84] : memref<10240x128xf32, #tpu.memory_space<vmem_shared>> -> memref<640x128xf32, #tpu.memory_space<vmem_shared>>
      tpu.enqueue_dma source(%dma_start3A_85 : memref<640x128xf32, #tpu.memory_space<vmem_shared>>) target(%dma_start3A_83 : memref<640x128xf32, #tpu.memory_space<hbm>>) target_semaphore(%run_scoped3A_80 : memref<!tpu.dma_semaphore, #tpu.memory_space<semaphore_mem>>)
      %dma_wait3A_86 = arith.constant 0 : i32
      %dma_wait3A_87 = tpu.memref_slice %arg5[%arg0, %mul3A_79, %dma_wait3A_86] : memref<2x10240x128xf32, #tpu.memory_space<hbm>> -> memref<1x640x128xf32, #tpu.memory_space<hbm>>
      %dma_wait3A_88 = tpu.memref_squeeze %dma_wait3A_87 : memref<1x640x128xf32, #tpu.memory_space<hbm>> -> memref<640x128xf32, #tpu.memory_space<hbm>>
      %dma_wait3A_89 = arith.constant 0 : i32
      %dma_wait3A_90 = tpu.memref_slice %arg10[%mul3A_77, %dma_wait3A_89] : memref<10240x128xf32, #tpu.memory_space<vmem_shared>> -> memref<640x128xf32, #tpu.memory_space<vmem_shared>>
      tpu.wait_dma2 semaphore(%run_scoped3A_80 : memref<!tpu.dma_semaphore, #tpu.memory_space<semaphore_mem>>) src(%dma_wait3A_90 : memref<640x128xf32, #tpu.memory_space<vmem_shared>>) dst(%dma_wait3A_88 : memref<640x128xf32, #tpu.memory_space<hbm>>)
      tpu.yield
    }) : () -> ()
    return
  }
}

#map = affine_map<(d0, d1) -> (0, 0)>
#map1 = affine_map<(d0, d1) -> (0, 0, 0, 0, 0)>
#map2 = affine_map<(d0, d1) -> (0, 0, 0)>
module attributes {stable_mosaic.version = 14 : i64} {
  func.func @_spmm1(%arg0: i32, %arg1: i32, %arg2: memref<10000x128xf32, #tpu.memory_space<hbm>>, %arg3: memref<2x32x2x40x125xi32, #tpu.memory_space<hbm>>, %arg4: memref<640x128xf32, #tpu.memory_space<hbm>>, %arg5: memref<2x10240x128xf32, #tpu.memory_space<hbm>>, %arg6: memref<40x125xi32, #tpu.memory_space<vmem>>, %arg7: memref<40x125xi32, #tpu.memory_space<vmem>>, %arg8: memref<125x128xf32, #tpu.memory_space<vmem>>, %arg9: memref<125x128xf32, #tpu.memory_space<vmem>>, %arg10: memref<10240x128xf32, #tpu.memory_space<vmem_shared>>, %arg11: memref<!tpu.dma_semaphore, #tpu.memory_space<semaphore_mem>>, %arg12: memref<!tpu.dma_semaphore, #tpu.memory_space<semaphore_mem>>, %arg13: memref<!tpu.dma_semaphore, #tpu.memory_space<semaphore_mem>>, %arg14: memref<!tpu.dma_semaphore, #tpu.memory_space<semaphore_mem>>) attributes {dimension_semantics = [#tpu.dimension_semantics<core_parallel>, #tpu.dimension_semantics<subcore_parallel>], iteration_bounds = array<i64: 2, 16>, scalar_prefetch = 0 : i64, scratch_operands = 9 : i64, tpu.core_type = #tpu.core_type<sc_vector_subcore>, window_params = [{transform_indices = #map}, {transform_indices = #map1}, {transform_indices = #map}, {transform_indices = #map2}]} {
    %mul3A = arith.constant 16 : i32
    %mul3A_0 = arith.muli %arg0, %mul3A : i32
    %add3A = arith.addi %mul3A_0, %arg1 : i32
    %run_scoped3A = arith.constant 1 : i32
    %run_scoped3A_1 = arith.constant 0 : i32
    "tpu.region"() ({
      %run_scoped3A_80 = tpu.sem_alloc : memref<!tpu.dma_semaphore, #tpu.memory_space<semaphore_mem>>
      %dma_start3A_81 = arith.constant 0 : i32
      %dma_start3A_82 = arith.constant 0 : i32
      %dma_start3A_83 = tpu.memref_slice %arg3[%run_scoped3A, %add3A, %run_scoped3A_1, %dma_start3A_81, %dma_start3A_82] : memref<2x32x2x40x125xi32, #tpu.memory_space<hbm>> -> memref<1x1x1x40x125xi32, #tpu.memory_space<hbm>>
      %dma_start3A_84 = tpu.memref_squeeze %dma_start3A_83 : memref<1x1x1x40x125xi32, #tpu.memory_space<hbm>> -> memref<40x125xi32, #tpu.memory_space<hbm>>
      %dma_start3A_85 = arith.constant 0 : i32
      %dma_start3A_86 = arith.constant 0 : i32
      %dma_start3A_87 = tpu.memref_slice %arg3[%run_scoped3A, %add3A, %run_scoped3A_1, %dma_start3A_85, %dma_start3A_86] : memref<2x32x2x40x125xi32, #tpu.memory_space<hbm>> -> memref<1x1x1x40x125xi32, #tpu.memory_space<hbm>>
      %dma_start3A_88 = tpu.memref_squeeze %dma_start3A_87 : memref<1x1x1x40x125xi32, #tpu.memory_space<hbm>> -> memref<40x125xi32, #tpu.memory_space<hbm>>
      tpu.enqueue_dma source(%dma_start3A_88 : memref<40x125xi32, #tpu.memory_space<hbm>>) target(%arg6 : memref<40x125xi32, #tpu.memory_space<vmem>>) target_semaphore(%run_scoped3A_80 : memref<!tpu.dma_semaphore, #tpu.memory_space<semaphore_mem>>)
      %dma_wait3A_89 = arith.constant 0 : i32
      %dma_wait3A_90 = arith.constant 0 : i32
      %dma_wait3A_91 = tpu.memref_slice %arg3[%run_scoped3A, %add3A, %run_scoped3A_1, %dma_wait3A_89, %dma_wait3A_90] : memref<2x32x2x40x125xi32, #tpu.memory_space<hbm>> -> memref<1x1x1x40x125xi32, #tpu.memory_space<hbm>>
      %dma_wait3A_92 = tpu.memref_squeeze %dma_wait3A_91 : memref<1x1x1x40x125xi32, #tpu.memory_space<hbm>> -> memref<40x125xi32, #tpu.memory_space<hbm>>
      %dma_wait3A_93 = arith.constant 0 : i32
      %dma_wait3A_94 = arith.constant 0 : i32
      %dma_wait3A_95 = tpu.memref_slice %arg3[%run_scoped3A, %add3A, %run_scoped3A_1, %dma_wait3A_93, %dma_wait3A_94] : memref<2x32x2x40x125xi32, #tpu.memory_space<hbm>> -> memref<1x1x1x40x125xi32, #tpu.memory_space<hbm>>
      %dma_wait3A_96 = tpu.memref_squeeze %dma_wait3A_95 : memref<1x1x1x40x125xi32, #tpu.memory_space<hbm>> -> memref<40x125xi32, #tpu.memory_space<hbm>>
      tpu.wait_dma2 semaphore(%run_scoped3A_80 : memref<!tpu.dma_semaphore, #tpu.memory_space<semaphore_mem>>) src(%dma_wait3A_96 : memref<40x125xi32, #tpu.memory_space<hbm>>) dst(%arg6 : memref<40x125xi32, #tpu.memory_space<vmem>>)
      tpu.yield
    }) : () -> ()
    %run_scoped3A_2 = arith.constant 0 : i32
    %run_scoped3A_3 = arith.constant 0 : i32
    "tpu.region"() ({
      %run_scoped3A_80 = tpu.sem_alloc : memref<!tpu.dma_semaphore, #tpu.memory_space<semaphore_mem>>
      %dma_start3A_81 = arith.constant 0 : i32
      %dma_start3A_82 = arith.constant 0 : i32
      %dma_start3A_83 = tpu.memref_slice %arg3[%run_scoped3A_2, %add3A, %run_scoped3A_3, %dma_start3A_81, %dma_start3A_82] : memref<2x32x2x40x125xi32, #tpu.memory_space<hbm>> -> memref<1x1x1x40x125xi32, #tpu.memory_space<hbm>>
      %dma_start3A_84 = tpu.memref_squeeze %dma_start3A_83 : memref<1x1x1x40x125xi32, #tpu.memory_space<hbm>> -> memref<40x125xi32, #tpu.memory_space<hbm>>
      %dma_start3A_85 = arith.constant 0 : i32
      %dma_start3A_86 = arith.constant 0 : i32
      %dma_start3A_87 = tpu.memref_slice %arg3[%run_scoped3A_2, %add3A, %run_scoped3A_3, %dma_start3A_85, %dma_start3A_86] : memref<2x32x2x40x125xi32, #tpu.memory_space<hbm>> -> memref<1x1x1x40x125xi32, #tpu.memory_space<hbm>>
      %dma_start3A_88 = tpu.memref_squeeze %dma_start3A_87 : memref<1x1x1x40x125xi32, #tpu.memory_space<hbm>> -> memref<40x125xi32, #tpu.memory_space<hbm>>
      tpu.enqueue_dma source(%dma_start3A_88 : memref<40x125xi32, #tpu.memory_space<hbm>>) target(%arg7 : memref<40x125xi32, #tpu.memory_space<vmem>>) target_semaphore(%run_scoped3A_80 : memref<!tpu.dma_semaphore, #tpu.memory_space<semaphore_mem>>)
      %dma_wait3A_89 = arith.constant 0 : i32
      %dma_wait3A_90 = arith.constant 0 : i32
      %dma_wait3A_91 = tpu.memref_slice %arg3[%run_scoped3A_2, %add3A, %run_scoped3A_3, %dma_wait3A_89, %dma_wait3A_90] : memref<2x32x2x40x125xi32, #tpu.memory_space<hbm>> -> memref<1x1x1x40x125xi32, #tpu.memory_space<hbm>>
      %dma_wait3A_92 = tpu.memref_squeeze %dma_wait3A_91 : memref<1x1x1x40x125xi32, #tpu.memory_space<hbm>> -> memref<40x125xi32, #tpu.memory_space<hbm>>
      %dma_wait3A_93 = arith.constant 0 : i32
      %dma_wait3A_94 = arith.constant 0 : i32
      %dma_wait3A_95 = tpu.memref_slice %arg3[%run_scoped3A_2, %add3A, %run_scoped3A_3, %dma_wait3A_93, %dma_wait3A_94] : memref<2x32x2x40x125xi32, #tpu.memory_space<hbm>> -> memref<1x1x1x40x125xi32, #tpu.memory_space<hbm>>
      %dma_wait3A_96 = tpu.memref_squeeze %dma_wait3A_95 : memref<1x1x1x40x125xi32, #tpu.memory_space<hbm>> -> memref<40x125xi32, #tpu.memory_space<hbm>>
      tpu.wait_dma2 semaphore(%run_scoped3A_80 : memref<!tpu.dma_semaphore, #tpu.memory_space<semaphore_mem>>) src(%dma_wait3A_96 : memref<40x125xi32, #tpu.memory_space<hbm>>) dst(%arg7 : memref<40x125xi32, #tpu.memory_space<vmem>>)
      tpu.yield
    }) : () -> ()
    %dma_start3A = arith.constant 0 : i32
    %dma_start3A_4 = arith.constant 0 : i32
    %dma_start3A_5 = tpu.memref_slice %arg6[%dma_start3A, %dma_start3A_4] : memref<40x125xi32, #tpu.memory_space<vmem>> -> memref<1x125xi32, #tpu.memory_space<vmem>>
    %dma_start3A_6 = tpu.memref_squeeze %dma_start3A_5 : memref<1x125xi32, #tpu.memory_space<vmem>> -> memref<125xi32, #tpu.memory_space<vmem>>
    %dma_start3A_7 = arith.constant 0 : i32
    %dma_start3A_8 = arith.constant 0 : i32
    %dma_start3A_9 = tpu.memref_slice %arg2[%dma_start3A_7, %dma_start3A_8] : memref<10000x128xf32, #tpu.memory_space<hbm>> -> memref<10000x128xf32, #tpu.memory_space<hbm>>
    tpu.enqueue_indirect_dma source(%dma_start3A_9 : memref<10000x128xf32, #tpu.memory_space<hbm>>) target(%arg8 : memref<125x128xf32, #tpu.memory_space<vmem>>) offsets(%dma_start3A_6 : memref<125xi32, #tpu.memory_space<vmem>>) semaphore(%arg11 : memref<!tpu.dma_semaphore, #tpu.memory_space<semaphore_mem>>)
    %dma_start3A_10 = arith.constant 1 : i32
    %dma_start3A_11 = arith.constant 0 : i32
    %dma_start3A_12 = tpu.memref_slice %arg6[%dma_start3A_10, %dma_start3A_11] : memref<40x125xi32, #tpu.memory_space<vmem>> -> memref<1x125xi32, #tpu.memory_space<vmem>>
    %dma_start3A_13 = tpu.memref_squeeze %dma_start3A_12 : memref<1x125xi32, #tpu.memory_space<vmem>> -> memref<125xi32, #tpu.memory_space<vmem>>
    %dma_start3A_14 = arith.constant 0 : i32
    %dma_start3A_15 = arith.constant 0 : i32
    %dma_start3A_16 = tpu.memref_slice %arg2[%dma_start3A_14, %dma_start3A_15] : memref<10000x128xf32, #tpu.memory_space<hbm>> -> memref<10000x128xf32, #tpu.memory_space<hbm>>
    tpu.enqueue_indirect_dma source(%dma_start3A_16 : memref<10000x128xf32, #tpu.memory_space<hbm>>) target(%arg9 : memref<125x128xf32, #tpu.memory_space<vmem>>) offsets(%dma_start3A_13 : memref<125xi32, #tpu.memory_space<vmem>>) semaphore(%arg12 : memref<!tpu.dma_semaphore, #tpu.memory_space<semaphore_mem>>)
    %mul3A_17 = arith.constant 640 : i32
    %mul3A_18 = arith.muli %arg1, %mul3A_17 : i32
    "tpu.region"() ({
      %run_scoped3A_80 = tpu.sem_alloc : memref<!tpu.dma_semaphore, #tpu.memory_space<semaphore_mem>>
      %dma_start3A_81 = arith.constant 0 : i32
      %dma_start3A_82 = tpu.memref_slice %arg10[%mul3A_18, %dma_start3A_81] : memref<10240x128xf32, #tpu.memory_space<vmem_shared>> -> memref<640x128xf32, #tpu.memory_space<vmem_shared>>
      tpu.enqueue_dma source(%arg4 : memref<640x128xf32, #tpu.memory_space<hbm>>) target(%dma_start3A_82 : memref<640x128xf32, #tpu.memory_space<vmem_shared>>) target_semaphore(%run_scoped3A_80 : memref<!tpu.dma_semaphore, #tpu.memory_space<semaphore_mem>>)
      %dma_wait3A_83 = arith.constant 0 : i32
      %dma_wait3A_84 = tpu.memref_slice %arg10[%mul3A_18, %dma_wait3A_83] : memref<10240x128xf32, #tpu.memory_space<vmem_shared>> -> memref<640x128xf32, #tpu.memory_space<vmem_shared>>
      tpu.wait_dma2 semaphore(%run_scoped3A_80 : memref<!tpu.dma_semaphore, #tpu.memory_space<semaphore_mem>>) src(%arg4 : memref<640x128xf32, #tpu.memory_space<hbm>>) dst(%dma_wait3A_84 : memref<640x128xf32, #tpu.memory_space<vmem_shared>>)
      tpu.yield
    }) : () -> ()
    %barrier3A = arith.constant 0 : index
    tpu.barrier barrier_id(%barrier3A)
    %scan3A = arith.constant 0 : i32
    %scan3A_19 = arith.constant 0 : i32
    %scan3A_20 = arith.constant 20 : i32
    %scan3A_21 = arith.addi %scan3A_19, %scan3A_20 : i32
    %scan3A_22 = arith.constant 1 : i32
    scf.for %scan3A_80 = %scan3A_19 to %scan3A_21 step %scan3A_22  : i32 {
      %mul3A_81 = arith.constant 2 : i32
      %mul3A_82 = arith.muli %mul3A_81, %scan3A_80 : i32
      %add3A_83 = arith.constant 0 : i32
      %add3A_84 = arith.addi %mul3A_82, %add3A_83 : i32
      %dma_wait3A_85 = arith.constant 0 : i32
      %dma_wait3A_86 = arith.constant 0 : i32
      %dma_wait3A_87 = tpu.memref_slice %arg6[%dma_wait3A_85, %dma_wait3A_86] : memref<40x125xi32, #tpu.memory_space<vmem>> -> memref<1x125xi32, #tpu.memory_space<vmem>>
      %dma_wait3A_88 = tpu.memref_squeeze %dma_wait3A_87 : memref<1x125xi32, #tpu.memory_space<vmem>> -> memref<125xi32, #tpu.memory_space<vmem>>
      %dma_wait3A_89 = arith.constant 0 : i32
      %dma_wait3A_90 = arith.constant 0 : i32
      %dma_wait3A_91 = tpu.memref_slice %arg2[%dma_wait3A_89, %dma_wait3A_90] : memref<10000x128xf32, #tpu.memory_space<hbm>> -> memref<10000x128xf32, #tpu.memory_space<hbm>>
      tpu.wait_indirect_dma semaphore(%arg11 : memref<!tpu.dma_semaphore, #tpu.memory_space<semaphore_mem>>) src(%dma_wait3A_91 : memref<10000x128xf32, #tpu.memory_space<hbm>>) dst(%arg8 : memref<125x128xf32, #tpu.memory_space<vmem>>)
      %dma_start3A_92 = arith.constant 0 : i32
      %dma_start3A_93 = tpu.memref_slice %arg7[%add3A_84, %dma_start3A_92] : memref<40x125xi32, #tpu.memory_space<vmem>> -> memref<1x125xi32, #tpu.memory_space<vmem>>
      %dma_start3A_94 = tpu.memref_squeeze %dma_start3A_93 : memref<1x125xi32, #tpu.memory_space<vmem>> -> memref<125xi32, #tpu.memory_space<vmem>>
      %dma_start3A_95 = arith.constant 0 : i32
      %dma_start3A_96 = arith.constant 0 : i32
      %dma_start3A_97 = tpu.memref_slice %arg10[%dma_start3A_95, %dma_start3A_96] : memref<10240x128xf32, #tpu.memory_space<vmem_shared>> -> memref<10240x128xf32, #tpu.memory_space<vmem_shared>>
      tpu.enqueue_indirect_dma source(%arg8 : memref<125x128xf32, #tpu.memory_space<vmem>>) target(%dma_start3A_97 : memref<10240x128xf32, #tpu.memory_space<vmem_shared>>) offsets(%dma_start3A_94 : memref<125xi32, #tpu.memory_space<vmem>>) semaphore(%arg13 : memref<!tpu.dma_semaphore, #tpu.memory_space<semaphore_mem>>) {add = true}
      %add3A_98 = arith.constant 2 : i32
      %add3A_99 = arith.addi %add3A_84, %add3A_98 : i32
      %lt3A = arith.constant 40 : i32
      %lt3A_100 = arith.cmpi slt, %add3A_99, %lt3A : i32
      %convert_element_type3A = arith.extui %lt3A_100 : i1 to i32
      %cond3A = arith.constant 0 : i32
      %cond3A_101 = arith.cmpi ne, %convert_element_type3A, %cond3A : i32
      scf.if %cond3A_101 {
        %dma_wait3A_126 = arith.constant 0 : i32
        %dma_wait3A_127 = arith.constant 0 : i32
        %dma_wait3A_128 = tpu.memref_slice %arg7[%dma_wait3A_126, %dma_wait3A_127] : memref<40x125xi32, #tpu.memory_space<vmem>> -> memref<1x125xi32, #tpu.memory_space<vmem>>
        %dma_wait3A_129 = tpu.memref_squeeze %dma_wait3A_128 : memref<1x125xi32, #tpu.memory_space<vmem>> -> memref<125xi32, #tpu.memory_space<vmem>>
        %dma_wait3A_130 = arith.constant 0 : i32
        %dma_wait3A_131 = arith.constant 0 : i32
        %dma_wait3A_132 = tpu.memref_slice %arg10[%dma_wait3A_130, %dma_wait3A_131] : memref<10240x128xf32, #tpu.memory_space<vmem_shared>> -> memref<10240x128xf32, #tpu.memory_space<vmem_shared>>
        tpu.wait_indirect_dma semaphore(%arg13 : memref<!tpu.dma_semaphore, #tpu.memory_space<semaphore_mem>>) src(%arg8 : memref<125x128xf32, #tpu.memory_space<vmem>>) dst(%dma_wait3A_132 : memref<10240x128xf32, #tpu.memory_space<vmem_shared>>)
        %add3A_133 = arith.constant 2 : i32
        %add3A_134 = arith.addi %add3A_84, %add3A_133 : i32
        %dma_start3A_135 = arith.constant 0 : i32
        %dma_start3A_136 = tpu.memref_slice %arg6[%add3A_134, %dma_start3A_135] : memref<40x125xi32, #tpu.memory_space<vmem>> -> memref<1x125xi32, #tpu.memory_space<vmem>>
        %dma_start3A_137 = tpu.memref_squeeze %dma_start3A_136 : memref<1x125xi32, #tpu.memory_space<vmem>> -> memref<125xi32, #tpu.memory_space<vmem>>
        %dma_start3A_138 = arith.constant 0 : i32
        %dma_start3A_139 = arith.constant 0 : i32
        %dma_start3A_140 = tpu.memref_slice %arg2[%dma_start3A_138, %dma_start3A_139] : memref<10000x128xf32, #tpu.memory_space<hbm>> -> memref<10000x128xf32, #tpu.memory_space<hbm>>
        tpu.enqueue_indirect_dma source(%dma_start3A_140 : memref<10000x128xf32, #tpu.memory_space<hbm>>) target(%arg8 : memref<125x128xf32, #tpu.memory_space<vmem>>) offsets(%dma_start3A_137 : memref<125xi32, #tpu.memory_space<vmem>>) semaphore(%arg11 : memref<!tpu.dma_semaphore, #tpu.memory_space<semaphore_mem>>)
      } else {
      }
      %mul3A_102 = arith.constant 2 : i32
      %mul3A_103 = arith.muli %mul3A_102, %scan3A_80 : i32
      %add3A_104 = arith.constant 1 : i32
      %add3A_105 = arith.addi %mul3A_103, %add3A_104 : i32
      %dma_wait3A_106 = arith.constant 0 : i32
      %dma_wait3A_107 = arith.constant 0 : i32
      %dma_wait3A_108 = tpu.memref_slice %arg6[%dma_wait3A_106, %dma_wait3A_107] : memref<40x125xi32, #tpu.memory_space<vmem>> -> memref<1x125xi32, #tpu.memory_space<vmem>>
      %dma_wait3A_109 = tpu.memref_squeeze %dma_wait3A_108 : memref<1x125xi32, #tpu.memory_space<vmem>> -> memref<125xi32, #tpu.memory_space<vmem>>
      %dma_wait3A_110 = arith.constant 0 : i32
      %dma_wait3A_111 = arith.constant 0 : i32
      %dma_wait3A_112 = tpu.memref_slice %arg2[%dma_wait3A_110, %dma_wait3A_111] : memref<10000x128xf32, #tpu.memory_space<hbm>> -> memref<10000x128xf32, #tpu.memory_space<hbm>>
      tpu.wait_indirect_dma semaphore(%arg12 : memref<!tpu.dma_semaphore, #tpu.memory_space<semaphore_mem>>) src(%dma_wait3A_112 : memref<10000x128xf32, #tpu.memory_space<hbm>>) dst(%arg9 : memref<125x128xf32, #tpu.memory_space<vmem>>)
      %dma_start3A_113 = arith.constant 0 : i32
      %dma_start3A_114 = tpu.memref_slice %arg7[%add3A_105, %dma_start3A_113] : memref<40x125xi32, #tpu.memory_space<vmem>> -> memref<1x125xi32, #tpu.memory_space<vmem>>
      %dma_start3A_115 = tpu.memref_squeeze %dma_start3A_114 : memref<1x125xi32, #tpu.memory_space<vmem>> -> memref<125xi32, #tpu.memory_space<vmem>>
      %dma_start3A_116 = arith.constant 0 : i32
      %dma_start3A_117 = arith.constant 0 : i32
      %dma_start3A_118 = tpu.memref_slice %arg10[%dma_start3A_116, %dma_start3A_117] : memref<10240x128xf32, #tpu.memory_space<vmem_shared>> -> memref<10240x128xf32, #tpu.memory_space<vmem_shared>>
      tpu.enqueue_indirect_dma source(%arg9 : memref<125x128xf32, #tpu.memory_space<vmem>>) target(%dma_start3A_118 : memref<10240x128xf32, #tpu.memory_space<vmem_shared>>) offsets(%dma_start3A_115 : memref<125xi32, #tpu.memory_space<vmem>>) semaphore(%arg14 : memref<!tpu.dma_semaphore, #tpu.memory_space<semaphore_mem>>) {add = true}
      %add3A_119 = arith.constant 2 : i32
      %add3A_120 = arith.addi %add3A_105, %add3A_119 : i32
      %lt3A_121 = arith.constant 40 : i32
      %lt3A_122 = arith.cmpi slt, %add3A_120, %lt3A_121 : i32
      %convert_element_type3A_123 = arith.extui %lt3A_122 : i1 to i32
      %cond3A_124 = arith.constant 0 : i32
      %cond3A_125 = arith.cmpi ne, %convert_element_type3A_123, %cond3A_124 : i32
      scf.if %cond3A_125 {
        %dma_wait3A_126 = arith.constant 0 : i32
        %dma_wait3A_127 = arith.constant 0 : i32
        %dma_wait3A_128 = tpu.memref_slice %arg7[%dma_wait3A_126, %dma_wait3A_127] : memref<40x125xi32, #tpu.memory_space<vmem>> -> memref<1x125xi32, #tpu.memory_space<vmem>>
        %dma_wait3A_129 = tpu.memref_squeeze %dma_wait3A_128 : memref<1x125xi32, #tpu.memory_space<vmem>> -> memref<125xi32, #tpu.memory_space<vmem>>
        %dma_wait3A_130 = arith.constant 0 : i32
        %dma_wait3A_131 = arith.constant 0 : i32
        %dma_wait3A_132 = tpu.memref_slice %arg10[%dma_wait3A_130, %dma_wait3A_131] : memref<10240x128xf32, #tpu.memory_space<vmem_shared>> -> memref<10240x128xf32, #tpu.memory_space<vmem_shared>>
        tpu.wait_indirect_dma semaphore(%arg14 : memref<!tpu.dma_semaphore, #tpu.memory_space<semaphore_mem>>) src(%arg9 : memref<125x128xf32, #tpu.memory_space<vmem>>) dst(%dma_wait3A_132 : memref<10240x128xf32, #tpu.memory_space<vmem_shared>>)
        %add3A_133 = arith.constant 2 : i32
        %add3A_134 = arith.addi %add3A_105, %add3A_133 : i32
        %dma_start3A_135 = arith.constant 0 : i32
        %dma_start3A_136 = tpu.memref_slice %arg6[%add3A_134, %dma_start3A_135] : memref<40x125xi32, #tpu.memory_space<vmem>> -> memref<1x125xi32, #tpu.memory_space<vmem>>
        %dma_start3A_137 = tpu.memref_squeeze %dma_start3A_136 : memref<1x125xi32, #tpu.memory_space<vmem>> -> memref<125xi32, #tpu.memory_space<vmem>>
        %dma_start3A_138 = arith.constant 0 : i32
        %dma_start3A_139 = arith.constant 0 : i32
        %dma_start3A_140 = tpu.memref_slice %arg2[%dma_start3A_138, %dma_start3A_139] : memref<10000x128xf32, #tpu.memory_space<hbm>> -> memref<10000x128xf32, #tpu.memory_space<hbm>>
        tpu.enqueue_indirect_dma source(%dma_start3A_140 : memref<10000x128xf32, #tpu.memory_space<hbm>>) target(%arg9 : memref<125x128xf32, #tpu.memory_space<vmem>>) offsets(%dma_start3A_137 : memref<125xi32, #tpu.memory_space<vmem>>) semaphore(%arg12 : memref<!tpu.dma_semaphore, #tpu.memory_space<semaphore_mem>>)
      } else {
      }
    }
    %scan3A_23 = arith.constant 20 : i32
    %dma_wait3A = arith.constant 0 : i32
    %dma_wait3A_24 = arith.constant 0 : i32
    %dma_wait3A_25 = tpu.memref_slice %arg7[%dma_wait3A, %dma_wait3A_24] : memref<40x125xi32, #tpu.memory_space<vmem>> -> memref<1x125xi32, #tpu.memory_space<vmem>>
    %dma_wait3A_26 = tpu.memref_squeeze %dma_wait3A_25 : memref<1x125xi32, #tpu.memory_space<vmem>> -> memref<125xi32, #tpu.memory_space<vmem>>
    %dma_wait3A_27 = arith.constant 0 : i32
    %dma_wait3A_28 = arith.constant 0 : i32
    %dma_wait3A_29 = tpu.memref_slice %arg10[%dma_wait3A_27, %dma_wait3A_28] : memref<10240x128xf32, #tpu.memory_space<vmem_shared>> -> memref<10240x128xf32, #tpu.memory_space<vmem_shared>>
    tpu.wait_indirect_dma semaphore(%arg13 : memref<!tpu.dma_semaphore, #tpu.memory_space<semaphore_mem>>) src(%arg8 : memref<125x128xf32, #tpu.memory_space<vmem>>) dst(%dma_wait3A_29 : memref<10240x128xf32, #tpu.memory_space<vmem_shared>>)
    %dma_wait3A_30 = arith.constant 0 : i32
    %dma_wait3A_31 = arith.constant 0 : i32
    %dma_wait3A_32 = tpu.memref_slice %arg7[%dma_wait3A_30, %dma_wait3A_31] : memref<40x125xi32, #tpu.memory_space<vmem>> -> memref<1x125xi32, #tpu.memory_space<vmem>>
    %dma_wait3A_33 = tpu.memref_squeeze %dma_wait3A_32 : memref<1x125xi32, #tpu.memory_space<vmem>> -> memref<125xi32, #tpu.memory_space<vmem>>
    %dma_wait3A_34 = arith.constant 0 : i32
    %dma_wait3A_35 = arith.constant 0 : i32
    %dma_wait3A_36 = tpu.memref_slice %arg10[%dma_wait3A_34, %dma_wait3A_35] : memref<10240x128xf32, #tpu.memory_space<vmem_shared>> -> memref<10240x128xf32, #tpu.memory_space<vmem_shared>>
    tpu.wait_indirect_dma semaphore(%arg14 : memref<!tpu.dma_semaphore, #tpu.memory_space<semaphore_mem>>) src(%arg9 : memref<125x128xf32, #tpu.memory_space<vmem>>) dst(%dma_wait3A_36 : memref<10240x128xf32, #tpu.memory_space<vmem_shared>>)
    %run_scoped3A_37 = arith.constant 1 : i32
    %run_scoped3A_38 = arith.constant 1 : i32
    "tpu.region"() ({
      %run_scoped3A_80 = tpu.sem_alloc : memref<!tpu.dma_semaphore, #tpu.memory_space<semaphore_mem>>
      %dma_start3A_81 = arith.constant 0 : i32
      %dma_start3A_82 = arith.constant 0 : i32
      %dma_start3A_83 = tpu.memref_slice %arg3[%run_scoped3A_37, %add3A, %run_scoped3A_38, %dma_start3A_81, %dma_start3A_82] : memref<2x32x2x40x125xi32, #tpu.memory_space<hbm>> -> memref<1x1x1x40x125xi32, #tpu.memory_space<hbm>>
      %dma_start3A_84 = tpu.memref_squeeze %dma_start3A_83 : memref<1x1x1x40x125xi32, #tpu.memory_space<hbm>> -> memref<40x125xi32, #tpu.memory_space<hbm>>
      %dma_start3A_85 = arith.constant 0 : i32
      %dma_start3A_86 = arith.constant 0 : i32
      %dma_start3A_87 = tpu.memref_slice %arg3[%run_scoped3A_37, %add3A, %run_scoped3A_38, %dma_start3A_85, %dma_start3A_86] : memref<2x32x2x40x125xi32, #tpu.memory_space<hbm>> -> memref<1x1x1x40x125xi32, #tpu.memory_space<hbm>>
      %dma_start3A_88 = tpu.memref_squeeze %dma_start3A_87 : memref<1x1x1x40x125xi32, #tpu.memory_space<hbm>> -> memref<40x125xi32, #tpu.memory_space<hbm>>
      tpu.enqueue_dma source(%dma_start3A_88 : memref<40x125xi32, #tpu.memory_space<hbm>>) target(%arg6 : memref<40x125xi32, #tpu.memory_space<vmem>>) target_semaphore(%run_scoped3A_80 : memref<!tpu.dma_semaphore, #tpu.memory_space<semaphore_mem>>)
      %dma_wait3A_89 = arith.constant 0 : i32
      %dma_wait3A_90 = arith.constant 0 : i32
      %dma_wait3A_91 = tpu.memref_slice %arg3[%run_scoped3A_37, %add3A, %run_scoped3A_38, %dma_wait3A_89, %dma_wait3A_90] : memref<2x32x2x40x125xi32, #tpu.memory_space<hbm>> -> memref<1x1x1x40x125xi32, #tpu.memory_space<hbm>>
      %dma_wait3A_92 = tpu.memref_squeeze %dma_wait3A_91 : memref<1x1x1x40x125xi32, #tpu.memory_space<hbm>> -> memref<40x125xi32, #tpu.memory_space<hbm>>
      %dma_wait3A_93 = arith.constant 0 : i32
      %dma_wait3A_94 = arith.constant 0 : i32
      %dma_wait3A_95 = tpu.memref_slice %arg3[%run_scoped3A_37, %add3A, %run_scoped3A_38, %dma_wait3A_93, %dma_wait3A_94] : memref<2x32x2x40x125xi32, #tpu.memory_space<hbm>> -> memref<1x1x1x40x125xi32, #tpu.memory_space<hbm>>
      %dma_wait3A_96 = tpu.memref_squeeze %dma_wait3A_95 : memref<1x1x1x40x125xi32, #tpu.memory_space<hbm>> -> memref<40x125xi32, #tpu.memory_space<hbm>>
      tpu.wait_dma2 semaphore(%run_scoped3A_80 : memref<!tpu.dma_semaphore, #tpu.memory_space<semaphore_mem>>) src(%dma_wait3A_96 : memref<40x125xi32, #tpu.memory_space<hbm>>) dst(%arg6 : memref<40x125xi32, #tpu.memory_space<vmem>>)
      tpu.yield
    }) : () -> ()
    %run_scoped3A_39 = arith.constant 0 : i32
    %run_scoped3A_40 = arith.constant 1 : i32
    "tpu.region"() ({
      %run_scoped3A_80 = tpu.sem_alloc : memref<!tpu.dma_semaphore, #tpu.memory_space<semaphore_mem>>
      %dma_start3A_81 = arith.constant 0 : i32
      %dma_start3A_82 = arith.constant 0 : i32
      %dma_start3A_83 = tpu.memref_slice %arg3[%run_scoped3A_39, %add3A, %run_scoped3A_40, %dma_start3A_81, %dma_start3A_82] : memref<2x32x2x40x125xi32, #tpu.memory_space<hbm>> -> memref<1x1x1x40x125xi32, #tpu.memory_space<hbm>>
      %dma_start3A_84 = tpu.memref_squeeze %dma_start3A_83 : memref<1x1x1x40x125xi32, #tpu.memory_space<hbm>> -> memref<40x125xi32, #tpu.memory_space<hbm>>
      %dma_start3A_85 = arith.constant 0 : i32
      %dma_start3A_86 = arith.constant 0 : i32
      %dma_start3A_87 = tpu.memref_slice %arg3[%run_scoped3A_39, %add3A, %run_scoped3A_40, %dma_start3A_85, %dma_start3A_86] : memref<2x32x2x40x125xi32, #tpu.memory_space<hbm>> -> memref<1x1x1x40x125xi32, #tpu.memory_space<hbm>>
      %dma_start3A_88 = tpu.memref_squeeze %dma_start3A_87 : memref<1x1x1x40x125xi32, #tpu.memory_space<hbm>> -> memref<40x125xi32, #tpu.memory_space<hbm>>
      tpu.enqueue_dma source(%dma_start3A_88 : memref<40x125xi32, #tpu.memory_space<hbm>>) target(%arg7 : memref<40x125xi32, #tpu.memory_space<vmem>>) target_semaphore(%run_scoped3A_80 : memref<!tpu.dma_semaphore, #tpu.memory_space<semaphore_mem>>)
      %dma_wait3A_89 = arith.constant 0 : i32
      %dma_wait3A_90 = arith.constant 0 : i32
      %dma_wait3A_91 = tpu.memref_slice %arg3[%run_scoped3A_39, %add3A, %run_scoped3A_40, %dma_wait3A_89, %dma_wait3A_90] : memref<2x32x2x40x125xi32, #tpu.memory_space<hbm>> -> memref<1x1x1x40x125xi32, #tpu.memory_space<hbm>>
      %dma_wait3A_92 = tpu.memref_squeeze %dma_wait3A_91 : memref<1x1x1x40x125xi32, #tpu.memory_space<hbm>> -> memref<40x125xi32, #tpu.memory_space<hbm>>
      %dma_wait3A_93 = arith.constant 0 : i32
      %dma_wait3A_94 = arith.constant 0 : i32
      %dma_wait3A_95 = tpu.memref_slice %arg3[%run_scoped3A_39, %add3A, %run_scoped3A_40, %dma_wait3A_93, %dma_wait3A_94] : memref<2x32x2x40x125xi32, #tpu.memory_space<hbm>> -> memref<1x1x1x40x125xi32, #tpu.memory_space<hbm>>
      %dma_wait3A_96 = tpu.memref_squeeze %dma_wait3A_95 : memref<1x1x1x40x125xi32, #tpu.memory_space<hbm>> -> memref<40x125xi32, #tpu.memory_space<hbm>>
      tpu.wait_dma2 semaphore(%run_scoped3A_80 : memref<!tpu.dma_semaphore, #tpu.memory_space<semaphore_mem>>) src(%dma_wait3A_96 : memref<40x125xi32, #tpu.memory_space<hbm>>) dst(%arg7 : memref<40x125xi32, #tpu.memory_space<vmem>>)
      tpu.yield
    }) : () -> ()
    %dma_start3A_41 = arith.constant 0 : i32
    %dma_start3A_42 = arith.constant 0 : i32
    %dma_start3A_43 = tpu.memref_slice %arg6[%dma_start3A_41, %dma_start3A_42] : memref<40x125xi32, #tpu.memory_space<vmem>> -> memref<1x125xi32, #tpu.memory_space<vmem>>
    %dma_start3A_44 = tpu.memref_squeeze %dma_start3A_43 : memref<1x125xi32, #tpu.memory_space<vmem>> -> memref<125xi32, #tpu.memory_space<vmem>>
    %dma_start3A_45 = arith.constant 0 : i32
    %dma_start3A_46 = arith.constant 0 : i32
    %dma_start3A_47 = tpu.memref_slice %arg2[%dma_start3A_45, %dma_start3A_46] : memref<10000x128xf32, #tpu.memory_space<hbm>> -> memref<10000x128xf32, #tpu.memory_space<hbm>>
    tpu.enqueue_indirect_dma source(%dma_start3A_47 : memref<10000x128xf32, #tpu.memory_space<hbm>>) target(%arg8 : memref<125x128xf32, #tpu.memory_space<vmem>>) offsets(%dma_start3A_44 : memref<125xi32, #tpu.memory_space<vmem>>) semaphore(%arg11 : memref<!tpu.dma_semaphore, #tpu.memory_space<semaphore_mem>>)
    %dma_start3A_48 = arith.constant 1 : i32
    %dma_start3A_49 = arith.constant 0 : i32
    %dma_start3A_50 = tpu.memref_slice %arg6[%dma_start3A_48, %dma_start3A_49] : memref<40x125xi32, #tpu.memory_space<vmem>> -> memref<1x125xi32, #tpu.memory_space<vmem>>
    %dma_start3A_51 = tpu.memref_squeeze %dma_start3A_50 : memref<1x125xi32, #tpu.memory_space<vmem>> -> memref<125xi32, #tpu.memory_space<vmem>>
    %dma_start3A_52 = arith.constant 0 : i32
    %dma_start3A_53 = arith.constant 0 : i32
    %dma_start3A_54 = tpu.memref_slice %arg2[%dma_start3A_52, %dma_start3A_53] : memref<10000x128xf32, #tpu.memory_space<hbm>> -> memref<10000x128xf32, #tpu.memory_space<hbm>>
    tpu.enqueue_indirect_dma source(%dma_start3A_54 : memref<10000x128xf32, #tpu.memory_space<hbm>>) target(%arg9 : memref<125x128xf32, #tpu.memory_space<vmem>>) offsets(%dma_start3A_51 : memref<125xi32, #tpu.memory_space<vmem>>) semaphore(%arg12 : memref<!tpu.dma_semaphore, #tpu.memory_space<semaphore_mem>>)
    %scan3A_55 = arith.constant 0 : i32
    %scan3A_56 = arith.constant 0 : i32
    %scan3A_57 = arith.constant 20 : i32
    %scan3A_58 = arith.addi %scan3A_56, %scan3A_57 : i32
    %scan3A_59 = arith.constant 1 : i32
    scf.for %scan3A_80 = %scan3A_56 to %scan3A_58 step %scan3A_59  : i32 {
      %mul3A_81 = arith.constant 2 : i32
      %mul3A_82 = arith.muli %mul3A_81, %scan3A_80 : i32
      %add3A_83 = arith.constant 0 : i32
      %add3A_84 = arith.addi %mul3A_82, %add3A_83 : i32
      %dma_wait3A_85 = arith.constant 0 : i32
      %dma_wait3A_86 = arith.constant 0 : i32
      %dma_wait3A_87 = tpu.memref_slice %arg6[%dma_wait3A_85, %dma_wait3A_86] : memref<40x125xi32, #tpu.memory_space<vmem>> -> memref<1x125xi32, #tpu.memory_space<vmem>>
      %dma_wait3A_88 = tpu.memref_squeeze %dma_wait3A_87 : memref<1x125xi32, #tpu.memory_space<vmem>> -> memref<125xi32, #tpu.memory_space<vmem>>
      %dma_wait3A_89 = arith.constant 0 : i32
      %dma_wait3A_90 = arith.constant 0 : i32
      %dma_wait3A_91 = tpu.memref_slice %arg2[%dma_wait3A_89, %dma_wait3A_90] : memref<10000x128xf32, #tpu.memory_space<hbm>> -> memref<10000x128xf32, #tpu.memory_space<hbm>>
      tpu.wait_indirect_dma semaphore(%arg11 : memref<!tpu.dma_semaphore, #tpu.memory_space<semaphore_mem>>) src(%dma_wait3A_91 : memref<10000x128xf32, #tpu.memory_space<hbm>>) dst(%arg8 : memref<125x128xf32, #tpu.memory_space<vmem>>)
      %dma_start3A_92 = arith.constant 0 : i32
      %dma_start3A_93 = tpu.memref_slice %arg7[%add3A_84, %dma_start3A_92] : memref<40x125xi32, #tpu.memory_space<vmem>> -> memref<1x125xi32, #tpu.memory_space<vmem>>
      %dma_start3A_94 = tpu.memref_squeeze %dma_start3A_93 : memref<1x125xi32, #tpu.memory_space<vmem>> -> memref<125xi32, #tpu.memory_space<vmem>>
      %dma_start3A_95 = arith.constant 0 : i32
      %dma_start3A_96 = arith.constant 0 : i32
      %dma_start3A_97 = tpu.memref_slice %arg10[%dma_start3A_95, %dma_start3A_96] : memref<10240x128xf32, #tpu.memory_space<vmem_shared>> -> memref<10240x128xf32, #tpu.memory_space<vmem_shared>>
      tpu.enqueue_indirect_dma source(%arg8 : memref<125x128xf32, #tpu.memory_space<vmem>>) target(%dma_start3A_97 : memref<10240x128xf32, #tpu.memory_space<vmem_shared>>) offsets(%dma_start3A_94 : memref<125xi32, #tpu.memory_space<vmem>>) semaphore(%arg13 : memref<!tpu.dma_semaphore, #tpu.memory_space<semaphore_mem>>) {add = true}
      %add3A_98 = arith.constant 2 : i32
      %add3A_99 = arith.addi %add3A_84, %add3A_98 : i32
      %lt3A = arith.constant 40 : i32
      %lt3A_100 = arith.cmpi slt, %add3A_99, %lt3A : i32
      %convert_element_type3A = arith.extui %lt3A_100 : i1 to i32
      %cond3A = arith.constant 0 : i32
      %cond3A_101 = arith.cmpi ne, %convert_element_type3A, %cond3A : i32
      scf.if %cond3A_101 {
        %dma_wait3A_126 = arith.constant 0 : i32
        %dma_wait3A_127 = arith.constant 0 : i32
        %dma_wait3A_128 = tpu.memref_slice %arg7[%dma_wait3A_126, %dma_wait3A_127] : memref<40x125xi32, #tpu.memory_space<vmem>> -> memref<1x125xi32, #tpu.memory_space<vmem>>
        %dma_wait3A_129 = tpu.memref_squeeze %dma_wait3A_128 : memref<1x125xi32, #tpu.memory_space<vmem>> -> memref<125xi32, #tpu.memory_space<vmem>>
        %dma_wait3A_130 = arith.constant 0 : i32
        %dma_wait3A_131 = arith.constant 0 : i32
        %dma_wait3A_132 = tpu.memref_slice %arg10[%dma_wait3A_130, %dma_wait3A_131] : memref<10240x128xf32, #tpu.memory_space<vmem_shared>> -> memref<10240x128xf32, #tpu.memory_space<vmem_shared>>
        tpu.wait_indirect_dma semaphore(%arg13 : memref<!tpu.dma_semaphore, #tpu.memory_space<semaphore_mem>>) src(%arg8 : memref<125x128xf32, #tpu.memory_space<vmem>>) dst(%dma_wait3A_132 : memref<10240x128xf32, #tpu.memory_space<vmem_shared>>)
        %add3A_133 = arith.constant 2 : i32
        %add3A_134 = arith.addi %add3A_84, %add3A_133 : i32
        %dma_start3A_135 = arith.constant 0 : i32
        %dma_start3A_136 = tpu.memref_slice %arg6[%add3A_134, %dma_start3A_135] : memref<40x125xi32, #tpu.memory_space<vmem>> -> memref<1x125xi32, #tpu.memory_space<vmem>>
        %dma_start3A_137 = tpu.memref_squeeze %dma_start3A_136 : memref<1x125xi32, #tpu.memory_space<vmem>> -> memref<125xi32, #tpu.memory_space<vmem>>
        %dma_start3A_138 = arith.constant 0 : i32
        %dma_start3A_139 = arith.constant 0 : i32
        %dma_start3A_140 = tpu.memref_slice %arg2[%dma_start3A_138, %dma_start3A_139] : memref<10000x128xf32, #tpu.memory_space<hbm>> -> memref<10000x128xf32, #tpu.memory_space<hbm>>
        tpu.enqueue_indirect_dma source(%dma_start3A_140 : memref<10000x128xf32, #tpu.memory_space<hbm>>) target(%arg8 : memref<125x128xf32, #tpu.memory_space<vmem>>) offsets(%dma_start3A_137 : memref<125xi32, #tpu.memory_space<vmem>>) semaphore(%arg11 : memref<!tpu.dma_semaphore, #tpu.memory_space<semaphore_mem>>)
      } else {
      }
      %mul3A_102 = arith.constant 2 : i32
      %mul3A_103 = arith.muli %mul3A_102, %scan3A_80 : i32
      %add3A_104 = arith.constant 1 : i32
      %add3A_105 = arith.addi %mul3A_103, %add3A_104 : i32
      %dma_wait3A_106 = arith.constant 0 : i32
      %dma_wait3A_107 = arith.constant 0 : i32
      %dma_wait3A_108 = tpu.memref_slice %arg6[%dma_wait3A_106, %dma_wait3A_107] : memref<40x125xi32, #tpu.memory_space<vmem>> -> memref<1x125xi32, #tpu.memory_space<vmem>>
      %dma_wait3A_109 = tpu.memref_squeeze %dma_wait3A_108 : memref<1x125xi32, #tpu.memory_space<vmem>> -> memref<125xi32, #tpu.memory_space<vmem>>
      %dma_wait3A_110 = arith.constant 0 : i32
      %dma_wait3A_111 = arith.constant 0 : i32
      %dma_wait3A_112 = tpu.memref_slice %arg2[%dma_wait3A_110, %dma_wait3A_111] : memref<10000x128xf32, #tpu.memory_space<hbm>> -> memref<10000x128xf32, #tpu.memory_space<hbm>>
      tpu.wait_indirect_dma semaphore(%arg12 : memref<!tpu.dma_semaphore, #tpu.memory_space<semaphore_mem>>) src(%dma_wait3A_112 : memref<10000x128xf32, #tpu.memory_space<hbm>>) dst(%arg9 : memref<125x128xf32, #tpu.memory_space<vmem>>)
      %dma_start3A_113 = arith.constant 0 : i32
      %dma_start3A_114 = tpu.memref_slice %arg7[%add3A_105, %dma_start3A_113] : memref<40x125xi32, #tpu.memory_space<vmem>> -> memref<1x125xi32, #tpu.memory_space<vmem>>
      %dma_start3A_115 = tpu.memref_squeeze %dma_start3A_114 : memref<1x125xi32, #tpu.memory_space<vmem>> -> memref<125xi32, #tpu.memory_space<vmem>>
      %dma_start3A_116 = arith.constant 0 : i32
      %dma_start3A_117 = arith.constant 0 : i32
      %dma_start3A_118 = tpu.memref_slice %arg10[%dma_start3A_116, %dma_start3A_117] : memref<10240x128xf32, #tpu.memory_space<vmem_shared>> -> memref<10240x128xf32, #tpu.memory_space<vmem_shared>>
      tpu.enqueue_indirect_dma source(%arg9 : memref<125x128xf32, #tpu.memory_space<vmem>>) target(%dma_start3A_118 : memref<10240x128xf32, #tpu.memory_space<vmem_shared>>) offsets(%dma_start3A_115 : memref<125xi32, #tpu.memory_space<vmem>>) semaphore(%arg14 : memref<!tpu.dma_semaphore, #tpu.memory_space<semaphore_mem>>) {add = true}
      %add3A_119 = arith.constant 2 : i32
      %add3A_120 = arith.addi %add3A_105, %add3A_119 : i32
      %lt3A_121 = arith.constant 40 : i32
      %lt3A_122 = arith.cmpi slt, %add3A_120, %lt3A_121 : i32
      %convert_element_type3A_123 = arith.extui %lt3A_122 : i1 to i32
      %cond3A_124 = arith.constant 0 : i32
      %cond3A_125 = arith.cmpi ne, %convert_element_type3A_123, %cond3A_124 : i32
      scf.if %cond3A_125 {
        %dma_wait3A_126 = arith.constant 0 : i32
        %dma_wait3A_127 = arith.constant 0 : i32
        %dma_wait3A_128 = tpu.memref_slice %arg7[%dma_wait3A_126, %dma_wait3A_127] : memref<40x125xi32, #tpu.memory_space<vmem>> -> memref<1x125xi32, #tpu.memory_space<vmem>>
        %dma_wait3A_129 = tpu.memref_squeeze %dma_wait3A_128 : memref<1x125xi32, #tpu.memory_space<vmem>> -> memref<125xi32, #tpu.memory_space<vmem>>
        %dma_wait3A_130 = arith.constant 0 : i32
        %dma_wait3A_131 = arith.constant 0 : i32
        %dma_wait3A_132 = tpu.memref_slice %arg10[%dma_wait3A_130, %dma_wait3A_131] : memref<10240x128xf32, #tpu.memory_space<vmem_shared>> -> memref<10240x128xf32, #tpu.memory_space<vmem_shared>>
        tpu.wait_indirect_dma semaphore(%arg14 : memref<!tpu.dma_semaphore, #tpu.memory_space<semaphore_mem>>) src(%arg9 : memref<125x128xf32, #tpu.memory_space<vmem>>) dst(%dma_wait3A_132 : memref<10240x128xf32, #tpu.memory_space<vmem_shared>>)
        %add3A_133 = arith.constant 2 : i32
        %add3A_134 = arith.addi %add3A_105, %add3A_133 : i32
        %dma_start3A_135 = arith.constant 0 : i32
        %dma_start3A_136 = tpu.memref_slice %arg6[%add3A_134, %dma_start3A_135] : memref<40x125xi32, #tpu.memory_space<vmem>> -> memref<1x125xi32, #tpu.memory_space<vmem>>
        %dma_start3A_137 = tpu.memref_squeeze %dma_start3A_136 : memref<1x125xi32, #tpu.memory_space<vmem>> -> memref<125xi32, #tpu.memory_space<vmem>>
        %dma_start3A_138 = arith.constant 0 : i32
        %dma_start3A_139 = arith.constant 0 : i32
        %dma_start3A_140 = tpu.memref_slice %arg2[%dma_start3A_138, %dma_start3A_139] : memref<10000x128xf32, #tpu.memory_space<hbm>> -> memref<10000x128xf32, #tpu.memory_space<hbm>>
        tpu.enqueue_indirect_dma source(%dma_start3A_140 : memref<10000x128xf32, #tpu.memory_space<hbm>>) target(%arg9 : memref<125x128xf32, #tpu.memory_space<vmem>>) offsets(%dma_start3A_137 : memref<125xi32, #tpu.memory_space<vmem>>) semaphore(%arg12 : memref<!tpu.dma_semaphore, #tpu.memory_space<semaphore_mem>>)
      } else {
      }
    }
    %scan3A_60 = arith.constant 20 : i32
    %dma_wait3A_61 = arith.constant 0 : i32
    %dma_wait3A_62 = arith.constant 0 : i32
    %dma_wait3A_63 = tpu.memref_slice %arg7[%dma_wait3A_61, %dma_wait3A_62] : memref<40x125xi32, #tpu.memory_space<vmem>> -> memref<1x125xi32, #tpu.memory_space<vmem>>
    %dma_wait3A_64 = tpu.memref_squeeze %dma_wait3A_63 : memref<1x125xi32, #tpu.memory_space<vmem>> -> memref<125xi32, #tpu.memory_space<vmem>>
    %dma_wait3A_65 = arith.constant 0 : i32
    %dma_wait3A_66 = arith.constant 0 : i32
    %dma_wait3A_67 = tpu.memref_slice %arg10[%dma_wait3A_65, %dma_wait3A_66] : memref<10240x128xf32, #tpu.memory_space<vmem_shared>> -> memref<10240x128xf32, #tpu.memory_space<vmem_shared>>
    tpu.wait_indirect_dma semaphore(%arg13 : memref<!tpu.dma_semaphore, #tpu.memory_space<semaphore_mem>>) src(%arg8 : memref<125x128xf32, #tpu.memory_space<vmem>>) dst(%dma_wait3A_67 : memref<10240x128xf32, #tpu.memory_space<vmem_shared>>)
    %dma_wait3A_68 = arith.constant 0 : i32
    %dma_wait3A_69 = arith.constant 0 : i32
    %dma_wait3A_70 = tpu.memref_slice %arg7[%dma_wait3A_68, %dma_wait3A_69] : memref<40x125xi32, #tpu.memory_space<vmem>> -> memref<1x125xi32, #tpu.memory_space<vmem>>
    %dma_wait3A_71 = tpu.memref_squeeze %dma_wait3A_70 : memref<1x125xi32, #tpu.memory_space<vmem>> -> memref<125xi32, #tpu.memory_space<vmem>>
    %dma_wait3A_72 = arith.constant 0 : i32
    %dma_wait3A_73 = arith.constant 0 : i32
    %dma_wait3A_74 = tpu.memref_slice %arg10[%dma_wait3A_72, %dma_wait3A_73] : memref<10240x128xf32, #tpu.memory_space<vmem_shared>> -> memref<10240x128xf32, #tpu.memory_space<vmem_shared>>
    tpu.wait_indirect_dma semaphore(%arg14 : memref<!tpu.dma_semaphore, #tpu.memory_space<semaphore_mem>>) src(%arg9 : memref<125x128xf32, #tpu.memory_space<vmem>>) dst(%dma_wait3A_74 : memref<10240x128xf32, #tpu.memory_space<vmem_shared>>)
    %barrier3A_75 = arith.constant 0 : index
    tpu.barrier barrier_id(%barrier3A_75)
    %mul3A_76 = arith.constant 640 : i32
    %mul3A_77 = arith.muli %arg1, %mul3A_76 : i32
    %mul3A_78 = arith.constant 640 : i32
    %mul3A_79 = arith.muli %arg1, %mul3A_78 : i32
    "tpu.region"() ({
      %run_scoped3A_80 = tpu.sem_alloc : memref<!tpu.dma_semaphore, #tpu.memory_space<semaphore_mem>>
      %dma_start3A_81 = arith.constant 0 : i32
      %dma_start3A_82 = tpu.memref_slice %arg5[%arg0, %mul3A_79, %dma_start3A_81] : memref<2x10240x128xf32, #tpu.memory_space<hbm>> -> memref<1x640x128xf32, #tpu.memory_space<hbm>>
      %dma_start3A_83 = tpu.memref_squeeze %dma_start3A_82 : memref<1x640x128xf32, #tpu.memory_space<hbm>> -> memref<640x128xf32, #tpu.memory_space<hbm>>
      %dma_start3A_84 = arith.constant 0 : i32
      %dma_start3A_85 = tpu.memref_slice %arg10[%mul3A_77, %dma_start3A_84] : memref<10240x128xf32, #tpu.memory_space<vmem_shared>> -> memref<640x128xf32, #tpu.memory_space<vmem_shared>>
      tpu.enqueue_dma source(%dma_start3A_85 : memref<640x128xf32, #tpu.memory_space<vmem_shared>>) target(%dma_start3A_83 : memref<640x128xf32, #tpu.memory_space<hbm>>) target_semaphore(%run_scoped3A_80 : memref<!tpu.dma_semaphore, #tpu.memory_space<semaphore_mem>>)
      %dma_wait3A_86 = arith.constant 0 : i32
      %dma_wait3A_87 = tpu.memref_slice %arg5[%arg0, %mul3A_79, %dma_wait3A_86] : memref<2x10240x128xf32, #tpu.memory_space<hbm>> -> memref<1x640x128xf32, #tpu.memory_space<hbm>>
      %dma_wait3A_88 = tpu.memref_squeeze %dma_wait3A_87 : memref<1x640x128xf32, #tpu.memory_space<hbm>> -> memref<640x128xf32, #tpu.memory_space<hbm>>
      %dma_wait3A_89 = arith.constant 0 : i32
      %dma_wait3A_90 = tpu.memref_slice %arg10[%mul3A_77, %dma_wait3A_89] : memref<10240x128xf32, #tpu.memory_space<vmem_shared>> -> memref<640x128xf32, #tpu.memory_space<vmem_shared>>
      tpu.wait_dma2 semaphore(%run_scoped3A_80 : memref<!tpu.dma_semaphore, #tpu.memory_space<semaphore_mem>>) src(%dma_wait3A_90 : memref<640x128xf32, #tpu.memory_space<vmem_shared>>) dst(%dma_wait3A_88 : memref<640x128xf32, #tpu.memory_space<hbm>>)
      tpu.yield
    }) : () -> ()
    return
  }
}

#map = affine_map<(d0, d1) -> (0, 0)>
#map1 = affine_map<(d0, d1) -> (0, 0, 0, 0, 0)>
#map2 = affine_map<(d0, d1) -> (0, 0, 0)>
module attributes {stable_mosaic.version = 14 : i64} {
  func.func @_spmm1(%arg0: i32, %arg1: i32, %arg2: memref<10000x128xf32, #tpu.memory_space<hbm>>, %arg3: memref<2x32x2x40x125xi32, #tpu.memory_space<hbm>>, %arg4: memref<640x128xf32, #tpu.memory_space<hbm>>, %arg5: memref<2x10240x128xf32, #tpu.memory_space<hbm>>, %arg6: memref<40x125xi32, #tpu.memory_space<vmem>>, %arg7: memref<40x125xi32, #tpu.memory_space<vmem>>, %arg8: memref<125x128xf32, #tpu.memory_space<vmem>>, %arg9: memref<125x128xf32, #tpu.memory_space<vmem>>, %arg10: memref<10240x128xf32, #tpu.memory_space<vmem_shared>>, %arg11: memref<!tpu.dma_semaphore, #tpu.memory_space<semaphore_mem>>, %arg12: memref<!tpu.dma_semaphore, #tpu.memory_space<semaphore_mem>>, %arg13: memref<!tpu.dma_semaphore, #tpu.memory_space<semaphore_mem>>, %arg14: memref<!tpu.dma_semaphore, #tpu.memory_space<semaphore_mem>>) attributes {dimension_semantics = [#tpu.dimension_semantics<core_parallel>, #tpu.dimension_semantics<subcore_parallel>], iteration_bounds = array<i64: 2, 16>, scalar_prefetch = 0 : i64, scratch_operands = 9 : i64, tpu.core_type = #tpu.core_type<sc_vector_subcore>, window_params = [{transform_indices = #map}, {transform_indices = #map1}, {transform_indices = #map}, {transform_indices = #map2}]} {
    %mul3A = arith.constant 16 : i32
    %mul3A_0 = arith.muli %arg0, %mul3A : i32
    %add3A = arith.addi %mul3A_0, %arg1 : i32
    %run_scoped3A = arith.constant 1 : i32
    %run_scoped3A_1 = arith.constant 0 : i32
    "tpu.region"() ({
      %run_scoped3A_80 = tpu.sem_alloc : memref<!tpu.dma_semaphore, #tpu.memory_space<semaphore_mem>>
      %dma_start3A_81 = arith.constant 0 : i32
      %dma_start3A_82 = arith.constant 0 : i32
      %dma_start3A_83 = tpu.memref_slice %arg3[%run_scoped3A, %add3A, %run_scoped3A_1, %dma_start3A_81, %dma_start3A_82] : memref<2x32x2x40x125xi32, #tpu.memory_space<hbm>> -> memref<1x1x1x40x125xi32, #tpu.memory_space<hbm>>
      %dma_start3A_84 = tpu.memref_squeeze %dma_start3A_83 : memref<1x1x1x40x125xi32, #tpu.memory_space<hbm>> -> memref<40x125xi32, #tpu.memory_space<hbm>>
      %dma_start3A_85 = arith.constant 0 : i32
      %dma_start3A_86 = arith.constant 0 : i32
      %dma_start3A_87 = tpu.memref_slice %arg3[%run_scoped3A, %add3A, %run_scoped3A_1, %dma_start3A_85, %dma_start3A_86] : memref<2x32x2x40x125xi32, #tpu.memory_space<hbm>> -> memref<1x1x1x40x125xi32, #tpu.memory_space<hbm>>
      %dma_start3A_88 = tpu.memref_squeeze %dma_start3A_87 : memref<1x1x1x40x125xi32, #tpu.memory_space<hbm>> -> memref<40x125xi32, #tpu.memory_space<hbm>>
      tpu.enqueue_dma source(%dma_start3A_88 : memref<40x125xi32, #tpu.memory_space<hbm>>) target(%arg6 : memref<40x125xi32, #tpu.memory_space<vmem>>) target_semaphore(%run_scoped3A_80 : memref<!tpu.dma_semaphore, #tpu.memory_space<semaphore_mem>>)
      %dma_wait3A_89 = arith.constant 0 : i32
      %dma_wait3A_90 = arith.constant 0 : i32
      %dma_wait3A_91 = tpu.memref_slice %arg3[%run_scoped3A, %add3A, %run_scoped3A_1, %dma_wait3A_89, %dma_wait3A_90] : memref<2x32x2x40x125xi32, #tpu.memory_space<hbm>> -> memref<1x1x1x40x125xi32, #tpu.memory_space<hbm>>
      %dma_wait3A_92 = tpu.memref_squeeze %dma_wait3A_91 : memref<1x1x1x40x125xi32, #tpu.memory_space<hbm>> -> memref<40x125xi32, #tpu.memory_space<hbm>>
      %dma_wait3A_93 = arith.constant 0 : i32
      %dma_wait3A_94 = arith.constant 0 : i32
      %dma_wait3A_95 = tpu.memref_slice %arg3[%run_scoped3A, %add3A, %run_scoped3A_1, %dma_wait3A_93, %dma_wait3A_94] : memref<2x32x2x40x125xi32, #tpu.memory_space<hbm>> -> memref<1x1x1x40x125xi32, #tpu.memory_space<hbm>>
      %dma_wait3A_96 = tpu.memref_squeeze %dma_wait3A_95 : memref<1x1x1x40x125xi32, #tpu.memory_space<hbm>> -> memref<40x125xi32, #tpu.memory_space<hbm>>
      tpu.wait_dma2 semaphore(%run_scoped3A_80 : memref<!tpu.dma_semaphore, #tpu.memory_space<semaphore_mem>>) src(%dma_wait3A_96 : memref<40x125xi32, #tpu.memory_space<hbm>>) dst(%arg6 : memref<40x125xi32, #tpu.memory_space<vmem>>)
      tpu.yield
    }) : () -> ()
    %run_scoped3A_2 = arith.constant 0 : i32
    %run_scoped3A_3 = arith.constant 0 : i32
    "tpu.region"() ({
      %run_scoped3A_80 = tpu.sem_alloc : memref<!tpu.dma_semaphore, #tpu.memory_space<semaphore_mem>>
      %dma_start3A_81 = arith.constant 0 : i32
      %dma_start3A_82 = arith.constant 0 : i32
      %dma_start3A_83 = tpu.memref_slice %arg3[%run_scoped3A_2, %add3A, %run_scoped3A_3, %dma_start3A_81, %dma_start3A_82] : memref<2x32x2x40x125xi32, #tpu.memory_space<hbm>> -> memref<1x1x1x40x125xi32, #tpu.memory_space<hbm>>
      %dma_start3A_84 = tpu.memref_squeeze %dma_start3A_83 : memref<1x1x1x40x125xi32, #tpu.memory_space<hbm>> -> memref<40x125xi32, #tpu.memory_space<hbm>>
      %dma_start3A_85 = arith.constant 0 : i32
      %dma_start3A_86 = arith.constant 0 : i32
      %dma_start3A_87 = tpu.memref_slice %arg3[%run_scoped3A_2, %add3A, %run_scoped3A_3, %dma_start3A_85, %dma_start3A_86] : memref<2x32x2x40x125xi32, #tpu.memory_space<hbm>> -> memref<1x1x1x40x125xi32, #tpu.memory_space<hbm>>
      %dma_start3A_88 = tpu.memref_squeeze %dma_start3A_87 : memref<1x1x1x40x125xi32, #tpu.memory_space<hbm>> -> memref<40x125xi32, #tpu.memory_space<hbm>>
      tpu.enqueue_dma source(%dma_start3A_88 : memref<40x125xi32, #tpu.memory_space<hbm>>) target(%arg7 : memref<40x125xi32, #tpu.memory_space<vmem>>) target_semaphore(%run_scoped3A_80 : memref<!tpu.dma_semaphore, #tpu.memory_space<semaphore_mem>>)
      %dma_wait3A_89 = arith.constant 0 : i32
      %dma_wait3A_90 = arith.constant 0 : i32
      %dma_wait3A_91 = tpu.memref_slice %arg3[%run_scoped3A_2, %add3A, %run_scoped3A_3, %dma_wait3A_89, %dma_wait3A_90] : memref<2x32x2x40x125xi32, #tpu.memory_space<hbm>> -> memref<1x1x1x40x125xi32, #tpu.memory_space<hbm>>
      %dma_wait3A_92 = tpu.memref_squeeze %dma_wait3A_91 : memref<1x1x1x40x125xi32, #tpu.memory_space<hbm>> -> memref<40x125xi32, #tpu.memory_space<hbm>>
      %dma_wait3A_93 = arith.constant 0 : i32
      %dma_wait3A_94 = arith.constant 0 : i32
      %dma_wait3A_95 = tpu.memref_slice %arg3[%run_scoped3A_2, %add3A, %run_scoped3A_3, %dma_wait3A_93, %dma_wait3A_94] : memref<2x32x2x40x125xi32, #tpu.memory_space<hbm>> -> memref<1x1x1x40x125xi32, #tpu.memory_space<hbm>>
      %dma_wait3A_96 = tpu.memref_squeeze %dma_wait3A_95 : memref<1x1x1x40x125xi32, #tpu.memory_space<hbm>> -> memref<40x125xi32, #tpu.memory_space<hbm>>
      tpu.wait_dma2 semaphore(%run_scoped3A_80 : memref<!tpu.dma_semaphore, #tpu.memory_space<semaphore_mem>>) src(%dma_wait3A_96 : memref<40x125xi32, #tpu.memory_space<hbm>>) dst(%arg7 : memref<40x125xi32, #tpu.memory_space<vmem>>)
      tpu.yield
    }) : () -> ()
    %dma_start3A = arith.constant 0 : i32
    %dma_start3A_4 = arith.constant 0 : i32
    %dma_start3A_5 = tpu.memref_slice %arg6[%dma_start3A, %dma_start3A_4] : memref<40x125xi32, #tpu.memory_space<vmem>> -> memref<1x125xi32, #tpu.memory_space<vmem>>
    %dma_start3A_6 = tpu.memref_squeeze %dma_start3A_5 : memref<1x125xi32, #tpu.memory_space<vmem>> -> memref<125xi32, #tpu.memory_space<vmem>>
    %dma_start3A_7 = arith.constant 0 : i32
    %dma_start3A_8 = arith.constant 0 : i32
    %dma_start3A_9 = tpu.memref_slice %arg2[%dma_start3A_7, %dma_start3A_8] : memref<10000x128xf32, #tpu.memory_space<hbm>> -> memref<10000x128xf32, #tpu.memory_space<hbm>>
    tpu.enqueue_indirect_dma source(%dma_start3A_9 : memref<10000x128xf32, #tpu.memory_space<hbm>>) target(%arg8 : memref<125x128xf32, #tpu.memory_space<vmem>>) offsets(%dma_start3A_6 : memref<125xi32, #tpu.memory_space<vmem>>) semaphore(%arg11 : memref<!tpu.dma_semaphore, #tpu.memory_space<semaphore_mem>>)
    %dma_start3A_10 = arith.constant 1 : i32
    %dma_start3A_11 = arith.constant 0 : i32
    %dma_start3A_12 = tpu.memref_slice %arg6[%dma_start3A_10, %dma_start3A_11] : memref<40x125xi32, #tpu.memory_space<vmem>> -> memref<1x125xi32, #tpu.memory_space<vmem>>
    %dma_start3A_13 = tpu.memref_squeeze %dma_start3A_12 : memref<1x125xi32, #tpu.memory_space<vmem>> -> memref<125xi32, #tpu.memory_space<vmem>>
    %dma_start3A_14 = arith.constant 0 : i32
    %dma_start3A_15 = arith.constant 0 : i32
    %dma_start3A_16 = tpu.memref_slice %arg2[%dma_start3A_14, %dma_start3A_15] : memref<10000x128xf32, #tpu.memory_space<hbm>> -> memref<10000x128xf32, #tpu.memory_space<hbm>>
    tpu.enqueue_indirect_dma source(%dma_start3A_16 : memref<10000x128xf32, #tpu.memory_space<hbm>>) target(%arg9 : memref<125x128xf32, #tpu.memory_space<vmem>>) offsets(%dma_start3A_13 : memref<125xi32, #tpu.memory_space<vmem>>) semaphore(%arg12 : memref<!tpu.dma_semaphore, #tpu.memory_space<semaphore_mem>>)
    %mul3A_17 = arith.constant 640 : i32
    %mul3A_18 = arith.muli %arg1, %mul3A_17 : i32
    "tpu.region"() ({
      %run_scoped3A_80 = tpu.sem_alloc : memref<!tpu.dma_semaphore, #tpu.memory_space<semaphore_mem>>
      %dma_start3A_81 = arith.constant 0 : i32
      %dma_start3A_82 = tpu.memref_slice %arg10[%mul3A_18, %dma_start3A_81] : memref<10240x128xf32, #tpu.memory_space<vmem_shared>> -> memref<640x128xf32, #tpu.memory_space<vmem_shared>>
      tpu.enqueue_dma source(%arg4 : memref<640x128xf32, #tpu.memory_space<hbm>>) target(%dma_start3A_82 : memref<640x128xf32, #tpu.memory_space<vmem_shared>>) target_semaphore(%run_scoped3A_80 : memref<!tpu.dma_semaphore, #tpu.memory_space<semaphore_mem>>)
      %dma_wait3A_83 = arith.constant 0 : i32
      %dma_wait3A_84 = tpu.memref_slice %arg10[%mul3A_18, %dma_wait3A_83] : memref<10240x128xf32, #tpu.memory_space<vmem_shared>> -> memref<640x128xf32, #tpu.memory_space<vmem_shared>>
      tpu.wait_dma2 semaphore(%run_scoped3A_80 : memref<!tpu.dma_semaphore, #tpu.memory_space<semaphore_mem>>) src(%arg4 : memref<640x128xf32, #tpu.memory_space<hbm>>) dst(%dma_wait3A_84 : memref<640x128xf32, #tpu.memory_space<vmem_shared>>)
      tpu.yield
    }) : () -> ()
    %barrier3A = arith.constant 0 : index
    tpu.barrier barrier_id(%barrier3A)
    %scan3A = arith.constant 0 : i32
    %scan3A_19 = arith.constant 0 : i32
    %scan3A_20 = arith.constant 20 : i32
    %scan3A_21 = arith.addi %scan3A_19, %scan3A_20 : i32
    %scan3A_22 = arith.constant 1 : i32
    scf.for %scan3A_80 = %scan3A_19 to %scan3A_21 step %scan3A_22  : i32 {
      %mul3A_81 = arith.constant 2 : i32
      %mul3A_82 = arith.muli %mul3A_81, %scan3A_80 : i32
      %add3A_83 = arith.constant 0 : i32
      %add3A_84 = arith.addi %mul3A_82, %add3A_83 : i32
      %dma_wait3A_85 = arith.constant 0 : i32
      %dma_wait3A_86 = arith.constant 0 : i32
      %dma_wait3A_87 = tpu.memref_slice %arg6[%dma_wait3A_85, %dma_wait3A_86] : memref<40x125xi32, #tpu.memory_space<vmem>> -> memref<1x125xi32, #tpu.memory_space<vmem>>
      %dma_wait3A_88 = tpu.memref_squeeze %dma_wait3A_87 : memref<1x125xi32, #tpu.memory_space<vmem>> -> memref<125xi32, #tpu.memory_space<vmem>>
      %dma_wait3A_89 = arith.constant 0 : i32
      %dma_wait3A_90 = arith.constant 0 : i32
      %dma_wait3A_91 = tpu.memref_slice %arg2[%dma_wait3A_89, %dma_wait3A_90] : memref<10000x128xf32, #tpu.memory_space<hbm>> -> memref<10000x128xf32, #tpu.memory_space<hbm>>
      tpu.wait_indirect_dma semaphore(%arg11 : memref<!tpu.dma_semaphore, #tpu.memory_space<semaphore_mem>>) src(%dma_wait3A_91 : memref<10000x128xf32, #tpu.memory_space<hbm>>) dst(%arg8 : memref<125x128xf32, #tpu.memory_space<vmem>>)
      %dma_start3A_92 = arith.constant 0 : i32
      %dma_start3A_93 = tpu.memref_slice %arg7[%add3A_84, %dma_start3A_92] : memref<40x125xi32, #tpu.memory_space<vmem>> -> memref<1x125xi32, #tpu.memory_space<vmem>>
      %dma_start3A_94 = tpu.memref_squeeze %dma_start3A_93 : memref<1x125xi32, #tpu.memory_space<vmem>> -> memref<125xi32, #tpu.memory_space<vmem>>
      %dma_start3A_95 = arith.constant 0 : i32
      %dma_start3A_96 = arith.constant 0 : i32
      %dma_start3A_97 = tpu.memref_slice %arg10[%dma_start3A_95, %dma_start3A_96] : memref<10240x128xf32, #tpu.memory_space<vmem_shared>> -> memref<10240x128xf32, #tpu.memory_space<vmem_shared>>
      tpu.enqueue_indirect_dma source(%arg8 : memref<125x128xf32, #tpu.memory_space<vmem>>) target(%dma_start3A_97 : memref<10240x128xf32, #tpu.memory_space<vmem_shared>>) offsets(%dma_start3A_94 : memref<125xi32, #tpu.memory_space<vmem>>) semaphore(%arg13 : memref<!tpu.dma_semaphore, #tpu.memory_space<semaphore_mem>>) {add = true}
      %add3A_98 = arith.constant 2 : i32
      %add3A_99 = arith.addi %add3A_84, %add3A_98 : i32
      %lt3A = arith.constant 40 : i32
      %lt3A_100 = arith.cmpi slt, %add3A_99, %lt3A : i32
      %convert_element_type3A = arith.extui %lt3A_100 : i1 to i32
      %cond3A = arith.constant 0 : i32
      %cond3A_101 = arith.cmpi ne, %convert_element_type3A, %cond3A : i32
      scf.if %cond3A_101 {
        %dma_wait3A_126 = arith.constant 0 : i32
        %dma_wait3A_127 = arith.constant 0 : i32
        %dma_wait3A_128 = tpu.memref_slice %arg7[%dma_wait3A_126, %dma_wait3A_127] : memref<40x125xi32, #tpu.memory_space<vmem>> -> memref<1x125xi32, #tpu.memory_space<vmem>>
        %dma_wait3A_129 = tpu.memref_squeeze %dma_wait3A_128 : memref<1x125xi32, #tpu.memory_space<vmem>> -> memref<125xi32, #tpu.memory_space<vmem>>
        %dma_wait3A_130 = arith.constant 0 : i32
        %dma_wait3A_131 = arith.constant 0 : i32
        %dma_wait3A_132 = tpu.memref_slice %arg10[%dma_wait3A_130, %dma_wait3A_131] : memref<10240x128xf32, #tpu.memory_space<vmem_shared>> -> memref<10240x128xf32, #tpu.memory_space<vmem_shared>>
        tpu.wait_indirect_dma semaphore(%arg13 : memref<!tpu.dma_semaphore, #tpu.memory_space<semaphore_mem>>) src(%arg8 : memref<125x128xf32, #tpu.memory_space<vmem>>) dst(%dma_wait3A_132 : memref<10240x128xf32, #tpu.memory_space<vmem_shared>>)
        %add3A_133 = arith.constant 2 : i32
        %add3A_134 = arith.addi %add3A_84, %add3A_133 : i32
        %dma_start3A_135 = arith.constant 0 : i32
        %dma_start3A_136 = tpu.memref_slice %arg6[%add3A_134, %dma_start3A_135] : memref<40x125xi32, #tpu.memory_space<vmem>> -> memref<1x125xi32, #tpu.memory_space<vmem>>
        %dma_start3A_137 = tpu.memref_squeeze %dma_start3A_136 : memref<1x125xi32, #tpu.memory_space<vmem>> -> memref<125xi32, #tpu.memory_space<vmem>>
        %dma_start3A_138 = arith.constant 0 : i32
        %dma_start3A_139 = arith.constant 0 : i32
        %dma_start3A_140 = tpu.memref_slice %arg2[%dma_start3A_138, %dma_start3A_139] : memref<10000x128xf32, #tpu.memory_space<hbm>> -> memref<10000x128xf32, #tpu.memory_space<hbm>>
        tpu.enqueue_indirect_dma source(%dma_start3A_140 : memref<10000x128xf32, #tpu.memory_space<hbm>>) target(%arg8 : memref<125x128xf32, #tpu.memory_space<vmem>>) offsets(%dma_start3A_137 : memref<125xi32, #tpu.memory_space<vmem>>) semaphore(%arg11 : memref<!tpu.dma_semaphore, #tpu.memory_space<semaphore_mem>>)
      } else {
      }
      %mul3A_102 = arith.constant 2 : i32
      %mul3A_103 = arith.muli %mul3A_102, %scan3A_80 : i32
      %add3A_104 = arith.constant 1 : i32
      %add3A_105 = arith.addi %mul3A_103, %add3A_104 : i32
      %dma_wait3A_106 = arith.constant 0 : i32
      %dma_wait3A_107 = arith.constant 0 : i32
      %dma_wait3A_108 = tpu.memref_slice %arg6[%dma_wait3A_106, %dma_wait3A_107] : memref<40x125xi32, #tpu.memory_space<vmem>> -> memref<1x125xi32, #tpu.memory_space<vmem>>
      %dma_wait3A_109 = tpu.memref_squeeze %dma_wait3A_108 : memref<1x125xi32, #tpu.memory_space<vmem>> -> memref<125xi32, #tpu.memory_space<vmem>>
      %dma_wait3A_110 = arith.constant 0 : i32
      %dma_wait3A_111 = arith.constant 0 : i32
      %dma_wait3A_112 = tpu.memref_slice %arg2[%dma_wait3A_110, %dma_wait3A_111] : memref<10000x128xf32, #tpu.memory_space<hbm>> -> memref<10000x128xf32, #tpu.memory_space<hbm>>
      tpu.wait_indirect_dma semaphore(%arg12 : memref<!tpu.dma_semaphore, #tpu.memory_space<semaphore_mem>>) src(%dma_wait3A_112 : memref<10000x128xf32, #tpu.memory_space<hbm>>) dst(%arg9 : memref<125x128xf32, #tpu.memory_space<vmem>>)
      %dma_start3A_113 = arith.constant 0 : i32
      %dma_start3A_114 = tpu.memref_slice %arg7[%add3A_105, %dma_start3A_113] : memref<40x125xi32, #tpu.memory_space<vmem>> -> memref<1x125xi32, #tpu.memory_space<vmem>>
      %dma_start3A_115 = tpu.memref_squeeze %dma_start3A_114 : memref<1x125xi32, #tpu.memory_space<vmem>> -> memref<125xi32, #tpu.memory_space<vmem>>
      %dma_start3A_116 = arith.constant 0 : i32
      %dma_start3A_117 = arith.constant 0 : i32
      %dma_start3A_118 = tpu.memref_slice %arg10[%dma_start3A_116, %dma_start3A_117] : memref<10240x128xf32, #tpu.memory_space<vmem_shared>> -> memref<10240x128xf32, #tpu.memory_space<vmem_shared>>
      tpu.enqueue_indirect_dma source(%arg9 : memref<125x128xf32, #tpu.memory_space<vmem>>) target(%dma_start3A_118 : memref<10240x128xf32, #tpu.memory_space<vmem_shared>>) offsets(%dma_start3A_115 : memref<125xi32, #tpu.memory_space<vmem>>) semaphore(%arg14 : memref<!tpu.dma_semaphore, #tpu.memory_space<semaphore_mem>>) {add = true}
      %add3A_119 = arith.constant 2 : i32
      %add3A_120 = arith.addi %add3A_105, %add3A_119 : i32
      %lt3A_121 = arith.constant 40 : i32
      %lt3A_122 = arith.cmpi slt, %add3A_120, %lt3A_121 : i32
      %convert_element_type3A_123 = arith.extui %lt3A_122 : i1 to i32
      %cond3A_124 = arith.constant 0 : i32
      %cond3A_125 = arith.cmpi ne, %convert_element_type3A_123, %cond3A_124 : i32
      scf.if %cond3A_125 {
        %dma_wait3A_126 = arith.constant 0 : i32
        %dma_wait3A_127 = arith.constant 0 : i32
        %dma_wait3A_128 = tpu.memref_slice %arg7[%dma_wait3A_126, %dma_wait3A_127] : memref<40x125xi32, #tpu.memory_space<vmem>> -> memref<1x125xi32, #tpu.memory_space<vmem>>
        %dma_wait3A_129 = tpu.memref_squeeze %dma_wait3A_128 : memref<1x125xi32, #tpu.memory_space<vmem>> -> memref<125xi32, #tpu.memory_space<vmem>>
        %dma_wait3A_130 = arith.constant 0 : i32
        %dma_wait3A_131 = arith.constant 0 : i32
        %dma_wait3A_132 = tpu.memref_slice %arg10[%dma_wait3A_130, %dma_wait3A_131] : memref<10240x128xf32, #tpu.memory_space<vmem_shared>> -> memref<10240x128xf32, #tpu.memory_space<vmem_shared>>
        tpu.wait_indirect_dma semaphore(%arg14 : memref<!tpu.dma_semaphore, #tpu.memory_space<semaphore_mem>>) src(%arg9 : memref<125x128xf32, #tpu.memory_space<vmem>>) dst(%dma_wait3A_132 : memref<10240x128xf32, #tpu.memory_space<vmem_shared>>)
        %add3A_133 = arith.constant 2 : i32
        %add3A_134 = arith.addi %add3A_105, %add3A_133 : i32
        %dma_start3A_135 = arith.constant 0 : i32
        %dma_start3A_136 = tpu.memref_slice %arg6[%add3A_134, %dma_start3A_135] : memref<40x125xi32, #tpu.memory_space<vmem>> -> memref<1x125xi32, #tpu.memory_space<vmem>>
        %dma_start3A_137 = tpu.memref_squeeze %dma_start3A_136 : memref<1x125xi32, #tpu.memory_space<vmem>> -> memref<125xi32, #tpu.memory_space<vmem>>
        %dma_start3A_138 = arith.constant 0 : i32
        %dma_start3A_139 = arith.constant 0 : i32
        %dma_start3A_140 = tpu.memref_slice %arg2[%dma_start3A_138, %dma_start3A_139] : memref<10000x128xf32, #tpu.memory_space<hbm>> -> memref<10000x128xf32, #tpu.memory_space<hbm>>
        tpu.enqueue_indirect_dma source(%dma_start3A_140 : memref<10000x128xf32, #tpu.memory_space<hbm>>) target(%arg9 : memref<125x128xf32, #tpu.memory_space<vmem>>) offsets(%dma_start3A_137 : memref<125xi32, #tpu.memory_space<vmem>>) semaphore(%arg12 : memref<!tpu.dma_semaphore, #tpu.memory_space<semaphore_mem>>)
      } else {
      }
    }
    %scan3A_23 = arith.constant 20 : i32
    %dma_wait3A = arith.constant 0 : i32
    %dma_wait3A_24 = arith.constant 0 : i32
    %dma_wait3A_25 = tpu.memref_slice %arg7[%dma_wait3A, %dma_wait3A_24] : memref<40x125xi32, #tpu.memory_space<vmem>> -> memref<1x125xi32, #tpu.memory_space<vmem>>
    %dma_wait3A_26 = tpu.memref_squeeze %dma_wait3A_25 : memref<1x125xi32, #tpu.memory_space<vmem>> -> memref<125xi32, #tpu.memory_space<vmem>>
    %dma_wait3A_27 = arith.constant 0 : i32
    %dma_wait3A_28 = arith.constant 0 : i32
    %dma_wait3A_29 = tpu.memref_slice %arg10[%dma_wait3A_27, %dma_wait3A_28] : memref<10240x128xf32, #tpu.memory_space<vmem_shared>> -> memref<10240x128xf32, #tpu.memory_space<vmem_shared>>
    tpu.wait_indirect_dma semaphore(%arg13 : memref<!tpu.dma_semaphore, #tpu.memory_space<semaphore_mem>>) src(%arg8 : memref<125x128xf32, #tpu.memory_space<vmem>>) dst(%dma_wait3A_29 : memref<10240x128xf32, #tpu.memory_space<vmem_shared>>)
    %dma_wait3A_30 = arith.constant 0 : i32
    %dma_wait3A_31 = arith.constant 0 : i32
    %dma_wait3A_32 = tpu.memref_slice %arg7[%dma_wait3A_30, %dma_wait3A_31] : memref<40x125xi32, #tpu.memory_space<vmem>> -> memref<1x125xi32, #tpu.memory_space<vmem>>
    %dma_wait3A_33 = tpu.memref_squeeze %dma_wait3A_32 : memref<1x125xi32, #tpu.memory_space<vmem>> -> memref<125xi32, #tpu.memory_space<vmem>>
    %dma_wait3A_34 = arith.constant 0 : i32
    %dma_wait3A_35 = arith.constant 0 : i32
    %dma_wait3A_36 = tpu.memref_slice %arg10[%dma_wait3A_34, %dma_wait3A_35] : memref<10240x128xf32, #tpu.memory_space<vmem_shared>> -> memref<10240x128xf32, #tpu.memory_space<vmem_shared>>
    tpu.wait_indirect_dma semaphore(%arg14 : memref<!tpu.dma_semaphore, #tpu.memory_space<semaphore_mem>>) src(%arg9 : memref<125x128xf32, #tpu.memory_space<vmem>>) dst(%dma_wait3A_36 : memref<10240x128xf32, #tpu.memory_space<vmem_shared>>)
    %run_scoped3A_37 = arith.constant 1 : i32
    %run_scoped3A_38 = arith.constant 1 : i32
    "tpu.region"() ({
      %run_scoped3A_80 = tpu.sem_alloc : memref<!tpu.dma_semaphore, #tpu.memory_space<semaphore_mem>>
      %dma_start3A_81 = arith.constant 0 : i32
      %dma_start3A_82 = arith.constant 0 : i32
      %dma_start3A_83 = tpu.memref_slice %arg3[%run_scoped3A_37, %add3A, %run_scoped3A_38, %dma_start3A_81, %dma_start3A_82] : memref<2x32x2x40x125xi32, #tpu.memory_space<hbm>> -> memref<1x1x1x40x125xi32, #tpu.memory_space<hbm>>
      %dma_start3A_84 = tpu.memref_squeeze %dma_start3A_83 : memref<1x1x1x40x125xi32, #tpu.memory_space<hbm>> -> memref<40x125xi32, #tpu.memory_space<hbm>>
      %dma_start3A_85 = arith.constant 0 : i32
      %dma_start3A_86 = arith.constant 0 : i32
      %dma_start3A_87 = tpu.memref_slice %arg3[%run_scoped3A_37, %add3A, %run_scoped3A_38, %dma_start3A_85, %dma_start3A_86] : memref<2x32x2x40x125xi32, #tpu.memory_space<hbm>> -> memref<1x1x1x40x125xi32, #tpu.memory_space<hbm>>
      %dma_start3A_88 = tpu.memref_squeeze %dma_start3A_87 : memref<1x1x1x40x125xi32, #tpu.memory_space<hbm>> -> memref<40x125xi32, #tpu.memory_space<hbm>>
      tpu.enqueue_dma source(%dma_start3A_88 : memref<40x125xi32, #tpu.memory_space<hbm>>) target(%arg6 : memref<40x125xi32, #tpu.memory_space<vmem>>) target_semaphore(%run_scoped3A_80 : memref<!tpu.dma_semaphore, #tpu.memory_space<semaphore_mem>>)
      %dma_wait3A_89 = arith.constant 0 : i32
      %dma_wait3A_90 = arith.constant 0 : i32
      %dma_wait3A_91 = tpu.memref_slice %arg3[%run_scoped3A_37, %add3A, %run_scoped3A_38, %dma_wait3A_89, %dma_wait3A_90] : memref<2x32x2x40x125xi32, #tpu.memory_space<hbm>> -> memref<1x1x1x40x125xi32, #tpu.memory_space<hbm>>
      %dma_wait3A_92 = tpu.memref_squeeze %dma_wait3A_91 : memref<1x1x1x40x125xi32, #tpu.memory_space<hbm>> -> memref<40x125xi32, #tpu.memory_space<hbm>>
      %dma_wait3A_93 = arith.constant 0 : i32
      %dma_wait3A_94 = arith.constant 0 : i32
      %dma_wait3A_95 = tpu.memref_slice %arg3[%run_scoped3A_37, %add3A, %run_scoped3A_38, %dma_wait3A_93, %dma_wait3A_94] : memref<2x32x2x40x125xi32, #tpu.memory_space<hbm>> -> memref<1x1x1x40x125xi32, #tpu.memory_space<hbm>>
      %dma_wait3A_96 = tpu.memref_squeeze %dma_wait3A_95 : memref<1x1x1x40x125xi32, #tpu.memory_space<hbm>> -> memref<40x125xi32, #tpu.memory_space<hbm>>
      tpu.wait_dma2 semaphore(%run_scoped3A_80 : memref<!tpu.dma_semaphore, #tpu.memory_space<semaphore_mem>>) src(%dma_wait3A_96 : memref<40x125xi32, #tpu.memory_space<hbm>>) dst(%arg6 : memref<40x125xi32, #tpu.memory_space<vmem>>)
      tpu.yield
    }) : () -> ()
    %run_scoped3A_39 = arith.constant 0 : i32
    %run_scoped3A_40 = arith.constant 1 : i32
    "tpu.region"() ({
      %run_scoped3A_80 = tpu.sem_alloc : memref<!tpu.dma_semaphore, #tpu.memory_space<semaphore_mem>>
      %dma_start3A_81 = arith.constant 0 : i32
      %dma_start3A_82 = arith.constant 0 : i32
      %dma_start3A_83 = tpu.memref_slice %arg3[%run_scoped3A_39, %add3A, %run_scoped3A_40, %dma_start3A_81, %dma_start3A_82] : memref<2x32x2x40x125xi32, #tpu.memory_space<hbm>> -> memref<1x1x1x40x125xi32, #tpu.memory_space<hbm>>
      %dma_start3A_84 = tpu.memref_squeeze %dma_start3A_83 : memref<1x1x1x40x125xi32, #tpu.memory_space<hbm>> -> memref<40x125xi32, #tpu.memory_space<hbm>>
      %dma_start3A_85 = arith.constant 0 : i32
      %dma_start3A_86 = arith.constant 0 : i32
      %dma_start3A_87 = tpu.memref_slice %arg3[%run_scoped3A_39, %add3A, %run_scoped3A_40, %dma_start3A_85, %dma_start3A_86] : memref<2x32x2x40x125xi32, #tpu.memory_space<hbm>> -> memref<1x1x1x40x125xi32, #tpu.memory_space<hbm>>
      %dma_start3A_88 = tpu.memref_squeeze %dma_start3A_87 : memref<1x1x1x40x125xi32, #tpu.memory_space<hbm>> -> memref<40x125xi32, #tpu.memory_space<hbm>>
      tpu.enqueue_dma source(%dma_start3A_88 : memref<40x125xi32, #tpu.memory_space<hbm>>) target(%arg7 : memref<40x125xi32, #tpu.memory_space<vmem>>) target_semaphore(%run_scoped3A_80 : memref<!tpu.dma_semaphore, #tpu.memory_space<semaphore_mem>>)
      %dma_wait3A_89 = arith.constant 0 : i32
      %dma_wait3A_90 = arith.constant 0 : i32
      %dma_wait3A_91 = tpu.memref_slice %arg3[%run_scoped3A_39, %add3A, %run_scoped3A_40, %dma_wait3A_89, %dma_wait3A_90] : memref<2x32x2x40x125xi32, #tpu.memory_space<hbm>> -> memref<1x1x1x40x125xi32, #tpu.memory_space<hbm>>
      %dma_wait3A_92 = tpu.memref_squeeze %dma_wait3A_91 : memref<1x1x1x40x125xi32, #tpu.memory_space<hbm>> -> memref<40x125xi32, #tpu.memory_space<hbm>>
      %dma_wait3A_93 = arith.constant 0 : i32
      %dma_wait3A_94 = arith.constant 0 : i32
      %dma_wait3A_95 = tpu.memref_slice %arg3[%run_scoped3A_39, %add3A, %run_scoped3A_40, %dma_wait3A_93, %dma_wait3A_94] : memref<2x32x2x40x125xi32, #tpu.memory_space<hbm>> -> memref<1x1x1x40x125xi32, #tpu.memory_space<hbm>>
      %dma_wait3A_96 = tpu.memref_squeeze %dma_wait3A_95 : memref<1x1x1x40x125xi32, #tpu.memory_space<hbm>> -> memref<40x125xi32, #tpu.memory_space<hbm>>
      tpu.wait_dma2 semaphore(%run_scoped3A_80 : memref<!tpu.dma_semaphore, #tpu.memory_space<semaphore_mem>>) src(%dma_wait3A_96 : memref<40x125xi32, #tpu.memory_space<hbm>>) dst(%arg7 : memref<40x125xi32, #tpu.memory_space<vmem>>)
      tpu.yield
    }) : () -> ()
    %dma_start3A_41 = arith.constant 0 : i32
    %dma_start3A_42 = arith.constant 0 : i32
    %dma_start3A_43 = tpu.memref_slice %arg6[%dma_start3A_41, %dma_start3A_42] : memref<40x125xi32, #tpu.memory_space<vmem>> -> memref<1x125xi32, #tpu.memory_space<vmem>>
    %dma_start3A_44 = tpu.memref_squeeze %dma_start3A_43 : memref<1x125xi32, #tpu.memory_space<vmem>> -> memref<125xi32, #tpu.memory_space<vmem>>
    %dma_start3A_45 = arith.constant 0 : i32
    %dma_start3A_46 = arith.constant 0 : i32
    %dma_start3A_47 = tpu.memref_slice %arg2[%dma_start3A_45, %dma_start3A_46] : memref<10000x128xf32, #tpu.memory_space<hbm>> -> memref<10000x128xf32, #tpu.memory_space<hbm>>
    tpu.enqueue_indirect_dma source(%dma_start3A_47 : memref<10000x128xf32, #tpu.memory_space<hbm>>) target(%arg8 : memref<125x128xf32, #tpu.memory_space<vmem>>) offsets(%dma_start3A_44 : memref<125xi32, #tpu.memory_space<vmem>>) semaphore(%arg11 : memref<!tpu.dma_semaphore, #tpu.memory_space<semaphore_mem>>)
    %dma_start3A_48 = arith.constant 1 : i32
    %dma_start3A_49 = arith.constant 0 : i32
    %dma_start3A_50 = tpu.memref_slice %arg6[%dma_start3A_48, %dma_start3A_49] : memref<40x125xi32, #tpu.memory_space<vmem>> -> memref<1x125xi32, #tpu.memory_space<vmem>>
    %dma_start3A_51 = tpu.memref_squeeze %dma_start3A_50 : memref<1x125xi32, #tpu.memory_space<vmem>> -> memref<125xi32, #tpu.memory_space<vmem>>
    %dma_start3A_52 = arith.constant 0 : i32
    %dma_start3A_53 = arith.constant 0 : i32
    %dma_start3A_54 = tpu.memref_slice %arg2[%dma_start3A_52, %dma_start3A_53] : memref<10000x128xf32, #tpu.memory_space<hbm>> -> memref<10000x128xf32, #tpu.memory_space<hbm>>
    tpu.enqueue_indirect_dma source(%dma_start3A_54 : memref<10000x128xf32, #tpu.memory_space<hbm>>) target(%arg9 : memref<125x128xf32, #tpu.memory_space<vmem>>) offsets(%dma_start3A_51 : memref<125xi32, #tpu.memory_space<vmem>>) semaphore(%arg12 : memref<!tpu.dma_semaphore, #tpu.memory_space<semaphore_mem>>)
    %scan3A_55 = arith.constant 0 : i32
    %scan3A_56 = arith.constant 0 : i32
    %scan3A_57 = arith.constant 20 : i32
    %scan3A_58 = arith.addi %scan3A_56, %scan3A_57 : i32
    %scan3A_59 = arith.constant 1 : i32
    scf.for %scan3A_80 = %scan3A_56 to %scan3A_58 step %scan3A_59  : i32 {
      %mul3A_81 = arith.constant 2 : i32
      %mul3A_82 = arith.muli %mul3A_81, %scan3A_80 : i32
      %add3A_83 = arith.constant 0 : i32
      %add3A_84 = arith.addi %mul3A_82, %add3A_83 : i32
      %dma_wait3A_85 = arith.constant 0 : i32
      %dma_wait3A_86 = arith.constant 0 : i32
      %dma_wait3A_87 = tpu.memref_slice %arg6[%dma_wait3A_85, %dma_wait3A_86] : memref<40x125xi32, #tpu.memory_space<vmem>> -> memref<1x125xi32, #tpu.memory_space<vmem>>
      %dma_wait3A_88 = tpu.memref_squeeze %dma_wait3A_87 : memref<1x125xi32, #tpu.memory_space<vmem>> -> memref<125xi32, #tpu.memory_space<vmem>>
      %dma_wait3A_89 = arith.constant 0 : i32
      %dma_wait3A_90 = arith.constant 0 : i32
      %dma_wait3A_91 = tpu.memref_slice %arg2[%dma_wait3A_89, %dma_wait3A_90] : memref<10000x128xf32, #tpu.memory_space<hbm>> -> memref<10000x128xf32, #tpu.memory_space<hbm>>
      tpu.wait_indirect_dma semaphore(%arg11 : memref<!tpu.dma_semaphore, #tpu.memory_space<semaphore_mem>>) src(%dma_wait3A_91 : memref<10000x128xf32, #tpu.memory_space<hbm>>) dst(%arg8 : memref<125x128xf32, #tpu.memory_space<vmem>>)
      %dma_start3A_92 = arith.constant 0 : i32
      %dma_start3A_93 = tpu.memref_slice %arg7[%add3A_84, %dma_start3A_92] : memref<40x125xi32, #tpu.memory_space<vmem>> -> memref<1x125xi32, #tpu.memory_space<vmem>>
      %dma_start3A_94 = tpu.memref_squeeze %dma_start3A_93 : memref<1x125xi32, #tpu.memory_space<vmem>> -> memref<125xi32, #tpu.memory_space<vmem>>
      %dma_start3A_95 = arith.constant 0 : i32
      %dma_start3A_96 = arith.constant 0 : i32
      %dma_start3A_97 = tpu.memref_slice %arg10[%dma_start3A_95, %dma_start3A_96] : memref<10240x128xf32, #tpu.memory_space<vmem_shared>> -> memref<10240x128xf32, #tpu.memory_space<vmem_shared>>
      tpu.enqueue_indirect_dma source(%arg8 : memref<125x128xf32, #tpu.memory_space<vmem>>) target(%dma_start3A_97 : memref<10240x128xf32, #tpu.memory_space<vmem_shared>>) offsets(%dma_start3A_94 : memref<125xi32, #tpu.memory_space<vmem>>) semaphore(%arg13 : memref<!tpu.dma_semaphore, #tpu.memory_space<semaphore_mem>>) {add = true}
      %add3A_98 = arith.constant 2 : i32
      %add3A_99 = arith.addi %add3A_84, %add3A_98 : i32
      %lt3A = arith.constant 40 : i32
      %lt3A_100 = arith.cmpi slt, %add3A_99, %lt3A : i32
      %convert_element_type3A = arith.extui %lt3A_100 : i1 to i32
      %cond3A = arith.constant 0 : i32
      %cond3A_101 = arith.cmpi ne, %convert_element_type3A, %cond3A : i32
      scf.if %cond3A_101 {
        %dma_wait3A_126 = arith.constant 0 : i32
        %dma_wait3A_127 = arith.constant 0 : i32
        %dma_wait3A_128 = tpu.memref_slice %arg7[%dma_wait3A_126, %dma_wait3A_127] : memref<40x125xi32, #tpu.memory_space<vmem>> -> memref<1x125xi32, #tpu.memory_space<vmem>>
        %dma_wait3A_129 = tpu.memref_squeeze %dma_wait3A_128 : memref<1x125xi32, #tpu.memory_space<vmem>> -> memref<125xi32, #tpu.memory_space<vmem>>
        %dma_wait3A_130 = arith.constant 0 : i32
        %dma_wait3A_131 = arith.constant 0 : i32
        %dma_wait3A_132 = tpu.memref_slice %arg10[%dma_wait3A_130, %dma_wait3A_131] : memref<10240x128xf32, #tpu.memory_space<vmem_shared>> -> memref<10240x128xf32, #tpu.memory_space<vmem_shared>>
        tpu.wait_indirect_dma semaphore(%arg13 : memref<!tpu.dma_semaphore, #tpu.memory_space<semaphore_mem>>) src(%arg8 : memref<125x128xf32, #tpu.memory_space<vmem>>) dst(%dma_wait3A_132 : memref<10240x128xf32, #tpu.memory_space<vmem_shared>>)
        %add3A_133 = arith.constant 2 : i32
        %add3A_134 = arith.addi %add3A_84, %add3A_133 : i32
        %dma_start3A_135 = arith.constant 0 : i32
        %dma_start3A_136 = tpu.memref_slice %arg6[%add3A_134, %dma_start3A_135] : memref<40x125xi32, #tpu.memory_space<vmem>> -> memref<1x125xi32, #tpu.memory_space<vmem>>
        %dma_start3A_137 = tpu.memref_squeeze %dma_start3A_136 : memref<1x125xi32, #tpu.memory_space<vmem>> -> memref<125xi32, #tpu.memory_space<vmem>>
        %dma_start3A_138 = arith.constant 0 : i32
        %dma_start3A_139 = arith.constant 0 : i32
        %dma_start3A_140 = tpu.memref_slice %arg2[%dma_start3A_138, %dma_start3A_139] : memref<10000x128xf32, #tpu.memory_space<hbm>> -> memref<10000x128xf32, #tpu.memory_space<hbm>>
        tpu.enqueue_indirect_dma source(%dma_start3A_140 : memref<10000x128xf32, #tpu.memory_space<hbm>>) target(%arg8 : memref<125x128xf32, #tpu.memory_space<vmem>>) offsets(%dma_start3A_137 : memref<125xi32, #tpu.memory_space<vmem>>) semaphore(%arg11 : memref<!tpu.dma_semaphore, #tpu.memory_space<semaphore_mem>>)
      } else {
      }
      %mul3A_102 = arith.constant 2 : i32
      %mul3A_103 = arith.muli %mul3A_102, %scan3A_80 : i32
      %add3A_104 = arith.constant 1 : i32
      %add3A_105 = arith.addi %mul3A_103, %add3A_104 : i32
      %dma_wait3A_106 = arith.constant 0 : i32
      %dma_wait3A_107 = arith.constant 0 : i32
      %dma_wait3A_108 = tpu.memref_slice %arg6[%dma_wait3A_106, %dma_wait3A_107] : memref<40x125xi32, #tpu.memory_space<vmem>> -> memref<1x125xi32, #tpu.memory_space<vmem>>
      %dma_wait3A_109 = tpu.memref_squeeze %dma_wait3A_108 : memref<1x125xi32, #tpu.memory_space<vmem>> -> memref<125xi32, #tpu.memory_space<vmem>>
      %dma_wait3A_110 = arith.constant 0 : i32
      %dma_wait3A_111 = arith.constant 0 : i32
      %dma_wait3A_112 = tpu.memref_slice %arg2[%dma_wait3A_110, %dma_wait3A_111] : memref<10000x128xf32, #tpu.memory_space<hbm>> -> memref<10000x128xf32, #tpu.memory_space<hbm>>
      tpu.wait_indirect_dma semaphore(%arg12 : memref<!tpu.dma_semaphore, #tpu.memory_space<semaphore_mem>>) src(%dma_wait3A_112 : memref<10000x128xf32, #tpu.memory_space<hbm>>) dst(%arg9 : memref<125x128xf32, #tpu.memory_space<vmem>>)
      %dma_start3A_113 = arith.constant 0 : i32
      %dma_start3A_114 = tpu.memref_slice %arg7[%add3A_105, %dma_start3A_113] : memref<40x125xi32, #tpu.memory_space<vmem>> -> memref<1x125xi32, #tpu.memory_space<vmem>>
      %dma_start3A_115 = tpu.memref_squeeze %dma_start3A_114 : memref<1x125xi32, #tpu.memory_space<vmem>> -> memref<125xi32, #tpu.memory_space<vmem>>
      %dma_start3A_116 = arith.constant 0 : i32
      %dma_start3A_117 = arith.constant 0 : i32
      %dma_start3A_118 = tpu.memref_slice %arg10[%dma_start3A_116, %dma_start3A_117] : memref<10240x128xf32, #tpu.memory_space<vmem_shared>> -> memref<10240x128xf32, #tpu.memory_space<vmem_shared>>
      tpu.enqueue_indirect_dma source(%arg9 : memref<125x128xf32, #tpu.memory_space<vmem>>) target(%dma_start3A_118 : memref<10240x128xf32, #tpu.memory_space<vmem_shared>>) offsets(%dma_start3A_115 : memref<125xi32, #tpu.memory_space<vmem>>) semaphore(%arg14 : memref<!tpu.dma_semaphore, #tpu.memory_space<semaphore_mem>>) {add = true}
      %add3A_119 = arith.constant 2 : i32
      %add3A_120 = arith.addi %add3A_105, %add3A_119 : i32
      %lt3A_121 = arith.constant 40 : i32
      %lt3A_122 = arith.cmpi slt, %add3A_120, %lt3A_121 : i32
      %convert_element_type3A_123 = arith.extui %lt3A_122 : i1 to i32
      %cond3A_124 = arith.constant 0 : i32
      %cond3A_125 = arith.cmpi ne, %convert_element_type3A_123, %cond3A_124 : i32
      scf.if %cond3A_125 {
        %dma_wait3A_126 = arith.constant 0 : i32
        %dma_wait3A_127 = arith.constant 0 : i32
        %dma_wait3A_128 = tpu.memref_slice %arg7[%dma_wait3A_126, %dma_wait3A_127] : memref<40x125xi32, #tpu.memory_space<vmem>> -> memref<1x125xi32, #tpu.memory_space<vmem>>
        %dma_wait3A_129 = tpu.memref_squeeze %dma_wait3A_128 : memref<1x125xi32, #tpu.memory_space<vmem>> -> memref<125xi32, #tpu.memory_space<vmem>>
        %dma_wait3A_130 = arith.constant 0 : i32
        %dma_wait3A_131 = arith.constant 0 : i32
        %dma_wait3A_132 = tpu.memref_slice %arg10[%dma_wait3A_130, %dma_wait3A_131] : memref<10240x128xf32, #tpu.memory_space<vmem_shared>> -> memref<10240x128xf32, #tpu.memory_space<vmem_shared>>
        tpu.wait_indirect_dma semaphore(%arg14 : memref<!tpu.dma_semaphore, #tpu.memory_space<semaphore_mem>>) src(%arg9 : memref<125x128xf32, #tpu.memory_space<vmem>>) dst(%dma_wait3A_132 : memref<10240x128xf32, #tpu.memory_space<vmem_shared>>)
        %add3A_133 = arith.constant 2 : i32
        %add3A_134 = arith.addi %add3A_105, %add3A_133 : i32
        %dma_start3A_135 = arith.constant 0 : i32
        %dma_start3A_136 = tpu.memref_slice %arg6[%add3A_134, %dma_start3A_135] : memref<40x125xi32, #tpu.memory_space<vmem>> -> memref<1x125xi32, #tpu.memory_space<vmem>>
        %dma_start3A_137 = tpu.memref_squeeze %dma_start3A_136 : memref<1x125xi32, #tpu.memory_space<vmem>> -> memref<125xi32, #tpu.memory_space<vmem>>
        %dma_start3A_138 = arith.constant 0 : i32
        %dma_start3A_139 = arith.constant 0 : i32
        %dma_start3A_140 = tpu.memref_slice %arg2[%dma_start3A_138, %dma_start3A_139] : memref<10000x128xf32, #tpu.memory_space<hbm>> -> memref<10000x128xf32, #tpu.memory_space<hbm>>
        tpu.enqueue_indirect_dma source(%dma_start3A_140 : memref<10000x128xf32, #tpu.memory_space<hbm>>) target(%arg9 : memref<125x128xf32, #tpu.memory_space<vmem>>) offsets(%dma_start3A_137 : memref<125xi32, #tpu.memory_space<vmem>>) semaphore(%arg12 : memref<!tpu.dma_semaphore, #tpu.memory_space<semaphore_mem>>)
      } else {
      }
    }
    %scan3A_60 = arith.constant 20 : i32
    %dma_wait3A_61 = arith.constant 0 : i32
    %dma_wait3A_62 = arith.constant 0 : i32
    %dma_wait3A_63 = tpu.memref_slice %arg7[%dma_wait3A_61, %dma_wait3A_62] : memref<40x125xi32, #tpu.memory_space<vmem>> -> memref<1x125xi32, #tpu.memory_space<vmem>>
    %dma_wait3A_64 = tpu.memref_squeeze %dma_wait3A_63 : memref<1x125xi32, #tpu.memory_space<vmem>> -> memref<125xi32, #tpu.memory_space<vmem>>
    %dma_wait3A_65 = arith.constant 0 : i32
    %dma_wait3A_66 = arith.constant 0 : i32
    %dma_wait3A_67 = tpu.memref_slice %arg10[%dma_wait3A_65, %dma_wait3A_66] : memref<10240x128xf32, #tpu.memory_space<vmem_shared>> -> memref<10240x128xf32, #tpu.memory_space<vmem_shared>>
    tpu.wait_indirect_dma semaphore(%arg13 : memref<!tpu.dma_semaphore, #tpu.memory_space<semaphore_mem>>) src(%arg8 : memref<125x128xf32, #tpu.memory_space<vmem>>) dst(%dma_wait3A_67 : memref<10240x128xf32, #tpu.memory_space<vmem_shared>>)
    %dma_wait3A_68 = arith.constant 0 : i32
    %dma_wait3A_69 = arith.constant 0 : i32
    %dma_wait3A_70 = tpu.memref_slice %arg7[%dma_wait3A_68, %dma_wait3A_69] : memref<40x125xi32, #tpu.memory_space<vmem>> -> memref<1x125xi32, #tpu.memory_space<vmem>>
    %dma_wait3A_71 = tpu.memref_squeeze %dma_wait3A_70 : memref<1x125xi32, #tpu.memory_space<vmem>> -> memref<125xi32, #tpu.memory_space<vmem>>
    %dma_wait3A_72 = arith.constant 0 : i32
    %dma_wait3A_73 = arith.constant 0 : i32
    %dma_wait3A_74 = tpu.memref_slice %arg10[%dma_wait3A_72, %dma_wait3A_73] : memref<10240x128xf32, #tpu.memory_space<vmem_shared>> -> memref<10240x128xf32, #tpu.memory_space<vmem_shared>>
    tpu.wait_indirect_dma semaphore(%arg14 : memref<!tpu.dma_semaphore, #tpu.memory_space<semaphore_mem>>) src(%arg9 : memref<125x128xf32, #tpu.memory_space<vmem>>) dst(%dma_wait3A_74 : memref<10240x128xf32, #tpu.memory_space<vmem_shared>>)
    %barrier3A_75 = arith.constant 0 : index
    tpu.barrier barrier_id(%barrier3A_75)
    %mul3A_76 = arith.constant 640 : i32
    %mul3A_77 = arith.muli %arg1, %mul3A_76 : i32
    %mul3A_78 = arith.constant 640 : i32
    %mul3A_79 = arith.muli %arg1, %mul3A_78 : i32
    "tpu.region"() ({
      %run_scoped3A_80 = tpu.sem_alloc : memref<!tpu.dma_semaphore, #tpu.memory_space<semaphore_mem>>
      %dma_start3A_81 = arith.constant 0 : i32
      %dma_start3A_82 = tpu.memref_slice %arg5[%arg0, %mul3A_79, %dma_start3A_81] : memref<2x10240x128xf32, #tpu.memory_space<hbm>> -> memref<1x640x128xf32, #tpu.memory_space<hbm>>
      %dma_start3A_83 = tpu.memref_squeeze %dma_start3A_82 : memref<1x640x128xf32, #tpu.memory_space<hbm>> -> memref<640x128xf32, #tpu.memory_space<hbm>>
      %dma_start3A_84 = arith.constant 0 : i32
      %dma_start3A_85 = tpu.memref_slice %arg10[%mul3A_77, %dma_start3A_84] : memref<10240x128xf32, #tpu.memory_space<vmem_shared>> -> memref<640x128xf32, #tpu.memory_space<vmem_shared>>
      tpu.enqueue_dma source(%dma_start3A_85 : memref<640x128xf32, #tpu.memory_space<vmem_shared>>) target(%dma_start3A_83 : memref<640x128xf32, #tpu.memory_space<hbm>>) target_semaphore(%run_scoped3A_80 : memref<!tpu.dma_semaphore, #tpu.memory_space<semaphore_mem>>)
      %dma_wait3A_86 = arith.constant 0 : i32
      %dma_wait3A_87 = tpu.memref_slice %arg5[%arg0, %mul3A_79, %dma_wait3A_86] : memref<2x10240x128xf32, #tpu.memory_space<hbm>> -> memref<1x640x128xf32, #tpu.memory_space<hbm>>
      %dma_wait3A_88 = tpu.memref_squeeze %dma_wait3A_87 : memref<1x640x128xf32, #tpu.memory_space<hbm>> -> memref<640x128xf32, #tpu.memory_space<hbm>>
      %dma_wait3A_89 = arith.constant 0 : i32
      %dma_wait3A_90 = tpu.memref_slice %arg10[%mul3A_77, %dma_wait3A_89] : memref<10240x128xf32, #tpu.memory_space<vmem_shared>> -> memref<640x128xf32, #tpu.memory_space<vmem_shared>>
      tpu.wait_dma2 semaphore(%run_scoped3A_80 : memref<!tpu.dma_semaphore, #tpu.memory_space<semaphore_mem>>) src(%dma_wait3A_90 : memref<640x128xf32, #tpu.memory_space<vmem_shared>>) dst(%dma_wait3A_88 : memref<640x128xf32, #tpu.memory_space<hbm>>)
      tpu.yield
    }) : () -> ()
    return
  }
}

module attributes {stable_mosaic.version = 14 : i64} {
  func.func @_prep_body(%arg0: i32, %arg1: memref<1000x128xf32, #tpu.memory_space<vmem>>, %arg2: memref<1000x1xf32, #tpu.memory_space<vmem>>, %arg3: memref<1000x1xf32, #tpu.memory_space<vmem>>, %arg4: memref<1000x128xf32, #tpu.memory_space<vmem>>, %arg5: memref<1000x128xf32, #tpu.memory_space<vmem>>) attributes {dimension_semantics = [#tpu.dimension_semantics<arbitrary>], iteration_bounds = array<i64: 10>, scalar_prefetch = 0 : i64, scratch_operands = 0 : i64, tpu.core_type = #tpu.core_type<tc>, window_params = [{transform_indices = @transform_0, window_bounds = array<i64: 1000, 128>}, {transform_indices = @transform_1, window_bounds = array<i64: 1000, 1>}, {transform_indices = @transform_2, window_bounds = array<i64: 1000, 1>}, {transform_indices = @transform_3, window_bounds = array<i64: 1000, 128>}, {transform_indices = @transform_4, window_bounds = array<i64: 1000, 128>}]} {
    %get3A = arith.constant 0 : index
    %get3A_0 = arith.constant 0 : index
    %get3A_1 = vector.load %arg1[%get3A, %get3A_0] : memref<1000x128xf32, #tpu.memory_space<vmem>>, vector<1000x128xf32>
    %get3A_2 = arith.constant 0 : index
    %get3A_3 = arith.constant 0 : index
    %get3A_4 = vector.load %arg2[%get3A_2, %get3A_3] : memref<1000x1xf32, #tpu.memory_space<vmem>>, vector<1000x1xf32>
    %mul3A = vector.broadcast %get3A_4 : vector<1000x1xf32> to vector<1000x128xf32>
    %mul3A_5 = arith.mulf %get3A_1, %mul3A : vector<1000x128xf32>
    %swap3A = arith.constant 0 : index
    %swap3A_6 = arith.constant 0 : index
    %swap3A_7 = vector.load %arg4[%swap3A, %swap3A_6] : memref<1000x128xf32, #tpu.memory_space<vmem>>, vector<1000x128xf32>
    tpu.vector_store %arg4[%swap3A, %swap3A_6], %mul3A_5 {strides = array<i32>} : memref<1000x128xf32, #tpu.memory_space<vmem>>, vector<1000x128xf32>,
    %get3A_8 = arith.constant 0 : index
    %get3A_9 = arith.constant 0 : index
    %get3A_10 = vector.load %arg3[%get3A_8, %get3A_9] : memref<1000x1xf32, #tpu.memory_space<vmem>>, vector<1000x1xf32>
    %mul3A_11 = vector.broadcast %get3A_10 : vector<1000x1xf32> to vector<1000x128xf32>
    %mul3A_12 = arith.mulf %get3A_1, %mul3A_11 : vector<1000x128xf32>
    %swap3A_13 = arith.constant 0 : index
    %swap3A_14 = arith.constant 0 : index
    %swap3A_15 = vector.load %arg5[%swap3A_13, %swap3A_14] : memref<1000x128xf32, #tpu.memory_space<vmem>>, vector<1000x128xf32>
    tpu.vector_store %arg5[%swap3A_13, %swap3A_14], %mul3A_12 {strides = array<i32>} : memref<1000x128xf32, #tpu.memory_space<vmem>>, vector<1000x128xf32>,
    return
  }
  func.func @transform_0(%arg0: i32) -> (i32, i32) {
    %c0_i32 = arith.constant 0 : i32
    %c0_i32_0 = arith.constant 0 : i32
    return %arg0, %c0_i32 : i32, i32
  }
  func.func @transform_1(%arg0: i32) -> (i32, i32) {
    %c0_i32 = arith.constant 0 : i32
    %c0_i32_0 = arith.constant 0 : i32
    return %arg0, %c0_i32 : i32, i32
  }
  func.func @transform_2(%arg0: i32) -> (i32, i32) {
    %c0_i32 = arith.constant 0 : i32
    %c0_i32_0 = arith.constant 0 : i32
    return %arg0, %c0_i32 : i32, i32
  }
  func.func @transform_3(%arg0: i32) -> (i32, i32) {
    %c0_i32 = arith.constant 0 : i32
    %c0_i32_0 = arith.constant 0 : i32
    return %arg0, %c0_i32 : i32, i32
  }
  func.func @transform_4(%arg0: i32) -> (i32, i32) {
    %c0_i32 = arith.constant 0 : i32
    %c0_i32_0 = arith.constant 0 : i32
    return %arg0, %c0_i32 : i32, i32
  }
}

module attributes {stable_mosaic.version = 14 : i64} {
  func.func @_merge1_body(%arg0: i32, %arg1: memref<2x1000x128xf32, #tpu.memory_space<vmem>>, %arg2: memref<1000x1xf32, #tpu.memory_space<vmem>>, %arg3: memref<1000x128xf32, #tpu.memory_space<vmem>>) attributes {dimension_semantics = [#tpu.dimension_semantics<arbitrary>], iteration_bounds = array<i64: 10>, scalar_prefetch = 0 : i64, scratch_operands = 0 : i64, tpu.core_type = #tpu.core_type<tc>, window_params = [{transform_indices = @transform_0, window_bounds = array<i64: 2, 1000, 128>}, {transform_indices = @transform_1, window_bounds = array<i64: 1000, 1>}, {transform_indices = @transform_2, window_bounds = array<i64: 1000, 128>}]} {
    %get3A = arith.constant 0 : index
    %get3A_0 = arith.constant 0 : index
    %get3A_1 = vector.load %arg2[%get3A, %get3A_0] : memref<1000x1xf32, #tpu.memory_space<vmem>>, vector<1000x1xf32>
    %get3A_2 = arith.constant 0 : index
    %get3A_3 = arith.constant 0 : index
    %get3A_4 = arith.constant 0 : index
    %get3A_5 = vector.load %arg1[%get3A_2, %get3A_3, %get3A_4] : memref<2x1000x128xf32, #tpu.memory_space<vmem>>, vector<1x1000x128xf32>
    %get3A_6 = vector.shape_cast %get3A_5 : vector<1x1000x128xf32> to vector<1000x128xf32>
    %get3A_7 = arith.constant 1 : index
    %get3A_8 = arith.constant 0 : index
    %get3A_9 = arith.constant 0 : index
    %get3A_10 = vector.load %arg1[%get3A_7, %get3A_8, %get3A_9] : memref<2x1000x128xf32, #tpu.memory_space<vmem>>, vector<1x1000x128xf32>
    %get3A_11 = vector.shape_cast %get3A_10 : vector<1x1000x128xf32> to vector<1000x128xf32>
    %add3A = arith.addf %get3A_6, %get3A_11 : vector<1000x128xf32>
    %mul3A = vector.broadcast %get3A_1 : vector<1000x1xf32> to vector<1000x128xf32>
    %mul3A_12 = arith.mulf %mul3A, %add3A : vector<1000x128xf32>
    %swap3A = arith.constant 0 : index
    %swap3A_13 = arith.constant 0 : index
    %swap3A_14 = vector.load %arg3[%swap3A, %swap3A_13] : memref<1000x128xf32, #tpu.memory_space<vmem>>, vector<1000x128xf32>
    tpu.vector_store %arg3[%swap3A, %swap3A_13], %mul3A_12 {strides = array<i32>} : memref<1000x128xf32, #tpu.memory_space<vmem>>, vector<1000x128xf32>,
    return
  }
  func.func @transform_0(%arg0: i32) -> (i32, i32, i32) {
    %c0_i32 = arith.constant 0 : i32
    %c0_i32_0 = arith.constant 0 : i32
    %c0_i32_1 = arith.constant 0 : i32
    return %c0_i32, %arg0, %c0_i32_0 : i32, i32, i32
  }
  func.func @transform_1(%arg0: i32) -> (i32, i32) {
    %c0_i32 = arith.constant 0 : i32
    %c0_i32_0 = arith.constant 0 : i32
    return %arg0, %c0_i32 : i32, i32
  }
  func.func @transform_2(%arg0: i32) -> (i32, i32) {
    %c0_i32 = arith.constant 0 : i32
    %c0_i32_0 = arith.constant 0 : i32
    return %arg0, %c0_i32 : i32, i32
  }
}

module attributes {stable_mosaic.version = 14 : i64} {
  func.func @_merge2_body(%arg0: i32, %arg1: memref<2x1000x128xf32, #tpu.memory_space<vmem>>, %arg2: memref<1000x1xf32, #tpu.memory_space<vmem>>, %arg3: memref<1000x128xf32, #tpu.memory_space<vmem>>, %arg4: memref<1000x128xf32, #tpu.memory_space<vmem>>) attributes {dimension_semantics = [#tpu.dimension_semantics<arbitrary>], iteration_bounds = array<i64: 10>, scalar_prefetch = 0 : i64, scratch_operands = 0 : i64, tpu.core_type = #tpu.core_type<tc>, window_params = [{transform_indices = @transform_0, window_bounds = array<i64: 2, 1000, 128>}, {transform_indices = @transform_1, window_bounds = array<i64: 1000, 1>}, {transform_indices = @transform_2, window_bounds = array<i64: 1000, 128>}, {transform_indices = @transform_3, window_bounds = array<i64: 1000, 128>}]} {
    %get3A = arith.constant 0 : index
    %get3A_0 = arith.constant 0 : index
    %get3A_1 = vector.load %arg2[%get3A, %get3A_0] : memref<1000x1xf32, #tpu.memory_space<vmem>>, vector<1000x1xf32>
    %get3A_2 = arith.constant 0 : index
    %get3A_3 = arith.constant 0 : index
    %get3A_4 = arith.constant 0 : index
    %get3A_5 = vector.load %arg1[%get3A_2, %get3A_3, %get3A_4] : memref<2x1000x128xf32, #tpu.memory_space<vmem>>, vector<1x1000x128xf32>
    %get3A_6 = vector.shape_cast %get3A_5 : vector<1x1000x128xf32> to vector<1000x128xf32>
    %get3A_7 = arith.constant 1 : index
    %get3A_8 = arith.constant 0 : index
    %get3A_9 = arith.constant 0 : index
    %get3A_10 = vector.load %arg1[%get3A_7, %get3A_8, %get3A_9] : memref<2x1000x128xf32, #tpu.memory_space<vmem>>, vector<1x1000x128xf32>
    %get3A_11 = vector.shape_cast %get3A_10 : vector<1x1000x128xf32> to vector<1000x128xf32>
    %add3A = arith.addf %get3A_6, %get3A_11 : vector<1000x128xf32>
    %mul3A = vector.broadcast %get3A_1 : vector<1000x1xf32> to vector<1000x128xf32>
    %mul3A_12 = arith.mulf %mul3A, %add3A : vector<1000x128xf32>
    %get3A_13 = arith.constant 0 : index
    %get3A_14 = arith.constant 0 : index
    %get3A_15 = vector.load %arg3[%get3A_13, %get3A_14] : memref<1000x128xf32, #tpu.memory_space<vmem>>, vector<1000x128xf32>
    %sub3A = arith.subf %mul3A_12, %get3A_15 : vector<1000x128xf32>
    %swap3A = arith.constant 0 : index
    %swap3A_16 = arith.constant 0 : index
    %swap3A_17 = vector.load %arg4[%swap3A, %swap3A_16] : memref<1000x128xf32, #tpu.memory_space<vmem>>, vector<1000x128xf32>
    tpu.vector_store %arg4[%swap3A, %swap3A_16], %sub3A {strides = array<i32>} : memref<1000x128xf32, #tpu.memory_space<vmem>>, vector<1000x128xf32>,
    return
  }
  func.func @transform_0(%arg0: i32) -> (i32, i32, i32) {
    %c0_i32 = arith.constant 0 : i32
    %c0_i32_0 = arith.constant 0 : i32
    %c0_i32_1 = arith.constant 0 : i32
    return %c0_i32, %arg0, %c0_i32_0 : i32, i32, i32
  }
  func.func @transform_1(%arg0: i32) -> (i32, i32) {
    %c0_i32 = arith.constant 0 : i32
    %c0_i32_0 = arith.constant 0 : i32
    return %arg0, %c0_i32 : i32, i32
  }
  func.func @transform_2(%arg0: i32) -> (i32, i32) {
    %c0_i32 = arith.constant 0 : i32
    %c0_i32_0 = arith.constant 0 : i32
    return %arg0, %c0_i32 : i32, i32
  }
  func.func @transform_3(%arg0: i32) -> (i32, i32) {
    %c0_i32 = arith.constant 0 : i32
    %c0_i32_0 = arith.constant 0 : i32
    return %arg0, %c0_i32 : i32, i32
  }
}

module attributes {stable_mosaic.version = 14 : i64} {
  func.func @_merge2_body(%arg0: i32, %arg1: memref<2x1000x128xf32, #tpu.memory_space<vmem>>, %arg2: memref<1000x1xf32, #tpu.memory_space<vmem>>, %arg3: memref<1000x128xf32, #tpu.memory_space<vmem>>, %arg4: memref<1000x128xf32, #tpu.memory_space<vmem>>) attributes {dimension_semantics = [#tpu.dimension_semantics<arbitrary>], iteration_bounds = array<i64: 10>, scalar_prefetch = 0 : i64, scratch_operands = 0 : i64, tpu.core_type = #tpu.core_type<tc>, window_params = [{transform_indices = @transform_0, window_bounds = array<i64: 2, 1000, 128>}, {transform_indices = @transform_1, window_bounds = array<i64: 1000, 1>}, {transform_indices = @transform_2, window_bounds = array<i64: 1000, 128>}, {transform_indices = @transform_3, window_bounds = array<i64: 1000, 128>}]} {
    %get3A = arith.constant 0 : index
    %get3A_0 = arith.constant 0 : index
    %get3A_1 = vector.load %arg2[%get3A, %get3A_0] : memref<1000x1xf32, #tpu.memory_space<vmem>>, vector<1000x1xf32>
    %get3A_2 = arith.constant 0 : index
    %get3A_3 = arith.constant 0 : index
    %get3A_4 = arith.constant 0 : index
    %get3A_5 = vector.load %arg1[%get3A_2, %get3A_3, %get3A_4] : memref<2x1000x128xf32, #tpu.memory_space<vmem>>, vector<1x1000x128xf32>
    %get3A_6 = vector.shape_cast %get3A_5 : vector<1x1000x128xf32> to vector<1000x128xf32>
    %get3A_7 = arith.constant 1 : index
    %get3A_8 = arith.constant 0 : index
    %get3A_9 = arith.constant 0 : index
    %get3A_10 = vector.load %arg1[%get3A_7, %get3A_8, %get3A_9] : memref<2x1000x128xf32, #tpu.memory_space<vmem>>, vector<1x1000x128xf32>
    %get3A_11 = vector.shape_cast %get3A_10 : vector<1x1000x128xf32> to vector<1000x128xf32>
    %add3A = arith.addf %get3A_6, %get3A_11 : vector<1000x128xf32>
    %mul3A = vector.broadcast %get3A_1 : vector<1000x1xf32> to vector<1000x128xf32>
    %mul3A_12 = arith.mulf %mul3A, %add3A : vector<1000x128xf32>
    %get3A_13 = arith.constant 0 : index
    %get3A_14 = arith.constant 0 : index
    %get3A_15 = vector.load %arg3[%get3A_13, %get3A_14] : memref<1000x128xf32, #tpu.memory_space<vmem>>, vector<1000x128xf32>
    %sub3A = arith.subf %mul3A_12, %get3A_15 : vector<1000x128xf32>
    %swap3A = arith.constant 0 : index
    %swap3A_16 = arith.constant 0 : index
    %swap3A_17 = vector.load %arg4[%swap3A, %swap3A_16] : memref<1000x128xf32, #tpu.memory_space<vmem>>, vector<1000x128xf32>
    tpu.vector_store %arg4[%swap3A, %swap3A_16], %sub3A {strides = array<i32>} : memref<1000x128xf32, #tpu.memory_space<vmem>>, vector<1000x128xf32>,
    return
  }
  func.func @transform_0(%arg0: i32) -> (i32, i32, i32) {
    %c0_i32 = arith.constant 0 : i32
    %c0_i32_0 = arith.constant 0 : i32
    %c0_i32_1 = arith.constant 0 : i32
    return %c0_i32, %arg0, %c0_i32_0 : i32, i32, i32
  }
  func.func @transform_1(%arg0: i32) -> (i32, i32) {
    %c0_i32 = arith.constant 0 : i32
    %c0_i32_0 = arith.constant 0 : i32
    return %arg0, %c0_i32 : i32, i32
  }
  func.func @transform_2(%arg0: i32) -> (i32, i32) {
    %c0_i32 = arith.constant 0 : i32
    %c0_i32_0 = arith.constant 0 : i32
    return %arg0, %c0_i32 : i32, i32
  }
  func.func @transform_3(%arg0: i32) -> (i32, i32) {
    %c0_i32 = arith.constant 0 : i32
    %c0_i32_0 = arith.constant 0 : i32
    return %arg0, %c0_i32 : i32, i32
  }
}

module attributes {stable_mosaic.version = 14 : i64} {
  func.func @_merge2_body(%arg0: i32, %arg1: memref<2x1000x128xf32, #tpu.memory_space<vmem>>, %arg2: memref<1000x1xf32, #tpu.memory_space<vmem>>, %arg3: memref<1000x128xf32, #tpu.memory_space<vmem>>, %arg4: memref<1000x128xf32, #tpu.memory_space<vmem>>) attributes {dimension_semantics = [#tpu.dimension_semantics<arbitrary>], iteration_bounds = array<i64: 10>, scalar_prefetch = 0 : i64, scratch_operands = 0 : i64, tpu.core_type = #tpu.core_type<tc>, window_params = [{transform_indices = @transform_0, window_bounds = array<i64: 2, 1000, 128>}, {transform_indices = @transform_1, window_bounds = array<i64: 1000, 1>}, {transform_indices = @transform_2, window_bounds = array<i64: 1000, 128>}, {transform_indices = @transform_3, window_bounds = array<i64: 1000, 128>}]} {
    %get3A = arith.constant 0 : index
    %get3A_0 = arith.constant 0 : index
    %get3A_1 = vector.load %arg2[%get3A, %get3A_0] : memref<1000x1xf32, #tpu.memory_space<vmem>>, vector<1000x1xf32>
    %get3A_2 = arith.constant 0 : index
    %get3A_3 = arith.constant 0 : index
    %get3A_4 = arith.constant 0 : index
    %get3A_5 = vector.load %arg1[%get3A_2, %get3A_3, %get3A_4] : memref<2x1000x128xf32, #tpu.memory_space<vmem>>, vector<1x1000x128xf32>
    %get3A_6 = vector.shape_cast %get3A_5 : vector<1x1000x128xf32> to vector<1000x128xf32>
    %get3A_7 = arith.constant 1 : index
    %get3A_8 = arith.constant 0 : index
    %get3A_9 = arith.constant 0 : index
    %get3A_10 = vector.load %arg1[%get3A_7, %get3A_8, %get3A_9] : memref<2x1000x128xf32, #tpu.memory_space<vmem>>, vector<1x1000x128xf32>
    %get3A_11 = vector.shape_cast %get3A_10 : vector<1x1000x128xf32> to vector<1000x128xf32>
    %add3A = arith.addf %get3A_6, %get3A_11 : vector<1000x128xf32>
    %mul3A = vector.broadcast %get3A_1 : vector<1000x1xf32> to vector<1000x128xf32>
    %mul3A_12 = arith.mulf %mul3A, %add3A : vector<1000x128xf32>
    %get3A_13 = arith.constant 0 : index
    %get3A_14 = arith.constant 0 : index
    %get3A_15 = vector.load %arg3[%get3A_13, %get3A_14] : memref<1000x128xf32, #tpu.memory_space<vmem>>, vector<1000x128xf32>
    %sub3A = arith.subf %mul3A_12, %get3A_15 : vector<1000x128xf32>
    %swap3A = arith.constant 0 : index
    %swap3A_16 = arith.constant 0 : index
    %swap3A_17 = vector.load %arg4[%swap3A, %swap3A_16] : memref<1000x128xf32, #tpu.memory_space<vmem>>, vector<1000x128xf32>
    tpu.vector_store %arg4[%swap3A, %swap3A_16], %sub3A {strides = array<i32>} : memref<1000x128xf32, #tpu.memory_space<vmem>>, vector<1000x128xf32>,
    return
  }
  func.func @transform_0(%arg0: i32) -> (i32, i32, i32) {
    %c0_i32 = arith.constant 0 : i32
    %c0_i32_0 = arith.constant 0 : i32
    %c0_i32_1 = arith.constant 0 : i32
    return %c0_i32, %arg0, %c0_i32_0 : i32, i32, i32
  }
  func.func @transform_1(%arg0: i32) -> (i32, i32) {
    %c0_i32 = arith.constant 0 : i32
    %c0_i32_0 = arith.constant 0 : i32
    return %arg0, %c0_i32 : i32, i32
  }
  func.func @transform_2(%arg0: i32) -> (i32, i32) {
    %c0_i32 = arith.constant 0 : i32
    %c0_i32_0 = arith.constant 0 : i32
    return %arg0, %c0_i32 : i32, i32
  }
  func.func @transform_3(%arg0: i32) -> (i32, i32) {
    %c0_i32 = arith.constant 0 : i32
    %c0_i32_0 = arith.constant 0 : i32
    return %arg0, %c0_i32 : i32, i32
  }
}

</mosaic_0001>

<sc_bundles>
// kernel: kernel.18.cloned.1.call-start
scs
__scs_entry_jumppad:
0x0: {  	(pc) =	sbr.rel $0x88, $3  }
0x1: {  	(tag) =	ssettag $0x0;
	lr =	simm.s32 $0x1  }
0x2: {  	[smem:$0x3F9E] =	sst lr;
	_ =	strace $0xD0000000  }
0x3: {  	_ = 	snop  }
0x4: {  	_ = 	snop  }
0x5: {  	_ = 	snop  }
0x6: {  	_ = 	snop  }
0x7: {  	_ = 	snop  }
__scs_overlays_trampoline_lowered:
0x8: {  	[smem:$0x3FAD] =	sst s0  }
0x9: {  	[smem:$0x3FAE] =	sst s1  }
0xa: {  	[smem:$0x3FAF] =	sst s2  }
0xb: {  	[smem:$0x3FB0] =	sst s3  }
0xc: {  	[smem:$0x3FB1] =	sst s4  }
0xd: {  	[smem:$0x3FB2] =	sst s5  }
0xe: {  	[smem:$0x3FB3] =	sst s6  }
0xf: {  	[smem:$0x3FB4] =	sst s7  }
0x10: {  	[smem:$0x3FB5] =	sst s8  }
0x11: {  	[smem:$0x3FB6] =	sst s9;
	s0 =	simm.s32 @!p0 $0x0  }
0x12: {  	s1 =	sld [smem:$0x3F9C];
	s0 =	simm.s32 @p0 $0x1  }
0x13: {  	[smem:$0x3FB7] =	sst s0;
	s0 =	simm.s32 @!p1 $0x0  }
0x14: {  	s2 =	sld [smem:$0x3F9B];
	s0 =	simm.s32 @p1 $0x1  }
0x15: {  	[smem:$0x3FB8] =	sst s0;
	s0 =	simm.s32 @!p2 $0x0  }
0x16: {  	s3 =	sld [smem:$0x3FDB];
	s0 =	simm.s32 @p2 $0x1  }
0x17: {  	s4 =	simm.s32 $0x1BF5;
	[smem:$0x3FBA] =	sst s0  }
0x18: {  	s0 =	sld [smem:$0x3F9D];
	_ =	swait.ge [sflag:s4], $0x0  }
0x19: {  	s7 =	sld [smem:$0x3F9E]  }
0x1a: {  	s8 =	sadd.s32 $0xFFFFE003, lr  }
0x1b: {  	s9 =	sadd.s32 $0xFFFFFEF7, lr;
	s5 =	simm.s32 $0xFFFFFFFF;
	p2 =	slt.u32 s8, $0xFFFFF086  }
0x1c: {  	p1 =	slt.u32 s9, $0xF7A;
	s5 =	simm.s32 @!p2 $0x0  }
0x1d: {  	s5 =	simm.s32 @p1 $0x1;
	p0 =	seq.s32 s7, s2  }
0x1e: {  	s7 =	smul.u32 @!p0 $0xF7A, s2;
	p2 =	seq.s32 @!p0 s5, $0x0  }
0x1f: {  	s9 =	smul.u32 $0xF7A, s1;
	s8 =	simm.s32 @!p0 $0x1BF5;
	p2 =	por !p2, p0  }
0x20: {  	[sflag:s8] =	ssyncset.s32 @!p0 $0xFFFFF086;
	s6 =	sadd.s32 @!p0 s3, s7;
	s7 =	simm.s32 @!p0 $0x108  }
0x21: {  	s3 =	sadd.s32 s3, s9;
	s6 =	sadd.s32 @!p0 $0x88, s6;
	s7 =	simm.s32 @p2 $0x1082  }
0x22: {  	[simem:s7], [sflag:s8] =	dma.local @!p0 [hbm:s6], $0xF7A  }
0x23: {  	s9 =	sor.u32 $0xD0000000, s2;
	s6 =	simm.s32 $0x108;
	_ =	swait.ge @!p0 [sflag:s8], $0x0  }
0x24: {  	s3 =	sadd.s32 $0x88, s3;
	s6 =	simm.s32 @!p1 $0x1082;
	[sflag:s4] =	ssyncset.s32 $0xFFFFF086  }
0x25: {  	[simem:s6], [sflag:s4] =	dma.local [hbm:s3], $0xF7A  }
0x26: {  	[smem:$0x3F9E] =	sst s1;
	(tag) =	ssettag s2;
	_ =	strace s9  }
0x27: {  	s1 =	sld [smem:$0x3FAE]  }
0x28: {  	s2 =	sld [smem:$0x3FAF]  }
0x29: {  	s4 =	sld [smem:$0x3FB1]  }
0x2a: {  	p0 =	seq.s32 s5, $0x0;
	s5 =	sld [smem:$0x3FB2]  }
0x2b: {  	s6 =	sld [smem:$0x3FB3]  }
0x2c: {  	s7 =	sld [smem:$0x3FB4]  }
0x2d: {  	s3 =	simm.s32 $0x108;
	s8 =	sld [smem:$0x3FB5]  }
0x2e: {  	s3 =	simm.s32 @!p0 $0x1082;
	s9 =	sld [smem:$0x3FB6]  }
0x2f: {  	lr =	sadd.s32 s0, s3;
	s0 =	sld [smem:$0x3FAD]  }
0x30: {  	s3 =	sld [smem:$0x3FB0]  }
0x31: {  	[smem:$0x3FB9] =	sst s10  }
0x32: {  	s10 =	sld [smem:$0x3FB7];
	_ =	sdelay $0x3  }
0x33: {  	p0 =	seq.s32 s10, $0x1;
	s10 =	sld [smem:$0x3FB9];
	_ =	sdelay $0x3  }
0x34: {  	[smem:$0x3FB9] =	sst s10  }
0x35: {  	s10 =	sld [smem:$0x3FB8];
	_ =	sdelay $0x3  }
0x36: {  	p1 =	seq.s32 s10, $0x1;
	s10 =	sld [smem:$0x3FB9];
	_ =	sdelay $0x3  }
0x37: {  	[smem:$0x3FB9] =	sst s10  }
0x38: {  	s10 =	sld [smem:$0x3FBA]  }
0x39: {  	_ = 	snop;
	(pc) =	sbr.ind lr, $3  }
0x3a: {  	_ = 	snop  }
0x3b: {  	_ = 	snop  }
0x3c: {  	p2 =	seq.s32 s10, $0x1;
	s10 =	sld [smem:$0x3FB9]  }
0x3d: {  	_ =	shalt  }
0x3e: {  	_ =	shalt  }
0x3f: {  	_ =	shalt  }
0x40: {  	_ =	shalt  }
0x41: {  	_ =	shalt  }
0x42: {  	_ =	shalt  }
0x43: {  	_ =	shalt  }
0x44: {  	_ =	shalt  }
0x45: {  	_ =	shalt  }
0x46: {  	_ =	shalt  }
0x47: {  	_ =	shalt  }
0x48: {  	_ =	shalt  }
0x49: {  	_ =	shalt  }
0x4a: {  	_ =	shalt  }
0x4b: {  	_ =	shalt  }
0x4c: {  	_ =	shalt  }
0x4d: {  	_ =	shalt  }
0x4e: {  	_ =	shalt  }
0x4f: {  	_ =	shalt  }
0x50: {  	_ =	shalt  }
0x51: {  	_ =	shalt  }
0x52: {  	_ =	shalt  }
0x53: {  	_ =	shalt  }
0x54: {  	_ =	shalt  }
0x55: {  	_ =	shalt  }
0x56: {  	_ =	shalt  }
0x57: {  	_ =	shalt  }
0x58: {  	_ =	shalt  }
0x59: {  	_ =	shalt  }
0x5a: {  	_ =	shalt  }
0x5b: {  	_ =	shalt  }
0x5c: {  	_ =	shalt  }
0x5d: {  	_ =	shalt  }
0x5e: {  	_ =	shalt  }
0x5f: {  	_ =	shalt  }
0x60: {  	_ =	shalt  }
0x61: {  	_ =	shalt  }
0x62: {  	_ =	shalt  }
0x63: {  	_ =	shalt  }
0x64: {  	_ =	shalt  }
0x65: {  	_ =	shalt  }
0x66: {  	_ =	shalt  }
0x67: {  	_ =	shalt  }
0x68: {  	_ =	shalt  }
0x69: {  	_ =	shalt  }
0x6a: {  	_ =	shalt  }
0x6b: {  	_ =	shalt  }
0x6c: {  	_ =	shalt  }
0x6d: {  	_ =	shalt  }
0x6e: {  	_ =	shalt  }
0x6f: {  	_ =	shalt  }
0x70: {  	_ =	shalt  }
0x71: {  	_ =	shalt  }
0x72: {  	_ =	shalt  }
0x73: {  	_ =	shalt  }
0x74: {  	_ =	shalt  }
0x75: {  	_ =	shalt  }
0x76: {  	_ =	shalt  }
0x77: {  	_ =	shalt  }
0x78: {  	_ =	shalt  }
0x79: {  	_ =	shalt  }
0x7a: {  	_ =	shalt  }
0x7b: {  	_ =	shalt  }
0x7c: {  	_ =	shalt  }
0x7d: {  	_ =	shalt  }
0x7e: {  	_ =	shalt  }
0x7f: {  	_ =	shalt  }
0x80: {  	_ =	shalt  }
0x81: {  	_ =	shalt  }
0x82: {  	_ =	shalt  }
0x83: {  	_ =	shalt  }
0x84: {  	_ =	shalt  }
0x85: {  	_ =	shalt  }
0x86: {  	_ =	shalt  }
0x87: {  	_ =	shalt  }
.Lfunc_end0:
.L_simem_size_0:
called_computation_lowered:
.L_overlay_start_0:
0x88: {  	s2 =	sld [smem:$0x3FD9]  }
0x89: {  	s3 =	sld [smem:$0x3FFE];
	_ =	sdelay $0x1  }
0x8a: {  	s1 =	srdreg.scid  }
0x8b: {  	s0 =	sand.u32 $0x1, s1  }
0x8c: {  	s17 =	sshll.u32 s0, $0xA;
	s2 =	sadd.s32 s3, s2  }
0x8d: {  	s2 =	sadd.s32 s2, s17  }
0x8e: {  	[smem:$0x3FC5] =	sst s2  }
0x8f: {  	_ = 	snop  }
0x90: {  	s2 =	sld [smem:$0x3FC9];
	(tm) =	ssettm $0x1  }
0x91: {  	s18 =	sld [smem:$0x3FFB];
	_ =	sdelay $0x3  }
0x92: {  	_ =	strace s18  }
0x93: {  	s3 =	sld [smem:$0x3FFC];
	_ =	sdelay $0x3  }
0x94: {  	_ =	strace s3  }
0x95: {  	s3 =	sld [smem:$0x3FFD];
	_ =	sdelay $0x3  }
0x96: {  	_ =	strace s3  }
0x97: {  	_ =	strace $0x8FFFFFFF  }
0x98: {  	s19 =	sld [smem:$0x3FDB];
	_ =	sdelay $0x1  }
0x99: {  	s4 =	simm.s32 $_scs_section_size  }
0x9a: {  	s5 =	simm.s32 $_size__tile_overlayer_lowered;
	s6 =	simm.s32 $_tile_overlayer_lowered  }
0x9b: {  	s22 =	simm.s32 $0x1BFF;
	s21 =	sshll.u32 s6, $0x1;
	s3 =	sadd.s32 s4, s19  }
0x9c: {  	s7 =	simm.s32 $0x0;
	s20 =	sshll.u32 s5, $0x1;
	s5 =	sadd.s32 s21, s3  }
0x9d: {  	[timem:s7], [sflag:s22] =	dma.local [hbm:s5], s20  }
0x9e: {  	_ =	swait.ge [sflag:s22], s20  }
0x9f: {  	s4 =	ssub.s32 $0x0, s20;
	[sflag:s22] =	ssyncset.done $0x0  }
0xa0: {  	[sflag:s22] =	ssyncadd.s32 s4;
	_ =	sdelay $0x1  }
0xa1: {  	s23 =	simm.s32 $0x1B8B  }
0xa2: {  	_ =	swait.ge [sflag:s23], $0x1  }
0xa3: {  	[sflag:s23] =	ssyncset.done $0x0  }
0xa4: {  	s25 =	simm.s32 $0x1B8E;
	s24 =	sld [smem:$0x3FFE];
	[sflag:s23] =	ssyncadd.s32 $0xFFFFFFFF  }
0xa5: {  	s26 =	simm.s32 $execute0_lowered;
	[smem:$0x3FD2] =	sst s25  }
0xa6: {  	s5 =	sshll.u32 s26, $0x1;
	_ =	strace $0x80000046;
	[dreg:$0x1] =	wrdreg $0xFFFFFFFF  }
0xa7: {  	s28 =	simm.s32 $_size_execute0_lowered;
	s3 =	sadd.s32 s3, s5;
	[dreg:$0x0] =	wrdreg $0x0  }
0xa8: {  	s5 =	sshll.u32 s28, $0x1;
	[dreg:$0x2] =	wrdreg s3  }
0xa9: {  	[dreg:$0x3] =	wrdreg s5  }
0xaa: {  	[dreg:$0x4] =	wrdreg $0xC0  }
0xab: {  	_ =	task [dreg:s7], $0x5FFFF  }
0xac: {  	[dreg:$0x1] =	wrdreg $0xFFFFFFFF  }
0xad: {  	[dreg:$0x0] =	wrdreg $0x60  }
0xae: {  	[dreg:$0x2] =	wrdreg s2  }
0xaf: {  	[dreg:$0x3] =	wrdreg s24  }
0xb0: {  	[dreg:$0x4] =	wrdreg $0xA8000  }
0xb1: {  	[dreg:$0x5] =	wrdreg $0xA  }
0xb2: {  	_ =	task.clear_ibuf [dreg:s7], $0x6FFFF;
	_ =	strace $0x90000046  }
0xb3: {  	s29 =	simm.s32 $0xA;
	_ =	strace $0x80000048  }
0xb4: {  	_ =	swait.ge [sflag:s29], $0x1  }
0xb5: {  	[sflag:s29] =	ssyncadd.s32 $0xFFFFFFFF  }
0xb6: {  	_ =	strace $0x90000048  }
0xb7: {  	_ =	sfence  }
0xb8: {  	s30 =	sld [smem:$0x0];
	_ =	sdelay $0x2  }
0xb9: {  	s31 =	sshll.u32 s1, $0xD;
	s1 =	sshrl.u32 s1, $0x2  }
0xba: {  	s3 =	sand.u32 $0x4000, s31;
	s1 =	sadd.s32 s1, s30  }
0xbb: {  	s0 =	sor.u32 s3, s0;
	s1 =	sshll.u32 s1, $0x11  }
0xbc: {  	s0 =	sor.u32 s1, s0  }
0xbd: {  	s0 =	sadd.s32 $0x8F2B, s0  }
0xbe: {  	[sflag:s0] =	ssyncadd.remote.s32 $0x1  }
0xbf: {  	_ =	sfence.sel $0xFFFF  }
0xc0: {  	[dreg:$0x0] =	wrdreg $0xFFFFFFFF;
	(pc) =	sbr.abs _section_cstart, $3  }
0xc1: {  	[dreg:$0x1] =	wrdreg $0xFFFFFFFF  }
0xc2: {  	_ =	task.clear_ibuf [dreg:s7], $0x2FFFF;
	_ =	strace $0x9FFFFFFF  }
0xc3: {  	(tm) =	ssettm $0x7FFFFFFF  }
tec
execute0_lowered:
.L_overlay_start_1:
0x0: {  	(tag) =	ssettag $0x1  }
0x1: {  	s1 =	rddreg [dreg:$0x0]  }
0x2: {  	s6 =	rddreg [dreg:$0x1]  }
0x3: {  	s0 =	srdreg.scid;
	s3 =	rddreg [dreg:$0x2]  }
0x4: {  	s4 =	simm.s32 $0x0;
	s14 =	simm.s32 $0x7D;
	s15 =	simm.s32 $0x2800  }
0x5: {  	s16 =	simm.s32 $0x80;
	s17 =	simm.s32 $0x6800;
	s20 =	simm.s32 $0x1  }
0x6: {  	s21 =	simm.s32 $0x3;
	s22 =	simm.s32 $0x2;
	s23 =	simm.s32 $0x4  }
0x7: {  	s24 =	simm.s32 $0x2700;
	s25 =	simm.s32 $0x2780;
	s5 =	sand.u32 $0x1, s0  }
0x8: {  	s26 =	simm.s32 $0x0;
	s0 =	stileid.u32;
	s8 =	smul.u32 $0x140000, s5  }
0x9: {  	[smem:$0x7FF] =	sst s4;
	s2 =	sshll.u32 s5, $0x4;
	s9 =	smul.u32 $0x14000, s0  }
0xa: {  	s29 =	ssub.s32 $0x2, s5;
	s11 =	smul.u32 $0x50000, s0;
	s5 =	sadd.s32 $0x19E00, s6  }
0xb: {  	s18 =	sshll.u32 s0, $0x6;
	s2 =	sor.u32 s0, s2;
	s30 =	sshrl.u32 s29, $0x1  }
0xc: {  	s18 =	sor.u32 $0x1C05, s18;
	s7 =	smul.u32 $0x2800, s2;
	s2 =	rddreg [dreg:$0x3]  }
0xd: {  	_ =	strace $0x80000047;
	s28 =	sadd.s32 s9, s8;
	s31 =	sshrl.u32 s11, $0x2  }
0xe: {  	s13 =	ssub.s32 s29, s30;
	s19 =	sadd.s32 s31, s3;
	s7 =	sshrl.u32 s7, $0x3  }
0xf: {  	s11 =	smax.u32 s13, $0x1;
	s10 =	sadd.s32 s7, s6;
	s7 =	sshrl.u32 s28, $0x3  }
0x10: {  	s13 =	simm.s32 $0x1400;
	s19 =	sshrl.u32 s19, $0x3;
	s12 =	sadd.s32 s7, s6  }
0x11: {  	s6 =	sadd.s32 $0xFE00, s10;
	s7 =	sadd.s32 $0x5E00, s10;
	s8 =	sadd.s32 $0x10080, s10  }
0x12: {  	s9 =	sadd.s32 $0x6080, s10;
	s10 =	sadd.s32 $0x1C600, s12;
	s12 =	simm.s32 $0x5  }
.LBB2_1:
0x13: {  	[tilespmem:s4], [sflag:$0x5] =	stream.linear.gather [hbm4b:s6+s4], $0x1400, $0x38;
	[tilespmem:$0x1E800] =	vst v63  }
0x14: {  	_ =	swait.ge [sflag:s12], $0x1400  }
0x15: {  	[sflag:s12] =	ssyncset.done $0x0  }
0x16: {  	[sflag:s12] =	ssyncadd.s32 $0xFFFFEC00  }
0x17: {  	[tilespmem:s13], [sflag:$0x5] =	stream.linear.gather [hbm4b:s7+s4], $0x1400, $0x38;
	[tilespmem:$0x1E800] =	vst v63  }
0x18: {  	_ =	swait.ge [sflag:s12], $0x1400  }
0x19: {  	[sflag:s12] =	ssyncset.done $0x0  }
0x1a: {  	[sflag:s12] =	ssyncadd.s32 $0xFFFFEC00  }
0x1b: {  	[tilespmem:s15], [sflag:$0x1] =	stream.indirect.gather [hbm4b:s1+s14], $0x80, s4, s14, $0xb8;
	[tilespmem:$0x1E800] =	vst v63  }
0x1c: {  	_ = 	snop  }
0x1d: {  	[tilespmem:s17], [sflag:$0x2] =	stream.indirect.gather [hbm4b:s1+s14], $0x80, s16, s14, $0xb8;
	[tilespmem:$0x1E800] =	vst v63  }
0x1e: {  	[spmem:s19], [sflag:s18] =	dma.local [hbm:s5], $0x2800  }
0x1f: {  	_ =	swait.ge [sflag:s12], $0x2800  }
0x20: {  	[sflag:s12] =	ssyncset.done $0x0  }
0x21: {  	[sflag:s12] =	ssyncadd.s32 $0xFFFFD800  }
0x22: {  	[bflag:$0x0] =	sbarrier.arrive $0xFFFF  }
0x23: {  	_ =	swait.ge [sflag:s20], $0x3E80  }
0x24: {  	[sflag:s20] =	ssyncset.done $0x0  }
0x25: {  	s28 =	simm.s32 $0x1400;
	[sflag:s20] =	ssyncadd.s32 $0xFFFFC180  }
0x26: {  	[spmem:s3] =	stream.indirect.scatter.add.f32 [tilespmem:s15], [sflag:$0x3], $0x80, s28, s14, $0xb8;
	[tilespmem:$0x1E800] =	vst v63  }
0x27: {  	_ =	swait.ge [sflag:s21], $0x3E80  }
0x28: {  	[sflag:s21] =	ssyncset.done $0x0  }
0x29: {  	s28 =	simm.s32 $0x100;
	[sflag:s21] =	ssyncadd.s32 $0xFFFFC180  }
0x2a: {  	[tilespmem:s15], [sflag:$0x1] =	stream.indirect.gather [hbm4b:s1+s14], $0x80, s28, s14, $0xb8;
	[tilespmem:$0x1E800] =	vst v63  }
0x2b: {  	_ =	swait.ge [sflag:s22], $0x3E80  }
0x2c: {  	[sflag:s22] =	ssyncset.done $0x0  }
0x2d: {  	s28 =	simm.s32 $0x1480;
	[sflag:s22] =	ssyncadd.s32 $0xFFFFC180  }
0x2e: {  	[spmem:s3] =	stream.indirect.scatter.add.f32 [tilespmem:s17], [sflag:$0x4], $0x80, s28, s14, $0xb8;
	[tilespmem:$0x1E800] =	vst v63  }
0x2f: {  	_ =	swait.ge [sflag:s23], $0x3E80  }
0x30: {  	[sflag:s23] =	ssyncset.done $0x0  }
0x31: {  	s29 =	simm.s32 $0x180;
	s28 =	simm.s32 $0x400;
	[sflag:s23] =	ssyncadd.s32 $0xFFFFC180  }
.LBB2_2:
0x32: {  	[tilespmem:s17], [sflag:$0x2] =	stream.indirect.gather [hbm4b:s1+s14], $0x80, s29, s14, $0xb8;
	[tilespmem:$0x1E800] =	vst v63  }
0x33: {  	s29 =	smov.u32 s28  }
0x34: {  	p0 =	sne.s32 s28, $0x4800;
	s28 =	sadd.s32 $0x400, s28;
	_ =	swait.ge [sflag:s20], $0x3E80  }
0x35: {  	s29 =	sshra.s32 s29, $0x2;
	[sflag:s20] =	ssyncset.done $0x0  }
0x36: {  	s30 =	sadd.s32 $0x1400, s29;
	[sflag:s20] =	ssyncadd.s32 $0xFFFFC180  }
0x37: {  	[spmem:s3] =	stream.indirect.scatter.add.f32 [tilespmem:s15], [sflag:$0x3], $0x80, s30, s14, $0xb8;
	[tilespmem:$0x1E800] =	vst v63  }
0x38: {  	_ =	swait.ge [sflag:s21], $0x3E80  }
0x39: {  	[sflag:s21] =	ssyncset.done $0x0  }
0x3a: {  	s30 =	sadd.s32 $0x100, s29;
	[sflag:s21] =	ssyncadd.s32 $0xFFFFC180  }
0x3b: {  	[tilespmem:s15], [sflag:$0x1] =	stream.indirect.gather [hbm4b:s1+s14], $0x80, s30, s14, $0xb8;
	[tilespmem:$0x1E800] =	vst v63  }
0x3c: {  	_ =	swait.ge [sflag:s22], $0x3E80  }
0x3d: {  	[sflag:s22] =	ssyncset.done $0x0  }
.Ltmp0:
0x3e: {  	s30 =	sadd.s32 $0x1480, s29;
	[sflag:s22] =	ssyncadd.s32 $0xFFFFC180;
	(pc) =	sbr.rel @p0 .LBB2_2-.Ltmp0, $4  }
0x3f: {  	[spmem:s3] =	stream.indirect.scatter.add.f32 [tilespmem:s17], [sflag:$0x4], $0x80, s30, s14, $0xb8;
	[tilespmem:$0x1E800] =	vst v63  }
0x40: {  	_ =	swait.ge [sflag:s23], $0x3E80  }
0x41: {  	[sflag:s23] =	ssyncset.done $0x0  }
0x42: {  	s29 =	sadd.s32 $0x180, s29;
	[sflag:s23] =	ssyncadd.s32 $0xFFFFC180  }
0x43: {  	[tilespmem:s17], [sflag:$0x2] =	stream.indirect.gather [hbm4b:s1+s14], $0x80, s29, s14, $0xb8;
	[tilespmem:$0x1E800] =	vst v63  }
0x44: {  	_ =	swait.ge [sflag:s20], $0x3E80  }
0x45: {  	[sflag:s20] =	ssyncset.done $0x0  }
0x46: {  	[sflag:s20] =	ssyncadd.s32 $0xFFFFC180  }
0x47: {  	[spmem:s3] =	stream.indirect.scatter.add.f32 [tilespmem:s15], [sflag:$0x3], $0x80, s24, s14, $0xb8;
	[tilespmem:$0x1E800] =	vst v63  }
0x48: {  	_ =	swait.ge [sflag:s22], $0x3E80  }
0x49: {  	[sflag:s22] =	ssyncset.done $0x0  }
0x4a: {  	[sflag:s22] =	ssyncadd.s32 $0xFFFFC180  }
0x4b: {  	[spmem:s3] =	stream.indirect.scatter.add.f32 [tilespmem:s17], [sflag:$0x4], $0x80, s25, s14, $0xb8;
	[tilespmem:$0x1E800] =	vst v63  }
0x4c: {  	_ =	swait.ge [sflag:s21], $0x3E80  }
0x4d: {  	[sflag:s21] =	ssyncset.done $0x0  }
0x4e: {  	[sflag:s21] =	ssyncadd.s32 $0xFFFFC180  }
0x4f: {  	_ =	swait.ge [sflag:s23], $0x3E80  }
0x50: {  	[sflag:s23] =	ssyncset.done $0x0  }
0x51: {  	s28 =	simm.s32 $0x0;
	[sflag:s23] =	ssyncadd.s32 $0xFFFFC180  }
0x52: {  	[tilespmem:s28], [sflag:$0x5] =	stream.linear.gather [hbm4b:s8+s28], $0x1400, $0x38;
	[tilespmem:$0x1E800] =	vst v63  }
0x53: {  	_ =	swait.ge [sflag:s12], $0x1400  }
0x54: {  	[sflag:s12] =	ssyncset.done $0x0  }
0x55: {  	[sflag:s12] =	ssyncadd.s32 $0xFFFFEC00  }
0x56: {  	[tilespmem:s13], [sflag:$0x5] =	stream.linear.gather [hbm4b:s9+s28], $0x1400, $0x38;
	[tilespmem:$0x1E800] =	vst v63  }
0x57: {  	_ =	swait.ge [sflag:s12], $0x1400  }
0x58: {  	[sflag:s12] =	ssyncset.done $0x0  }
0x59: {  	[sflag:s12] =	ssyncadd.s32 $0xFFFFEC00  }
0x5a: {  	[tilespmem:s15], [sflag:$0x1] =	stream.indirect.gather [hbm4b:s1+s14], $0x80, s28, s14, $0xb8;
	[tilespmem:$0x1E800] =	vst v63  }
0x5b: {  	_ = 	snop  }
0x5c: {  	[tilespmem:s17], [sflag:$0x2] =	stream.indirect.gather [hbm4b:s1+s14], $0x80, s16, s14, $0xb8;
	[tilespmem:$0x1E800] =	vst v63  }
0x5d: {  	_ =	swait.ge [sflag:s20], $0x3E80  }
0x5e: {  	[sflag:s20] =	ssyncset.done $0x0  }
0x5f: {  	s28 =	simm.s32 $0x1400;
	[sflag:s20] =	ssyncadd.s32 $0xFFFFC180  }
0x60: {  	[spmem:s3] =	stream.indirect.scatter.add.f32 [tilespmem:s15], [sflag:$0x3], $0x80, s28, s14, $0xb8;
	[tilespmem:$0x1E800] =	vst v63  }
0x61: {  	_ =	swait.ge [sflag:s21], $0x3E80  }
0x62: {  	[sflag:s21] =	ssyncset.done $0x0  }
0x63: {  	s28 =	simm.s32 $0x100;
	[sflag:s21] =	ssyncadd.s32 $0xFFFFC180  }
0x64: {  	[tilespmem:s15], [sflag:$0x1] =	stream.indirect.gather [hbm4b:s1+s14], $0x80, s28, s14, $0xb8;
	[tilespmem:$0x1E800] =	vst v63  }
0x65: {  	_ =	swait.ge [sflag:s22], $0x3E80  }
0x66: {  	[sflag:s22] =	ssyncset.done $0x0  }
0x67: {  	s28 =	simm.s32 $0x1480;
	[sflag:s22] =	ssyncadd.s32 $0xFFFFC180  }
0x68: {  	[spmem:s3] =	stream.indirect.scatter.add.f32 [tilespmem:s17], [sflag:$0x4], $0x80, s28, s14, $0xb8;
	[tilespmem:$0x1E800] =	vst v63  }
0x69: {  	_ =	swait.ge [sflag:s23], $0x3E80  }
0x6a: {  	[sflag:s23] =	ssyncset.done $0x0  }
0x6b: {  	s29 =	simm.s32 $0x180;
	s28 =	simm.s32 $0x400;
	[sflag:s23] =	ssyncadd.s32 $0xFFFFC180  }
.LBB2_4:
0x6c: {  	[tilespmem:s17], [sflag:$0x2] =	stream.indirect.gather [hbm4b:s1+s14], $0x80, s29, s14, $0xb8;
	[tilespmem:$0x1E800] =	vst v63  }
0x6d: {  	s29 =	smov.u32 s28  }
0x6e: {  	p0 =	sne.s32 s28, $0x4800;
	s28 =	sadd.s32 $0x400, s28;
	_ =	swait.ge [sflag:s20], $0x3E80  }
0x6f: {  	s29 =	sshra.s32 s29, $0x2;
	[sflag:s20] =	ssyncset.done $0x0  }
0x70: {  	s30 =	sadd.s32 $0x1400, s29;
	[sflag:s20] =	ssyncadd.s32 $0xFFFFC180  }
0x71: {  	[spmem:s3] =	stream.indirect.scatter.add.f32 [tilespmem:s15], [sflag:$0x3], $0x80, s30, s14, $0xb8;
	[tilespmem:$0x1E800] =	vst v63  }
0x72: {  	_ =	swait.ge [sflag:s21], $0x3E80  }
0x73: {  	[sflag:s21] =	ssyncset.done $0x0  }
0x74: {  	s30 =	sadd.s32 $0x100, s29;
	[sflag:s21] =	ssyncadd.s32 $0xFFFFC180  }
0x75: {  	[tilespmem:s15], [sflag:$0x1] =	stream.indirect.gather [hbm4b:s1+s14], $0x80, s30, s14, $0xb8;
	[tilespmem:$0x1E800] =	vst v63  }
0x76: {  	_ =	swait.ge [sflag:s22], $0x3E80  }
0x77: {  	[sflag:s22] =	ssyncset.done $0x0  }
.Ltmp1:
0x78: {  	s30 =	sadd.s32 $0x1480, s29;
	[sflag:s22] =	ssyncadd.s32 $0xFFFFC180;
	(pc) =	sbr.rel @p0 .LBB2_4-.Ltmp1, $4  }
0x79: {  	[spmem:s3] =	stream.indirect.scatter.add.f32 [tilespmem:s17], [sflag:$0x4], $0x80, s30, s14, $0xb8;
	[tilespmem:$0x1E800] =	vst v63  }
0x7a: {  	_ =	swait.ge [sflag:s23], $0x3E80  }
0x7b: {  	[sflag:s23] =	ssyncset.done $0x0  }
0x7c: {  	s29 =	sadd.s32 $0x180, s29;
	[sflag:s23] =	ssyncadd.s32 $0xFFFFC180  }
0x7d: {  	[tilespmem:s17], [sflag:$0x2] =	stream.indirect.gather [hbm4b:s1+s14], $0x80, s29, s14, $0xb8;
	[tilespmem:$0x1E800] =	vst v63  }
0x7e: {  	_ =	swait.ge [sflag:s20], $0x3E80  }
0x7f: {  	[sflag:s20] =	ssyncset.done $0x0  }
0x80: {  	[sflag:s20] =	ssyncadd.s32 $0xFFFFC180  }
0x81: {  	[spmem:s3] =	stream.indirect.scatter.add.f32 [tilespmem:s15], [sflag:$0x3], $0x80, s24, s14, $0xb8;
	[tilespmem:$0x1E800] =	vst v63  }
0x82: {  	_ =	swait.ge [sflag:s22], $0x3E80  }
0x83: {  	[sflag:s22] =	ssyncset.done $0x0  }
0x84: {  	[sflag:s22] =	ssyncadd.s32 $0xFFFFC180  }
0x85: {  	[spmem:s3] =	stream.indirect.scatter.add.f32 [tilespmem:s17], [sflag:$0x4], $0x80, s25, s14, $0xb8;
	[tilespmem:$0x1E800] =	vst v63  }
0x86: {  	_ =	swait.ge [sflag:s21], $0x3E80  }
0x87: {  	[sflag:s21] =	ssyncset.done $0x0  }
0x88: {  	[sflag:s21] =	ssyncadd.s32 $0xFFFFC180  }
0x89: {  	_ =	swait.ge [sflag:s23], $0x3E80  }
0x8a: {  	s26 =	sadd.s32 $0x1, s26;
	[sflag:s23] =	ssyncset.done $0x0  }
0x8b: {  	p0 =	sne.s32 s26, s11;
	[sflag:s23] =	ssyncadd.s32 $0xFFFFC180  }
.Ltmp2:
0x8c: {  	[bflag:$0x0] =	sbarrier.arrive $0xFFFF;
	(pc) =	sbr.rel @p0 .LBB2_1-.Ltmp2, $4  }
0x8d: {  	[hbm:s10], [sflag:s18] =	dma.local [spmem:s19], $0x2800  }
0x8e: {  	_ =	swait.ge [sflag:s12], $0x2800  }
0x8f: {  	[sflag:s12] =	ssyncset.done $0x0  }
0x90: {  	[sflag:s12] =	ssyncadd.s32 $0xFFFFD800  }
0x91: {  	_ =	sfence.sel $0x180000  }
0x92: {  	[bflag:$0x0] =	sbarrier.arrive $0xFFFF  }
0x93: {  	p0 =	sne.s32 s0, $0x0;
	_ =	strace $0x90000047  }
0x94: {  	s0 =	sadd.s32 @!p0 $0x100000, s2;
	[bflag:$0x2] =	sbarrier.arrive $0xFFFF  }
0x95: {  	[sflag:s0] =	ssyncadd.tile.s32 @!p0 $0x1;
	_ =	shalt  }
.Lfunc_end2:
_tile_overlayer_lowered:
.L_overlay_start_2:
0x96: {  	(tag) =	ssettag $0x2  }
0x97: {  	s0 =	rddreg [dreg:$0x0];
	s2 =	stileid.u32  }
0x98: {  	s1 =	rddreg [dreg:$0x1];
	p0 =	sne.s32 s2, $0x0  }
0x99: {  	s3 =	rddreg [dreg:$0x2];
	[bflag:$0x3] =	sbarrier.arrive $0xFFFF;
	s2 =	simm.s32 @!p0 $0x1C05  }
0x9a: {  	[timem:s3], [sflag:s2] =	dma.local @!p0 [hbm:s0], s1  }
0x9b: {  	s0 =	simm.s32 @!p0 $0x5  }
0x9c: {  	_ =	swait.ge @!p0 [sflag:s0], s1  }
0x9d: {  	s1 =	ssub.s32 @!p0 $0x0, s1;
	[sflag:s0] =	ssyncset.done @!p0 $0x0  }
0x9e: {  	[sflag:s0] =	ssyncadd.s32 @!p0 s1  }
0x9f: {  	[bflag:$0x3] =	sbarrier.arrive $0xFFFF  }
0xa0: {  	_ =	shalt  }

// kernel: kernel.21.cloned.1.call-start
scs
__scs_entry_jumppad:
0x0: {  	(pc) =	sbr.rel $0x88, $3  }
0x1: {  	(tag) =	ssettag $0x0;
	lr =	simm.s32 $0x1  }
0x2: {  	[smem:$0x3F9E] =	sst lr;
	_ =	strace $0xD0000000  }
0x3: {  	_ = 	snop  }
0x4: {  	_ = 	snop  }
0x5: {  	_ = 	snop  }
0x6: {  	_ = 	snop  }
0x7: {  	_ = 	snop  }
__scs_overlays_trampoline_lowered:
0x8: {  	[smem:$0x3FAD] =	sst s0  }
0x9: {  	[smem:$0x3FAE] =	sst s1  }
0xa: {  	[smem:$0x3FAF] =	sst s2  }
0xb: {  	[smem:$0x3FB0] =	sst s3  }
0xc: {  	[smem:$0x3FB1] =	sst s4  }
0xd: {  	[smem:$0x3FB2] =	sst s5  }
0xe: {  	[smem:$0x3FB3] =	sst s6  }
0xf: {  	[smem:$0x3FB4] =	sst s7  }
0x10: {  	[smem:$0x3FB5] =	sst s8  }
0x11: {  	[smem:$0x3FB6] =	sst s9;
	s0 =	simm.s32 @!p0 $0x0  }
0x12: {  	s1 =	sld [smem:$0x3F9C];
	s0 =	simm.s32 @p0 $0x1  }
0x13: {  	[smem:$0x3FB7] =	sst s0;
	s0 =	simm.s32 @!p1 $0x0  }
0x14: {  	s2 =	sld [smem:$0x3F9B];
	s0 =	simm.s32 @p1 $0x1  }
0x15: {  	[smem:$0x3FB8] =	sst s0;
	s0 =	simm.s32 @!p2 $0x0  }
0x16: {  	s3 =	sld [smem:$0x3FDB];
	s0 =	simm.s32 @p2 $0x1  }
0x17: {  	s4 =	simm.s32 $0x1BF5;
	[smem:$0x3FBA] =	sst s0  }
0x18: {  	s0 =	sld [smem:$0x3F9D];
	_ =	swait.ge [sflag:s4], $0x0  }
0x19: {  	s7 =	sld [smem:$0x3F9E]  }
0x1a: {  	s8 =	sadd.s32 $0xFFFFE003, lr  }
0x1b: {  	s9 =	sadd.s32 $0xFFFFFEF7, lr;
	s5 =	simm.s32 $0xFFFFFFFF;
	p2 =	slt.u32 s8, $0xFFFFF086  }
0x1c: {  	p1 =	slt.u32 s9, $0xF7A;
	s5 =	simm.s32 @!p2 $0x0  }
0x1d: {  	s5 =	simm.s32 @p1 $0x1;
	p0 =	seq.s32 s7, s2  }
0x1e: {  	s7 =	smul.u32 @!p0 $0xF7A, s2;
	p2 =	seq.s32 @!p0 s5, $0x0  }
0x1f: {  	s9 =	smul.u32 $0xF7A, s1;
	s8 =	simm.s32 @!p0 $0x1BF5;
	p2 =	por !p2, p0  }
0x20: {  	[sflag:s8] =	ssyncset.s32 @!p0 $0xFFFFF086;
	s6 =	sadd.s32 @!p0 s3, s7;
	s7 =	simm.s32 @!p0 $0x108  }
0x21: {  	s3 =	sadd.s32 s3, s9;
	s6 =	sadd.s32 @!p0 $0x88, s6;
	s7 =	simm.s32 @p2 $0x1082  }
0x22: {  	[simem:s7], [sflag:s8] =	dma.local @!p0 [hbm:s6], $0xF7A  }
0x23: {  	s9 =	sor.u32 $0xD0000000, s2;
	s6 =	simm.s32 $0x108;
	_ =	swait.ge @!p0 [sflag:s8], $0x0  }
0x24: {  	s3 =	sadd.s32 $0x88, s3;
	s6 =	simm.s32 @!p1 $0x1082;
	[sflag:s4] =	ssyncset.s32 $0xFFFFF086  }
0x25: {  	[simem:s6], [sflag:s4] =	dma.local [hbm:s3], $0xF7A  }
0x26: {  	[smem:$0x3F9E] =	sst s1;
	(tag) =	ssettag s2;
	_ =	strace s9  }
0x27: {  	s1 =	sld [smem:$0x3FAE]  }
0x28: {  	s2 =	sld [smem:$0x3FAF]  }
0x29: {  	s4 =	sld [smem:$0x3FB1]  }
0x2a: {  	p0 =	seq.s32 s5, $0x0;
	s5 =	sld [smem:$0x3FB2]  }
0x2b: {  	s6 =	sld [smem:$0x3FB3]  }
0x2c: {  	s7 =	sld [smem:$0x3FB4]  }
0x2d: {  	s3 =	simm.s32 $0x108;
	s8 =	sld [smem:$0x3FB5]  }
0x2e: {  	s3 =	simm.s32 @!p0 $0x1082;
	s9 =	sld [smem:$0x3FB6]  }
0x2f: {  	lr =	sadd.s32 s0, s3;
	s0 =	sld [smem:$0x3FAD]  }
0x30: {  	s3 =	sld [smem:$0x3FB0]  }
0x31: {  	[smem:$0x3FB9] =	sst s10  }
0x32: {  	s10 =	sld [smem:$0x3FB7];
	_ =	sdelay $0x3  }
0x33: {  	p0 =	seq.s32 s10, $0x1;
	s10 =	sld [smem:$0x3FB9];
	_ =	sdelay $0x3  }
0x34: {  	[smem:$0x3FB9] =	sst s10  }
0x35: {  	s10 =	sld [smem:$0x3FB8];
	_ =	sdelay $0x3  }
0x36: {  	p1 =	seq.s32 s10, $0x1;
	s10 =	sld [smem:$0x3FB9];
	_ =	sdelay $0x3  }
0x37: {  	[smem:$0x3FB9] =	sst s10  }
0x38: {  	s10 =	sld [smem:$0x3FBA]  }
0x39: {  	_ = 	snop;
	(pc) =	sbr.ind lr, $3  }
0x3a: {  	_ = 	snop  }
0x3b: {  	_ = 	snop  }
0x3c: {  	p2 =	seq.s32 s10, $0x1;
	s10 =	sld [smem:$0x3FB9]  }
0x3d: {  	_ =	shalt  }
0x3e: {  	_ =	shalt  }
0x3f: {  	_ =	shalt  }
0x40: {  	_ =	shalt  }
0x41: {  	_ =	shalt  }
0x42: {  	_ =	shalt  }
0x43: {  	_ =	shalt  }
0x44: {  	_ =	shalt  }
0x45: {  	_ =	shalt  }
0x46: {  	_ =	shalt  }
0x47: {  	_ =	shalt  }
0x48: {  	_ =	shalt  }
0x49: {  	_ =	shalt  }
0x4a: {  	_ =	shalt  }
0x4b: {  	_ =	shalt  }
0x4c: {  	_ =	shalt  }
0x4d: {  	_ =	shalt  }
0x4e: {  	_ =	shalt  }
0x4f: {  	_ =	shalt  }
0x50: {  	_ =	shalt  }
0x51: {  	_ =	shalt  }
0x52: {  	_ =	shalt  }
0x53: {  	_ =	shalt  }
0x54: {  	_ =	shalt  }
0x55: {  	_ =	shalt  }
0x56: {  	_ =	shalt  }
0x57: {  	_ =	shalt  }
0x58: {  	_ =	shalt  }
0x59: {  	_ =	shalt  }
0x5a: {  	_ =	shalt  }
0x5b: {  	_ =	shalt  }
0x5c: {  	_ =	shalt  }
0x5d: {  	_ =	shalt  }
0x5e: {  	_ =	shalt  }
0x5f: {  	_ =	shalt  }
0x60: {  	_ =	shalt  }
0x61: {  	_ =	shalt  }
0x62: {  	_ =	shalt  }
0x63: {  	_ =	shalt  }
0x64: {  	_ =	shalt  }
0x65: {  	_ =	shalt  }
0x66: {  	_ =	shalt  }
0x67: {  	_ =	shalt  }
0x68: {  	_ =	shalt  }
0x69: {  	_ =	shalt  }
0x6a: {  	_ =	shalt  }
0x6b: {  	_ =	shalt  }
0x6c: {  	_ =	shalt  }
0x6d: {  	_ =	shalt  }
0x6e: {  	_ =	shalt  }
0x6f: {  	_ =	shalt  }
0x70: {  	_ =	shalt  }
0x71: {  	_ =	shalt  }
0x72: {  	_ =	shalt  }
0x73: {  	_ =	shalt  }
0x74: {  	_ =	shalt  }
0x75: {  	_ =	shalt  }
0x76: {  	_ =	shalt  }
0x77: {  	_ =	shalt  }
0x78: {  	_ =	shalt  }
0x79: {  	_ =	shalt  }
0x7a: {  	_ =	shalt  }
0x7b: {  	_ =	shalt  }
0x7c: {  	_ =	shalt  }
0x7d: {  	_ =	shalt  }
0x7e: {  	_ =	shalt  }
0x7f: {  	_ =	shalt  }
0x80: {  	_ =	shalt  }
0x81: {  	_ =	shalt  }
0x82: {  	_ =	shalt  }
0x83: {  	_ =	shalt  }
0x84: {  	_ =	shalt  }
0x85: {  	_ =	shalt  }
0x86: {  	_ =	shalt  }
0x87: {  	_ =	shalt  }
.Lfunc_end0:
.L_simem_size_0:
called_computation.1_lowered:
.L_overlay_start_0:
0x88: {  	s2 =	sld [smem:$0x3FD9]  }
0x89: {  	s3 =	sld [smem:$0x3FFE];
	_ =	sdelay $0x1  }
0x8a: {  	s1 =	srdreg.scid  }
0x8b: {  	s0 =	sand.u32 $0x1, s1  }
0x8c: {  	s17 =	sshll.u32 s0, $0xA;
	s2 =	sadd.s32 s3, s2  }
0x8d: {  	s2 =	sadd.s32 s2, s17  }
0x8e: {  	[smem:$0x3FC5] =	sst s2  }
0x8f: {  	_ = 	snop  }
0x90: {  	(tm) =	ssettm $0x1  }
0x91: {  	s18 =	sld [smem:$0x3FFB];
	_ =	sdelay $0x3  }
0x92: {  	_ =	strace s18  }
0x93: {  	s2 =	sld [smem:$0x3FFC];
	_ =	sdelay $0x3  }
0x94: {  	_ =	strace s2  }
0x95: {  	s2 =	sld [smem:$0x3FFD];
	_ =	sdelay $0x3  }
0x96: {  	_ =	strace s2  }
0x97: {  	_ =	strace $0x8FFFFFFF  }
0x98: {  	s19 =	sld [smem:$0x3FDB];
	_ =	sdelay $0x1  }
0x99: {  	s20 =	simm.s32 $_scs_section_size  }
0x9a: {  	s4 =	simm.s32 $_size__tile_overlayer_lowered;
	s5 =	simm.s32 $_tile_overlayer_lowered  }
0x9b: {  	s6 =	simm.s32 $0x1BFF;
	s21 =	sshll.u32 s5, $0x1;
	s3 =	sadd.s32 s20, s19  }
0x9c: {  	s22 =	simm.s32 $0x0;
	s4 =	sshll.u32 s4, $0x1;
	s5 =	sadd.s32 s21, s3  }
0x9d: {  	[timem:s22], [sflag:s6] =	dma.local [hbm:s5], s4  }
0x9e: {  	_ =	swait.ge [sflag:s6], s4  }
0x9f: {  	s4 =	ssub.s32 $0x0, s4;
	[sflag:s6] =	ssyncset.done $0x0  }
0xa0: {  	[sflag:s6] =	ssyncadd.s32 s4;
	_ =	sdelay $0x1  }
0xa1: {  	s23 =	simm.s32 $0x1B8B  }
0xa2: {  	_ =	swait.ge [sflag:s23], $0x1  }
0xa3: {  	[sflag:s23] =	ssyncset.done $0x0  }
0xa4: {  	[sflag:s23] =	ssyncadd.s32 $0xFFFFFFFF  }
0xa5: {  	s4 =	sld [smem:$0x0]  }
0xa6: {  	s5 =	sand.u32 $0xFFFFFFFE, s1  }
0xa7: {  	p0 =	sne.s32 s1, s5  }
0xa8: {  	s5 =	sshll.u32 @p0 s5, $0xE  }
0xa9: {  	s5 =	sadd.s32 @p0 $0x11B8D, s5;
	s6 =	sshll.u32 @p0 s4, $0x11  }
0xaa: {  	s5 =	sor.u32 @p0 s6, s5  }
0xab: {  	[sflag:s5] =	ssyncadd.remote.s32 @p0 $0x1;
	_ =	sdelay $0x1  }
0xac: {  	s5 =	simm.s32 @p0 $0x1B8D  }
0xad: {  	_ =	swait.eq @p0 [sflag:s5], $0x1  }
0xae: {  	[sflag:s5] =	ssyncadd.s32 @p0 $0xFFFFFFFF  }
0xaf: {  	s6 =	sshll.u32 @!p0 s1, $0xE  }
0xb0: {  	s6 =	sor.u32 @!p0 $0x4000, s6;
	s5 =	simm.s32 @!p0 $0x1B8D  }
0xb1: {  	s4 =	sshll.u32 @!p0 s4, $0x11;
	s6 =	sadd.s32 @!p0 $0x11B8D, s6;
	_ =	swait.eq @!p0 [sflag:s5], $0x1  }
0xb2: {  	s4 =	sor.u32 @!p0 s4, s6;
	[sflag:s5] =	ssyncadd.s32 @!p0 $0xFFFFFFFF  }
0xb3: {  	s25 =	simm.s32 $0x1B8E;
	s24 =	sld [smem:$0x3FFE];
	[sflag:s4] =	ssyncadd.remote.s32 @!p0 $0x1  }
0xb4: {  	s26 =	simm.s32 $execute0_lowered;
	[smem:$0x3FD2] =	sst s25  }
0xb5: {  	s5 =	sshll.u32 s26, $0x1;
	_ =	strace $0x80000049;
	[dreg:$0x1] =	wrdreg $0xFFFFFFFF  }
0xb6: {  	s28 =	simm.s32 $_size_execute0_lowered;
	s3 =	sadd.s32 s3, s5;
	[dreg:$0x0] =	wrdreg $0x0  }
0xb7: {  	s5 =	sshll.u32 s28, $0x1;
	[dreg:$0x2] =	wrdreg s3  }
0xb8: {  	[dreg:$0x3] =	wrdreg s5  }
0xb9: {  	[dreg:$0x4] =	wrdreg $0xC0  }
0xba: {  	_ =	task [dreg:s22], $0x5FFFF  }
0xbb: {  	[dreg:$0x1] =	wrdreg $0xFFFFFFFF  }
0xbc: {  	[dreg:$0x0] =	wrdreg $0x60  }
0xbd: {  	[dreg:$0x2] =	wrdreg s24  }
0xbe: {  	[dreg:$0x3] =	wrdreg $0xA8000  }
0xbf: {  	[dreg:$0x4] =	wrdreg $0xB  }
0xc0: {  	_ =	task.clear_ibuf [dreg:s22], $0x5FFFF;
	_ =	strace $0x90000049  }
0xc1: {  	s29 =	simm.s32 $0xB;
	_ =	strace $0x8000004B  }
0xc2: {  	_ =	swait.ge [sflag:s29], $0x1  }
0xc3: {  	[sflag:s29] =	ssyncadd.s32 $0xFFFFFFFF  }
0xc4: {  	_ =	strace $0x9000004B  }
0xc5: {  	_ =	sfence  }
0xc6: {  	s30 =	sld [smem:$0x0];
	_ =	sdelay $0x2  }
0xc7: {  	s31 =	sshll.u32 s1, $0xD;
	s1 =	sshrl.u32 s1, $0x2  }
0xc8: {  	s4 =	sand.u32 $0x4000, s31;
	s1 =	sadd.s32 s1, s30  }
0xc9: {  	s0 =	sor.u32 s4, s0;
	s1 =	sshll.u32 s1, $0x11  }
0xca: {  	s0 =	sor.u32 s1, s0  }
0xcb: {  	s0 =	sadd.s32 $0x8F2B, s0  }
0xcc: {  	[sflag:s0] =	ssyncadd.remote.s32 $0x1  }
0xcd: {  	_ =	sfence.sel $0xFFFF  }
0xce: {  	[dreg:$0x0] =	wrdreg $0xFFFFFFFF;
	(pc) =	sbr.abs _section_cstart, $3  }
0xcf: {  	[dreg:$0x1] =	wrdreg $0xFFFFFFFF  }
0xd0: {  	_ =	task.clear_ibuf [dreg:s22], $0x2FFFF;
	_ =	strace $0x9FFFFFFF  }
0xd1: {  	(tm) =	ssettm $0x7FFFFFFF  }
tec
execute0_lowered:
.L_overlay_start_1:
0x0: {  	(tag) =	ssettag $0x1  }
0x1: {  	s6 =	rddreg [dreg:$0x0]  }
0x2: {  	s0 =	srdreg.scid;
	s2 =	rddreg [dreg:$0x1];
	s3 =	simm.s32 $0x0  }
0x3: {  	s14 =	simm.s32 $0x7D;
	s15 =	simm.s32 $0x2800;
	s16 =	simm.s32 $0x80  }
0x4: {  	s17 =	simm.s32 $0x6800;
	s20 =	simm.s32 $0x1;
	s21 =	simm.s32 $0x3  }
0x5: {  	s22 =	simm.s32 $0x2;
	s23 =	simm.s32 $0x4;
	s24 =	simm.s32 $0x2700  }
0x6: {  	s25 =	simm.s32 $0x2780;
	s5 =	sand.u32 $0x1, s0;
	s0 =	stileid.u32  }
0x7: {  	s26 =	simm.s32 $0x0;
	[smem:$0x7FF] =	sst s3;
	s8 =	smul.u32 $0x140000, s5  }
0x8: {  	s4 =	sadd.s32 $0x6C600, s6;
	s1 =	sshll.u32 s5, $0x4;
	s9 =	smul.u32 $0x14000, s0  }
0x9: {  	s29 =	ssub.s32 $0x2, s5;
	s11 =	smul.u32 $0x50000, s0;
	s5 =	sadd.s32 $0x19E00, s6  }
0xa: {  	s18 =	sshll.u32 s0, $0x6;
	s1 =	sor.u32 s0, s1;
	s30 =	sshrl.u32 s29, $0x1  }
0xb: {  	s18 =	sor.u32 $0x1C05, s18;
	s7 =	smul.u32 $0x2800, s1;
	s1 =	rddreg [dreg:$0x2]  }
0xc: {  	_ =	strace $0x8000004A;
	s28 =	sadd.s32 s9, s8;
	s31 =	sshrl.u32 s11, $0x2  }
0xd: {  	s13 =	ssub.s32 s29, s30;
	s19 =	sadd.s32 s31, s2;
	s7 =	sshrl.u32 s7, $0x3  }
0xe: {  	s11 =	smax.u32 s13, $0x1;
	s10 =	sadd.s32 s7, s6;
	s7 =	sshrl.u32 s28, $0x3  }
0xf: {  	s13 =	simm.s32 $0x1400;
	s19 =	sshrl.u32 s19, $0x3;
	s12 =	sadd.s32 s7, s6  }
0x10: {  	s6 =	sadd.s32 $0xFE00, s10;
	s7 =	sadd.s32 $0x5E00, s10;
	s8 =	sadd.s32 $0x10080, s10  }
0x11: {  	s9 =	sadd.s32 $0x6080, s10;
	s10 =	sadd.s32 $0xBAA00, s12;
	s12 =	simm.s32 $0x5  }
.LBB2_1:
0x12: {  	[tilespmem:s3], [sflag:$0x5] =	stream.linear.gather [hbm4b:s6+s3], $0x1400, $0x38;
	[tilespmem:$0x1E800] =	vst v63  }
0x13: {  	_ =	swait.ge [sflag:s12], $0x1400  }
0x14: {  	[sflag:s12] =	ssyncset.done $0x0  }
0x15: {  	[sflag:s12] =	ssyncadd.s32 $0xFFFFEC00  }
0x16: {  	[tilespmem:s13], [sflag:$0x5] =	stream.linear.gather [hbm4b:s7+s3], $0x1400, $0x38;
	[tilespmem:$0x1E800] =	vst v63  }
0x17: {  	_ =	swait.ge [sflag:s12], $0x1400  }
0x18: {  	[sflag:s12] =	ssyncset.done $0x0  }
0x19: {  	[sflag:s12] =	ssyncadd.s32 $0xFFFFEC00  }
0x1a: {  	[tilespmem:s15], [sflag:$0x1] =	stream.indirect.gather [hbm4b:s4+s14], $0x80, s3, s14, $0xb8;
	[tilespmem:$0x1E800] =	vst v63  }
0x1b: {  	_ = 	snop  }
0x1c: {  	[tilespmem:s17], [sflag:$0x2] =	stream.indirect.gather [hbm4b:s4+s14], $0x80, s16, s14, $0xb8;
	[tilespmem:$0x1E800] =	vst v63  }
0x1d: {  	[spmem:s19], [sflag:s18] =	dma.local [hbm:s5], $0x2800  }
0x1e: {  	_ =	swait.ge [sflag:s12], $0x2800  }
0x1f: {  	[sflag:s12] =	ssyncset.done $0x0  }
0x20: {  	[sflag:s12] =	ssyncadd.s32 $0xFFFFD800  }
0x21: {  	[bflag:$0x0] =	sbarrier.arrive $0xFFFF  }
0x22: {  	_ =	swait.ge [sflag:s20], $0x3E80  }
0x23: {  	[sflag:s20] =	ssyncset.done $0x0  }
0x24: {  	s28 =	simm.s32 $0x1400;
	[sflag:s20] =	ssyncadd.s32 $0xFFFFC180  }
0x25: {  	[spmem:s2] =	stream.indirect.scatter.add.f32 [tilespmem:s15], [sflag:$0x3], $0x80, s28, s14, $0xb8;
	[tilespmem:$0x1E800] =	vst v63  }
0x26: {  	_ =	swait.ge [sflag:s21], $0x3E80  }
0x27: {  	[sflag:s21] =	ssyncset.done $0x0  }
0x28: {  	s28 =	simm.s32 $0x100;
	[sflag:s21] =	ssyncadd.s32 $0xFFFFC180  }
0x29: {  	[tilespmem:s15], [sflag:$0x1] =	stream.indirect.gather [hbm4b:s4+s14], $0x80, s28, s14, $0xb8;
	[tilespmem:$0x1E800] =	vst v63  }
0x2a: {  	_ =	swait.ge [sflag:s22], $0x3E80  }
0x2b: {  	[sflag:s22] =	ssyncset.done $0x0  }
0x2c: {  	s28 =	simm.s32 $0x1480;
	[sflag:s22] =	ssyncadd.s32 $0xFFFFC180  }
0x2d: {  	[spmem:s2] =	stream.indirect.scatter.add.f32 [tilespmem:s17], [sflag:$0x4], $0x80, s28, s14, $0xb8;
	[tilespmem:$0x1E800] =	vst v63  }
0x2e: {  	_ =	swait.ge [sflag:s23], $0x3E80  }
0x2f: {  	[sflag:s23] =	ssyncset.done $0x0  }
0x30: {  	s29 =	simm.s32 $0x180;
	s28 =	simm.s32 $0x400;
	[sflag:s23] =	ssyncadd.s32 $0xFFFFC180  }
.LBB2_2:
0x31: {  	[tilespmem:s17], [sflag:$0x2] =	stream.indirect.gather [hbm4b:s4+s14], $0x80, s29, s14, $0xb8;
	[tilespmem:$0x1E800] =	vst v63  }
0x32: {  	s29 =	smov.u32 s28  }
0x33: {  	p0 =	sne.s32 s28, $0x4800;
	s28 =	sadd.s32 $0x400, s28;
	_ =	swait.ge [sflag:s20], $0x3E80  }
0x34: {  	s29 =	sshra.s32 s29, $0x2;
	[sflag:s20] =	ssyncset.done $0x0  }
0x35: {  	s30 =	sadd.s32 $0x1400, s29;
	[sflag:s20] =	ssyncadd.s32 $0xFFFFC180  }
0x36: {  	[spmem:s2] =	stream.indirect.scatter.add.f32 [tilespmem:s15], [sflag:$0x3], $0x80, s30, s14, $0xb8;
	[tilespmem:$0x1E800] =	vst v63  }
0x37: {  	_ =	swait.ge [sflag:s21], $0x3E80  }
0x38: {  	[sflag:s21] =	ssyncset.done $0x0  }
0x39: {  	s30 =	sadd.s32 $0x100, s29;
	[sflag:s21] =	ssyncadd.s32 $0xFFFFC180  }
0x3a: {  	[tilespmem:s15], [sflag:$0x1] =	stream.indirect.gather [hbm4b:s4+s14], $0x80, s30, s14, $0xb8;
	[tilespmem:$0x1E800] =	vst v63  }
0x3b: {  	_ =	swait.ge [sflag:s22], $0x3E80  }
0x3c: {  	[sflag:s22] =	ssyncset.done $0x0  }
.Ltmp0:
0x3d: {  	s30 =	sadd.s32 $0x1480, s29;
	[sflag:s22] =	ssyncadd.s32 $0xFFFFC180;
	(pc) =	sbr.rel @p0 .LBB2_2-.Ltmp0, $4  }
0x3e: {  	[spmem:s2] =	stream.indirect.scatter.add.f32 [tilespmem:s17], [sflag:$0x4], $0x80, s30, s14, $0xb8;
	[tilespmem:$0x1E800] =	vst v63  }
0x3f: {  	_ =	swait.ge [sflag:s23], $0x3E80  }
0x40: {  	[sflag:s23] =	ssyncset.done $0x0  }
0x41: {  	s29 =	sadd.s32 $0x180, s29;
	[sflag:s23] =	ssyncadd.s32 $0xFFFFC180  }
0x42: {  	[tilespmem:s17], [sflag:$0x2] =	stream.indirect.gather [hbm4b:s4+s14], $0x80, s29, s14, $0xb8;
	[tilespmem:$0x1E800] =	vst v63  }
0x43: {  	_ =	swait.ge [sflag:s20], $0x3E80  }
0x44: {  	[sflag:s20] =	ssyncset.done $0x0  }
0x45: {  	[sflag:s20] =	ssyncadd.s32 $0xFFFFC180  }
0x46: {  	[spmem:s2] =	stream.indirect.scatter.add.f32 [tilespmem:s15], [sflag:$0x3], $0x80, s24, s14, $0xb8;
	[tilespmem:$0x1E800] =	vst v63  }
0x47: {  	_ =	swait.ge [sflag:s22], $0x3E80  }
0x48: {  	[sflag:s22] =	ssyncset.done $0x0  }
0x49: {  	[sflag:s22] =	ssyncadd.s32 $0xFFFFC180  }
0x4a: {  	[spmem:s2] =	stream.indirect.scatter.add.f32 [tilespmem:s17], [sflag:$0x4], $0x80, s25, s14, $0xb8;
	[tilespmem:$0x1E800] =	vst v63  }
0x4b: {  	_ =	swait.ge [sflag:s21], $0x3E80  }
0x4c: {  	[sflag:s21] =	ssyncset.done $0x0  }
0x4d: {  	[sflag:s21] =	ssyncadd.s32 $0xFFFFC180  }
0x4e: {  	_ =	swait.ge [sflag:s23], $0x3E80  }
0x4f: {  	[sflag:s23] =	ssyncset.done $0x0  }
0x50: {  	s28 =	simm.s32 $0x0;
	[sflag:s23] =	ssyncadd.s32 $0xFFFFC180  }
0x51: {  	[tilespmem:s28], [sflag:$0x5] =	stream.linear.gather [hbm4b:s8+s28], $0x1400, $0x38;
	[tilespmem:$0x1E800] =	vst v63  }
0x52: {  	_ =	swait.ge [sflag:s12], $0x1400  }
0x53: {  	[sflag:s12] =	ssyncset.done $0x0  }
0x54: {  	[sflag:s12] =	ssyncadd.s32 $0xFFFFEC00  }
0x55: {  	[tilespmem:s13], [sflag:$0x5] =	stream.linear.gather [hbm4b:s9+s28], $0x1400, $0x38;
	[tilespmem:$0x1E800] =	vst v63  }
0x56: {  	_ =	swait.ge [sflag:s12], $0x1400  }
0x57: {  	[sflag:s12] =	ssyncset.done $0x0  }
0x58: {  	[sflag:s12] =	ssyncadd.s32 $0xFFFFEC00  }
0x59: {  	[tilespmem:s15], [sflag:$0x1] =	stream.indirect.gather [hbm4b:s4+s14], $0x80, s28, s14, $0xb8;
	[tilespmem:$0x1E800] =	vst v63  }
0x5a: {  	_ = 	snop  }
0x5b: {  	[tilespmem:s17], [sflag:$0x2] =	stream.indirect.gather [hbm4b:s4+s14], $0x80, s16, s14, $0xb8;
	[tilespmem:$0x1E800] =	vst v63  }
0x5c: {  	_ =	swait.ge [sflag:s20], $0x3E80  }
0x5d: {  	[sflag:s20] =	ssyncset.done $0x0  }
0x5e: {  	s28 =	simm.s32 $0x1400;
	[sflag:s20] =	ssyncadd.s32 $0xFFFFC180  }
0x5f: {  	[spmem:s2] =	stream.indirect.scatter.add.f32 [tilespmem:s15], [sflag:$0x3], $0x80, s28, s14, $0xb8;
	[tilespmem:$0x1E800] =	vst v63  }
0x60: {  	_ =	swait.ge [sflag:s21], $0x3E80  }
0x61: {  	[sflag:s21] =	ssyncset.done $0x0  }
0x62: {  	s28 =	simm.s32 $0x100;
	[sflag:s21] =	ssyncadd.s32 $0xFFFFC180  }
0x63: {  	[tilespmem:s15], [sflag:$0x1] =	stream.indirect.gather [hbm4b:s4+s14], $0x80, s28, s14, $0xb8;
	[tilespmem:$0x1E800] =	vst v63  }
0x64: {  	_ =	swait.ge [sflag:s22], $0x3E80  }
0x65: {  	[sflag:s22] =	ssyncset.done $0x0  }
0x66: {  	s28 =	simm.s32 $0x1480;
	[sflag:s22] =	ssyncadd.s32 $0xFFFFC180  }
0x67: {  	[spmem:s2] =	stream.indirect.scatter.add.f32 [tilespmem:s17], [sflag:$0x4], $0x80, s28, s14, $0xb8;
	[tilespmem:$0x1E800] =	vst v63  }
0x68: {  	_ =	swait.ge [sflag:s23], $0x3E80  }
0x69: {  	[sflag:s23] =	ssyncset.done $0x0  }
0x6a: {  	s29 =	simm.s32 $0x180;
	s28 =	simm.s32 $0x400;
	[sflag:s23] =	ssyncadd.s32 $0xFFFFC180  }
.LBB2_4:
0x6b: {  	[tilespmem:s17], [sflag:$0x2] =	stream.indirect.gather [hbm4b:s4+s14], $0x80, s29, s14, $0xb8;
	[tilespmem:$0x1E800] =	vst v63  }
0x6c: {  	s29 =	smov.u32 s28  }
0x6d: {  	p0 =	sne.s32 s28, $0x4800;
	s28 =	sadd.s32 $0x400, s28;
	_ =	swait.ge [sflag:s20], $0x3E80  }
0x6e: {  	s29 =	sshra.s32 s29, $0x2;
	[sflag:s20] =	ssyncset.done $0x0  }
0x6f: {  	s30 =	sadd.s32 $0x1400, s29;
	[sflag:s20] =	ssyncadd.s32 $0xFFFFC180  }
0x70: {  	[spmem:s2] =	stream.indirect.scatter.add.f32 [tilespmem:s15], [sflag:$0x3], $0x80, s30, s14, $0xb8;
	[tilespmem:$0x1E800] =	vst v63  }
0x71: {  	_ =	swait.ge [sflag:s21], $0x3E80  }
0x72: {  	[sflag:s21] =	ssyncset.done $0x0  }
0x73: {  	s30 =	sadd.s32 $0x100, s29;
	[sflag:s21] =	ssyncadd.s32 $0xFFFFC180  }
0x74: {  	[tilespmem:s15], [sflag:$0x1] =	stream.indirect.gather [hbm4b:s4+s14], $0x80, s30, s14, $0xb8;
	[tilespmem:$0x1E800] =	vst v63  }
0x75: {  	_ =	swait.ge [sflag:s22], $0x3E80  }
0x76: {  	[sflag:s22] =	ssyncset.done $0x0  }
.Ltmp1:
0x77: {  	s30 =	sadd.s32 $0x1480, s29;
	[sflag:s22] =	ssyncadd.s32 $0xFFFFC180;
	(pc) =	sbr.rel @p0 .LBB2_4-.Ltmp1, $4  }
0x78: {  	[spmem:s2] =	stream.indirect.scatter.add.f32 [tilespmem:s17], [sflag:$0x4], $0x80, s30, s14, $0xb8;
	[tilespmem:$0x1E800] =	vst v63  }
0x79: {  	_ =	swait.ge [sflag:s23], $0x3E80  }
0x7a: {  	[sflag:s23] =	ssyncset.done $0x0  }
0x7b: {  	s29 =	sadd.s32 $0x180, s29;
	[sflag:s23] =	ssyncadd.s32 $0xFFFFC180  }
0x7c: {  	[tilespmem:s17], [sflag:$0x2] =	stream.indirect.gather [hbm4b:s4+s14], $0x80, s29, s14, $0xb8;
	[tilespmem:$0x1E800] =	vst v63  }
0x7d: {  	_ =	swait.ge [sflag:s20], $0x3E80  }
0x7e: {  	[sflag:s20] =	ssyncset.done $0x0  }
0x7f: {  	[sflag:s20] =	ssyncadd.s32 $0xFFFFC180  }
0x80: {  	[spmem:s2] =	stream.indirect.scatter.add.f32 [tilespmem:s15], [sflag:$0x3], $0x80, s24, s14, $0xb8;
	[tilespmem:$0x1E800] =	vst v63  }
0x81: {  	_ =	swait.ge [sflag:s22], $0x3E80  }
0x82: {  	[sflag:s22] =	ssyncset.done $0x0  }
0x83: {  	[sflag:s22] =	ssyncadd.s32 $0xFFFFC180  }
0x84: {  	[spmem:s2] =	stream.indirect.scatter.add.f32 [tilespmem:s17], [sflag:$0x4], $0x80, s25, s14, $0xb8;
	[tilespmem:$0x1E800] =	vst v63  }
0x85: {  	_ =	swait.ge [sflag:s21], $0x3E80  }
0x86: {  	[sflag:s21] =	ssyncset.done $0x0  }
0x87: {  	[sflag:s21] =	ssyncadd.s32 $0xFFFFC180  }
0x88: {  	_ =	swait.ge [sflag:s23], $0x3E80  }
0x89: {  	s26 =	sadd.s32 $0x1, s26;
	[sflag:s23] =	ssyncset.done $0x0  }
0x8a: {  	p0 =	sne.s32 s26, s11;
	[sflag:s23] =	ssyncadd.s32 $0xFFFFC180  }
.Ltmp2:
0x8b: {  	[bflag:$0x0] =	sbarrier.arrive $0xFFFF;
	(pc) =	sbr.rel @p0 .LBB2_1-.Ltmp2, $4  }
0x8c: {  	[hbm:s10], [sflag:s18] =	dma.local [spmem:s19], $0x2800  }
0x8d: {  	_ =	swait.ge [sflag:s12], $0x2800  }
0x8e: {  	[sflag:s12] =	ssyncset.done $0x0  }
0x8f: {  	[sflag:s12] =	ssyncadd.s32 $0xFFFFD800  }
0x90: {  	_ =	sfence.sel $0x180000  }
0x91: {  	[bflag:$0x0] =	sbarrier.arrive $0xFFFF  }
0x92: {  	p0 =	sne.s32 s0, $0x0;
	_ =	strace $0x9000004A  }
0x93: {  	s0 =	sadd.s32 @!p0 $0x100000, s1;
	[bflag:$0x2] =	sbarrier.arrive $0xFFFF  }
0x94: {  	[sflag:s0] =	ssyncadd.tile.s32 @!p0 $0x1;
	_ =	shalt  }
.Lfunc_end2:
_tile_overlayer_lowered:
.L_overlay_start_2:
0x95: {  	(tag) =	ssettag $0x2  }
0x96: {  	s0 =	rddreg [dreg:$0x0];
	s2 =	stileid.u32  }
0x97: {  	s1 =	rddreg [dreg:$0x1];
	p0 =	sne.s32 s2, $0x0  }
0x98: {  	s3 =	rddreg [dreg:$0x2];
	[bflag:$0x3] =	sbarrier.arrive $0xFFFF;
	s2 =	simm.s32 @!p0 $0x1C05  }
0x99: {  	[timem:s3], [sflag:s2] =	dma.local @!p0 [hbm:s0], s1  }
0x9a: {  	s0 =	simm.s32 @!p0 $0x5  }
0x9b: {  	_ =	swait.ge @!p0 [sflag:s0], s1  }
0x9c: {  	s1 =	ssub.s32 @!p0 $0x0, s1;
	[sflag:s0] =	ssyncset.done @!p0 $0x0  }
0x9d: {  	[sflag:s0] =	ssyncadd.s32 @!p0 s1  }
0x9e: {  	[bflag:$0x3] =	sbarrier.arrive $0xFFFF  }
0x9f: {  	_ =	shalt  }

// kernel: kernel.24.cloned.1.call-start
scs
__scs_entry_jumppad:
0x0: {  	(pc) =	sbr.rel $0x88, $3  }
0x1: {  	(tag) =	ssettag $0x0;
	lr =	simm.s32 $0x1  }
0x2: {  	[smem:$0x3F9E] =	sst lr;
	_ =	strace $0xD0000000  }
0x3: {  	_ = 	snop  }
0x4: {  	_ = 	snop  }
0x5: {  	_ = 	snop  }
0x6: {  	_ = 	snop  }
0x7: {  	_ = 	snop  }
__scs_overlays_trampoline_lowered:
0x8: {  	[smem:$0x3FAD] =	sst s0  }
0x9: {  	[smem:$0x3FAE] =	sst s1  }
0xa: {  	[smem:$0x3FAF] =	sst s2  }
0xb: {  	[smem:$0x3FB0] =	sst s3  }
0xc: {  	[smem:$0x3FB1] =	sst s4  }
0xd: {  	[smem:$0x3FB2] =	sst s5  }
0xe: {  	[smem:$0x3FB3] =	sst s6  }
0xf: {  	[smem:$0x3FB4] =	sst s7  }
0x10: {  	[smem:$0x3FB5] =	sst s8  }
0x11: {  	[smem:$0x3FB6] =	sst s9;
	s0 =	simm.s32 @!p0 $0x0  }
0x12: {  	s1 =	sld [smem:$0x3F9C];
	s0 =	simm.s32 @p0 $0x1  }
0x13: {  	[smem:$0x3FB7] =	sst s0;
	s0 =	simm.s32 @!p1 $0x0  }
0x14: {  	s2 =	sld [smem:$0x3F9B];
	s0 =	simm.s32 @p1 $0x1  }
0x15: {  	[smem:$0x3FB8] =	sst s0;
	s0 =	simm.s32 @!p2 $0x0  }
0x16: {  	s3 =	sld [smem:$0x3FDB];
	s0 =	simm.s32 @p2 $0x1  }
0x17: {  	s4 =	simm.s32 $0x1BF5;
	[smem:$0x3FBA] =	sst s0  }
0x18: {  	s0 =	sld [smem:$0x3F9D];
	_ =	swait.ge [sflag:s4], $0x0  }
0x19: {  	s7 =	sld [smem:$0x3F9E]  }
0x1a: {  	s8 =	sadd.s32 $0xFFFFE003, lr  }
0x1b: {  	s9 =	sadd.s32 $0xFFFFFEF7, lr;
	s5 =	simm.s32 $0xFFFFFFFF;
	p2 =	slt.u32 s8, $0xFFFFF086  }
0x1c: {  	p1 =	slt.u32 s9, $0xF7A;
	s5 =	simm.s32 @!p2 $0x0  }
0x1d: {  	s5 =	simm.s32 @p1 $0x1;
	p0 =	seq.s32 s7, s2  }
0x1e: {  	s7 =	smul.u32 @!p0 $0xF7A, s2;
	p2 =	seq.s32 @!p0 s5, $0x0  }
0x1f: {  	s9 =	smul.u32 $0xF7A, s1;
	s8 =	simm.s32 @!p0 $0x1BF5;
	p2 =	por !p2, p0  }
0x20: {  	[sflag:s8] =	ssyncset.s32 @!p0 $0xFFFFF086;
	s6 =	sadd.s32 @!p0 s3, s7;
	s7 =	simm.s32 @!p0 $0x108  }
0x21: {  	s3 =	sadd.s32 s3, s9;
	s6 =	sadd.s32 @!p0 $0x88, s6;
	s7 =	simm.s32 @p2 $0x1082  }
0x22: {  	[simem:s7], [sflag:s8] =	dma.local @!p0 [hbm:s6], $0xF7A  }
0x23: {  	s9 =	sor.u32 $0xD0000000, s2;
	s6 =	simm.s32 $0x108;
	_ =	swait.ge @!p0 [sflag:s8], $0x0  }
0x24: {  	s3 =	sadd.s32 $0x88, s3;
	s6 =	simm.s32 @!p1 $0x1082;
	[sflag:s4] =	ssyncset.s32 $0xFFFFF086  }
0x25: {  	[simem:s6], [sflag:s4] =	dma.local [hbm:s3], $0xF7A  }
0x26: {  	[smem:$0x3F9E] =	sst s1;
	(tag) =	ssettag s2;
	_ =	strace s9  }
0x27: {  	s1 =	sld [smem:$0x3FAE]  }
0x28: {  	s2 =	sld [smem:$0x3FAF]  }
0x29: {  	s4 =	sld [smem:$0x3FB1]  }
0x2a: {  	p0 =	seq.s32 s5, $0x0;
	s5 =	sld [smem:$0x3FB2]  }
0x2b: {  	s6 =	sld [smem:$0x3FB3]  }
0x2c: {  	s7 =	sld [smem:$0x3FB4]  }
0x2d: {  	s3 =	simm.s32 $0x108;
	s8 =	sld [smem:$0x3FB5]  }
0x2e: {  	s3 =	simm.s32 @!p0 $0x1082;
	s9 =	sld [smem:$0x3FB6]  }
0x2f: {  	lr =	sadd.s32 s0, s3;
	s0 =	sld [smem:$0x3FAD]  }
0x30: {  	s3 =	sld [smem:$0x3FB0]  }
0x31: {  	[smem:$0x3FB9] =	sst s10  }
0x32: {  	s10 =	sld [smem:$0x3FB7];
	_ =	sdelay $0x3  }
0x33: {  	p0 =	seq.s32 s10, $0x1;
	s10 =	sld [smem:$0x3FB9];
	_ =	sdelay $0x3  }
0x34: {  	[smem:$0x3FB9] =	sst s10  }
0x35: {  	s10 =	sld [smem:$0x3FB8];
	_ =	sdelay $0x3  }
0x36: {  	p1 =	seq.s32 s10, $0x1;
	s10 =	sld [smem:$0x3FB9];
	_ =	sdelay $0x3  }
0x37: {  	[smem:$0x3FB9] =	sst s10  }
0x38: {  	s10 =	sld [smem:$0x3FBA]  }
0x39: {  	_ = 	snop;
	(pc) =	sbr.ind lr, $3  }
0x3a: {  	_ = 	snop  }
0x3b: {  	_ = 	snop  }
0x3c: {  	p2 =	seq.s32 s10, $0x1;
	s10 =	sld [smem:$0x3FB9]  }
0x3d: {  	_ =	shalt  }
0x3e: {  	_ =	shalt  }
0x3f: {  	_ =	shalt  }
0x40: {  	_ =	shalt  }
0x41: {  	_ =	shalt  }
0x42: {  	_ =	shalt  }
0x43: {  	_ =	shalt  }
0x44: {  	_ =	shalt  }
0x45: {  	_ =	shalt  }
0x46: {  	_ =	shalt  }
0x47: {  	_ =	shalt  }
0x48: {  	_ =	shalt  }
0x49: {  	_ =	shalt  }
0x4a: {  	_ =	shalt  }
0x4b: {  	_ =	shalt  }
0x4c: {  	_ =	shalt  }
0x4d: {  	_ =	shalt  }
0x4e: {  	_ =	shalt  }
0x4f: {  	_ =	shalt  }
0x50: {  	_ =	shalt  }
0x51: {  	_ =	shalt  }
0x52: {  	_ =	shalt  }
0x53: {  	_ =	shalt  }
0x54: {  	_ =	shalt  }
0x55: {  	_ =	shalt  }
0x56: {  	_ =	shalt  }
0x57: {  	_ =	shalt  }
0x58: {  	_ =	shalt  }
0x59: {  	_ =	shalt  }
0x5a: {  	_ =	shalt  }
0x5b: {  	_ =	shalt  }
0x5c: {  	_ =	shalt  }
0x5d: {  	_ =	shalt  }
0x5e: {  	_ =	shalt  }
0x5f: {  	_ =	shalt  }
0x60: {  	_ =	shalt  }
0x61: {  	_ =	shalt  }
0x62: {  	_ =	shalt  }
0x63: {  	_ =	shalt  }
0x64: {  	_ =	shalt  }
0x65: {  	_ =	shalt  }
0x66: {  	_ =	shalt  }
0x67: {  	_ =	shalt  }
0x68: {  	_ =	shalt  }
0x69: {  	_ =	shalt  }
0x6a: {  	_ =	shalt  }
0x6b: {  	_ =	shalt  }
0x6c: {  	_ =	shalt  }
0x6d: {  	_ =	shalt  }
0x6e: {  	_ =	shalt  }
0x6f: {  	_ =	shalt  }
0x70: {  	_ =	shalt  }
0x71: {  	_ =	shalt  }
0x72: {  	_ =	shalt  }
0x73: {  	_ =	shalt  }
0x74: {  	_ =	shalt  }
0x75: {  	_ =	shalt  }
0x76: {  	_ =	shalt  }
0x77: {  	_ =	shalt  }
0x78: {  	_ =	shalt  }
0x79: {  	_ =	shalt  }
0x7a: {  	_ =	shalt  }
0x7b: {  	_ =	shalt  }
0x7c: {  	_ =	shalt  }
0x7d: {  	_ =	shalt  }
0x7e: {  	_ =	shalt  }
0x7f: {  	_ =	shalt  }
0x80: {  	_ =	shalt  }
0x81: {  	_ =	shalt  }
0x82: {  	_ =	shalt  }
0x83: {  	_ =	shalt  }
0x84: {  	_ =	shalt  }
0x85: {  	_ =	shalt  }
0x86: {  	_ =	shalt  }
0x87: {  	_ =	shalt  }
.Lfunc_end0:
.L_simem_size_0:
called_computation.2_lowered:
.L_overlay_start_0:
0x88: {  	s2 =	sld [smem:$0x3FD9]  }
0x89: {  	s3 =	sld [smem:$0x3FFE];
	_ =	sdelay $0x1  }
0x8a: {  	s1 =	srdreg.scid  }
0x8b: {  	s0 =	sand.u32 $0x1, s1  }
0x8c: {  	s17 =	sshll.u32 s0, $0xA;
	s2 =	sadd.s32 s3, s2  }
0x8d: {  	s2 =	sadd.s32 s2, s17  }
0x8e: {  	[smem:$0x3FC5] =	sst s2  }
0x8f: {  	_ = 	snop  }
0x90: {  	s18 =	sld [smem:$0x3FD0];
	(tm) =	ssettm $0x1  }
0x91: {  	s19 =	sld [smem:$0x3FFB];
	_ =	sdelay $0x3  }
0x92: {  	_ =	strace s19  }
0x93: {  	s2 =	sld [smem:$0x3FFC];
	_ =	sdelay $0x3  }
0x94: {  	_ =	strace s2  }
0x95: {  	s2 =	sld [smem:$0x3FFD];
	_ =	sdelay $0x3  }
0x96: {  	_ =	strace s2  }
0x97: {  	_ =	strace $0x8FFFFFFF  }
0x98: {  	s20 =	sld [smem:$0x3FDB];
	_ =	sdelay $0x1  }
0x99: {  	s4 =	simm.s32 $_scs_section_size  }
0x9a: {  	s5 =	simm.s32 $_size__tile_overlayer_lowered;
	s6 =	simm.s32 $_tile_overlayer_lowered  }
0x9b: {  	s7 =	simm.s32 $0x1BFF;
	s21 =	sshll.u32 s6, $0x1;
	s4 =	sadd.s32 s4, s20  }
0x9c: {  	s22 =	simm.s32 $0x0;
	s5 =	sshll.u32 s5, $0x1;
	s6 =	sadd.s32 s21, s4  }
0x9d: {  	[timem:s22], [sflag:s7] =	dma.local [hbm:s6], s5  }
0x9e: {  	_ =	swait.ge [sflag:s7], s5  }
0x9f: {  	s5 =	ssub.s32 $0x0, s5;
	[sflag:s7] =	ssyncset.done $0x0  }
0xa0: {  	[sflag:s7] =	ssyncadd.s32 s5;
	_ =	sdelay $0x1  }
0xa1: {  	s23 =	simm.s32 $0x1B8B  }
0xa2: {  	_ =	swait.ge [sflag:s23], $0x1  }
0xa3: {  	[sflag:s23] =	ssyncset.done $0x0  }
0xa4: {  	[sflag:s23] =	ssyncadd.s32 $0xFFFFFFFF  }
0xa5: {  	s5 =	sld [smem:$0x0]  }
0xa6: {  	s6 =	sand.u32 $0xFFFFFFFE, s1  }
0xa7: {  	p0 =	sne.s32 s1, s6  }
0xa8: {  	s6 =	sshll.u32 @p0 s6, $0xE  }
0xa9: {  	s6 =	sadd.s32 @p0 $0x11B8D, s6;
	s7 =	sshll.u32 @p0 s5, $0x11  }
0xaa: {  	s6 =	sor.u32 @p0 s7, s6  }
0xab: {  	[sflag:s6] =	ssyncadd.remote.s32 @p0 $0x1;
	_ =	sdelay $0x1  }
0xac: {  	s6 =	simm.s32 @p0 $0x1B8D  }
0xad: {  	_ =	swait.eq @p0 [sflag:s6], $0x1  }
0xae: {  	[sflag:s6] =	ssyncadd.s32 @p0 $0xFFFFFFFF  }
0xaf: {  	s7 =	sshll.u32 @!p0 s1, $0xE  }
0xb0: {  	s7 =	sor.u32 @!p0 $0x4000, s7;
	s6 =	simm.s32 @!p0 $0x1B8D  }
0xb1: {  	s5 =	sshll.u32 @!p0 s5, $0x11;
	s7 =	sadd.s32 @!p0 $0x11B8D, s7;
	_ =	swait.eq @!p0 [sflag:s6], $0x1  }
0xb2: {  	s5 =	sor.u32 @!p0 s5, s7;
	[sflag:s6] =	ssyncadd.s32 @!p0 $0xFFFFFFFF  }
0xb3: {  	s25 =	simm.s32 $0x1B8E;
	s24 =	sld [smem:$0x3FFE];
	[sflag:s5] =	ssyncadd.remote.s32 @!p0 $0x1  }
0xb4: {  	s26 =	simm.s32 $execute0_lowered;
	[smem:$0x3FD2] =	sst s25  }
0xb5: {  	s6 =	sshll.u32 s26, $0x1;
	_ =	strace $0x8000004C;
	[dreg:$0x1] =	wrdreg $0xFFFFFFFF  }
0xb6: {  	s28 =	simm.s32 $_size_execute0_lowered;
	s4 =	sadd.s32 s4, s6;
	[dreg:$0x0] =	wrdreg $0x0  }
0xb7: {  	s6 =	sshll.u32 s28, $0x1;
	[dreg:$0x2] =	wrdreg s4  }
0xb8: {  	[dreg:$0x3] =	wrdreg s6  }
0xb9: {  	[dreg:$0x4] =	wrdreg $0xC0  }
0xba: {  	_ =	task [dreg:s22], $0x5FFFF  }
0xbb: {  	[dreg:$0x1] =	wrdreg $0xFFFFFFFF  }
0xbc: {  	[dreg:$0x0] =	wrdreg $0x60  }
0xbd: {  	[dreg:$0x2] =	wrdreg s24  }
0xbe: {  	[dreg:$0x3] =	wrdreg s18  }
0xbf: {  	[dreg:$0x4] =	wrdreg $0xA8000  }
0xc0: {  	[dreg:$0x5] =	wrdreg $0x9  }
0xc1: {  	_ =	task.clear_ibuf [dreg:s22], $0x6FFFF;
	_ =	strace $0x9000004C  }
0xc2: {  	s29 =	simm.s32 $0x9;
	_ =	strace $0x8000004E  }
0xc3: {  	_ =	swait.ge [sflag:s29], $0x1  }
0xc4: {  	[sflag:s29] =	ssyncadd.s32 $0xFFFFFFFF  }
0xc5: {  	_ =	strace $0x9000004E  }
0xc6: {  	_ =	sfence  }
0xc7: {  	s30 =	sld [smem:$0x0];
	_ =	sdelay $0x2  }
0xc8: {  	s31 =	sshll.u32 s1, $0xD;
	s1 =	sshrl.u32 s1, $0x2  }
0xc9: {  	s4 =	sand.u32 $0x4000, s31;
	s1 =	sadd.s32 s1, s30  }
0xca: {  	s0 =	sor.u32 s4, s0;
	s1 =	sshll.u32 s1, $0x11  }
0xcb: {  	s0 =	sor.u32 s1, s0  }
0xcc: {  	s0 =	sadd.s32 $0x8F2B, s0  }
0xcd: {  	[sflag:s0] =	ssyncadd.remote.s32 $0x1  }
0xce: {  	_ =	sfence.sel $0xFFFF  }
0xcf: {  	[dreg:$0x0] =	wrdreg $0xFFFFFFFF;
	(pc) =	sbr.abs _section_cstart, $3  }
0xd0: {  	[dreg:$0x1] =	wrdreg $0xFFFFFFFF  }
0xd1: {  	_ =	task.clear_ibuf [dreg:s22], $0x2FFFF;
	_ =	strace $0x9FFFFFFF  }
0xd2: {  	(tm) =	ssettm $0x7FFFFFFF  }
0xd3: {  	_ =	shalt  }
tec
execute0_lowered:
.L_overlay_start_1:
0x0: {  	(tag) =	ssettag $0x1  }
0x1: {  	s5 =	rddreg [dreg:$0x0]  }
0x2: {  	s10 =	rddreg [dreg:$0x1]  }
0x3: {  	s0 =	srdreg.scid;
	s2 =	rddreg [dreg:$0x2]  }
0x4: {  	s1 =	stileid.u32;
	s3 =	simm.s32 $0x0;
	s14 =	simm.s32 $0x7D  }
0x5: {  	s15 =	simm.s32 $0x2800;
	s16 =	simm.s32 $0x80;
	s17 =	simm.s32 $0x6800  }
0x6: {  	s20 =	simm.s32 $0x1;
	s21 =	simm.s32 $0x3;
	s22 =	simm.s32 $0x2  }
0x7: {  	s23 =	simm.s32 $0x4;
	s24 =	simm.s32 $0x2700;
	s25 =	simm.s32 $0x2780  }
0x8: {  	s6 =	sand.u32 $0x1, s0;
	s0 =	rddreg [dreg:$0x3];
	s8 =	smul.u32 $0x50000, s1  }
0x9: {  	s26 =	simm.s32 $0x0;
	[smem:$0x7FF] =	sst s3;
	s12 =	smul.u32 $0x14000, s1  }
0xa: {  	s18 =	sshll.u32 s1, $0x6;
	s4 =	sshll.u32 s6, $0x4;
	_ =	strace $0x8000004D  }
0xb: {  	s30 =	ssub.s32 $0x2, s6;
	s11 =	smul.u32 $0x140000, s6;
	s18 =	sor.u32 $0x1C05, s18  }
0xc: {  	s4 =	sor.u32 s1, s4;
	s31 =	sshrl.u32 s30, $0x1;
	s8 =	sshrl.u32 s8, $0x2  }
0xd: {  	s7 =	smul.u32 $0x2800, s4;
	s4 =	sadd.s32 $0x93800, s5;
	s13 =	ssub.s32 s30, s31  }
0xe: {  	s19 =	sadd.s32 s8, s2;
	s11 =	sadd.s32 s12, s11;
	s12 =	simm.s32 $0x5  }
0xf: {  	s11 =	sshrl.u32 s11, $0x3;
	s19 =	sshrl.u32 s19, $0x3;
	s7 =	sshrl.u32 s7, $0x3  }
0x10: {  	s10 =	sadd.s32 s10, s11;
	s11 =	smax.u32 s13, $0x1;
	s9 =	sadd.s32 s7, s5  }
0x11: {  	s13 =	simm.s32 $0x1400;
	s5 =	sadd.s32 $0x19E00, s5;
	s6 =	sadd.s32 $0xFE00, s9  }
0x12: {  	s7 =	sadd.s32 $0x5E00, s9;
	s8 =	sadd.s32 $0x10080, s9;
	s9 =	sadd.s32 $0x6080, s9  }
.LBB2_1:
0x13: {  	[tilespmem:s3], [sflag:$0x5] =	stream.linear.gather [hbm4b:s6+s3], $0x1400, $0x38;
	[tilespmem:$0x1E800] =	vst v63  }
0x14: {  	_ =	swait.ge [sflag:s12], $0x1400  }
0x15: {  	[sflag:s12] =	ssyncset.done $0x0  }
0x16: {  	[sflag:s12] =	ssyncadd.s32 $0xFFFFEC00  }
0x17: {  	[tilespmem:s13], [sflag:$0x5] =	stream.linear.gather [hbm4b:s7+s3], $0x1400, $0x38;
	[tilespmem:$0x1E800] =	vst v63  }
0x18: {  	_ =	swait.ge [sflag:s12], $0x1400  }
0x19: {  	[sflag:s12] =	ssyncset.done $0x0  }
0x1a: {  	[sflag:s12] =	ssyncadd.s32 $0xFFFFEC00  }
0x1b: {  	[tilespmem:s15], [sflag:$0x1] =	stream.indirect.gather [hbm4b:s4+s14], $0x80, s3, s14, $0xb8;
	[tilespmem:$0x1E800] =	vst v63  }
0x1c: {  	_ = 	snop  }
0x1d: {  	[tilespmem:s17], [sflag:$0x2] =	stream.indirect.gather [hbm4b:s4+s14], $0x80, s16, s14, $0xb8;
	[tilespmem:$0x1E800] =	vst v63  }
0x1e: {  	[spmem:s19], [sflag:s18] =	dma.local [hbm:s5], $0x2800  }
0x1f: {  	_ =	swait.ge [sflag:s12], $0x2800  }
0x20: {  	[sflag:s12] =	ssyncset.done $0x0  }
0x21: {  	[sflag:s12] =	ssyncadd.s32 $0xFFFFD800  }
0x22: {  	[bflag:$0x0] =	sbarrier.arrive $0xFFFF  }
0x23: {  	_ =	swait.ge [sflag:s20], $0x3E80  }
0x24: {  	[sflag:s20] =	ssyncset.done $0x0  }
0x25: {  	s28 =	simm.s32 $0x1400;
	[sflag:s20] =	ssyncadd.s32 $0xFFFFC180  }
0x26: {  	[spmem:s2] =	stream.indirect.scatter.add.f32 [tilespmem:s15], [sflag:$0x3], $0x80, s28, s14, $0xb8;
	[tilespmem:$0x1E800] =	vst v63  }
0x27: {  	_ =	swait.ge [sflag:s21], $0x3E80  }
0x28: {  	[sflag:s21] =	ssyncset.done $0x0  }
0x29: {  	s28 =	simm.s32 $0x100;
	[sflag:s21] =	ssyncadd.s32 $0xFFFFC180  }
0x2a: {  	[tilespmem:s15], [sflag:$0x1] =	stream.indirect.gather [hbm4b:s4+s14], $0x80, s28, s14, $0xb8;
	[tilespmem:$0x1E800] =	vst v63  }
0x2b: {  	_ =	swait.ge [sflag:s22], $0x3E80  }
0x2c: {  	[sflag:s22] =	ssyncset.done $0x0  }
0x2d: {  	s28 =	simm.s32 $0x1480;
	[sflag:s22] =	ssyncadd.s32 $0xFFFFC180  }
0x2e: {  	[spmem:s2] =	stream.indirect.scatter.add.f32 [tilespmem:s17], [sflag:$0x4], $0x80, s28, s14, $0xb8;
	[tilespmem:$0x1E800] =	vst v63  }
0x2f: {  	_ =	swait.ge [sflag:s23], $0x3E80  }
0x30: {  	[sflag:s23] =	ssyncset.done $0x0  }
0x31: {  	s29 =	simm.s32 $0x180;
	s28 =	simm.s32 $0x400;
	[sflag:s23] =	ssyncadd.s32 $0xFFFFC180  }
.LBB2_2:
0x32: {  	[tilespmem:s17], [sflag:$0x2] =	stream.indirect.gather [hbm4b:s4+s14], $0x80, s29, s14, $0xb8;
	[tilespmem:$0x1E800] =	vst v63  }
0x33: {  	s29 =	smov.u32 s28  }
0x34: {  	p0 =	sne.s32 s28, $0x4800;
	s28 =	sadd.s32 $0x400, s28;
	_ =	swait.ge [sflag:s20], $0x3E80  }
0x35: {  	s29 =	sshra.s32 s29, $0x2;
	[sflag:s20] =	ssyncset.done $0x0  }
0x36: {  	s30 =	sadd.s32 $0x1400, s29;
	[sflag:s20] =	ssyncadd.s32 $0xFFFFC180  }
0x37: {  	[spmem:s2] =	stream.indirect.scatter.add.f32 [tilespmem:s15], [sflag:$0x3], $0x80, s30, s14, $0xb8;
	[tilespmem:$0x1E800] =	vst v63  }
0x38: {  	_ =	swait.ge [sflag:s21], $0x3E80  }
0x39: {  	[sflag:s21] =	ssyncset.done $0x0  }
0x3a: {  	s30 =	sadd.s32 $0x100, s29;
	[sflag:s21] =	ssyncadd.s32 $0xFFFFC180  }
0x3b: {  	[tilespmem:s15], [sflag:$0x1] =	stream.indirect.gather [hbm4b:s4+s14], $0x80, s30, s14, $0xb8;
	[tilespmem:$0x1E800] =	vst v63  }
0x3c: {  	_ =	swait.ge [sflag:s22], $0x3E80  }
0x3d: {  	[sflag:s22] =	ssyncset.done $0x0  }
.Ltmp0:
0x3e: {  	s30 =	sadd.s32 $0x1480, s29;
	[sflag:s22] =	ssyncadd.s32 $0xFFFFC180;
	(pc) =	sbr.rel @p0 .LBB2_2-.Ltmp0, $4  }
0x3f: {  	[spmem:s2] =	stream.indirect.scatter.add.f32 [tilespmem:s17], [sflag:$0x4], $0x80, s30, s14, $0xb8;
	[tilespmem:$0x1E800] =	vst v63  }
0x40: {  	_ =	swait.ge [sflag:s23], $0x3E80  }
0x41: {  	[sflag:s23] =	ssyncset.done $0x0  }
0x42: {  	s29 =	sadd.s32 $0x180, s29;
	[sflag:s23] =	ssyncadd.s32 $0xFFFFC180  }
0x43: {  	[tilespmem:s17], [sflag:$0x2] =	stream.indirect.gather [hbm4b:s4+s14], $0x80, s29, s14, $0xb8;
	[tilespmem:$0x1E800] =	vst v63  }
0x44: {  	_ =	swait.ge [sflag:s20], $0x3E80  }
0x45: {  	[sflag:s20] =	ssyncset.done $0x0  }
0x46: {  	[sflag:s20] =	ssyncadd.s32 $0xFFFFC180  }
0x47: {  	[spmem:s2] =	stream.indirect.scatter.add.f32 [tilespmem:s15], [sflag:$0x3], $0x80, s24, s14, $0xb8;
	[tilespmem:$0x1E800] =	vst v63  }
0x48: {  	_ =	swait.ge [sflag:s22], $0x3E80  }
0x49: {  	[sflag:s22] =	ssyncset.done $0x0  }
0x4a: {  	[sflag:s22] =	ssyncadd.s32 $0xFFFFC180  }
0x4b: {  	[spmem:s2] =	stream.indirect.scatter.add.f32 [tilespmem:s17], [sflag:$0x4], $0x80, s25, s14, $0xb8;
	[tilespmem:$0x1E800] =	vst v63  }
0x4c: {  	_ =	swait.ge [sflag:s21], $0x3E80  }
0x4d: {  	[sflag:s21] =	ssyncset.done $0x0  }
0x4e: {  	[sflag:s21] =	ssyncadd.s32 $0xFFFFC180  }
0x4f: {  	_ =	swait.ge [sflag:s23], $0x3E80  }
0x50: {  	[sflag:s23] =	ssyncset.done $0x0  }
0x51: {  	s28 =	simm.s32 $0x0;
	[sflag:s23] =	ssyncadd.s32 $0xFFFFC180  }
0x52: {  	[tilespmem:s28], [sflag:$0x5] =	stream.linear.gather [hbm4b:s8+s28], $0x1400, $0x38;
	[tilespmem:$0x1E800] =	vst v63  }
0x53: {  	_ =	swait.ge [sflag:s12], $0x1400  }
0x54: {  	[sflag:s12] =	ssyncset.done $0x0  }
0x55: {  	[sflag:s12] =	ssyncadd.s32 $0xFFFFEC00  }
0x56: {  	[tilespmem:s13], [sflag:$0x5] =	stream.linear.gather [hbm4b:s9+s28], $0x1400, $0x38;
	[tilespmem:$0x1E800] =	vst v63  }
0x57: {  	_ =	swait.ge [sflag:s12], $0x1400  }
0x58: {  	[sflag:s12] =	ssyncset.done $0x0  }
0x59: {  	[sflag:s12] =	ssyncadd.s32 $0xFFFFEC00  }
0x5a: {  	[tilespmem:s15], [sflag:$0x1] =	stream.indirect.gather [hbm4b:s4+s14], $0x80, s28, s14, $0xb8;
	[tilespmem:$0x1E800] =	vst v63  }
0x5b: {  	_ = 	snop  }
0x5c: {  	[tilespmem:s17], [sflag:$0x2] =	stream.indirect.gather [hbm4b:s4+s14], $0x80, s16, s14, $0xb8;
	[tilespmem:$0x1E800] =	vst v63  }
0x5d: {  	_ =	swait.ge [sflag:s20], $0x3E80  }
0x5e: {  	[sflag:s20] =	ssyncset.done $0x0  }
0x5f: {  	s28 =	simm.s32 $0x1400;
	[sflag:s20] =	ssyncadd.s32 $0xFFFFC180  }
0x60: {  	[spmem:s2] =	stream.indirect.scatter.add.f32 [tilespmem:s15], [sflag:$0x3], $0x80, s28, s14, $0xb8;
	[tilespmem:$0x1E800] =	vst v63  }
0x61: {  	_ =	swait.ge [sflag:s21], $0x3E80  }
0x62: {  	[sflag:s21] =	ssyncset.done $0x0  }
0x63: {  	s28 =	simm.s32 $0x100;
	[sflag:s21] =	ssyncadd.s32 $0xFFFFC180  }
0x64: {  	[tilespmem:s15], [sflag:$0x1] =	stream.indirect.gather [hbm4b:s4+s14], $0x80, s28, s14, $0xb8;
	[tilespmem:$0x1E800] =	vst v63  }
0x65: {  	_ =	swait.ge [sflag:s22], $0x3E80  }
0x66: {  	[sflag:s22] =	ssyncset.done $0x0  }
0x67: {  	s28 =	simm.s32 $0x1480;
	[sflag:s22] =	ssyncadd.s32 $0xFFFFC180  }
0x68: {  	[spmem:s2] =	stream.indirect.scatter.add.f32 [tilespmem:s17], [sflag:$0x4], $0x80, s28, s14, $0xb8;
	[tilespmem:$0x1E800] =	vst v63  }
0x69: {  	_ =	swait.ge [sflag:s23], $0x3E80  }
0x6a: {  	[sflag:s23] =	ssyncset.done $0x0  }
0x6b: {  	s29 =	simm.s32 $0x180;
	s28 =	simm.s32 $0x400;
	[sflag:s23] =	ssyncadd.s32 $0xFFFFC180  }
.LBB2_4:
0x6c: {  	[tilespmem:s17], [sflag:$0x2] =	stream.indirect.gather [hbm4b:s4+s14], $0x80, s29, s14, $0xb8;
	[tilespmem:$0x1E800] =	vst v63  }
0x6d: {  	s29 =	smov.u32 s28  }
0x6e: {  	p0 =	sne.s32 s28, $0x4800;
	s28 =	sadd.s32 $0x400, s28;
	_ =	swait.ge [sflag:s20], $0x3E80  }
0x6f: {  	s29 =	sshra.s32 s29, $0x2;
	[sflag:s20] =	ssyncset.done $0x0  }
0x70: {  	s30 =	sadd.s32 $0x1400, s29;
	[sflag:s20] =	ssyncadd.s32 $0xFFFFC180  }
0x71: {  	[spmem:s2] =	stream.indirect.scatter.add.f32 [tilespmem:s15], [sflag:$0x3], $0x80, s30, s14, $0xb8;
	[tilespmem:$0x1E800] =	vst v63  }
0x72: {  	_ =	swait.ge [sflag:s21], $0x3E80  }
0x73: {  	[sflag:s21] =	ssyncset.done $0x0  }
0x74: {  	s30 =	sadd.s32 $0x100, s29;
	[sflag:s21] =	ssyncadd.s32 $0xFFFFC180  }
0x75: {  	[tilespmem:s15], [sflag:$0x1] =	stream.indirect.gather [hbm4b:s4+s14], $0x80, s30, s14, $0xb8;
	[tilespmem:$0x1E800] =	vst v63  }
0x76: {  	_ =	swait.ge [sflag:s22], $0x3E80  }
0x77: {  	[sflag:s22] =	ssyncset.done $0x0  }
.Ltmp1:
0x78: {  	s30 =	sadd.s32 $0x1480, s29;
	[sflag:s22] =	ssyncadd.s32 $0xFFFFC180;
	(pc) =	sbr.rel @p0 .LBB2_4-.Ltmp1, $4  }
0x79: {  	[spmem:s2] =	stream.indirect.scatter.add.f32 [tilespmem:s17], [sflag:$0x4], $0x80, s30, s14, $0xb8;
	[tilespmem:$0x1E800] =	vst v63  }
0x7a: {  	_ =	swait.ge [sflag:s23], $0x3E80  }
0x7b: {  	[sflag:s23] =	ssyncset.done $0x0  }
0x7c: {  	s29 =	sadd.s32 $0x180, s29;
	[sflag:s23] =	ssyncadd.s32 $0xFFFFC180  }
0x7d: {  	[tilespmem:s17], [sflag:$0x2] =	stream.indirect.gather [hbm4b:s4+s14], $0x80, s29, s14, $0xb8;
	[tilespmem:$0x1E800] =	vst v63  }
0x7e: {  	_ =	swait.ge [sflag:s20], $0x3E80  }
0x7f: {  	[sflag:s20] =	ssyncset.done $0x0  }
0x80: {  	[sflag:s20] =	ssyncadd.s32 $0xFFFFC180  }
0x81: {  	[spmem:s2] =	stream.indirect.scatter.add.f32 [tilespmem:s15], [sflag:$0x3], $0x80, s24, s14, $0xb8;
	[tilespmem:$0x1E800] =	vst v63  }
0x82: {  	_ =	swait.ge [sflag:s22], $0x3E80  }
0x83: {  	[sflag:s22] =	ssyncset.done $0x0  }
0x84: {  	[sflag:s22] =	ssyncadd.s32 $0xFFFFC180  }
0x85: {  	[spmem:s2] =	stream.indirect.scatter.add.f32 [tilespmem:s17], [sflag:$0x4], $0x80, s25, s14, $0xb8;
	[tilespmem:$0x1E800] =	vst v63  }
0x86: {  	_ =	swait.ge [sflag:s21], $0x3E80  }
0x87: {  	[sflag:s21] =	ssyncset.done $0x0  }
0x88: {  	[sflag:s21] =	ssyncadd.s32 $0xFFFFC180  }
0x89: {  	_ =	swait.ge [sflag:s23], $0x3E80  }
0x8a: {  	s26 =	sadd.s32 $0x1, s26;
	[sflag:s23] =	ssyncset.done $0x0  }
0x8b: {  	p0 =	sne.s32 s26, s11;
	[sflag:s23] =	ssyncadd.s32 $0xFFFFC180  }
.Ltmp2:
0x8c: {  	[bflag:$0x0] =	sbarrier.arrive $0xFFFF;
	(pc) =	sbr.rel @p0 .LBB2_1-.Ltmp2, $4  }
0x8d: {  	[hbm:s10], [sflag:s18] =	dma.local [spmem:s19], $0x2800  }
0x8e: {  	_ =	swait.ge [sflag:s12], $0x2800  }
0x8f: {  	[sflag:s12] =	ssyncset.done $0x0  }
0x90: {  	[sflag:s12] =	ssyncadd.s32 $0xFFFFD800  }
0x91: {  	_ =	sfence.sel $0x180000  }
0x92: {  	[bflag:$0x0] =	sbarrier.arrive $0xFFFF  }
0x93: {  	p0 =	sne.s32 s1, $0x0;
	_ =	strace $0x9000004D  }
0x94: {  	s0 =	sadd.s32 @!p0 $0x100000, s0;
	[bflag:$0x2] =	sbarrier.arrive $0xFFFF  }
0x95: {  	[sflag:s0] =	ssyncadd.tile.s32 @!p0 $0x1;
	_ =	shalt  }
.Lfunc_end2:
_tile_overlayer_lowered:
.L_overlay_start_2:
0x96: {  	(tag) =	ssettag $0x2  }
0x97: {  	s0 =	rddreg [dreg:$0x0];
	s2 =	stileid.u32  }
0x98: {  	s1 =	rddreg [dreg:$0x1];
	p0 =	sne.s32 s2, $0x0  }
0x99: {  	s3 =	rddreg [dreg:$0x2];
	[bflag:$0x3] =	sbarrier.arrive $0xFFFF;
	s2 =	simm.s32 @!p0 $0x1C05  }
0x9a: {  	[timem:s3], [sflag:s2] =	dma.local @!p0 [hbm:s0], s1  }
0x9b: {  	s0 =	simm.s32 @!p0 $0x5  }
0x9c: {  	_ =	swait.ge @!p0 [sflag:s0], s1  }
0x9d: {  	s1 =	ssub.s32 @!p0 $0x0, s1;
	[sflag:s0] =	ssyncset.done @!p0 $0x0  }
0x9e: {  	[sflag:s0] =	ssyncadd.s32 @!p0 s1  }
0x9f: {  	[bflag:$0x3] =	sbarrier.arrive $0xFFFF  }
0xa0: {  	_ =	shalt  }

// kernel: kernel.27.cloned.1.call-start
scs
__scs_entry_jumppad:
0x0: {  	(pc) =	sbr.rel $0x88, $3  }
0x1: {  	(tag) =	ssettag $0x0;
	lr =	simm.s32 $0x1  }
0x2: {  	[smem:$0x3F9E] =	sst lr;
	_ =	strace $0xD0000000  }
0x3: {  	_ = 	snop  }
0x4: {  	_ = 	snop  }
0x5: {  	_ = 	snop  }
0x6: {  	_ = 	snop  }
0x7: {  	_ = 	snop  }
__scs_overlays_trampoline_lowered:
0x8: {  	[smem:$0x3FAD] =	sst s0  }
0x9: {  	[smem:$0x3FAE] =	sst s1  }
0xa: {  	[smem:$0x3FAF] =	sst s2  }
0xb: {  	[smem:$0x3FB0] =	sst s3  }
0xc: {  	[smem:$0x3FB1] =	sst s4  }
0xd: {  	[smem:$0x3FB2] =	sst s5  }
0xe: {  	[smem:$0x3FB3] =	sst s6  }
0xf: {  	[smem:$0x3FB4] =	sst s7  }
0x10: {  	[smem:$0x3FB5] =	sst s8  }
0x11: {  	[smem:$0x3FB6] =	sst s9;
	s0 =	simm.s32 @!p0 $0x0  }
0x12: {  	s1 =	sld [smem:$0x3F9C];
	s0 =	simm.s32 @p0 $0x1  }
0x13: {  	[smem:$0x3FB7] =	sst s0;
	s0 =	simm.s32 @!p1 $0x0  }
0x14: {  	s2 =	sld [smem:$0x3F9B];
	s0 =	simm.s32 @p1 $0x1  }
0x15: {  	[smem:$0x3FB8] =	sst s0;
	s0 =	simm.s32 @!p2 $0x0  }
0x16: {  	s3 =	sld [smem:$0x3FDB];
	s0 =	simm.s32 @p2 $0x1  }
0x17: {  	s4 =	simm.s32 $0x1BF5;
	[smem:$0x3FBA] =	sst s0  }
0x18: {  	s0 =	sld [smem:$0x3F9D];
	_ =	swait.ge [sflag:s4], $0x0  }
0x19: {  	s7 =	sld [smem:$0x3F9E]  }
0x1a: {  	s8 =	sadd.s32 $0xFFFFE003, lr  }
0x1b: {  	s9 =	sadd.s32 $0xFFFFFEF7, lr;
	s5 =	simm.s32 $0xFFFFFFFF;
	p2 =	slt.u32 s8, $0xFFFFF086  }
0x1c: {  	p1 =	slt.u32 s9, $0xF7A;
	s5 =	simm.s32 @!p2 $0x0  }
0x1d: {  	s5 =	simm.s32 @p1 $0x1;
	p0 =	seq.s32 s7, s2  }
0x1e: {  	s7 =	smul.u32 @!p0 $0xF7A, s2;
	p2 =	seq.s32 @!p0 s5, $0x0  }
0x1f: {  	s9 =	smul.u32 $0xF7A, s1;
	s8 =	simm.s32 @!p0 $0x1BF5;
	p2 =	por !p2, p0  }
0x20: {  	[sflag:s8] =	ssyncset.s32 @!p0 $0xFFFFF086;
	s6 =	sadd.s32 @!p0 s3, s7;
	s7 =	simm.s32 @!p0 $0x108  }
0x21: {  	s3 =	sadd.s32 s3, s9;
	s6 =	sadd.s32 @!p0 $0x88, s6;
	s7 =	simm.s32 @p2 $0x1082  }
0x22: {  	[simem:s7], [sflag:s8] =	dma.local @!p0 [hbm:s6], $0xF7A  }
0x23: {  	s9 =	sor.u32 $0xD0000000, s2;
	s6 =	simm.s32 $0x108;
	_ =	swait.ge @!p0 [sflag:s8], $0x0  }
0x24: {  	s3 =	sadd.s32 $0x88, s3;
	s6 =	simm.s32 @!p1 $0x1082;
	[sflag:s4] =	ssyncset.s32 $0xFFFFF086  }
0x25: {  	[simem:s6], [sflag:s4] =	dma.local [hbm:s3], $0xF7A  }
0x26: {  	[smem:$0x3F9E] =	sst s1;
	(tag) =	ssettag s2;
	_ =	strace s9  }
0x27: {  	s1 =	sld [smem:$0x3FAE]  }
0x28: {  	s2 =	sld [smem:$0x3FAF]  }
0x29: {  	s4 =	sld [smem:$0x3FB1]  }
0x2a: {  	p0 =	seq.s32 s5, $0x0;
	s5 =	sld [smem:$0x3FB2]  }
0x2b: {  	s6 =	sld [smem:$0x3FB3]  }
0x2c: {  	s7 =	sld [smem:$0x3FB4]  }
0x2d: {  	s3 =	simm.s32 $0x108;
	s8 =	sld [smem:$0x3FB5]  }
0x2e: {  	s3 =	simm.s32 @!p0 $0x1082;
	s9 =	sld [smem:$0x3FB6]  }
0x2f: {  	lr =	sadd.s32 s0, s3;
	s0 =	sld [smem:$0x3FAD]  }
0x30: {  	s3 =	sld [smem:$0x3FB0]  }
0x31: {  	[smem:$0x3FB9] =	sst s10  }
0x32: {  	s10 =	sld [smem:$0x3FB7];
	_ =	sdelay $0x3  }
0x33: {  	p0 =	seq.s32 s10, $0x1;
	s10 =	sld [smem:$0x3FB9];
	_ =	sdelay $0x3  }
0x34: {  	[smem:$0x3FB9] =	sst s10  }
0x35: {  	s10 =	sld [smem:$0x3FB8];
	_ =	sdelay $0x3  }
0x36: {  	p1 =	seq.s32 s10, $0x1;
	s10 =	sld [smem:$0x3FB9];
	_ =	sdelay $0x3  }
0x37: {  	[smem:$0x3FB9] =	sst s10  }
0x38: {  	s10 =	sld [smem:$0x3FBA]  }
0x39: {  	_ = 	snop;
	(pc) =	sbr.ind lr, $3  }
0x3a: {  	_ = 	snop  }
0x3b: {  	_ = 	snop  }
0x3c: {  	p2 =	seq.s32 s10, $0x1;
	s10 =	sld [smem:$0x3FB9]  }
0x3d: {  	_ =	shalt  }
0x3e: {  	_ =	shalt  }
0x3f: {  	_ =	shalt  }
0x40: {  	_ =	shalt  }
0x41: {  	_ =	shalt  }
0x42: {  	_ =	shalt  }
0x43: {  	_ =	shalt  }
0x44: {  	_ =	shalt  }
0x45: {  	_ =	shalt  }
0x46: {  	_ =	shalt  }
0x47: {  	_ =	shalt  }
0x48: {  	_ =	shalt  }
0x49: {  	_ =	shalt  }
0x4a: {  	_ =	shalt  }
0x4b: {  	_ =	shalt  }
0x4c: {  	_ =	shalt  }
0x4d: {  	_ =	shalt  }
0x4e: {  	_ =	shalt  }
0x4f: {  	_ =	shalt  }
0x50: {  	_ =	shalt  }
0x51: {  	_ =	shalt  }
0x52: {  	_ =	shalt  }
0x53: {  	_ =	shalt  }
0x54: {  	_ =	shalt  }
0x55: {  	_ =	shalt  }
0x56: {  	_ =	shalt  }
0x57: {  	_ =	shalt  }
0x58: {  	_ =	shalt  }
0x59: {  	_ =	shalt  }
0x5a: {  	_ =	shalt  }
0x5b: {  	_ =	shalt  }
0x5c: {  	_ =	shalt  }
0x5d: {  	_ =	shalt  }
0x5e: {  	_ =	shalt  }
0x5f: {  	_ =	shalt  }
0x60: {  	_ =	shalt  }
0x61: {  	_ =	shalt  }
0x62: {  	_ =	shalt  }
0x63: {  	_ =	shalt  }
0x64: {  	_ =	shalt  }
0x65: {  	_ =	shalt  }
0x66: {  	_ =	shalt  }
0x67: {  	_ =	shalt  }
0x68: {  	_ =	shalt  }
0x69: {  	_ =	shalt  }
0x6a: {  	_ =	shalt  }
0x6b: {  	_ =	shalt  }
0x6c: {  	_ =	shalt  }
0x6d: {  	_ =	shalt  }
0x6e: {  	_ =	shalt  }
0x6f: {  	_ =	shalt  }
0x70: {  	_ =	shalt  }
0x71: {  	_ =	shalt  }
0x72: {  	_ =	shalt  }
0x73: {  	_ =	shalt  }
0x74: {  	_ =	shalt  }
0x75: {  	_ =	shalt  }
0x76: {  	_ =	shalt  }
0x77: {  	_ =	shalt  }
0x78: {  	_ =	shalt  }
0x79: {  	_ =	shalt  }
0x7a: {  	_ =	shalt  }
0x7b: {  	_ =	shalt  }
0x7c: {  	_ =	shalt  }
0x7d: {  	_ =	shalt  }
0x7e: {  	_ =	shalt  }
0x7f: {  	_ =	shalt  }
0x80: {  	_ =	shalt  }
0x81: {  	_ =	shalt  }
0x82: {  	_ =	shalt  }
0x83: {  	_ =	shalt  }
0x84: {  	_ =	shalt  }
0x85: {  	_ =	shalt  }
0x86: {  	_ =	shalt  }
0x87: {  	_ =	shalt  }
.Lfunc_end0:
.L_simem_size_0:
called_computation.3_lowered:
.L_overlay_start_0:
0x88: {  	s2 =	sld [smem:$0x3FD9]  }
0x89: {  	s3 =	sld [smem:$0x3FFE];
	_ =	sdelay $0x1  }
0x8a: {  	s1 =	srdreg.scid  }
0x8b: {  	s0 =	sand.u32 $0x1, s1  }
0x8c: {  	s17 =	sshll.u32 s0, $0xA;
	s2 =	sadd.s32 s3, s2  }
0x8d: {  	s2 =	sadd.s32 s2, s17  }
0x8e: {  	[smem:$0x3FC5] =	sst s2  }
0x8f: {  	_ = 	snop  }
0x90: {  	(tm) =	ssettm $0x1  }
0x91: {  	s18 =	sld [smem:$0x3FFB];
	_ =	sdelay $0x3  }
0x92: {  	_ =	strace s18  }
0x93: {  	s2 =	sld [smem:$0x3FFC];
	_ =	sdelay $0x3  }
0x94: {  	_ =	strace s2  }
0x95: {  	s2 =	sld [smem:$0x3FFD];
	_ =	sdelay $0x3  }
0x96: {  	_ =	strace s2  }
0x97: {  	_ =	strace $0x8FFFFFFF  }
0x98: {  	s19 =	sld [smem:$0x3FDB];
	_ =	sdelay $0x1  }
0x99: {  	s20 =	simm.s32 $_scs_section_size  }
0x9a: {  	s4 =	simm.s32 $_size__tile_overlayer_lowered;
	s5 =	simm.s32 $_tile_overlayer_lowered  }
0x9b: {  	s6 =	simm.s32 $0x1BFF;
	s21 =	sshll.u32 s5, $0x1;
	s3 =	sadd.s32 s20, s19  }
0x9c: {  	s22 =	simm.s32 $0x0;
	s4 =	sshll.u32 s4, $0x1;
	s5 =	sadd.s32 s21, s3  }
0x9d: {  	[timem:s22], [sflag:s6] =	dma.local [hbm:s5], s4  }
0x9e: {  	_ =	swait.ge [sflag:s6], s4  }
0x9f: {  	s4 =	ssub.s32 $0x0, s4;
	[sflag:s6] =	ssyncset.done $0x0  }
0xa0: {  	[sflag:s6] =	ssyncadd.s32 s4;
	_ =	sdelay $0x1  }
0xa1: {  	s23 =	simm.s32 $0x1B8B  }
0xa2: {  	_ =	swait.ge [sflag:s23], $0x1  }
0xa3: {  	[sflag:s23] =	ssyncset.done $0x0  }
0xa4: {  	[sflag:s23] =	ssyncadd.s32 $0xFFFFFFFF  }
0xa5: {  	s4 =	sld [smem:$0x0]  }
0xa6: {  	s5 =	sand.u32 $0xFFFFFFFE, s1  }
0xa7: {  	p0 =	sne.s32 s1, s5  }
0xa8: {  	s5 =	sshll.u32 @p0 s5, $0xE  }
0xa9: {  	s5 =	sadd.s32 @p0 $0x11B8D, s5;
	s6 =	sshll.u32 @p0 s4, $0x11  }
0xaa: {  	s5 =	sor.u32 @p0 s6, s5  }
0xab: {  	[sflag:s5] =	ssyncadd.remote.s32 @p0 $0x1;
	_ =	sdelay $0x1  }
0xac: {  	s5 =	simm.s32 @p0 $0x1B8D  }
0xad: {  	_ =	swait.eq @p0 [sflag:s5], $0x1  }
0xae: {  	[sflag:s5] =	ssyncadd.s32 @p0 $0xFFFFFFFF  }
0xaf: {  	s6 =	sshll.u32 @!p0 s1, $0xE  }
0xb0: {  	s6 =	sor.u32 @!p0 $0x4000, s6;
	s5 =	simm.s32 @!p0 $0x1B8D  }
0xb1: {  	s4 =	sshll.u32 @!p0 s4, $0x11;
	s6 =	sadd.s32 @!p0 $0x11B8D, s6;
	_ =	swait.eq @!p0 [sflag:s5], $0x1  }
0xb2: {  	s4 =	sor.u32 @!p0 s4, s6;
	[sflag:s5] =	ssyncadd.s32 @!p0 $0xFFFFFFFF  }
0xb3: {  	s25 =	simm.s32 $0x1B8E;
	s24 =	sld [smem:$0x3FFE];
	[sflag:s4] =	ssyncadd.remote.s32 @!p0 $0x1  }
0xb4: {  	s26 =	simm.s32 $execute0_lowered;
	[smem:$0x3FD2] =	sst s25  }
0xb5: {  	s5 =	sshll.u32 s26, $0x1;
	_ =	strace $0x8000004F;
	[dreg:$0x1] =	wrdreg $0xFFFFFFFF  }
0xb6: {  	s28 =	simm.s32 $_size_execute0_lowered;
	s3 =	sadd.s32 s3, s5;
	[dreg:$0x0] =	wrdreg $0x0  }
0xb7: {  	s5 =	sshll.u32 s28, $0x1;
	[dreg:$0x2] =	wrdreg s3  }
0xb8: {  	[dreg:$0x3] =	wrdreg s5  }
0xb9: {  	[dreg:$0x4] =	wrdreg $0xC0  }
0xba: {  	_ =	task [dreg:s22], $0x5FFFF  }
0xbb: {  	[dreg:$0x1] =	wrdreg $0xFFFFFFFF  }
0xbc: {  	[dreg:$0x0] =	wrdreg $0x60  }
0xbd: {  	[dreg:$0x2] =	wrdreg s24  }
0xbe: {  	[dreg:$0x3] =	wrdreg $0xA8000  }
0xbf: {  	[dreg:$0x4] =	wrdreg $0xA  }
0xc0: {  	_ =	task.clear_ibuf [dreg:s22], $0x5FFFF;
	_ =	strace $0x9000004F  }
0xc1: {  	s29 =	simm.s32 $0xA;
	_ =	strace $0x80000051  }
0xc2: {  	_ =	swait.ge [sflag:s29], $0x1  }
0xc3: {  	[sflag:s29] =	ssyncadd.s32 $0xFFFFFFFF  }
0xc4: {  	_ =	strace $0x90000051  }
0xc5: {  	_ =	sfence  }
0xc6: {  	s30 =	sld [smem:$0x0];
	_ =	sdelay $0x2  }
0xc7: {  	s31 =	sshll.u32 s1, $0xD;
	s1 =	sshrl.u32 s1, $0x2  }
0xc8: {  	s4 =	sand.u32 $0x4000, s31;
	s1 =	sadd.s32 s1, s30  }
0xc9: {  	s0 =	sor.u32 s4, s0;
	s1 =	sshll.u32 s1, $0x11  }
0xca: {  	s0 =	sor.u32 s1, s0  }
0xcb: {  	s0 =	sadd.s32 $0x8F2B, s0  }
0xcc: {  	[sflag:s0] =	ssyncadd.remote.s32 $0x1  }
0xcd: {  	_ =	sfence.sel $0xFFFF  }
0xce: {  	[dreg:$0x0] =	wrdreg $0xFFFFFFFF;
	(pc) =	sbr.abs _section_cstart, $3  }
0xcf: {  	[dreg:$0x1] =	wrdreg $0xFFFFFFFF  }
0xd0: {  	_ =	task.clear_ibuf [dreg:s22], $0x2FFFF;
	_ =	strace $0x9FFFFFFF  }
0xd1: {  	(tm) =	ssettm $0x7FFFFFFF  }
tec
execute0_lowered:
.L_overlay_start_1:
0x0: {  	(tag) =	ssettag $0x1  }
0x1: {  	s6 =	rddreg [dreg:$0x0]  }
0x2: {  	s0 =	srdreg.scid;
	s2 =	rddreg [dreg:$0x1];
	s3 =	simm.s32 $0x0  }
0x3: {  	s14 =	simm.s32 $0x7D;
	s15 =	simm.s32 $0x2800;
	s16 =	simm.s32 $0x80  }
0x4: {  	s17 =	simm.s32 $0x6800;
	s20 =	simm.s32 $0x1;
	s21 =	simm.s32 $0x3  }
0x5: {  	s22 =	simm.s32 $0x2;
	s23 =	simm.s32 $0x4;
	s24 =	simm.s32 $0x2700  }
0x6: {  	s25 =	simm.s32 $0x2780;
	s5 =	sand.u32 $0x1, s0;
	s0 =	stileid.u32  }
0x7: {  	s26 =	simm.s32 $0x0;
	[smem:$0x7FF] =	sst s3;
	s8 =	smul.u32 $0x140000, s5  }
0x8: {  	s4 =	sadd.s32 $0x1C600, s6;
	s1 =	sshll.u32 s5, $0x4;
	s9 =	smul.u32 $0x14000, s0  }
0x9: {  	s29 =	ssub.s32 $0x2, s5;
	s11 =	smul.u32 $0x50000, s0;
	s5 =	sadd.s32 $0x19E00, s6  }
0xa: {  	s18 =	sshll.u32 s0, $0x6;
	s1 =	sor.u32 s0, s1;
	s30 =	sshrl.u32 s29, $0x1  }
0xb: {  	s18 =	sor.u32 $0x1C05, s18;
	s7 =	smul.u32 $0x2800, s1;
	s1 =	rddreg [dreg:$0x2]  }
0xc: {  	_ =	strace $0x80000050;
	s28 =	sadd.s32 s9, s8;
	s31 =	sshrl.u32 s11, $0x2  }
0xd: {  	s13 =	ssub.s32 s29, s30;
	s19 =	sadd.s32 s31, s2;
	s7 =	sshrl.u32 s7, $0x3  }
0xe: {  	s11 =	smax.u32 s13, $0x1;
	s10 =	sadd.s32 s7, s6;
	s7 =	sshrl.u32 s28, $0x3  }
0xf: {  	s13 =	simm.s32 $0x1400;
	s19 =	sshrl.u32 s19, $0x3;
	s12 =	sadd.s32 s7, s6  }
0x10: {  	s6 =	sadd.s32 $0xFE00, s10;
	s7 =	sadd.s32 $0x5E00, s10;
	s8 =	sadd.s32 $0x10080, s10  }
0x11: {  	s9 =	sadd.s32 $0x6080, s10;
	s10 =	sadd.s32 $0x10AA00, s12;
	s12 =	simm.s32 $0x5  }
.LBB2_1:
0x12: {  	[tilespmem:s3], [sflag:$0x5] =	stream.linear.gather [hbm4b:s6+s3], $0x1400, $0x38;
	[tilespmem:$0x1E800] =	vst v63  }
0x13: {  	_ =	swait.ge [sflag:s12], $0x1400  }
0x14: {  	[sflag:s12] =	ssyncset.done $0x0  }
0x15: {  	[sflag:s12] =	ssyncadd.s32 $0xFFFFEC00  }
0x16: {  	[tilespmem:s13], [sflag:$0x5] =	stream.linear.gather [hbm4b:s7+s3], $0x1400, $0x38;
	[tilespmem:$0x1E800] =	vst v63  }
0x17: {  	_ =	swait.ge [sflag:s12], $0x1400  }
0x18: {  	[sflag:s12] =	ssyncset.done $0x0  }
0x19: {  	[sflag:s12] =	ssyncadd.s32 $0xFFFFEC00  }
0x1a: {  	[tilespmem:s15], [sflag:$0x1] =	stream.indirect.gather [hbm4b:s4+s14], $0x80, s3, s14, $0xb8;
	[tilespmem:$0x1E800] =	vst v63  }
0x1b: {  	_ = 	snop  }
0x1c: {  	[tilespmem:s17], [sflag:$0x2] =	stream.indirect.gather [hbm4b:s4+s14], $0x80, s16, s14, $0xb8;
	[tilespmem:$0x1E800] =	vst v63  }
0x1d: {  	[spmem:s19], [sflag:s18] =	dma.local [hbm:s5], $0x2800  }
0x1e: {  	_ =	swait.ge [sflag:s12], $0x2800  }
0x1f: {  	[sflag:s12] =	ssyncset.done $0x0  }
0x20: {  	[sflag:s12] =	ssyncadd.s32 $0xFFFFD800  }
0x21: {  	[bflag:$0x0] =	sbarrier.arrive $0xFFFF  }
0x22: {  	_ =	swait.ge [sflag:s20], $0x3E80  }
0x23: {  	[sflag:s20] =	ssyncset.done $0x0  }
0x24: {  	s28 =	simm.s32 $0x1400;
	[sflag:s20] =	ssyncadd.s32 $0xFFFFC180  }
0x25: {  	[spmem:s2] =	stream.indirect.scatter.add.f32 [tilespmem:s15], [sflag:$0x3], $0x80, s28, s14, $0xb8;
	[tilespmem:$0x1E800] =	vst v63  }
0x26: {  	_ =	swait.ge [sflag:s21], $0x3E80  }
0x27: {  	[sflag:s21] =	ssyncset.done $0x0  }
0x28: {  	s28 =	simm.s32 $0x100;
	[sflag:s21] =	ssyncadd.s32 $0xFFFFC180  }
0x29: {  	[tilespmem:s15], [sflag:$0x1] =	stream.indirect.gather [hbm4b:s4+s14], $0x80, s28, s14, $0xb8;
	[tilespmem:$0x1E800] =	vst v63  }
0x2a: {  	_ =	swait.ge [sflag:s22], $0x3E80  }
0x2b: {  	[sflag:s22] =	ssyncset.done $0x0  }
0x2c: {  	s28 =	simm.s32 $0x1480;
	[sflag:s22] =	ssyncadd.s32 $0xFFFFC180  }
0x2d: {  	[spmem:s2] =	stream.indirect.scatter.add.f32 [tilespmem:s17], [sflag:$0x4], $0x80, s28, s14, $0xb8;
	[tilespmem:$0x1E800] =	vst v63  }
0x2e: {  	_ =	swait.ge [sflag:s23], $0x3E80  }
0x2f: {  	[sflag:s23] =	ssyncset.done $0x0  }
0x30: {  	s29 =	simm.s32 $0x180;
	s28 =	simm.s32 $0x400;
	[sflag:s23] =	ssyncadd.s32 $0xFFFFC180  }
.LBB2_2:
0x31: {  	[tilespmem:s17], [sflag:$0x2] =	stream.indirect.gather [hbm4b:s4+s14], $0x80, s29, s14, $0xb8;
	[tilespmem:$0x1E800] =	vst v63  }
0x32: {  	s29 =	smov.u32 s28  }
0x33: {  	p0 =	sne.s32 s28, $0x4800;
	s28 =	sadd.s32 $0x400, s28;
	_ =	swait.ge [sflag:s20], $0x3E80  }
0x34: {  	s29 =	sshra.s32 s29, $0x2;
	[sflag:s20] =	ssyncset.done $0x0  }
0x35: {  	s30 =	sadd.s32 $0x1400, s29;
	[sflag:s20] =	ssyncadd.s32 $0xFFFFC180  }
0x36: {  	[spmem:s2] =	stream.indirect.scatter.add.f32 [tilespmem:s15], [sflag:$0x3], $0x80, s30, s14, $0xb8;
	[tilespmem:$0x1E800] =	vst v63  }
0x37: {  	_ =	swait.ge [sflag:s21], $0x3E80  }
0x38: {  	[sflag:s21] =	ssyncset.done $0x0  }
0x39: {  	s30 =	sadd.s32 $0x100, s29;
	[sflag:s21] =	ssyncadd.s32 $0xFFFFC180  }
0x3a: {  	[tilespmem:s15], [sflag:$0x1] =	stream.indirect.gather [hbm4b:s4+s14], $0x80, s30, s14, $0xb8;
	[tilespmem:$0x1E800] =	vst v63  }
0x3b: {  	_ =	swait.ge [sflag:s22], $0x3E80  }
0x3c: {  	[sflag:s22] =	ssyncset.done $0x0  }
.Ltmp0:
0x3d: {  	s30 =	sadd.s32 $0x1480, s29;
	[sflag:s22] =	ssyncadd.s32 $0xFFFFC180;
	(pc) =	sbr.rel @p0 .LBB2_2-.Ltmp0, $4  }
0x3e: {  	[spmem:s2] =	stream.indirect.scatter.add.f32 [tilespmem:s17], [sflag:$0x4], $0x80, s30, s14, $0xb8;
	[tilespmem:$0x1E800] =	vst v63  }
0x3f: {  	_ =	swait.ge [sflag:s23], $0x3E80  }
0x40: {  	[sflag:s23] =	ssyncset.done $0x0  }
0x41: {  	s29 =	sadd.s32 $0x180, s29;
	[sflag:s23] =	ssyncadd.s32 $0xFFFFC180  }
0x42: {  	[tilespmem:s17], [sflag:$0x2] =	stream.indirect.gather [hbm4b:s4+s14], $0x80, s29, s14, $0xb8;
	[tilespmem:$0x1E800] =	vst v63  }
0x43: {  	_ =	swait.ge [sflag:s20], $0x3E80  }
0x44: {  	[sflag:s20] =	ssyncset.done $0x0  }
0x45: {  	[sflag:s20] =	ssyncadd.s32 $0xFFFFC180  }
0x46: {  	[spmem:s2] =	stream.indirect.scatter.add.f32 [tilespmem:s15], [sflag:$0x3], $0x80, s24, s14, $0xb8;
	[tilespmem:$0x1E800] =	vst v63  }
0x47: {  	_ =	swait.ge [sflag:s22], $0x3E80  }
0x48: {  	[sflag:s22] =	ssyncset.done $0x0  }
0x49: {  	[sflag:s22] =	ssyncadd.s32 $0xFFFFC180  }
0x4a: {  	[spmem:s2] =	stream.indirect.scatter.add.f32 [tilespmem:s17], [sflag:$0x4], $0x80, s25, s14, $0xb8;
	[tilespmem:$0x1E800] =	vst v63  }
0x4b: {  	_ =	swait.ge [sflag:s21], $0x3E80  }
0x4c: {  	[sflag:s21] =	ssyncset.done $0x0  }
0x4d: {  	[sflag:s21] =	ssyncadd.s32 $0xFFFFC180  }
0x4e: {  	_ =	swait.ge [sflag:s23], $0x3E80  }
0x4f: {  	[sflag:s23] =	ssyncset.done $0x0  }
0x50: {  	s28 =	simm.s32 $0x0;
	[sflag:s23] =	ssyncadd.s32 $0xFFFFC180  }
0x51: {  	[tilespmem:s28], [sflag:$0x5] =	stream.linear.gather [hbm4b:s8+s28], $0x1400, $0x38;
	[tilespmem:$0x1E800] =	vst v63  }
0x52: {  	_ =	swait.ge [sflag:s12], $0x1400  }
0x53: {  	[sflag:s12] =	ssyncset.done $0x0  }
0x54: {  	[sflag:s12] =	ssyncadd.s32 $0xFFFFEC00  }
0x55: {  	[tilespmem:s13], [sflag:$0x5] =	stream.linear.gather [hbm4b:s9+s28], $0x1400, $0x38;
	[tilespmem:$0x1E800] =	vst v63  }
0x56: {  	_ =	swait.ge [sflag:s12], $0x1400  }
0x57: {  	[sflag:s12] =	ssyncset.done $0x0  }
0x58: {  	[sflag:s12] =	ssyncadd.s32 $0xFFFFEC00  }
0x59: {  	[tilespmem:s15], [sflag:$0x1] =	stream.indirect.gather [hbm4b:s4+s14], $0x80, s28, s14, $0xb8;
	[tilespmem:$0x1E800] =	vst v63  }
0x5a: {  	_ = 	snop  }
0x5b: {  	[tilespmem:s17], [sflag:$0x2] =	stream.indirect.gather [hbm4b:s4+s14], $0x80, s16, s14, $0xb8;
	[tilespmem:$0x1E800] =	vst v63  }
0x5c: {  	_ =	swait.ge [sflag:s20], $0x3E80  }
0x5d: {  	[sflag:s20] =	ssyncset.done $0x0  }
0x5e: {  	s28 =	simm.s32 $0x1400;
	[sflag:s20] =	ssyncadd.s32 $0xFFFFC180  }
0x5f: {  	[spmem:s2] =	stream.indirect.scatter.add.f32 [tilespmem:s15], [sflag:$0x3], $0x80, s28, s14, $0xb8;
	[tilespmem:$0x1E800] =	vst v63  }
0x60: {  	_ =	swait.ge [sflag:s21], $0x3E80  }
0x61: {  	[sflag:s21] =	ssyncset.done $0x0  }
0x62: {  	s28 =	simm.s32 $0x100;
	[sflag:s21] =	ssyncadd.s32 $0xFFFFC180  }
0x63: {  	[tilespmem:s15], [sflag:$0x1] =	stream.indirect.gather [hbm4b:s4+s14], $0x80, s28, s14, $0xb8;
	[tilespmem:$0x1E800] =	vst v63  }
0x64: {  	_ =	swait.ge [sflag:s22], $0x3E80  }
0x65: {  	[sflag:s22] =	ssyncset.done $0x0  }
0x66: {  	s28 =	simm.s32 $0x1480;
	[sflag:s22] =	ssyncadd.s32 $0xFFFFC180  }
0x67: {  	[spmem:s2] =	stream.indirect.scatter.add.f32 [tilespmem:s17], [sflag:$0x4], $0x80, s28, s14, $0xb8;
	[tilespmem:$0x1E800] =	vst v63  }
0x68: {  	_ =	swait.ge [sflag:s23], $0x3E80  }
0x69: {  	[sflag:s23] =	ssyncset.done $0x0  }
0x6a: {  	s29 =	simm.s32 $0x180;
	s28 =	simm.s32 $0x400;
	[sflag:s23] =	ssyncadd.s32 $0xFFFFC180  }
.LBB2_4:
0x6b: {  	[tilespmem:s17], [sflag:$0x2] =	stream.indirect.gather [hbm4b:s4+s14], $0x80, s29, s14, $0xb8;
	[tilespmem:$0x1E800] =	vst v63  }
0x6c: {  	s29 =	smov.u32 s28  }
0x6d: {  	p0 =	sne.s32 s28, $0x4800;
	s28 =	sadd.s32 $0x400, s28;
	_ =	swait.ge [sflag:s20], $0x3E80  }
0x6e: {  	s29 =	sshra.s32 s29, $0x2;
	[sflag:s20] =	ssyncset.done $0x0  }
0x6f: {  	s30 =	sadd.s32 $0x1400, s29;
	[sflag:s20] =	ssyncadd.s32 $0xFFFFC180  }
0x70: {  	[spmem:s2] =	stream.indirect.scatter.add.f32 [tilespmem:s15], [sflag:$0x3], $0x80, s30, s14, $0xb8;
	[tilespmem:$0x1E800] =	vst v63  }
0x71: {  	_ =	swait.ge [sflag:s21], $0x3E80  }
0x72: {  	[sflag:s21] =	ssyncset.done $0x0  }
0x73: {  	s30 =	sadd.s32 $0x100, s29;
	[sflag:s21] =	ssyncadd.s32 $0xFFFFC180  }
0x74: {  	[tilespmem:s15], [sflag:$0x1] =	stream.indirect.gather [hbm4b:s4+s14], $0x80, s30, s14, $0xb8;
	[tilespmem:$0x1E800] =	vst v63  }
0x75: {  	_ =	swait.ge [sflag:s22], $0x3E80  }
0x76: {  	[sflag:s22] =	ssyncset.done $0x0  }
.Ltmp1:
0x77: {  	s30 =	sadd.s32 $0x1480, s29;
	[sflag:s22] =	ssyncadd.s32 $0xFFFFC180;
	(pc) =	sbr.rel @p0 .LBB2_4-.Ltmp1, $4  }
0x78: {  	[spmem:s2] =	stream.indirect.scatter.add.f32 [tilespmem:s17], [sflag:$0x4], $0x80, s30, s14, $0xb8;
	[tilespmem:$0x1E800] =	vst v63  }
0x79: {  	_ =	swait.ge [sflag:s23], $0x3E80  }
0x7a: {  	[sflag:s23] =	ssyncset.done $0x0  }
0x7b: {  	s29 =	sadd.s32 $0x180, s29;
	[sflag:s23] =	ssyncadd.s32 $0xFFFFC180  }
0x7c: {  	[tilespmem:s17], [sflag:$0x2] =	stream.indirect.gather [hbm4b:s4+s14], $0x80, s29, s14, $0xb8;
	[tilespmem:$0x1E800] =	vst v63  }
0x7d: {  	_ =	swait.ge [sflag:s20], $0x3E80  }
0x7e: {  	[sflag:s20] =	ssyncset.done $0x0  }
0x7f: {  	[sflag:s20] =	ssyncadd.s32 $0xFFFFC180  }
0x80: {  	[spmem:s2] =	stream.indirect.scatter.add.f32 [tilespmem:s15], [sflag:$0x3], $0x80, s24, s14, $0xb8;
	[tilespmem:$0x1E800] =	vst v63  }
0x81: {  	_ =	swait.ge [sflag:s22], $0x3E80  }
0x82: {  	[sflag:s22] =	ssyncset.done $0x0  }
0x83: {  	[sflag:s22] =	ssyncadd.s32 $0xFFFFC180  }
0x84: {  	[spmem:s2] =	stream.indirect.scatter.add.f32 [tilespmem:s17], [sflag:$0x4], $0x80, s25, s14, $0xb8;
	[tilespmem:$0x1E800] =	vst v63  }
0x85: {  	_ =	swait.ge [sflag:s21], $0x3E80  }
0x86: {  	[sflag:s21] =	ssyncset.done $0x0  }
0x87: {  	[sflag:s21] =	ssyncadd.s32 $0xFFFFC180  }
0x88: {  	_ =	swait.ge [sflag:s23], $0x3E80  }
0x89: {  	s26 =	sadd.s32 $0x1, s26;
	[sflag:s23] =	ssyncset.done $0x0  }
0x8a: {  	p0 =	sne.s32 s26, s11;
	[sflag:s23] =	ssyncadd.s32 $0xFFFFC180  }
.Ltmp2:
0x8b: {  	[bflag:$0x0] =	sbarrier.arrive $0xFFFF;
	(pc) =	sbr.rel @p0 .LBB2_1-.Ltmp2, $4  }
0x8c: {  	[hbm:s10], [sflag:s18] =	dma.local [spmem:s19], $0x2800  }
0x8d: {  	_ =	swait.ge [sflag:s12], $0x2800  }
0x8e: {  	[sflag:s12] =	ssyncset.done $0x0  }
0x8f: {  	[sflag:s12] =	ssyncadd.s32 $0xFFFFD800  }
0x90: {  	_ =	sfence.sel $0x180000  }
0x91: {  	[bflag:$0x0] =	sbarrier.arrive $0xFFFF  }
0x92: {  	p0 =	sne.s32 s0, $0x0;
	_ =	strace $0x90000050  }
0x93: {  	s0 =	sadd.s32 @!p0 $0x100000, s1;
	[bflag:$0x2] =	sbarrier.arrive $0xFFFF  }
0x94: {  	[sflag:s0] =	ssyncadd.tile.s32 @!p0 $0x1;
	_ =	shalt  }
.Lfunc_end2:
_tile_overlayer_lowered:
.L_overlay_start_2:
0x95: {  	(tag) =	ssettag $0x2  }
0x96: {  	s0 =	rddreg [dreg:$0x0];
	s2 =	stileid.u32  }
0x97: {  	s1 =	rddreg [dreg:$0x1];
	p0 =	sne.s32 s2, $0x0  }
0x98: {  	s3 =	rddreg [dreg:$0x2];
	[bflag:$0x3] =	sbarrier.arrive $0xFFFF;
	s2 =	simm.s32 @!p0 $0x1C05  }
0x99: {  	[timem:s3], [sflag:s2] =	dma.local @!p0 [hbm:s0], s1  }
0x9a: {  	s0 =	simm.s32 @!p0 $0x5  }
0x9b: {  	_ =	swait.ge @!p0 [sflag:s0], s1  }
0x9c: {  	s1 =	ssub.s32 @!p0 $0x0, s1;
	[sflag:s0] =	ssyncset.done @!p0 $0x0  }
0x9d: {  	[sflag:s0] =	ssyncadd.s32 @!p0 s1  }
0x9e: {  	[bflag:$0x3] =	sbarrier.arrive $0xFFFF  }
0x9f: {  	_ =	shalt  }

// kernel: kernel.30.cloned.1.call-start
scs
__scs_entry_jumppad:
0x0: {  	(pc) =	sbr.rel $0x88, $3  }
0x1: {  	(tag) =	ssettag $0x0;
	lr =	simm.s32 $0x1  }
0x2: {  	[smem:$0x3F9E] =	sst lr;
	_ =	strace $0xD0000000  }
0x3: {  	_ = 	snop  }
0x4: {  	_ = 	snop  }
0x5: {  	_ = 	snop  }
0x6: {  	_ = 	snop  }
0x7: {  	_ = 	snop  }
__scs_overlays_trampoline_lowered:
0x8: {  	[smem:$0x3FAD] =	sst s0  }
0x9: {  	[smem:$0x3FAE] =	sst s1  }
0xa: {  	[smem:$0x3FAF] =	sst s2  }
0xb: {  	[smem:$0x3FB0] =	sst s3  }
0xc: {  	[smem:$0x3FB1] =	sst s4  }
0xd: {  	[smem:$0x3FB2] =	sst s5  }
0xe: {  	[smem:$0x3FB3] =	sst s6  }
0xf: {  	[smem:$0x3FB4] =	sst s7  }
0x10: {  	[smem:$0x3FB5] =	sst s8  }
0x11: {  	[smem:$0x3FB6] =	sst s9;
	s0 =	simm.s32 @!p0 $0x0  }
0x12: {  	s1 =	sld [smem:$0x3F9C];
	s0 =	simm.s32 @p0 $0x1  }
0x13: {  	[smem:$0x3FB7] =	sst s0;
	s0 =	simm.s32 @!p1 $0x0  }
0x14: {  	s2 =	sld [smem:$0x3F9B];
	s0 =	simm.s32 @p1 $0x1  }
0x15: {  	[smem:$0x3FB8] =	sst s0;
	s0 =	simm.s32 @!p2 $0x0  }
0x16: {  	s3 =	sld [smem:$0x3FDB];
	s0 =	simm.s32 @p2 $0x1  }
0x17: {  	s4 =	simm.s32 $0x1BF5;
	[smem:$0x3FBA] =	sst s0  }
0x18: {  	s0 =	sld [smem:$0x3F9D];
	_ =	swait.ge [sflag:s4], $0x0  }
0x19: {  	s7 =	sld [smem:$0x3F9E]  }
0x1a: {  	s8 =	sadd.s32 $0xFFFFE003, lr  }
0x1b: {  	s9 =	sadd.s32 $0xFFFFFEF7, lr;
	s5 =	simm.s32 $0xFFFFFFFF;
	p2 =	slt.u32 s8, $0xFFFFF086  }
0x1c: {  	p1 =	slt.u32 s9, $0xF7A;
	s5 =	simm.s32 @!p2 $0x0  }
0x1d: {  	s5 =	simm.s32 @p1 $0x1;
	p0 =	seq.s32 s7, s2  }
0x1e: {  	s7 =	smul.u32 @!p0 $0xF7A, s2;
	p2 =	seq.s32 @!p0 s5, $0x0  }
0x1f: {  	s9 =	smul.u32 $0xF7A, s1;
	s8 =	simm.s32 @!p0 $0x1BF5;
	p2 =	por !p2, p0  }
0x20: {  	[sflag:s8] =	ssyncset.s32 @!p0 $0xFFFFF086;
	s6 =	sadd.s32 @!p0 s3, s7;
	s7 =	simm.s32 @!p0 $0x108  }
0x21: {  	s3 =	sadd.s32 s3, s9;
	s6 =	sadd.s32 @!p0 $0x88, s6;
	s7 =	simm.s32 @p2 $0x1082  }
0x22: {  	[simem:s7], [sflag:s8] =	dma.local @!p0 [hbm:s6], $0xF7A  }
0x23: {  	s9 =	sor.u32 $0xD0000000, s2;
	s6 =	simm.s32 $0x108;
	_ =	swait.ge @!p0 [sflag:s8], $0x0  }
0x24: {  	s3 =	sadd.s32 $0x88, s3;
	s6 =	simm.s32 @!p1 $0x1082;
	[sflag:s4] =	ssyncset.s32 $0xFFFFF086  }
0x25: {  	[simem:s6], [sflag:s4] =	dma.local [hbm:s3], $0xF7A  }
0x26: {  	[smem:$0x3F9E] =	sst s1;
	(tag) =	ssettag s2;
	_ =	strace s9  }
0x27: {  	s1 =	sld [smem:$0x3FAE]  }
0x28: {  	s2 =	sld [smem:$0x3FAF]  }
0x29: {  	s4 =	sld [smem:$0x3FB1]  }
0x2a: {  	p0 =	seq.s32 s5, $0x0;
	s5 =	sld [smem:$0x3FB2]  }
0x2b: {  	s6 =	sld [smem:$0x3FB3]  }
0x2c: {  	s7 =	sld [smem:$0x3FB4]  }
0x2d: {  	s3 =	simm.s32 $0x108;
	s8 =	sld [smem:$0x3FB5]  }
0x2e: {  	s3 =	simm.s32 @!p0 $0x1082;
	s9 =	sld [smem:$0x3FB6]  }
0x2f: {  	lr =	sadd.s32 s0, s3;
	s0 =	sld [smem:$0x3FAD]  }
0x30: {  	s3 =	sld [smem:$0x3FB0]  }
0x31: {  	[smem:$0x3FB9] =	sst s10  }
0x32: {  	s10 =	sld [smem:$0x3FB7];
	_ =	sdelay $0x3  }
0x33: {  	p0 =	seq.s32 s10, $0x1;
	s10 =	sld [smem:$0x3FB9];
	_ =	sdelay $0x3  }
0x34: {  	[smem:$0x3FB9] =	sst s10  }
0x35: {  	s10 =	sld [smem:$0x3FB8];
	_ =	sdelay $0x3  }
0x36: {  	p1 =	seq.s32 s10, $0x1;
	s10 =	sld [smem:$0x3FB9];
	_ =	sdelay $0x3  }
0x37: {  	[smem:$0x3FB9] =	sst s10  }
0x38: {  	s10 =	sld [smem:$0x3FBA]  }
0x39: {  	_ = 	snop;
	(pc) =	sbr.ind lr, $3  }
0x3a: {  	_ = 	snop  }
0x3b: {  	_ = 	snop  }
0x3c: {  	p2 =	seq.s32 s10, $0x1;
	s10 =	sld [smem:$0x3FB9]  }
0x3d: {  	_ =	shalt  }
0x3e: {  	_ =	shalt  }
0x3f: {  	_ =	shalt  }
0x40: {  	_ =	shalt  }
0x41: {  	_ =	shalt  }
0x42: {  	_ =	shalt  }
0x43: {  	_ =	shalt  }
0x44: {  	_ =	shalt  }
0x45: {  	_ =	shalt  }
0x46: {  	_ =	shalt  }
0x47: {  	_ =	shalt  }
0x48: {  	_ =	shalt  }
0x49: {  	_ =	shalt  }
0x4a: {  	_ =	shalt  }
0x4b: {  	_ =	shalt  }
0x4c: {  	_ =	shalt  }
0x4d: {  	_ =	shalt  }
0x4e: {  	_ =	shalt  }
0x4f: {  	_ =	shalt  }
0x50: {  	_ =	shalt  }
0x51: {  	_ =	shalt  }
0x52: {  	_ =	shalt  }
0x53: {  	_ =	shalt  }
0x54: {  	_ =	shalt  }
0x55: {  	_ =	shalt  }
0x56: {  	_ =	shalt  }
0x57: {  	_ =	shalt  }
0x58: {  	_ =	shalt  }
0x59: {  	_ =	shalt  }
0x5a: {  	_ =	shalt  }
0x5b: {  	_ =	shalt  }
0x5c: {  	_ =	shalt  }
0x5d: {  	_ =	shalt  }
0x5e: {  	_ =	shalt  }
0x5f: {  	_ =	shalt  }
0x60: {  	_ =	shalt  }
0x61: {  	_ =	shalt  }
0x62: {  	_ =	shalt  }
0x63: {  	_ =	shalt  }
0x64: {  	_ =	shalt  }
0x65: {  	_ =	shalt  }
0x66: {  	_ =	shalt  }
0x67: {  	_ =	shalt  }
0x68: {  	_ =	shalt  }
0x69: {  	_ =	shalt  }
0x6a: {  	_ =	shalt  }
0x6b: {  	_ =	shalt  }
0x6c: {  	_ =	shalt  }
0x6d: {  	_ =	shalt  }
0x6e: {  	_ =	shalt  }
0x6f: {  	_ =	shalt  }
0x70: {  	_ =	shalt  }
0x71: {  	_ =	shalt  }
0x72: {  	_ =	shalt  }
0x73: {  	_ =	shalt  }
0x74: {  	_ =	shalt  }
0x75: {  	_ =	shalt  }
0x76: {  	_ =	shalt  }
0x77: {  	_ =	shalt  }
0x78: {  	_ =	shalt  }
0x79: {  	_ =	shalt  }
0x7a: {  	_ =	shalt  }
0x7b: {  	_ =	shalt  }
0x7c: {  	_ =	shalt  }
0x7d: {  	_ =	shalt  }
0x7e: {  	_ =	shalt  }
0x7f: {  	_ =	shalt  }
0x80: {  	_ =	shalt  }
0x81: {  	_ =	shalt  }
0x82: {  	_ =	shalt  }
0x83: {  	_ =	shalt  }
0x84: {  	_ =	shalt  }
0x85: {  	_ =	shalt  }
0x86: {  	_ =	shalt  }
0x87: {  	_ =	shalt  }
.Lfunc_end0:
.L_simem_size_0:
called_computation.4_lowered:
.L_overlay_start_0:
0x88: {  	s2 =	sld [smem:$0x3FD9]  }
0x89: {  	s3 =	sld [smem:$0x3FFE];
	_ =	sdelay $0x1  }
0x8a: {  	s1 =	srdreg.scid  }
0x8b: {  	s0 =	sand.u32 $0x1, s1  }
0x8c: {  	s17 =	sshll.u32 s0, $0xA;
	s2 =	sadd.s32 s3, s2  }
0x8d: {  	s2 =	sadd.s32 s2, s17  }
0x8e: {  	[smem:$0x3FC5] =	sst s2  }
0x8f: {  	_ = 	snop  }
0x90: {  	(tm) =	ssettm $0x1  }
0x91: {  	s18 =	sld [smem:$0x3FFB];
	_ =	sdelay $0x3  }
0x92: {  	_ =	strace s18  }
0x93: {  	s2 =	sld [smem:$0x3FFC];
	_ =	sdelay $0x3  }
0x94: {  	_ =	strace s2  }
0x95: {  	s2 =	sld [smem:$0x3FFD];
	_ =	sdelay $0x3  }
0x96: {  	_ =	strace s2  }
0x97: {  	_ =	strace $0x8FFFFFFF  }
0x98: {  	s19 =	sld [smem:$0x3FDB];
	_ =	sdelay $0x1  }
0x99: {  	s20 =	simm.s32 $_scs_section_size  }
0x9a: {  	s4 =	simm.s32 $_size__tile_overlayer_lowered;
	s5 =	simm.s32 $_tile_overlayer_lowered  }
0x9b: {  	s6 =	simm.s32 $0x1BFF;
	s21 =	sshll.u32 s5, $0x1;
	s3 =	sadd.s32 s20, s19  }
0x9c: {  	s22 =	simm.s32 $0x0;
	s4 =	sshll.u32 s4, $0x1;
	s5 =	sadd.s32 s21, s3  }
0x9d: {  	[timem:s22], [sflag:s6] =	dma.local [hbm:s5], s4  }
0x9e: {  	_ =	swait.ge [sflag:s6], s4  }
0x9f: {  	s4 =	ssub.s32 $0x0, s4;
	[sflag:s6] =	ssyncset.done $0x0  }
0xa0: {  	[sflag:s6] =	ssyncadd.s32 s4;
	_ =	sdelay $0x1  }
0xa1: {  	s23 =	simm.s32 $0x1B8B  }
0xa2: {  	_ =	swait.ge [sflag:s23], $0x1  }
0xa3: {  	[sflag:s23] =	ssyncset.done $0x0  }
0xa4: {  	[sflag:s23] =	ssyncadd.s32 $0xFFFFFFFF  }
0xa5: {  	s4 =	sld [smem:$0x0]  }
0xa6: {  	s5 =	sand.u32 $0xFFFFFFFE, s1  }
0xa7: {  	p0 =	sne.s32 s1, s5  }
0xa8: {  	s5 =	sshll.u32 @p0 s5, $0xE  }
0xa9: {  	s5 =	sadd.s32 @p0 $0x11B8D, s5;
	s6 =	sshll.u32 @p0 s4, $0x11  }
0xaa: {  	s5 =	sor.u32 @p0 s6, s5  }
0xab: {  	[sflag:s5] =	ssyncadd.remote.s32 @p0 $0x1;
	_ =	sdelay $0x1  }
0xac: {  	s5 =	simm.s32 @p0 $0x1B8D  }
0xad: {  	_ =	swait.eq @p0 [sflag:s5], $0x1  }
0xae: {  	[sflag:s5] =	ssyncadd.s32 @p0 $0xFFFFFFFF  }
0xaf: {  	s6 =	sshll.u32 @!p0 s1, $0xE  }
0xb0: {  	s6 =	sor.u32 @!p0 $0x4000, s6;
	s5 =	simm.s32 @!p0 $0x1B8D  }
0xb1: {  	s4 =	sshll.u32 @!p0 s4, $0x11;
	s6 =	sadd.s32 @!p0 $0x11B8D, s6;
	_ =	swait.eq @!p0 [sflag:s5], $0x1  }
0xb2: {  	s4 =	sor.u32 @!p0 s4, s6;
	[sflag:s5] =	ssyncadd.s32 @!p0 $0xFFFFFFFF  }
0xb3: {  	s25 =	simm.s32 $0x1B8E;
	s24 =	sld [smem:$0x3FFE];
	[sflag:s4] =	ssyncadd.remote.s32 @!p0 $0x1  }
0xb4: {  	s26 =	simm.s32 $execute0_lowered;
	[smem:$0x3FD2] =	sst s25  }
0xb5: {  	s5 =	sshll.u32 s26, $0x1;
	_ =	strace $0x80000052;
	[dreg:$0x1] =	wrdreg $0xFFFFFFFF  }
0xb6: {  	s28 =	simm.s32 $_size_execute0_lowered;
	s3 =	sadd.s32 s3, s5;
	[dreg:$0x0] =	wrdreg $0x0  }
0xb7: {  	s5 =	sshll.u32 s28, $0x1;
	[dreg:$0x2] =	wrdreg s3  }
0xb8: {  	[dreg:$0x3] =	wrdreg s5  }
0xb9: {  	[dreg:$0x4] =	wrdreg $0xC0  }
0xba: {  	_ =	task [dreg:s22], $0x5FFFF  }
0xbb: {  	[dreg:$0x1] =	wrdreg $0xFFFFFFFF  }
0xbc: {  	[dreg:$0x0] =	wrdreg $0x60  }
0xbd: {  	[dreg:$0x2] =	wrdreg s24  }
0xbe: {  	[dreg:$0x3] =	wrdreg $0xA8000  }
0xbf: {  	[dreg:$0x4] =	wrdreg $0xB  }
0xc0: {  	_ =	task.clear_ibuf [dreg:s22], $0x5FFFF;
	_ =	strace $0x90000052  }
0xc1: {  	s29 =	simm.s32 $0xB;
	_ =	strace $0x80000054  }
0xc2: {  	_ =	swait.ge [sflag:s29], $0x1  }
0xc3: {  	[sflag:s29] =	ssyncadd.s32 $0xFFFFFFFF  }
0xc4: {  	_ =	strace $0x90000054  }
0xc5: {  	_ =	sfence  }
0xc6: {  	s30 =	sld [smem:$0x0];
	_ =	sdelay $0x2  }
0xc7: {  	s31 =	sshll.u32 s1, $0xD;
	s1 =	sshrl.u32 s1, $0x2  }
0xc8: {  	s4 =	sand.u32 $0x4000, s31;
	s1 =	sadd.s32 s1, s30  }
0xc9: {  	s0 =	sor.u32 s4, s0;
	s1 =	sshll.u32 s1, $0x11  }
0xca: {  	s0 =	sor.u32 s1, s0  }
0xcb: {  	s0 =	sadd.s32 $0x8F2B, s0  }
0xcc: {  	[sflag:s0] =	ssyncadd.remote.s32 $0x1  }
0xcd: {  	_ =	sfence.sel $0xFFFF  }
0xce: {  	[dreg:$0x0] =	wrdreg $0xFFFFFFFF;
	(pc) =	sbr.abs _section_cstart, $3  }
0xcf: {  	[dreg:$0x1] =	wrdreg $0xFFFFFFFF  }
0xd0: {  	_ =	task.clear_ibuf [dreg:s22], $0x2FFFF;
	_ =	strace $0x9FFFFFFF  }
0xd1: {  	(tm) =	ssettm $0x7FFFFFFF  }
tec
execute0_lowered:
.L_overlay_start_1:
0x0: {  	(tag) =	ssettag $0x1  }
0x1: {  	s6 =	rddreg [dreg:$0x0]  }
0x2: {  	s0 =	srdreg.scid;
	s2 =	rddreg [dreg:$0x1];
	s3 =	simm.s32 $0x0  }
0x3: {  	s14 =	simm.s32 $0x7D;
	s15 =	simm.s32 $0x2800;
	s16 =	simm.s32 $0x80  }
0x4: {  	s17 =	simm.s32 $0x6800;
	s20 =	simm.s32 $0x1;
	s21 =	simm.s32 $0x3  }
0x5: {  	s22 =	simm.s32 $0x2;
	s23 =	simm.s32 $0x4;
	s24 =	simm.s32 $0x2700  }
0x6: {  	s25 =	simm.s32 $0x2780;
	s5 =	sand.u32 $0x1, s0;
	s0 =	stileid.u32  }
0x7: {  	s26 =	simm.s32 $0x0;
	[smem:$0x7FF] =	sst s3;
	s8 =	smul.u32 $0x140000, s5  }
0x8: {  	s4 =	sadd.s32 $0x43800, s6;
	s1 =	sshll.u32 s5, $0x4;
	s9 =	smul.u32 $0x14000, s0  }
0x9: {  	s29 =	ssub.s32 $0x2, s5;
	s11 =	smul.u32 $0x50000, s0;
	s5 =	sadd.s32 $0x19E00, s6  }
0xa: {  	s18 =	sshll.u32 s0, $0x6;
	s1 =	sor.u32 s0, s1;
	s30 =	sshrl.u32 s29, $0x1  }
0xb: {  	s18 =	sor.u32 $0x1C05, s18;
	s7 =	smul.u32 $0x2800, s1;
	s1 =	rddreg [dreg:$0x2]  }
0xc: {  	_ =	strace $0x80000053;
	s28 =	sadd.s32 s9, s8;
	s31 =	sshrl.u32 s11, $0x2  }
0xd: {  	s13 =	ssub.s32 s29, s30;
	s19 =	sadd.s32 s31, s2;
	s7 =	sshrl.u32 s7, $0x3  }
0xe: {  	s11 =	smax.u32 s13, $0x1;
	s10 =	sadd.s32 s7, s6;
	s7 =	sshrl.u32 s28, $0x3  }
0xf: {  	s13 =	simm.s32 $0x1400;
	s19 =	sshrl.u32 s19, $0x3;
	s12 =	sadd.s32 s7, s6  }
0x10: {  	s6 =	sadd.s32 $0xFE00, s10;
	s7 =	sadd.s32 $0x5E00, s10;
	s8 =	sadd.s32 $0x10080, s10  }
0x11: {  	s9 =	sadd.s32 $0x6080, s10;
	s10 =	sadd.s32 $0xBAA00, s12;
	s12 =	simm.s32 $0x5  }
.LBB2_1:
0x12: {  	[tilespmem:s3], [sflag:$0x5] =	stream.linear.gather [hbm4b:s6+s3], $0x1400, $0x38;
	[tilespmem:$0x1E800] =	vst v63  }
0x13: {  	_ =	swait.ge [sflag:s12], $0x1400  }
0x14: {  	[sflag:s12] =	ssyncset.done $0x0  }
0x15: {  	[sflag:s12] =	ssyncadd.s32 $0xFFFFEC00  }
0x16: {  	[tilespmem:s13], [sflag:$0x5] =	stream.linear.gather [hbm4b:s7+s3], $0x1400, $0x38;
	[tilespmem:$0x1E800] =	vst v63  }
0x17: {  	_ =	swait.ge [sflag:s12], $0x1400  }
0x18: {  	[sflag:s12] =	ssyncset.done $0x0  }
0x19: {  	[sflag:s12] =	ssyncadd.s32 $0xFFFFEC00  }
0x1a: {  	[tilespmem:s15], [sflag:$0x1] =	stream.indirect.gather [hbm4b:s4+s14], $0x80, s3, s14, $0xb8;
	[tilespmem:$0x1E800] =	vst v63  }
0x1b: {  	_ = 	snop  }
0x1c: {  	[tilespmem:s17], [sflag:$0x2] =	stream.indirect.gather [hbm4b:s4+s14], $0x80, s16, s14, $0xb8;
	[tilespmem:$0x1E800] =	vst v63  }
0x1d: {  	[spmem:s19], [sflag:s18] =	dma.local [hbm:s5], $0x2800  }
0x1e: {  	_ =	swait.ge [sflag:s12], $0x2800  }
0x1f: {  	[sflag:s12] =	ssyncset.done $0x0  }
0x20: {  	[sflag:s12] =	ssyncadd.s32 $0xFFFFD800  }
0x21: {  	[bflag:$0x0] =	sbarrier.arrive $0xFFFF  }
0x22: {  	_ =	swait.ge [sflag:s20], $0x3E80  }
0x23: {  	[sflag:s20] =	ssyncset.done $0x0  }
0x24: {  	s28 =	simm.s32 $0x1400;
	[sflag:s20] =	ssyncadd.s32 $0xFFFFC180  }
0x25: {  	[spmem:s2] =	stream.indirect.scatter.add.f32 [tilespmem:s15], [sflag:$0x3], $0x80, s28, s14, $0xb8;
	[tilespmem:$0x1E800] =	vst v63  }
0x26: {  	_ =	swait.ge [sflag:s21], $0x3E80  }
0x27: {  	[sflag:s21] =	ssyncset.done $0x0  }
0x28: {  	s28 =	simm.s32 $0x100;
	[sflag:s21] =	ssyncadd.s32 $0xFFFFC180  }
0x29: {  	[tilespmem:s15], [sflag:$0x1] =	stream.indirect.gather [hbm4b:s4+s14], $0x80, s28, s14, $0xb8;
	[tilespmem:$0x1E800] =	vst v63  }
0x2a: {  	_ =	swait.ge [sflag:s22], $0x3E80  }
0x2b: {  	[sflag:s22] =	ssyncset.done $0x0  }
0x2c: {  	s28 =	simm.s32 $0x1480;
	[sflag:s22] =	ssyncadd.s32 $0xFFFFC180  }
0x2d: {  	[spmem:s2] =	stream.indirect.scatter.add.f32 [tilespmem:s17], [sflag:$0x4], $0x80, s28, s14, $0xb8;
	[tilespmem:$0x1E800] =	vst v63  }
0x2e: {  	_ =	swait.ge [sflag:s23], $0x3E80  }
0x2f: {  	[sflag:s23] =	ssyncset.done $0x0  }
0x30: {  	s29 =	simm.s32 $0x180;
	s28 =	simm.s32 $0x400;
	[sflag:s23] =	ssyncadd.s32 $0xFFFFC180  }
.LBB2_2:
0x31: {  	[tilespmem:s17], [sflag:$0x2] =	stream.indirect.gather [hbm4b:s4+s14], $0x80, s29, s14, $0xb8;
	[tilespmem:$0x1E800] =	vst v63  }
0x32: {  	s29 =	smov.u32 s28  }
0x33: {  	p0 =	sne.s32 s28, $0x4800;
	s28 =	sadd.s32 $0x400, s28;
	_ =	swait.ge [sflag:s20], $0x3E80  }
0x34: {  	s29 =	sshra.s32 s29, $0x2;
	[sflag:s20] =	ssyncset.done $0x0  }
0x35: {  	s30 =	sadd.s32 $0x1400, s29;
	[sflag:s20] =	ssyncadd.s32 $0xFFFFC180  }
0x36: {  	[spmem:s2] =	stream.indirect.scatter.add.f32 [tilespmem:s15], [sflag:$0x3], $0x80, s30, s14, $0xb8;
	[tilespmem:$0x1E800] =	vst v63  }
0x37: {  	_ =	swait.ge [sflag:s21], $0x3E80  }
0x38: {  	[sflag:s21] =	ssyncset.done $0x0  }
0x39: {  	s30 =	sadd.s32 $0x100, s29;
	[sflag:s21] =	ssyncadd.s32 $0xFFFFC180  }
0x3a: {  	[tilespmem:s15], [sflag:$0x1] =	stream.indirect.gather [hbm4b:s4+s14], $0x80, s30, s14, $0xb8;
	[tilespmem:$0x1E800] =	vst v63  }
0x3b: {  	_ =	swait.ge [sflag:s22], $0x3E80  }
0x3c: {  	[sflag:s22] =	ssyncset.done $0x0  }
.Ltmp0:
0x3d: {  	s30 =	sadd.s32 $0x1480, s29;
	[sflag:s22] =	ssyncadd.s32 $0xFFFFC180;
	(pc) =	sbr.rel @p0 .LBB2_2-.Ltmp0, $4  }
0x3e: {  	[spmem:s2] =	stream.indirect.scatter.add.f32 [tilespmem:s17], [sflag:$0x4], $0x80, s30, s14, $0xb8;
	[tilespmem:$0x1E800] =	vst v63  }
0x3f: {  	_ =	swait.ge [sflag:s23], $0x3E80  }
0x40: {  	[sflag:s23] =	ssyncset.done $0x0  }
0x41: {  	s29 =	sadd.s32 $0x180, s29;
	[sflag:s23] =	ssyncadd.s32 $0xFFFFC180  }
0x42: {  	[tilespmem:s17], [sflag:$0x2] =	stream.indirect.gather [hbm4b:s4+s14], $0x80, s29, s14, $0xb8;
	[tilespmem:$0x1E800] =	vst v63  }
0x43: {  	_ =	swait.ge [sflag:s20], $0x3E80  }
0x44: {  	[sflag:s20] =	ssyncset.done $0x0  }
0x45: {  	[sflag:s20] =	ssyncadd.s32 $0xFFFFC180  }
0x46: {  	[spmem:s2] =	stream.indirect.scatter.add.f32 [tilespmem:s15], [sflag:$0x3], $0x80, s24, s14, $0xb8;
	[tilespmem:$0x1E800] =	vst v63  }
0x47: {  	_ =	swait.ge [sflag:s22], $0x3E80  }
0x48: {  	[sflag:s22] =	ssyncset.done $0x0  }
0x49: {  	[sflag:s22] =	ssyncadd.s32 $0xFFFFC180  }
0x4a: {  	[spmem:s2] =	stream.indirect.scatter.add.f32 [tilespmem:s17], [sflag:$0x4], $0x80, s25, s14, $0xb8;
	[tilespmem:$0x1E800] =	vst v63  }
0x4b: {  	_ =	swait.ge [sflag:s21], $0x3E80  }
0x4c: {  	[sflag:s21] =	ssyncset.done $0x0  }
0x4d: {  	[sflag:s21] =	ssyncadd.s32 $0xFFFFC180  }
0x4e: {  	_ =	swait.ge [sflag:s23], $0x3E80  }
0x4f: {  	[sflag:s23] =	ssyncset.done $0x0  }
0x50: {  	s28 =	simm.s32 $0x0;
	[sflag:s23] =	ssyncadd.s32 $0xFFFFC180  }
0x51: {  	[tilespmem:s28], [sflag:$0x5] =	stream.linear.gather [hbm4b:s8+s28], $0x1400, $0x38;
	[tilespmem:$0x1E800] =	vst v63  }
0x52: {  	_ =	swait.ge [sflag:s12], $0x1400  }
0x53: {  	[sflag:s12] =	ssyncset.done $0x0  }
0x54: {  	[sflag:s12] =	ssyncadd.s32 $0xFFFFEC00  }
0x55: {  	[tilespmem:s13], [sflag:$0x5] =	stream.linear.gather [hbm4b:s9+s28], $0x1400, $0x38;
	[tilespmem:$0x1E800] =	vst v63  }
0x56: {  	_ =	swait.ge [sflag:s12], $0x1400  }
0x57: {  	[sflag:s12] =	ssyncset.done $0x0  }
0x58: {  	[sflag:s12] =	ssyncadd.s32 $0xFFFFEC00  }
0x59: {  	[tilespmem:s15], [sflag:$0x1] =	stream.indirect.gather [hbm4b:s4+s14], $0x80, s28, s14, $0xb8;
	[tilespmem:$0x1E800] =	vst v63  }
0x5a: {  	_ = 	snop  }
0x5b: {  	[tilespmem:s17], [sflag:$0x2] =	stream.indirect.gather [hbm4b:s4+s14], $0x80, s16, s14, $0xb8;
	[tilespmem:$0x1E800] =	vst v63  }
0x5c: {  	_ =	swait.ge [sflag:s20], $0x3E80  }
0x5d: {  	[sflag:s20] =	ssyncset.done $0x0  }
0x5e: {  	s28 =	simm.s32 $0x1400;
	[sflag:s20] =	ssyncadd.s32 $0xFFFFC180  }
0x5f: {  	[spmem:s2] =	stream.indirect.scatter.add.f32 [tilespmem:s15], [sflag:$0x3], $0x80, s28, s14, $0xb8;
	[tilespmem:$0x1E800] =	vst v63  }
0x60: {  	_ =	swait.ge [sflag:s21], $0x3E80  }
0x61: {  	[sflag:s21] =	ssyncset.done $0x0  }
0x62: {  	s28 =	simm.s32 $0x100;
	[sflag:s21] =	ssyncadd.s32 $0xFFFFC180  }
0x63: {  	[tilespmem:s15], [sflag:$0x1] =	stream.indirect.gather [hbm4b:s4+s14], $0x80, s28, s14, $0xb8;
	[tilespmem:$0x1E800] =	vst v63  }
0x64: {  	_ =	swait.ge [sflag:s22], $0x3E80  }
0x65: {  	[sflag:s22] =	ssyncset.done $0x0  }
0x66: {  	s28 =	simm.s32 $0x1480;
	[sflag:s22] =	ssyncadd.s32 $0xFFFFC180  }
0x67: {  	[spmem:s2] =	stream.indirect.scatter.add.f32 [tilespmem:s17], [sflag:$0x4], $0x80, s28, s14, $0xb8;
	[tilespmem:$0x1E800] =	vst v63  }
0x68: {  	_ =	swait.ge [sflag:s23], $0x3E80  }
0x69: {  	[sflag:s23] =	ssyncset.done $0x0  }
0x6a: {  	s29 =	simm.s32 $0x180;
	s28 =	simm.s32 $0x400;
	[sflag:s23] =	ssyncadd.s32 $0xFFFFC180  }
.LBB2_4:
0x6b: {  	[tilespmem:s17], [sflag:$0x2] =	stream.indirect.gather [hbm4b:s4+s14], $0x80, s29, s14, $0xb8;
	[tilespmem:$0x1E800] =	vst v63  }
0x6c: {  	s29 =	smov.u32 s28  }
0x6d: {  	p0 =	sne.s32 s28, $0x4800;
	s28 =	sadd.s32 $0x400, s28;
	_ =	swait.ge [sflag:s20], $0x3E80  }
0x6e: {  	s29 =	sshra.s32 s29, $0x2;
	[sflag:s20] =	ssyncset.done $0x0  }
0x6f: {  	s30 =	sadd.s32 $0x1400, s29;
	[sflag:s20] =	ssyncadd.s32 $0xFFFFC180  }
0x70: {  	[spmem:s2] =	stream.indirect.scatter.add.f32 [tilespmem:s15], [sflag:$0x3], $0x80, s30, s14, $0xb8;
	[tilespmem:$0x1E800] =	vst v63  }
0x71: {  	_ =	swait.ge [sflag:s21], $0x3E80  }
0x72: {  	[sflag:s21] =	ssyncset.done $0x0  }
0x73: {  	s30 =	sadd.s32 $0x100, s29;
	[sflag:s21] =	ssyncadd.s32 $0xFFFFC180  }
0x74: {  	[tilespmem:s15], [sflag:$0x1] =	stream.indirect.gather [hbm4b:s4+s14], $0x80, s30, s14, $0xb8;
	[tilespmem:$0x1E800] =	vst v63  }
0x75: {  	_ =	swait.ge [sflag:s22], $0x3E80  }
0x76: {  	[sflag:s22] =	ssyncset.done $0x0  }
.Ltmp1:
0x77: {  	s30 =	sadd.s32 $0x1480, s29;
	[sflag:s22] =	ssyncadd.s32 $0xFFFFC180;
	(pc) =	sbr.rel @p0 .LBB2_4-.Ltmp1, $4  }
0x78: {  	[spmem:s2] =	stream.indirect.scatter.add.f32 [tilespmem:s17], [sflag:$0x4], $0x80, s30, s14, $0xb8;
	[tilespmem:$0x1E800] =	vst v63  }
0x79: {  	_ =	swait.ge [sflag:s23], $0x3E80  }
0x7a: {  	[sflag:s23] =	ssyncset.done $0x0  }
0x7b: {  	s29 =	sadd.s32 $0x180, s29;
	[sflag:s23] =	ssyncadd.s32 $0xFFFFC180  }
0x7c: {  	[tilespmem:s17], [sflag:$0x2] =	stream.indirect.gather [hbm4b:s4+s14], $0x80, s29, s14, $0xb8;
	[tilespmem:$0x1E800] =	vst v63  }
0x7d: {  	_ =	swait.ge [sflag:s20], $0x3E80  }
0x7e: {  	[sflag:s20] =	ssyncset.done $0x0  }
0x7f: {  	[sflag:s20] =	ssyncadd.s32 $0xFFFFC180  }
0x80: {  	[spmem:s2] =	stream.indirect.scatter.add.f32 [tilespmem:s15], [sflag:$0x3], $0x80, s24, s14, $0xb8;
	[tilespmem:$0x1E800] =	vst v63  }
0x81: {  	_ =	swait.ge [sflag:s22], $0x3E80  }
0x82: {  	[sflag:s22] =	ssyncset.done $0x0  }
0x83: {  	[sflag:s22] =	ssyncadd.s32 $0xFFFFC180  }
0x84: {  	[spmem:s2] =	stream.indirect.scatter.add.f32 [tilespmem:s17], [sflag:$0x4], $0x80, s25, s14, $0xb8;
	[tilespmem:$0x1E800] =	vst v63  }
0x85: {  	_ =	swait.ge [sflag:s21], $0x3E80  }
0x86: {  	[sflag:s21] =	ssyncset.done $0x0  }
0x87: {  	[sflag:s21] =	ssyncadd.s32 $0xFFFFC180  }
0x88: {  	_ =	swait.ge [sflag:s23], $0x3E80  }
0x89: {  	s26 =	sadd.s32 $0x1, s26;
	[sflag:s23] =	ssyncset.done $0x0  }
0x8a: {  	p0 =	sne.s32 s26, s11;
	[sflag:s23] =	ssyncadd.s32 $0xFFFFC180  }
.Ltmp2:
0x8b: {  	[bflag:$0x0] =	sbarrier.arrive $0xFFFF;
	(pc) =	sbr.rel @p0 .LBB2_1-.Ltmp2, $4  }
0x8c: {  	[hbm:s10], [sflag:s18] =	dma.local [spmem:s19], $0x2800  }
0x8d: {  	_ =	swait.ge [sflag:s12], $0x2800  }
0x8e: {  	[sflag:s12] =	ssyncset.done $0x0  }
0x8f: {  	[sflag:s12] =	ssyncadd.s32 $0xFFFFD800  }
0x90: {  	_ =	sfence.sel $0x180000  }
0x91: {  	[bflag:$0x0] =	sbarrier.arrive $0xFFFF  }
0x92: {  	p0 =	sne.s32 s0, $0x0;
	_ =	strace $0x90000053  }
0x93: {  	s0 =	sadd.s32 @!p0 $0x100000, s1;
	[bflag:$0x2] =	sbarrier.arrive $0xFFFF  }
0x94: {  	[sflag:s0] =	ssyncadd.tile.s32 @!p0 $0x1;
	_ =	shalt  }
.Lfunc_end2:
_tile_overlayer_lowered:
.L_overlay_start_2:
0x95: {  	(tag) =	ssettag $0x2  }
0x96: {  	s0 =	rddreg [dreg:$0x0];
	s2 =	stileid.u32  }
0x97: {  	s1 =	rddreg [dreg:$0x1];
	p0 =	sne.s32 s2, $0x0  }
0x98: {  	s3 =	rddreg [dreg:$0x2];
	[bflag:$0x3] =	sbarrier.arrive $0xFFFF;
	s2 =	simm.s32 @!p0 $0x1C05  }
0x99: {  	[timem:s3], [sflag:s2] =	dma.local @!p0 [hbm:s0], s1  }
0x9a: {  	s0 =	simm.s32 @!p0 $0x5  }
0x9b: {  	_ =	swait.ge @!p0 [sflag:s0], s1  }
0x9c: {  	s1 =	ssub.s32 @!p0 $0x0, s1;
	[sflag:s0] =	ssyncset.done @!p0 $0x0  }
0x9d: {  	[sflag:s0] =	ssyncadd.s32 @!p0 s1  }
0x9e: {  	[bflag:$0x3] =	sbarrier.arrive $0xFFFF  }
0x9f: {  	_ =	shalt  }

// kernel: kernel.33.cloned.1.call-start
scs
__scs_entry_jumppad:
0x0: {  	(pc) =	sbr.rel $0x88, $3  }
0x1: {  	(tag) =	ssettag $0x0;
	lr =	simm.s32 $0x1  }
0x2: {  	[smem:$0x3F9E] =	sst lr;
	_ =	strace $0xD0000000  }
0x3: {  	_ = 	snop  }
0x4: {  	_ = 	snop  }
0x5: {  	_ = 	snop  }
0x6: {  	_ = 	snop  }
0x7: {  	_ = 	snop  }
__scs_overlays_trampoline_lowered:
0x8: {  	[smem:$0x3FAD] =	sst s0  }
0x9: {  	[smem:$0x3FAE] =	sst s1  }
0xa: {  	[smem:$0x3FAF] =	sst s2  }
0xb: {  	[smem:$0x3FB0] =	sst s3  }
0xc: {  	[smem:$0x3FB1] =	sst s4  }
0xd: {  	[smem:$0x3FB2] =	sst s5  }
0xe: {  	[smem:$0x3FB3] =	sst s6  }
0xf: {  	[smem:$0x3FB4] =	sst s7  }
0x10: {  	[smem:$0x3FB5] =	sst s8  }
0x11: {  	[smem:$0x3FB6] =	sst s9;
	s0 =	simm.s32 @!p0 $0x0  }
0x12: {  	s1 =	sld [smem:$0x3F9C];
	s0 =	simm.s32 @p0 $0x1  }
0x13: {  	[smem:$0x3FB7] =	sst s0;
	s0 =	simm.s32 @!p1 $0x0  }
0x14: {  	s2 =	sld [smem:$0x3F9B];
	s0 =	simm.s32 @p1 $0x1  }
0x15: {  	[smem:$0x3FB8] =	sst s0;
	s0 =	simm.s32 @!p2 $0x0  }
0x16: {  	s3 =	sld [smem:$0x3FDB];
	s0 =	simm.s32 @p2 $0x1  }
0x17: {  	s4 =	simm.s32 $0x1BF5;
	[smem:$0x3FBA] =	sst s0  }
0x18: {  	s0 =	sld [smem:$0x3F9D];
	_ =	swait.ge [sflag:s4], $0x0  }
0x19: {  	s7 =	sld [smem:$0x3F9E]  }
0x1a: {  	s8 =	sadd.s32 $0xFFFFE003, lr  }
0x1b: {  	s9 =	sadd.s32 $0xFFFFFEF7, lr;
	s5 =	simm.s32 $0xFFFFFFFF;
	p2 =	slt.u32 s8, $0xFFFFF086  }
0x1c: {  	p1 =	slt.u32 s9, $0xF7A;
	s5 =	simm.s32 @!p2 $0x0  }
0x1d: {  	s5 =	simm.s32 @p1 $0x1;
	p0 =	seq.s32 s7, s2  }
0x1e: {  	s7 =	smul.u32 @!p0 $0xF7A, s2;
	p2 =	seq.s32 @!p0 s5, $0x0  }
0x1f: {  	s9 =	smul.u32 $0xF7A, s1;
	s8 =	simm.s32 @!p0 $0x1BF5;
	p2 =	por !p2, p0  }
0x20: {  	[sflag:s8] =	ssyncset.s32 @!p0 $0xFFFFF086;
	s6 =	sadd.s32 @!p0 s3, s7;
	s7 =	simm.s32 @!p0 $0x108  }
0x21: {  	s3 =	sadd.s32 s3, s9;
	s6 =	sadd.s32 @!p0 $0x88, s6;
	s7 =	simm.s32 @p2 $0x1082  }
0x22: {  	[simem:s7], [sflag:s8] =	dma.local @!p0 [hbm:s6], $0xF7A  }
0x23: {  	s9 =	sor.u32 $0xD0000000, s2;
	s6 =	simm.s32 $0x108;
	_ =	swait.ge @!p0 [sflag:s8], $0x0  }
0x24: {  	s3 =	sadd.s32 $0x88, s3;
	s6 =	simm.s32 @!p1 $0x1082;
	[sflag:s4] =	ssyncset.s32 $0xFFFFF086  }
0x25: {  	[simem:s6], [sflag:s4] =	dma.local [hbm:s3], $0xF7A  }
0x26: {  	[smem:$0x3F9E] =	sst s1;
	(tag) =	ssettag s2;
	_ =	strace s9  }
0x27: {  	s1 =	sld [smem:$0x3FAE]  }
0x28: {  	s2 =	sld [smem:$0x3FAF]  }
0x29: {  	s4 =	sld [smem:$0x3FB1]  }
0x2a: {  	p0 =	seq.s32 s5, $0x0;
	s5 =	sld [smem:$0x3FB2]  }
0x2b: {  	s6 =	sld [smem:$0x3FB3]  }
0x2c: {  	s7 =	sld [smem:$0x3FB4]  }
0x2d: {  	s3 =	simm.s32 $0x108;
	s8 =	sld [smem:$0x3FB5]  }
0x2e: {  	s3 =	simm.s32 @!p0 $0x1082;
	s9 =	sld [smem:$0x3FB6]  }
0x2f: {  	lr =	sadd.s32 s0, s3;
	s0 =	sld [smem:$0x3FAD]  }
0x30: {  	s3 =	sld [smem:$0x3FB0]  }
0x31: {  	[smem:$0x3FB9] =	sst s10  }
0x32: {  	s10 =	sld [smem:$0x3FB7];
	_ =	sdelay $0x3  }
0x33: {  	p0 =	seq.s32 s10, $0x1;
	s10 =	sld [smem:$0x3FB9];
	_ =	sdelay $0x3  }
0x34: {  	[smem:$0x3FB9] =	sst s10  }
0x35: {  	s10 =	sld [smem:$0x3FB8];
	_ =	sdelay $0x3  }
0x36: {  	p1 =	seq.s32 s10, $0x1;
	s10 =	sld [smem:$0x3FB9];
	_ =	sdelay $0x3  }
0x37: {  	[smem:$0x3FB9] =	sst s10  }
0x38: {  	s10 =	sld [smem:$0x3FBA]  }
0x39: {  	_ = 	snop;
	(pc) =	sbr.ind lr, $3  }
0x3a: {  	_ = 	snop  }
0x3b: {  	_ = 	snop  }
0x3c: {  	p2 =	seq.s32 s10, $0x1;
	s10 =	sld [smem:$0x3FB9]  }
0x3d: {  	_ =	shalt  }
0x3e: {  	_ =	shalt  }
0x3f: {  	_ =	shalt  }
0x40: {  	_ =	shalt  }
0x41: {  	_ =	shalt  }
0x42: {  	_ =	shalt  }
0x43: {  	_ =	shalt  }
0x44: {  	_ =	shalt  }
0x45: {  	_ =	shalt  }
0x46: {  	_ =	shalt  }
0x47: {  	_ =	shalt  }
0x48: {  	_ =	shalt  }
0x49: {  	_ =	shalt  }
0x4a: {  	_ =	shalt  }
0x4b: {  	_ =	shalt  }
0x4c: {  	_ =	shalt  }
0x4d: {  	_ =	shalt  }
0x4e: {  	_ =	shalt  }
0x4f: {  	_ =	shalt  }
0x50: {  	_ =	shalt  }
0x51: {  	_ =	shalt  }
0x52: {  	_ =	shalt  }
0x53: {  	_ =	shalt  }
0x54: {  	_ =	shalt  }
0x55: {  	_ =	shalt  }
0x56: {  	_ =	shalt  }
0x57: {  	_ =	shalt  }
0x58: {  	_ =	shalt  }
0x59: {  	_ =	shalt  }
0x5a: {  	_ =	shalt  }
0x5b: {  	_ =	shalt  }
0x5c: {  	_ =	shalt  }
0x5d: {  	_ =	shalt  }
0x5e: {  	_ =	shalt  }
0x5f: {  	_ =	shalt  }
0x60: {  	_ =	shalt  }
0x61: {  	_ =	shalt  }
0x62: {  	_ =	shalt  }
0x63: {  	_ =	shalt  }
0x64: {  	_ =	shalt  }
0x65: {  	_ =	shalt  }
0x66: {  	_ =	shalt  }
0x67: {  	_ =	shalt  }
0x68: {  	_ =	shalt  }
0x69: {  	_ =	shalt  }
0x6a: {  	_ =	shalt  }
0x6b: {  	_ =	shalt  }
0x6c: {  	_ =	shalt  }
0x6d: {  	_ =	shalt  }
0x6e: {  	_ =	shalt  }
0x6f: {  	_ =	shalt  }
0x70: {  	_ =	shalt  }
0x71: {  	_ =	shalt  }
0x72: {  	_ =	shalt  }
0x73: {  	_ =	shalt  }
0x74: {  	_ =	shalt  }
0x75: {  	_ =	shalt  }
0x76: {  	_ =	shalt  }
0x77: {  	_ =	shalt  }
0x78: {  	_ =	shalt  }
0x79: {  	_ =	shalt  }
0x7a: {  	_ =	shalt  }
0x7b: {  	_ =	shalt  }
0x7c: {  	_ =	shalt  }
0x7d: {  	_ =	shalt  }
0x7e: {  	_ =	shalt  }
0x7f: {  	_ =	shalt  }
0x80: {  	_ =	shalt  }
0x81: {  	_ =	shalt  }
0x82: {  	_ =	shalt  }
0x83: {  	_ =	shalt  }
0x84: {  	_ =	shalt  }
0x85: {  	_ =	shalt  }
0x86: {  	_ =	shalt  }
0x87: {  	_ =	shalt  }
.Lfunc_end0:
.L_simem_size_0:
called_computation.5_lowered:
.L_overlay_start_0:
0x88: {  	s2 =	sld [smem:$0x3FD9]  }
0x89: {  	s3 =	sld [smem:$0x3FFE];
	_ =	sdelay $0x1  }
0x8a: {  	s1 =	srdreg.scid  }
0x8b: {  	s0 =	sand.u32 $0x1, s1  }
0x8c: {  	s17 =	sshll.u32 s0, $0xA;
	s2 =	sadd.s32 s3, s2  }
0x8d: {  	s2 =	sadd.s32 s2, s17  }
0x8e: {  	[smem:$0x3FC5] =	sst s2  }
0x8f: {  	_ = 	snop  }
0x90: {  	(tm) =	ssettm $0x1  }
0x91: {  	s18 =	sld [smem:$0x3FFB];
	_ =	sdelay $0x3  }
0x92: {  	_ =	strace s18  }
0x93: {  	s2 =	sld [smem:$0x3FFC];
	_ =	sdelay $0x3  }
0x94: {  	_ =	strace s2  }
0x95: {  	s2 =	sld [smem:$0x3FFD];
	_ =	sdelay $0x3  }
0x96: {  	_ =	strace s2  }
0x97: {  	_ =	strace $0x8FFFFFFF  }
0x98: {  	s19 =	sld [smem:$0x3FDB];
	_ =	sdelay $0x1  }
0x99: {  	s20 =	simm.s32 $_scs_section_size  }
0x9a: {  	s4 =	simm.s32 $_size__tile_overlayer_lowered;
	s5 =	simm.s32 $_tile_overlayer_lowered  }
0x9b: {  	s6 =	simm.s32 $0x1BFF;
	s21 =	sshll.u32 s5, $0x1;
	s3 =	sadd.s32 s20, s19  }
0x9c: {  	s22 =	simm.s32 $0x0;
	s4 =	sshll.u32 s4, $0x1;
	s5 =	sadd.s32 s21, s3  }
0x9d: {  	[timem:s22], [sflag:s6] =	dma.local [hbm:s5], s4  }
0x9e: {  	_ =	swait.ge [sflag:s6], s4  }
0x9f: {  	s4 =	ssub.s32 $0x0, s4;
	[sflag:s6] =	ssyncset.done $0x0  }
0xa0: {  	[sflag:s6] =	ssyncadd.s32 s4;
	_ =	sdelay $0x1  }
0xa1: {  	s23 =	simm.s32 $0x1B8B  }
0xa2: {  	_ =	swait.ge [sflag:s23], $0x1  }
0xa3: {  	[sflag:s23] =	ssyncset.done $0x0  }
0xa4: {  	[sflag:s23] =	ssyncadd.s32 $0xFFFFFFFF  }
0xa5: {  	s4 =	sld [smem:$0x0]  }
0xa6: {  	s5 =	sand.u32 $0xFFFFFFFE, s1  }
0xa7: {  	p0 =	sne.s32 s1, s5  }
0xa8: {  	s5 =	sshll.u32 @p0 s5, $0xE  }
0xa9: {  	s5 =	sadd.s32 @p0 $0x11B8D, s5;
	s6 =	sshll.u32 @p0 s4, $0x11  }
0xaa: {  	s5 =	sor.u32 @p0 s6, s5  }
0xab: {  	[sflag:s5] =	ssyncadd.remote.s32 @p0 $0x1;
	_ =	sdelay $0x1  }
0xac: {  	s5 =	simm.s32 @p0 $0x1B8D  }
0xad: {  	_ =	swait.eq @p0 [sflag:s5], $0x1  }
0xae: {  	[sflag:s5] =	ssyncadd.s32 @p0 $0xFFFFFFFF  }
0xaf: {  	s6 =	sshll.u32 @!p0 s1, $0xE  }
0xb0: {  	s6 =	sor.u32 @!p0 $0x4000, s6;
	s5 =	simm.s32 @!p0 $0x1B8D  }
0xb1: {  	s4 =	sshll.u32 @!p0 s4, $0x11;
	s6 =	sadd.s32 @!p0 $0x11B8D, s6;
	_ =	swait.eq @!p0 [sflag:s5], $0x1  }
0xb2: {  	s4 =	sor.u32 @!p0 s4, s6;
	[sflag:s5] =	ssyncadd.s32 @!p0 $0xFFFFFFFF  }
0xb3: {  	s25 =	simm.s32 $0x1B8E;
	s24 =	sld [smem:$0x3FFE];
	[sflag:s4] =	ssyncadd.remote.s32 @!p0 $0x1  }
0xb4: {  	s26 =	simm.s32 $execute0_lowered;
	[smem:$0x3FD2] =	sst s25  }
0xb5: {  	s5 =	sshll.u32 s26, $0x1;
	_ =	strace $0x80000055;
	[dreg:$0x1] =	wrdreg $0xFFFFFFFF  }
0xb6: {  	s28 =	simm.s32 $_size_execute0_lowered;
	s3 =	sadd.s32 s3, s5;
	[dreg:$0x0] =	wrdreg $0x0  }
0xb7: {  	s5 =	sshll.u32 s28, $0x1;
	[dreg:$0x2] =	wrdreg s3  }
0xb8: {  	[dreg:$0x3] =	wrdreg s5  }
0xb9: {  	[dreg:$0x4] =	wrdreg $0xC0  }
0xba: {  	_ =	task [dreg:s22], $0x5FFFF  }
0xbb: {  	[dreg:$0x1] =	wrdreg $0xFFFFFFFF  }
0xbc: {  	[dreg:$0x0] =	wrdreg $0x60  }
0xbd: {  	[dreg:$0x2] =	wrdreg s24  }
0xbe: {  	[dreg:$0x3] =	wrdreg $0xA8000  }
0xbf: {  	[dreg:$0x4] =	wrdreg $0x9  }
0xc0: {  	_ =	task.clear_ibuf [dreg:s22], $0x5FFFF;
	_ =	strace $0x90000055  }
0xc1: {  	s29 =	simm.s32 $0x9;
	_ =	strace $0x80000057  }
0xc2: {  	_ =	swait.ge [sflag:s29], $0x1  }
0xc3: {  	[sflag:s29] =	ssyncadd.s32 $0xFFFFFFFF  }
0xc4: {  	_ =	strace $0x90000057  }
0xc5: {  	_ =	sfence  }
0xc6: {  	s30 =	sld [smem:$0x0];
	_ =	sdelay $0x2  }
0xc7: {  	s31 =	sshll.u32 s1, $0xD;
	s1 =	sshrl.u32 s1, $0x2  }
0xc8: {  	s4 =	sand.u32 $0x4000, s31;
	s1 =	sadd.s32 s1, s30  }
0xc9: {  	s0 =	sor.u32 s4, s0;
	s1 =	sshll.u32 s1, $0x11  }
0xca: {  	s0 =	sor.u32 s1, s0  }
0xcb: {  	s0 =	sadd.s32 $0x8F2B, s0  }
0xcc: {  	[sflag:s0] =	ssyncadd.remote.s32 $0x1  }
0xcd: {  	_ =	sfence.sel $0xFFFF  }
0xce: {  	[dreg:$0x0] =	wrdreg $0xFFFFFFFF;
	(pc) =	sbr.abs _section_cstart, $3  }
0xcf: {  	[dreg:$0x1] =	wrdreg $0xFFFFFFFF  }
0xd0: {  	_ =	task.clear_ibuf [dreg:s22], $0x2FFFF;
	_ =	strace $0x9FFFFFFF  }
0xd1: {  	(tm) =	ssettm $0x7FFFFFFF  }
tec
execute0_lowered:
.L_overlay_start_1:
0x0: {  	(tag) =	ssettag $0x1  }
0x1: {  	s6 =	rddreg [dreg:$0x0]  }
0x2: {  	s0 =	srdreg.scid;
	s2 =	rddreg [dreg:$0x1];
	s3 =	simm.s32 $0x0  }
0x3: {  	s14 =	simm.s32 $0x7D;
	s15 =	simm.s32 $0x2800;
	s16 =	simm.s32 $0x80  }
0x4: {  	s17 =	simm.s32 $0x6800;
	s20 =	simm.s32 $0x1;
	s21 =	simm.s32 $0x3  }
0x5: {  	s22 =	simm.s32 $0x2;
	s23 =	simm.s32 $0x4;
	s24 =	simm.s32 $0x2700  }
0x6: {  	s25 =	simm.s32 $0x2780;
	s5 =	sand.u32 $0x1, s0;
	s0 =	stileid.u32  }
0x7: {  	s26 =	simm.s32 $0x0;
	[smem:$0x7FF] =	sst s3;
	s8 =	smul.u32 $0x140000, s5  }
0x8: {  	s4 =	sadd.s32 $0x15AA00, s6;
	s1 =	sshll.u32 s5, $0x4;
	s9 =	smul.u32 $0x14000, s0  }
0x9: {  	s29 =	ssub.s32 $0x2, s5;
	s11 =	smul.u32 $0x50000, s0;
	s5 =	sadd.s32 $0x19E00, s6  }
0xa: {  	s18 =	sshll.u32 s0, $0x6;
	s1 =	sor.u32 s0, s1;
	s30 =	sshrl.u32 s29, $0x1  }
0xb: {  	s18 =	sor.u32 $0x1C05, s18;
	s7 =	smul.u32 $0x2800, s1;
	s1 =	rddreg [dreg:$0x2]  }
0xc: {  	_ =	strace $0x80000056;
	s28 =	sadd.s32 s9, s8;
	s31 =	sshrl.u32 s11, $0x2  }
0xd: {  	s13 =	ssub.s32 s29, s30;
	s19 =	sadd.s32 s31, s2;
	s7 =	sshrl.u32 s7, $0x3  }
0xe: {  	s11 =	smax.u32 s13, $0x1;
	s10 =	sadd.s32 s7, s6;
	s7 =	sshrl.u32 s28, $0x3  }
0xf: {  	s13 =	simm.s32 $0x1400;
	s19 =	sshrl.u32 s19, $0x3;
	s12 =	sadd.s32 s7, s6  }
0x10: {  	s6 =	sadd.s32 $0xFE00, s10;
	s7 =	sadd.s32 $0x5E00, s10;
	s8 =	sadd.s32 $0x10080, s10  }
0x11: {  	s9 =	sadd.s32 $0x6080, s10;
	s10 =	sadd.s32 $0x181C00, s12;
	s12 =	simm.s32 $0x5  }
.LBB2_1:
0x12: {  	[tilespmem:s3], [sflag:$0x5] =	stream.linear.gather [hbm4b:s6+s3], $0x1400, $0x38;
	[tilespmem:$0x1E800] =	vst v63  }
0x13: {  	_ =	swait.ge [sflag:s12], $0x1400  }
0x14: {  	[sflag:s12] =	ssyncset.done $0x0  }
0x15: {  	[sflag:s12] =	ssyncadd.s32 $0xFFFFEC00  }
0x16: {  	[tilespmem:s13], [sflag:$0x5] =	stream.linear.gather [hbm4b:s7+s3], $0x1400, $0x38;
	[tilespmem:$0x1E800] =	vst v63  }
0x17: {  	_ =	swait.ge [sflag:s12], $0x1400  }
0x18: {  	[sflag:s12] =	ssyncset.done $0x0  }
0x19: {  	[sflag:s12] =	ssyncadd.s32 $0xFFFFEC00  }
0x1a: {  	[tilespmem:s15], [sflag:$0x1] =	stream.indirect.gather [hbm4b:s4+s14], $0x80, s3, s14, $0xb8;
	[tilespmem:$0x1E800] =	vst v63  }
0x1b: {  	_ = 	snop  }
0x1c: {  	[tilespmem:s17], [sflag:$0x2] =	stream.indirect.gather [hbm4b:s4+s14], $0x80, s16, s14, $0xb8;
	[tilespmem:$0x1E800] =	vst v63  }
0x1d: {  	[spmem:s19], [sflag:s18] =	dma.local [hbm:s5], $0x2800  }
0x1e: {  	_ =	swait.ge [sflag:s12], $0x2800  }
0x1f: {  	[sflag:s12] =	ssyncset.done $0x0  }
0x20: {  	[sflag:s12] =	ssyncadd.s32 $0xFFFFD800  }
0x21: {  	[bflag:$0x0] =	sbarrier.arrive $0xFFFF  }
0x22: {  	_ =	swait.ge [sflag:s20], $0x3E80  }
0x23: {  	[sflag:s20] =	ssyncset.done $0x0  }
0x24: {  	s28 =	simm.s32 $0x1400;
	[sflag:s20] =	ssyncadd.s32 $0xFFFFC180  }
0x25: {  	[spmem:s2] =	stream.indirect.scatter.add.f32 [tilespmem:s15], [sflag:$0x3], $0x80, s28, s14, $0xb8;
	[tilespmem:$0x1E800] =	vst v63  }
0x26: {  	_ =	swait.ge [sflag:s21], $0x3E80  }
0x27: {  	[sflag:s21] =	ssyncset.done $0x0  }
0x28: {  	s28 =	simm.s32 $0x100;
	[sflag:s21] =	ssyncadd.s32 $0xFFFFC180  }
0x29: {  	[tilespmem:s15], [sflag:$0x1] =	stream.indirect.gather [hbm4b:s4+s14], $0x80, s28, s14, $0xb8;
	[tilespmem:$0x1E800] =	vst v63  }
0x2a: {  	_ =	swait.ge [sflag:s22], $0x3E80  }
0x2b: {  	[sflag:s22] =	ssyncset.done $0x0  }
0x2c: {  	s28 =	simm.s32 $0x1480;
	[sflag:s22] =	ssyncadd.s32 $0xFFFFC180  }
0x2d: {  	[spmem:s2] =	stream.indirect.scatter.add.f32 [tilespmem:s17], [sflag:$0x4], $0x80, s28, s14, $0xb8;
	[tilespmem:$0x1E800] =	vst v63  }
0x2e: {  	_ =	swait.ge [sflag:s23], $0x3E80  }
0x2f: {  	[sflag:s23] =	ssyncset.done $0x0  }
0x30: {  	s29 =	simm.s32 $0x180;
	s28 =	simm.s32 $0x400;
	[sflag:s23] =	ssyncadd.s32 $0xFFFFC180  }
.LBB2_2:
0x31: {  	[tilespmem:s17], [sflag:$0x2] =	stream.indirect.gather [hbm4b:s4+s14], $0x80, s29, s14, $0xb8;
	[tilespmem:$0x1E800] =	vst v63  }
0x32: {  	s29 =	smov.u32 s28  }
0x33: {  	p0 =	sne.s32 s28, $0x4800;
	s28 =	sadd.s32 $0x400, s28;
	_ =	swait.ge [sflag:s20], $0x3E80  }
0x34: {  	s29 =	sshra.s32 s29, $0x2;
	[sflag:s20] =	ssyncset.done $0x0  }
0x35: {  	s30 =	sadd.s32 $0x1400, s29;
	[sflag:s20] =	ssyncadd.s32 $0xFFFFC180  }
0x36: {  	[spmem:s2] =	stream.indirect.scatter.add.f32 [tilespmem:s15], [sflag:$0x3], $0x80, s30, s14, $0xb8;
	[tilespmem:$0x1E800] =	vst v63  }
0x37: {  	_ =	swait.ge [sflag:s21], $0x3E80  }
0x38: {  	[sflag:s21] =	ssyncset.done $0x0  }
0x39: {  	s30 =	sadd.s32 $0x100, s29;
	[sflag:s21] =	ssyncadd.s32 $0xFFFFC180  }
0x3a: {  	[tilespmem:s15], [sflag:$0x1] =	stream.indirect.gather [hbm4b:s4+s14], $0x80, s30, s14, $0xb8;
	[tilespmem:$0x1E800] =	vst v63  }
0x3b: {  	_ =	swait.ge [sflag:s22], $0x3E80  }
0x3c: {  	[sflag:s22] =	ssyncset.done $0x0  }
.Ltmp0:
0x3d: {  	s30 =	sadd.s32 $0x1480, s29;
	[sflag:s22] =	ssyncadd.s32 $0xFFFFC180;
	(pc) =	sbr.rel @p0 .LBB2_2-.Ltmp0, $4  }
0x3e: {  	[spmem:s2] =	stream.indirect.scatter.add.f32 [tilespmem:s17], [sflag:$0x4], $0x80, s30, s14, $0xb8;
	[tilespmem:$0x1E800] =	vst v63  }
0x3f: {  	_ =	swait.ge [sflag:s23], $0x3E80  }
0x40: {  	[sflag:s23] =	ssyncset.done $0x0  }
0x41: {  	s29 =	sadd.s32 $0x180, s29;
	[sflag:s23] =	ssyncadd.s32 $0xFFFFC180  }
0x42: {  	[tilespmem:s17], [sflag:$0x2] =	stream.indirect.gather [hbm4b:s4+s14], $0x80, s29, s14, $0xb8;
	[tilespmem:$0x1E800] =	vst v63  }
0x43: {  	_ =	swait.ge [sflag:s20], $0x3E80  }
0x44: {  	[sflag:s20] =	ssyncset.done $0x0  }
0x45: {  	[sflag:s20] =	ssyncadd.s32 $0xFFFFC180  }
0x46: {  	[spmem:s2] =	stream.indirect.scatter.add.f32 [tilespmem:s15], [sflag:$0x3], $0x80, s24, s14, $0xb8;
	[tilespmem:$0x1E800] =	vst v63  }
0x47: {  	_ =	swait.ge [sflag:s22], $0x3E80  }
0x48: {  	[sflag:s22] =	ssyncset.done $0x0  }
0x49: {  	[sflag:s22] =	ssyncadd.s32 $0xFFFFC180  }
0x4a: {  	[spmem:s2] =	stream.indirect.scatter.add.f32 [tilespmem:s17], [sflag:$0x4], $0x80, s25, s14, $0xb8;
	[tilespmem:$0x1E800] =	vst v63  }
0x4b: {  	_ =	swait.ge [sflag:s21], $0x3E80  }
0x4c: {  	[sflag:s21] =	ssyncset.done $0x0  }
0x4d: {  	[sflag:s21] =	ssyncadd.s32 $0xFFFFC180  }
0x4e: {  	_ =	swait.ge [sflag:s23], $0x3E80  }
0x4f: {  	[sflag:s23] =	ssyncset.done $0x0  }
0x50: {  	s28 =	simm.s32 $0x0;
	[sflag:s23] =	ssyncadd.s32 $0xFFFFC180  }
0x51: {  	[tilespmem:s28], [sflag:$0x5] =	stream.linear.gather [hbm4b:s8+s28], $0x1400, $0x38;
	[tilespmem:$0x1E800] =	vst v63  }
0x52: {  	_ =	swait.ge [sflag:s12], $0x1400  }
0x53: {  	[sflag:s12] =	ssyncset.done $0x0  }
0x54: {  	[sflag:s12] =	ssyncadd.s32 $0xFFFFEC00  }
0x55: {  	[tilespmem:s13], [sflag:$0x5] =	stream.linear.gather [hbm4b:s9+s28], $0x1400, $0x38;
	[tilespmem:$0x1E800] =	vst v63  }
0x56: {  	_ =	swait.ge [sflag:s12], $0x1400  }
0x57: {  	[sflag:s12] =	ssyncset.done $0x0  }
0x58: {  	[sflag:s12] =	ssyncadd.s32 $0xFFFFEC00  }
0x59: {  	[tilespmem:s15], [sflag:$0x1] =	stream.indirect.gather [hbm4b:s4+s14], $0x80, s28, s14, $0xb8;
	[tilespmem:$0x1E800] =	vst v63  }
0x5a: {  	_ = 	snop  }
0x5b: {  	[tilespmem:s17], [sflag:$0x2] =	stream.indirect.gather [hbm4b:s4+s14], $0x80, s16, s14, $0xb8;
	[tilespmem:$0x1E800] =	vst v63  }
0x5c: {  	_ =	swait.ge [sflag:s20], $0x3E80  }
0x5d: {  	[sflag:s20] =	ssyncset.done $0x0  }
0x5e: {  	s28 =	simm.s32 $0x1400;
	[sflag:s20] =	ssyncadd.s32 $0xFFFFC180  }
0x5f: {  	[spmem:s2] =	stream.indirect.scatter.add.f32 [tilespmem:s15], [sflag:$0x3], $0x80, s28, s14, $0xb8;
	[tilespmem:$0x1E800] =	vst v63  }
0x60: {  	_ =	swait.ge [sflag:s21], $0x3E80  }
0x61: {  	[sflag:s21] =	ssyncset.done $0x0  }
0x62: {  	s28 =	simm.s32 $0x100;
	[sflag:s21] =	ssyncadd.s32 $0xFFFFC180  }
0x63: {  	[tilespmem:s15], [sflag:$0x1] =	stream.indirect.gather [hbm4b:s4+s14], $0x80, s28, s14, $0xb8;
	[tilespmem:$0x1E800] =	vst v63  }
0x64: {  	_ =	swait.ge [sflag:s22], $0x3E80  }
0x65: {  	[sflag:s22] =	ssyncset.done $0x0  }
0x66: {  	s28 =	simm.s32 $0x1480;
	[sflag:s22] =	ssyncadd.s32 $0xFFFFC180  }
0x67: {  	[spmem:s2] =	stream.indirect.scatter.add.f32 [tilespmem:s17], [sflag:$0x4], $0x80, s28, s14, $0xb8;
	[tilespmem:$0x1E800] =	vst v63  }
0x68: {  	_ =	swait.ge [sflag:s23], $0x3E80  }
0x69: {  	[sflag:s23] =	ssyncset.done $0x0  }
0x6a: {  	s29 =	simm.s32 $0x180;
	s28 =	simm.s32 $0x400;
	[sflag:s23] =	ssyncadd.s32 $0xFFFFC180  }
.LBB2_4:
0x6b: {  	[tilespmem:s17], [sflag:$0x2] =	stream.indirect.gather [hbm4b:s4+s14], $0x80, s29, s14, $0xb8;
	[tilespmem:$0x1E800] =	vst v63  }
0x6c: {  	s29 =	smov.u32 s28  }
0x6d: {  	p0 =	sne.s32 s28, $0x4800;
	s28 =	sadd.s32 $0x400, s28;
	_ =	swait.ge [sflag:s20], $0x3E80  }
0x6e: {  	s29 =	sshra.s32 s29, $0x2;
	[sflag:s20] =	ssyncset.done $0x0  }
0x6f: {  	s30 =	sadd.s32 $0x1400, s29;
	[sflag:s20] =	ssyncadd.s32 $0xFFFFC180  }
0x70: {  	[spmem:s2] =	stream.indirect.scatter.add.f32 [tilespmem:s15], [sflag:$0x3], $0x80, s30, s14, $0xb8;
	[tilespmem:$0x1E800] =	vst v63  }
0x71: {  	_ =	swait.ge [sflag:s21], $0x3E80  }
0x72: {  	[sflag:s21] =	ssyncset.done $0x0  }
0x73: {  	s30 =	sadd.s32 $0x100, s29;
	[sflag:s21] =	ssyncadd.s32 $0xFFFFC180  }
0x74: {  	[tilespmem:s15], [sflag:$0x1] =	stream.indirect.gather [hbm4b:s4+s14], $0x80, s30, s14, $0xb8;
	[tilespmem:$0x1E800] =	vst v63  }
0x75: {  	_ =	swait.ge [sflag:s22], $0x3E80  }
0x76: {  	[sflag:s22] =	ssyncset.done $0x0  }
.Ltmp1:
0x77: {  	s30 =	sadd.s32 $0x1480, s29;
	[sflag:s22] =	ssyncadd.s32 $0xFFFFC180;
	(pc) =	sbr.rel @p0 .LBB2_4-.Ltmp1, $4  }
0x78: {  	[spmem:s2] =	stream.indirect.scatter.add.f32 [tilespmem:s17], [sflag:$0x4], $0x80, s30, s14, $0xb8;
	[tilespmem:$0x1E800] =	vst v63  }
0x79: {  	_ =	swait.ge [sflag:s23], $0x3E80  }
0x7a: {  	[sflag:s23] =	ssyncset.done $0x0  }
0x7b: {  	s29 =	sadd.s32 $0x180, s29;
	[sflag:s23] =	ssyncadd.s32 $0xFFFFC180  }
0x7c: {  	[tilespmem:s17], [sflag:$0x2] =	stream.indirect.gather [hbm4b:s4+s14], $0x80, s29, s14, $0xb8;
	[tilespmem:$0x1E800] =	vst v63  }
0x7d: {  	_ =	swait.ge [sflag:s20], $0x3E80  }
0x7e: {  	[sflag:s20] =	ssyncset.done $0x0  }
0x7f: {  	[sflag:s20] =	ssyncadd.s32 $0xFFFFC180  }
0x80: {  	[spmem:s2] =	stream.indirect.scatter.add.f32 [tilespmem:s15], [sflag:$0x3], $0x80, s24, s14, $0xb8;
	[tilespmem:$0x1E800] =	vst v63  }
0x81: {  	_ =	swait.ge [sflag:s22], $0x3E80  }
0x82: {  	[sflag:s22] =	ssyncset.done $0x0  }
0x83: {  	[sflag:s22] =	ssyncadd.s32 $0xFFFFC180  }
0x84: {  	[spmem:s2] =	stream.indirect.scatter.add.f32 [tilespmem:s17], [sflag:$0x4], $0x80, s25, s14, $0xb8;
	[tilespmem:$0x1E800] =	vst v63  }
0x85: {  	_ =	swait.ge [sflag:s21], $0x3E80  }
0x86: {  	[sflag:s21] =	ssyncset.done $0x0  }
0x87: {  	[sflag:s21] =	ssyncadd.s32 $0xFFFFC180  }
0x88: {  	_ =	swait.ge [sflag:s23], $0x3E80  }
0x89: {  	s26 =	sadd.s32 $0x1, s26;
	[sflag:s23] =	ssyncset.done $0x0  }
0x8a: {  	p0 =	sne.s32 s26, s11;
	[sflag:s23] =	ssyncadd.s32 $0xFFFFC180  }
.Ltmp2:
0x8b: {  	[bflag:$0x0] =	sbarrier.arrive $0xFFFF;
	(pc) =	sbr.rel @p0 .LBB2_1-.Ltmp2, $4  }
0x8c: {  	[hbm:s10], [sflag:s18] =	dma.local [spmem:s19], $0x2800  }
0x8d: {  	_ =	swait.ge [sflag:s12], $0x2800  }
0x8e: {  	[sflag:s12] =	ssyncset.done $0x0  }
0x8f: {  	[sflag:s12] =	ssyncadd.s32 $0xFFFFD800  }
0x90: {  	_ =	sfence.sel $0x180000  }
0x91: {  	[bflag:$0x0] =	sbarrier.arrive $0xFFFF  }
0x92: {  	p0 =	sne.s32 s0, $0x0;
	_ =	strace $0x90000056  }
0x93: {  	s0 =	sadd.s32 @!p0 $0x100000, s1;
	[bflag:$0x2] =	sbarrier.arrive $0xFFFF  }
0x94: {  	[sflag:s0] =	ssyncadd.tile.s32 @!p0 $0x1;
	_ =	shalt  }
.Lfunc_end2:
_tile_overlayer_lowered:
.L_overlay_start_2:
0x95: {  	(tag) =	ssettag $0x2  }
0x96: {  	s0 =	rddreg [dreg:$0x0];
	s2 =	stileid.u32  }
0x97: {  	s1 =	rddreg [dreg:$0x1];
	p0 =	sne.s32 s2, $0x0  }
0x98: {  	s3 =	rddreg [dreg:$0x2];
	[bflag:$0x3] =	sbarrier.arrive $0xFFFF;
	s2 =	simm.s32 @!p0 $0x1C05  }
0x99: {  	[timem:s3], [sflag:s2] =	dma.local @!p0 [hbm:s0], s1  }
0x9a: {  	s0 =	simm.s32 @!p0 $0x5  }
0x9b: {  	_ =	swait.ge @!p0 [sflag:s0], s1  }
0x9c: {  	s1 =	ssub.s32 @!p0 $0x0, s1;
	[sflag:s0] =	ssyncset.done @!p0 $0x0  }
0x9d: {  	[sflag:s0] =	ssyncadd.s32 @!p0 s1  }
0x9e: {  	[bflag:$0x3] =	sbarrier.arrive $0xFFFF  }
0x9f: {  	_ =	shalt  }

</sc_bundles>
